<compile_context>
chip_gen: v7x
topology: tpu7x:2x2x1
jax: 0.10.2.dev20260603
libtpu: 0.0.44.dev20260713+nightly
codegen_flags: <defaults>
</compile_context>

<pallas_src>
import functools

import jax
import jax.numpy as jnp
from jax import lax
from jax.experimental import pallas as pl
from jax.experimental.pallas import tpu as pltpu
from jax.experimental.pallas import tpu_sc as plsc

_N_VARS = 100000
_N_TERMS = 16384
_B = 1024

_N_TILES = 32
_T_PER_TILE = _N_TERMS // _N_TILES
_CHUNK = 32
_N_CHUNKS = _T_PER_TILE // _CHUNK


@functools.lru_cache(maxsize=None)
def _colsum_fn():
    mesh = plsc.VectorSubcoreMesh(core_axis_name="c", subcore_axis_name="s")

    @functools.partial(
        pl.kernel,
        out_type=jax.ShapeDtypeStruct((2, _B), jnp.float32),
        mesh=mesh,
        scratch_types=[
            pltpu.VMEM((_T_PER_TILE,), jnp.int32),
            pltpu.VMEM((_T_PER_TILE,), jnp.float32),
            pltpu.VMEM((_CHUNK, _B), jnp.float32),
            pltpu.VMEM((_CHUNK, _B), jnp.float32),
            pltpu.VMEM((_B,), jnp.float32),
            pltpu.VMEM((4, _B), jnp.float32),
            pltpu.VMEM((_B,), jnp.float32),
            pltpu.VMEM_SHARED((16, _B), jnp.float32),
            pltpu.SemaphoreType.DMA,
            pltpu.SemaphoreType.DMA,
        ],
        compiler_params=pltpu.CompilerParams(needs_layout_passes=False),
    )
    def _colsum(y_hbm, idx_hbm, cb_hbm, o_hbm,
                idx_v, cb_v, buf0, buf1, acc_v, sum_v, red_v, spacc,
                sem0, sem1):
        cid = lax.axis_index("c")
        sid = lax.axis_index("s")
        wid = sid * 2 + cid
        base_t = wid * _T_PER_TILE

        pltpu.sync_copy(idx_hbm.at[pl.ds(base_t, _T_PER_TILE)], idx_v)
        pltpu.sync_copy(cb_hbm.at[pl.ds(base_t, _T_PER_TILE)], cb_v)

        def zero_body(r, carry):
            acc_v[pl.ds(r * 16, 16)] = jnp.zeros((16,), jnp.float32)
            return carry

        lax.fori_loop(0, _B // 16, zero_body, 0)

        bufs = (buf0, buf1)
        sems = (sem0, sem1)

        def start(chunk, b):
            return pltpu.async_copy(
                y_hbm.at[idx_v.at[pl.ds(chunk * _CHUNK, _CHUNK)]],
                bufs[b], sems[b])

        def wait(b):
            pltpu.make_async_copy(
                y_hbm.at[idx_v.at[pl.ds(0, _CHUNK)]], bufs[b], sems[b],
            ).wait()

        def consume(chunk, buf):
            cvecs = [
                plsc.load_gather(
                    cb_v, [jnp.full((16,), chunk * _CHUNK + j, jnp.int32)])
                for j in range(_CHUNK)
            ]

            def row_body(r, carry):
                for u in range(4):
                    off = r * 64 + u * 16
                    a = acc_v[pl.ds(off, 16)]
                    for j in range(_CHUNK):
                        a = a + buf[j, pl.ds(off, 16)] * cvecs[j]
                    acc_v[pl.ds(off, 16)] = a
                return carry

            lax.fori_loop(0, _B // 64, row_body, 0)

        start(0, 0)
        start(1, 1)

        def pair_body(p, carry):
            chunk = p * 2
            for b in range(2):
                wait(b)
                consume(chunk + b, bufs[b])
                nxt = chunk + b + 2

                @pl.when(nxt < _N_CHUNKS)
                def _():
                    start(nxt, b)
            return carry

        lax.fori_loop(0, _N_CHUNKS // 2, pair_body, 0)

        pltpu.sync_copy(acc_v, spacc.at[sid])
        plsc.subcore_barrier()

        @pl.when(sid == 0)
        def _():
            def zred_body(r, carry):
                red_v[pl.ds(r * 16, 16)] = jnp.zeros((16,), jnp.float32)
                return carry

            lax.fori_loop(0, _B // 16, zred_body, 0)
            for g in range(4):
                pltpu.sync_copy(spacc.at[pl.ds(g * 4, 4)], sum_v)

                def red_body(r, carry):
                    def tsum(t, v):
                        return v + sum_v[t, pl.ds(r * 16, 16)]

                    v = lax.fori_loop(0, 4, tsum,
                                      jnp.zeros((16,), jnp.float32))
                    plsc.addupdate(red_v.at[pl.ds(r * 16, 16)], v)
                    return carry

                lax.fori_loop(0, _B // 16, red_body, 0)
            pltpu.sync_copy(red_v, o_hbm.at[cid])

    return _colsum


def _combine_body(p_ref, o_ref):
    lhs = jnp.sum(p_ref[...], axis=0, keepdims=True)
    o_ref[...] = (lhs <= 0.0).astype(jnp.int32)


def _combine_compare(partials):
    return pl.pallas_call(
        _combine_body,
        out_shape=jax.ShapeDtypeStruct((1, _B), jnp.int32),
    )(partials)


def kernel(x, indices_tensor, coeff_tensor):
    y = x.T
    idx = indices_tensor.astype(jnp.int32)
    cb = coeff_tensor.astype(jnp.float32)
    partials = _colsum_fn()(y, idx, cb)
    out = _combine_compare(partials)
    return out.reshape(_B).astype(jnp.bool_)

# --- scband reference (transcript-rebuilt; emitter-appended) ---
"""Pipeline reference for scband-plinear-inequality-72164040507553 (READ-ONLY COPY).

The authoritative reference and input builder live on the scoring server;
editing this copy changes nothing except your own understanding.
"""

import jax, jax.numpy as jnp
import numpy as np

B = 1024
N_VARS = 100000
N_TERMS = 16384
RHS = 0.0
SYMBOL = "<="


def setup_inputs(seed: int = 0) -> dict:
    key = jax.random.key(seed)
    k1, k2, k3 = jax.random.split(key, 3)
    x = jax.random.normal(k1, (B, N_VARS), dtype=jnp.float32)
    # buffer: variable indices referenced by the constraint (values in [0, N_VARS))
    indices_tensor = jax.random.randint(k2, (N_TERMS,), 0, N_VARS)
    # buffer: constraint coefficients
    coeff_tensor = jax.random.normal(k3, (N_TERMS,), dtype=jnp.float32)
    return {"x": x, "indices_tensor": indices_tensor, "coeff_tensor": coeff_tensor}


def reference(x, indices_tensor, coeff_tensor):
    # torch.vmap(gather) over batch == per-row gather of constraint columns
    lhs = jnp.take(x, indices_tensor, axis=1)          # [B, N_TERMS]
    lhs = (lhs * coeff_tensor[None, :]).sum(axis=1)     # [B]
    if SYMBOL == "<=":
        return lhs <= RHS
    elif SYMBOL == ">=":
        return lhs >= RHS
    else:
        raise ValueError(f"Unknown symbol {SYMBOL}")

if __name__ == "__main__":
    import jax
    _d = setup_inputs()
    print(jax.jit(kernel)(*tuple(_d.values())))

</pallas_src>

<mosaic_0001>
#map = affine_map<(d0, d1) -> (0, 0)>
#map1 = affine_map<(d0, d1) -> (0)>
module attributes {stable_mosaic.version = 14 : i64} {
  func.func @_colsum(%arg0: i32, %arg1: i32, %arg2: memref<100000x1024xf32, #tpu.memory_space<hbm>>, %arg3: memref<16384xi32, #tpu.memory_space<hbm>>, %arg4: memref<16384xf32, #tpu.memory_space<hbm>>, %arg5: memref<2x1024xf32, #tpu.memory_space<hbm>>, %arg6: memref<512xi32, #tpu.memory_space<vmem>>, %arg7: memref<512xf32, #tpu.memory_space<vmem>>, %arg8: memref<32x1024xf32, #tpu.memory_space<vmem>>, %arg9: memref<32x1024xf32, #tpu.memory_space<vmem>>, %arg10: memref<1024xf32, #tpu.memory_space<vmem>>, %arg11: memref<4x1024xf32, #tpu.memory_space<vmem>>, %arg12: memref<1024xf32, #tpu.memory_space<vmem>>, %arg13: memref<16x1024xf32, #tpu.memory_space<vmem_shared>>, %arg14: memref<!tpu.dma_semaphore, #tpu.memory_space<semaphore_mem>>, %arg15: memref<!tpu.dma_semaphore, #tpu.memory_space<semaphore_mem>>) attributes {dimension_semantics = [#tpu.dimension_semantics<core_parallel>, #tpu.dimension_semantics<subcore_parallel>], iteration_bounds = array<i64: 2, 16>, scalar_prefetch = 0 : i64, scratch_operands = 10 : i64, tpu.core_type = #tpu.core_type<sc_vector_subcore>, window_params = [{transform_indices = #map}, {transform_indices = #map1}, {transform_indices = #map1}, {transform_indices = #map}]} {
    %mul3A = arith.constant 2 : i32
    %mul3A_0 = arith.muli %arg1, %mul3A : i32
    %add3A = arith.addi %mul3A_0, %arg0 : i32
    %mul3A_1 = arith.constant 512 : i32
    %mul3A_2 = arith.muli %add3A, %mul3A_1 : i32
    "tpu.region"() ({
      %run_scoped3A = tpu.sem_alloc : memref<!tpu.dma_semaphore, #tpu.memory_space<semaphore_mem>>
      %dma_start3A_25 = tpu.memref_slice %arg3[%mul3A_2] : memref<16384xi32, #tpu.memory_space<hbm>> -> memref<512xi32, #tpu.memory_space<hbm>>
      %dma_start3A_26 = tpu.memref_slice %arg3[%mul3A_2] : memref<16384xi32, #tpu.memory_space<hbm>> -> memref<512xi32, #tpu.memory_space<hbm>>
      tpu.enqueue_dma source(%dma_start3A_26 : memref<512xi32, #tpu.memory_space<hbm>>) target(%arg6 : memref<512xi32, #tpu.memory_space<vmem>>) target_semaphore(%run_scoped3A : memref<!tpu.dma_semaphore, #tpu.memory_space<semaphore_mem>>)
      %dma_wait3A = tpu.memref_slice %arg3[%mul3A_2] : memref<16384xi32, #tpu.memory_space<hbm>> -> memref<512xi32, #tpu.memory_space<hbm>>
      %dma_wait3A_27 = tpu.memref_slice %arg3[%mul3A_2] : memref<16384xi32, #tpu.memory_space<hbm>> -> memref<512xi32, #tpu.memory_space<hbm>>
      tpu.wait_dma2 semaphore(%run_scoped3A : memref<!tpu.dma_semaphore, #tpu.memory_space<semaphore_mem>>) src(%dma_wait3A_27 : memref<512xi32, #tpu.memory_space<hbm>>) dst(%arg6 : memref<512xi32, #tpu.memory_space<vmem>>)
      tpu.yield
    }) : () -> ()
    "tpu.region"() ({
      %run_scoped3A = tpu.sem_alloc : memref<!tpu.dma_semaphore, #tpu.memory_space<semaphore_mem>>
      %dma_start3A_25 = tpu.memref_slice %arg4[%mul3A_2] : memref<16384xf32, #tpu.memory_space<hbm>> -> memref<512xf32, #tpu.memory_space<hbm>>
      %dma_start3A_26 = tpu.memref_slice %arg4[%mul3A_2] : memref<16384xf32, #tpu.memory_space<hbm>> -> memref<512xf32, #tpu.memory_space<hbm>>
      tpu.enqueue_dma source(%dma_start3A_26 : memref<512xf32, #tpu.memory_space<hbm>>) target(%arg7 : memref<512xf32, #tpu.memory_space<vmem>>) target_semaphore(%run_scoped3A : memref<!tpu.dma_semaphore, #tpu.memory_space<semaphore_mem>>)
      %dma_wait3A = tpu.memref_slice %arg4[%mul3A_2] : memref<16384xf32, #tpu.memory_space<hbm>> -> memref<512xf32, #tpu.memory_space<hbm>>
      %dma_wait3A_27 = tpu.memref_slice %arg4[%mul3A_2] : memref<16384xf32, #tpu.memory_space<hbm>> -> memref<512xf32, #tpu.memory_space<hbm>>
      tpu.wait_dma2 semaphore(%run_scoped3A : memref<!tpu.dma_semaphore, #tpu.memory_space<semaphore_mem>>) src(%dma_wait3A_27 : memref<512xf32, #tpu.memory_space<hbm>>) dst(%arg7 : memref<512xf32, #tpu.memory_space<vmem>>)
      tpu.yield
    }) : () -> ()
    %scan3A = arith.constant 0 : i32
    %scan3A_3 = arith.constant 0 : i32
    %scan3A_4 = arith.constant 64 : i32
    %scan3A_5 = arith.addi %scan3A_3, %scan3A_4 : i32
    %scan3A_6 = arith.constant 1 : i32
    scf.for %scan3A_25 = %scan3A_3 to %scan3A_5 step %scan3A_6  : i32 {
      %broadcast_in_dim3A = arith.constant 0.000000e+00 : f32
      %broadcast_in_dim3A_26 = vector.broadcast %broadcast_in_dim3A : f32 to vector<16xf32>
      %mul3A_27 = arith.constant 16 : i32
      %mul3A_28 = arith.muli %scan3A_25, %mul3A_27 : i32
      %swap3A = arith.index_cast %mul3A_28 : i32 to index
      %swap3A_29 = tpu.vector_load %arg10[%swap3A] {strides = array<i32>} : memref<1024xf32, #tpu.memory_space<vmem>>, vector<16xf32>,
      tpu.vector_store %arg10[%swap3A], %broadcast_in_dim3A_26 {strides = array<i32>} : memref<1024xf32, #tpu.memory_space<vmem>>, vector<16xf32>,
    }
    %scan3A_7 = arith.constant 64 : i32
    %dma_start3A = arith.constant 0 : i32
    %dma_start3A_8 = tpu.memref_slice %arg6[%dma_start3A] : memref<512xi32, #tpu.memory_space<vmem>> -> memref<32xi32, #tpu.memory_space<vmem>>
    %dma_start3A_9 = arith.constant 0 : i32
    %dma_start3A_10 = arith.constant 0 : i32
    %dma_start3A_11 = tpu.memref_slice %arg2[%dma_start3A_9, %dma_start3A_10] : memref<100000x1024xf32, #tpu.memory_space<hbm>> -> memref<100000x1024xf32, #tpu.memory_space<hbm>>
    tpu.enqueue_indirect_dma source(%dma_start3A_11 : memref<100000x1024xf32, #tpu.memory_space<hbm>>) target(%arg8 : memref<32x1024xf32, #tpu.memory_space<vmem>>) offsets(%dma_start3A_8 : memref<32xi32, #tpu.memory_space<vmem>>) semaphore(%arg14 : memref<!tpu.dma_semaphore, #tpu.memory_space<semaphore_mem>>)
    %dma_start3A_12 = arith.constant 32 : i32
    %dma_start3A_13 = tpu.memref_slice %arg6[%dma_start3A_12] : memref<512xi32, #tpu.memory_space<vmem>> -> memref<32xi32, #tpu.memory_space<vmem>>
    %dma_start3A_14 = arith.constant 0 : i32
    %dma_start3A_15 = arith.constant 0 : i32
    %dma_start3A_16 = tpu.memref_slice %arg2[%dma_start3A_14, %dma_start3A_15] : memref<100000x1024xf32, #tpu.memory_space<hbm>> -> memref<100000x1024xf32, #tpu.memory_space<hbm>>
    tpu.enqueue_indirect_dma source(%dma_start3A_16 : memref<100000x1024xf32, #tpu.memory_space<hbm>>) target(%arg9 : memref<32x1024xf32, #tpu.memory_space<vmem>>) offsets(%dma_start3A_13 : memref<32xi32, #tpu.memory_space<vmem>>) semaphore(%arg15 : memref<!tpu.dma_semaphore, #tpu.memory_space<semaphore_mem>>)
    %scan3A_17 = arith.constant 0 : i32
    %scan3A_18 = arith.constant 0 : i32
    %scan3A_19 = arith.constant 8 : i32
    %scan3A_20 = arith.addi %scan3A_18, %scan3A_19 : i32
    %scan3A_21 = arith.constant 1 : i32
    scf.for %scan3A_25 = %scan3A_18 to %scan3A_20 step %scan3A_21  : i32 {
      %mul3A_26 = arith.constant 2 : i32
      %mul3A_27 = arith.muli %scan3A_25, %mul3A_26 : i32
      %dma_wait3A = arith.constant 0 : i32
      %dma_wait3A_28 = tpu.memref_slice %arg6[%dma_wait3A] : memref<512xi32, #tpu.memory_space<vmem>> -> memref<32xi32, #tpu.memory_space<vmem>>
      %dma_wait3A_29 = arith.constant 0 : i32
      %dma_wait3A_30 = arith.constant 0 : i32
      %dma_wait3A_31 = tpu.memref_slice %arg2[%dma_wait3A_29, %dma_wait3A_30] : memref<100000x1024xf32, #tpu.memory_space<hbm>> -> memref<100000x1024xf32, #tpu.memory_space<hbm>>
      tpu.wait_indirect_dma semaphore(%arg14 : memref<!tpu.dma_semaphore, #tpu.memory_space<semaphore_mem>>) src(%dma_wait3A_31 : memref<100000x1024xf32, #tpu.memory_space<hbm>>) dst(%arg8 : memref<32x1024xf32, #tpu.memory_space<vmem>>)
      %add3A_32 = arith.constant 0 : i32
      %add3A_33 = arith.addi %mul3A_27, %add3A_32 : i32
      %mul3A_34 = arith.constant 32 : i32
      %mul3A_35 = arith.muli %add3A_33, %mul3A_34 : i32
      %add3A_36 = arith.constant 0 : i32
      %add3A_37 = arith.addi %mul3A_35, %add3A_36 : i32
      %broadcast_in_dim3A = vector.broadcast %add3A_37 : i32 to vector<16xi32>
      %gather3A = tpu.vector_load_idx %arg7[%broadcast_in_dim3A] : memref<512xf32, #tpu.memory_space<vmem>>[vector<16xi32>], vector<16xf32>,
      %mul3A_38 = arith.constant 32 : i32
      %mul3A_39 = arith.muli %add3A_33, %mul3A_38 : i32
      %add3A_40 = arith.constant 1 : i32
      %add3A_41 = arith.addi %mul3A_39, %add3A_40 : i32
      %broadcast_in_dim3A_42 = vector.broadcast %add3A_41 : i32 to vector<16xi32>
      %gather3A_43 = tpu.vector_load_idx %arg7[%broadcast_in_dim3A_42] : memref<512xf32, #tpu.memory_space<vmem>>[vector<16xi32>], vector<16xf32>,
      %mul3A_44 = arith.constant 32 : i32
      %mul3A_45 = arith.muli %add3A_33, %mul3A_44 : i32
      %add3A_46 = arith.constant 2 : i32
      %add3A_47 = arith.addi %mul3A_45, %add3A_46 : i32
      %broadcast_in_dim3A_48 = vector.broadcast %add3A_47 : i32 to vector<16xi32>
      %gather3A_49 = tpu.vector_load_idx %arg7[%broadcast_in_dim3A_48] : memref<512xf32, #tpu.memory_space<vmem>>[vector<16xi32>], vector<16xf32>,
      %mul3A_50 = arith.constant 32 : i32
      %mul3A_51 = arith.muli %add3A_33, %mul3A_50 : i32
      %add3A_52 = arith.constant 3 : i32
      %add3A_53 = arith.addi %mul3A_51, %add3A_52 : i32
      %broadcast_in_dim3A_54 = vector.broadcast %add3A_53 : i32 to vector<16xi32>
      %gather3A_55 = tpu.vector_load_idx %arg7[%broadcast_in_dim3A_54] : memref<512xf32, #tpu.memory_space<vmem>>[vector<16xi32>], vector<16xf32>,
      %mul3A_56 = arith.constant 32 : i32
      %mul3A_57 = arith.muli %add3A_33, %mul3A_56 : i32
      %add3A_58 = arith.constant 4 : i32
      %add3A_59 = arith.addi %mul3A_57, %add3A_58 : i32
      %broadcast_in_dim3A_60 = vector.broadcast %add3A_59 : i32 to vector<16xi32>
      %gather3A_61 = tpu.vector_load_idx %arg7[%broadcast_in_dim3A_60] : memref<512xf32, #tpu.memory_space<vmem>>[vector<16xi32>], vector<16xf32>,
      %mul3A_62 = arith.constant 32 : i32
      %mul3A_63 = arith.muli %add3A_33, %mul3A_62 : i32
      %add3A_64 = arith.constant 5 : i32
      %add3A_65 = arith.addi %mul3A_63, %add3A_64 : i32
      %broadcast_in_dim3A_66 = vector.broadcast %add3A_65 : i32 to vector<16xi32>
      %gather3A_67 = tpu.vector_load_idx %arg7[%broadcast_in_dim3A_66] : memref<512xf32, #tpu.memory_space<vmem>>[vector<16xi32>], vector<16xf32>,
      %mul3A_68 = arith.constant 32 : i32
      %mul3A_69 = arith.muli %add3A_33, %mul3A_68 : i32
      %add3A_70 = arith.constant 6 : i32
      %add3A_71 = arith.addi %mul3A_69, %add3A_70 : i32
      %broadcast_in_dim3A_72 = vector.broadcast %add3A_71 : i32 to vector<16xi32>
      %gather3A_73 = tpu.vector_load_idx %arg7[%broadcast_in_dim3A_72] : memref<512xf32, #tpu.memory_space<vmem>>[vector<16xi32>], vector<16xf32>,
      %mul3A_74 = arith.constant 32 : i32
      %mul3A_75 = arith.muli %add3A_33, %mul3A_74 : i32
      %add3A_76 = arith.constant 7 : i32
      %add3A_77 = arith.addi %mul3A_75, %add3A_76 : i32
      %broadcast_in_dim3A_78 = vector.broadcast %add3A_77 : i32 to vector<16xi32>
      %gather3A_79 = tpu.vector_load_idx %arg7[%broadcast_in_dim3A_78] : memref<512xf32, #tpu.memory_space<vmem>>[vector<16xi32>], vector<16xf32>,
      %mul3A_80 = arith.constant 32 : i32
      %mul3A_81 = arith.muli %add3A_33, %mul3A_80 : i32
      %add3A_82 = arith.constant 8 : i32
      %add3A_83 = arith.addi %mul3A_81, %add3A_82 : i32
      %broadcast_in_dim3A_84 = vector.broadcast %add3A_83 : i32 to vector<16xi32>
      %gather3A_85 = tpu.vector_load_idx %arg7[%broadcast_in_dim3A_84] : memref<512xf32, #tpu.memory_space<vmem>>[vector<16xi32>], vector<16xf32>,
      %mul3A_86 = arith.constant 32 : i32
      %mul3A_87 = arith.muli %add3A_33, %mul3A_86 : i32
      %add3A_88 = arith.constant 9 : i32
      %add3A_89 = arith.addi %mul3A_87, %add3A_88 : i32
      %broadcast_in_dim3A_90 = vector.broadcast %add3A_89 : i32 to vector<16xi32>
      %gather3A_91 = tpu.vector_load_idx %arg7[%broadcast_in_dim3A_90] : memref<512xf32, #tpu.memory_space<vmem>>[vector<16xi32>], vector<16xf32>,
      %mul3A_92 = arith.constant 32 : i32
      %mul3A_93 = arith.muli %add3A_33, %mul3A_92 : i32
      %add3A_94 = arith.constant 10 : i32
      %add3A_95 = arith.addi %mul3A_93, %add3A_94 : i32
      %broadcast_in_dim3A_96 = vector.broadcast %add3A_95 : i32 to vector<16xi32>
      %gather3A_97 = tpu.vector_load_idx %arg7[%broadcast_in_dim3A_96] : memref<512xf32, #tpu.memory_space<vmem>>[vector<16xi32>], vector<16xf32>,
      %mul3A_98 = arith.constant 32 : i32
      %mul3A_99 = arith.muli %add3A_33, %mul3A_98 : i32
      %add3A_100 = arith.constant 11 : i32
      %add3A_101 = arith.addi %mul3A_99, %add3A_100 : i32
      %broadcast_in_dim3A_102 = vector.broadcast %add3A_101 : i32 to vector<16xi32>
      %gather3A_103 = tpu.vector_load_idx %arg7[%broadcast_in_dim3A_102] : memref<512xf32, #tpu.memory_space<vmem>>[vector<16xi32>], vector<16xf32>,
      %mul3A_104 = arith.constant 32 : i32
      %mul3A_105 = arith.muli %add3A_33, %mul3A_104 : i32
      %add3A_106 = arith.constant 12 : i32
      %add3A_107 = arith.addi %mul3A_105, %add3A_106 : i32
      %broadcast_in_dim3A_108 = vector.broadcast %add3A_107 : i32 to vector<16xi32>
      %gather3A_109 = tpu.vector_load_idx %arg7[%broadcast_in_dim3A_108] : memref<512xf32, #tpu.memory_space<vmem>>[vector<16xi32>], vector<16xf32>,
      %mul3A_110 = arith.constant 32 : i32
      %mul3A_111 = arith.muli %add3A_33, %mul3A_110 : i32
      %add3A_112 = arith.constant 13 : i32
      %add3A_113 = arith.addi %mul3A_111, %add3A_112 : i32
      %broadcast_in_dim3A_114 = vector.broadcast %add3A_113 : i32 to vector<16xi32>
      %gather3A_115 = tpu.vector_load_idx %arg7[%broadcast_in_dim3A_114] : memref<512xf32, #tpu.memory_space<vmem>>[vector<16xi32>], vector<16xf32>,
      %mul3A_116 = arith.constant 32 : i32
      %mul3A_117 = arith.muli %add3A_33, %mul3A_116 : i32
      %add3A_118 = arith.constant 14 : i32
      %add3A_119 = arith.addi %mul3A_117, %add3A_118 : i32
      %broadcast_in_dim3A_120 = vector.broadcast %add3A_119 : i32 to vector<16xi32>
      %gather3A_121 = tpu.vector_load_idx %arg7[%broadcast_in_dim3A_120] : memref<512xf32, #tpu.memory_space<vmem>>[vector<16xi32>], vector<16xf32>,
      %mul3A_122 = arith.constant 32 : i32
      %mul3A_123 = arith.muli %add3A_33, %mul3A_122 : i32
      %add3A_124 = arith.constant 15 : i32
      %add3A_125 = arith.addi %mul3A_123, %add3A_124 : i32
      %broadcast_in_dim3A_126 = vector.broadcast %add3A_125 : i32 to vector<16xi32>
      %gather3A_127 = tpu.vector_load_idx %arg7[%broadcast_in_dim3A_126] : memref<512xf32, #tpu.memory_space<vmem>>[vector<16xi32>], vector<16xf32>,
      %mul3A_128 = arith.constant 32 : i32
      %mul3A_129 = arith.muli %add3A_33, %mul3A_128 : i32
      %add3A_130 = arith.constant 16 : i32
      %add3A_131 = arith.addi %mul3A_129, %add3A_130 : i32
      %broadcast_in_dim3A_132 = vector.broadcast %add3A_131 : i32 to vector<16xi32>
      %gather3A_133 = tpu.vector_load_idx %arg7[%broadcast_in_dim3A_132] : memref<512xf32, #tpu.memory_space<vmem>>[vector<16xi32>], vector<16xf32>,
      %mul3A_134 = arith.constant 32 : i32
      %mul3A_135 = arith.muli %add3A_33, %mul3A_134 : i32
      %add3A_136 = arith.constant 17 : i32
      %add3A_137 = arith.addi %mul3A_135, %add3A_136 : i32
      %broadcast_in_dim3A_138 = vector.broadcast %add3A_137 : i32 to vector<16xi32>
      %gather3A_139 = tpu.vector_load_idx %arg7[%broadcast_in_dim3A_138] : memref<512xf32, #tpu.memory_space<vmem>>[vector<16xi32>], vector<16xf32>,
      %mul3A_140 = arith.constant 32 : i32
      %mul3A_141 = arith.muli %add3A_33, %mul3A_140 : i32
      %add3A_142 = arith.constant 18 : i32
      %add3A_143 = arith.addi %mul3A_141, %add3A_142 : i32
      %broadcast_in_dim3A_144 = vector.broadcast %add3A_143 : i32 to vector<16xi32>
      %gather3A_145 = tpu.vector_load_idx %arg7[%broadcast_in_dim3A_144] : memref<512xf32, #tpu.memory_space<vmem>>[vector<16xi32>], vector<16xf32>,
      %mul3A_146 = arith.constant 32 : i32
      %mul3A_147 = arith.muli %add3A_33, %mul3A_146 : i32
      %add3A_148 = arith.constant 19 : i32
      %add3A_149 = arith.addi %mul3A_147, %add3A_148 : i32
      %broadcast_in_dim3A_150 = vector.broadcast %add3A_149 : i32 to vector<16xi32>
      %gather3A_151 = tpu.vector_load_idx %arg7[%broadcast_in_dim3A_150] : memref<512xf32, #tpu.memory_space<vmem>>[vector<16xi32>], vector<16xf32>,
      %mul3A_152 = arith.constant 32 : i32
      %mul3A_153 = arith.muli %add3A_33, %mul3A_152 : i32
      %add3A_154 = arith.constant 20 : i32
      %add3A_155 = arith.addi %mul3A_153, %add3A_154 : i32
      %broadcast_in_dim3A_156 = vector.broadcast %add3A_155 : i32 to vector<16xi32>
      %gather3A_157 = tpu.vector_load_idx %arg7[%broadcast_in_dim3A_156] : memref<512xf32, #tpu.memory_space<vmem>>[vector<16xi32>], vector<16xf32>,
      %mul3A_158 = arith.constant 32 : i32
      %mul3A_159 = arith.muli %add3A_33, %mul3A_158 : i32
      %add3A_160 = arith.constant 21 : i32
      %add3A_161 = arith.addi %mul3A_159, %add3A_160 : i32
      %broadcast_in_dim3A_162 = vector.broadcast %add3A_161 : i32 to vector<16xi32>
      %gather3A_163 = tpu.vector_load_idx %arg7[%broadcast_in_dim3A_162] : memref<512xf32, #tpu.memory_space<vmem>>[vector<16xi32>], vector<16xf32>,
      %mul3A_164 = arith.constant 32 : i32
      %mul3A_165 = arith.muli %add3A_33, %mul3A_164 : i32
      %add3A_166 = arith.constant 22 : i32
      %add3A_167 = arith.addi %mul3A_165, %add3A_166 : i32
      %broadcast_in_dim3A_168 = vector.broadcast %add3A_167 : i32 to vector<16xi32>
      %gather3A_169 = tpu.vector_load_idx %arg7[%broadcast_in_dim3A_168] : memref<512xf32, #tpu.memory_space<vmem>>[vector<16xi32>], vector<16xf32>,
      %mul3A_170 = arith.constant 32 : i32
      %mul3A_171 = arith.muli %add3A_33, %mul3A_170 : i32
      %add3A_172 = arith.constant 23 : i32
      %add3A_173 = arith.addi %mul3A_171, %add3A_172 : i32
      %broadcast_in_dim3A_174 = vector.broadcast %add3A_173 : i32 to vector<16xi32>
      %gather3A_175 = tpu.vector_load_idx %arg7[%broadcast_in_dim3A_174] : memref<512xf32, #tpu.memory_space<vmem>>[vector<16xi32>], vector<16xf32>,
      %mul3A_176 = arith.constant 32 : i32
      %mul3A_177 = arith.muli %add3A_33, %mul3A_176 : i32
      %add3A_178 = arith.constant 24 : i32
      %add3A_179 = arith.addi %mul3A_177, %add3A_178 : i32
      %broadcast_in_dim3A_180 = vector.broadcast %add3A_179 : i32 to vector<16xi32>
      %gather3A_181 = tpu.vector_load_idx %arg7[%broadcast_in_dim3A_180] : memref<512xf32, #tpu.memory_space<vmem>>[vector<16xi32>], vector<16xf32>,
      %mul3A_182 = arith.constant 32 : i32
      %mul3A_183 = arith.muli %add3A_33, %mul3A_182 : i32
      %add3A_184 = arith.constant 25 : i32
      %add3A_185 = arith.addi %mul3A_183, %add3A_184 : i32
      %broadcast_in_dim3A_186 = vector.broadcast %add3A_185 : i32 to vector<16xi32>
      %gather3A_187 = tpu.vector_load_idx %arg7[%broadcast_in_dim3A_186] : memref<512xf32, #tpu.memory_space<vmem>>[vector<16xi32>], vector<16xf32>,
      %mul3A_188 = arith.constant 32 : i32
      %mul3A_189 = arith.muli %add3A_33, %mul3A_188 : i32
      %add3A_190 = arith.constant 26 : i32
      %add3A_191 = arith.addi %mul3A_189, %add3A_190 : i32
      %broadcast_in_dim3A_192 = vector.broadcast %add3A_191 : i32 to vector<16xi32>
      %gather3A_193 = tpu.vector_load_idx %arg7[%broadcast_in_dim3A_192] : memref<512xf32, #tpu.memory_space<vmem>>[vector<16xi32>], vector<16xf32>,
      %mul3A_194 = arith.constant 32 : i32
      %mul3A_195 = arith.muli %add3A_33, %mul3A_194 : i32
      %add3A_196 = arith.constant 27 : i32
      %add3A_197 = arith.addi %mul3A_195, %add3A_196 : i32
      %broadcast_in_dim3A_198 = vector.broadcast %add3A_197 : i32 to vector<16xi32>
      %gather3A_199 = tpu.vector_load_idx %arg7[%broadcast_in_dim3A_198] : memref<512xf32, #tpu.memory_space<vmem>>[vector<16xi32>], vector<16xf32>,
      %mul3A_200 = arith.constant 32 : i32
      %mul3A_201 = arith.muli %add3A_33, %mul3A_200 : i32
      %add3A_202 = arith.constant 28 : i32
      %add3A_203 = arith.addi %mul3A_201, %add3A_202 : i32
      %broadcast_in_dim3A_204 = vector.broadcast %add3A_203 : i32 to vector<16xi32>
      %gather3A_205 = tpu.vector_load_idx %arg7[%broadcast_in_dim3A_204] : memref<512xf32, #tpu.memory_space<vmem>>[vector<16xi32>], vector<16xf32>,
      %mul3A_206 = arith.constant 32 : i32
      %mul3A_207 = arith.muli %add3A_33, %mul3A_206 : i32
      %add3A_208 = arith.constant 29 : i32
      %add3A_209 = arith.addi %mul3A_207, %add3A_208 : i32
      %broadcast_in_dim3A_210 = vector.broadcast %add3A_209 : i32 to vector<16xi32>
      %gather3A_211 = tpu.vector_load_idx %arg7[%broadcast_in_dim3A_210] : memref<512xf32, #tpu.memory_space<vmem>>[vector<16xi32>], vector<16xf32>,
      %mul3A_212 = arith.constant 32 : i32
      %mul3A_213 = arith.muli %add3A_33, %mul3A_212 : i32
      %add3A_214 = arith.constant 30 : i32
      %add3A_215 = arith.addi %mul3A_213, %add3A_214 : i32
      %broadcast_in_dim3A_216 = vector.broadcast %add3A_215 : i32 to vector<16xi32>
      %gather3A_217 = tpu.vector_load_idx %arg7[%broadcast_in_dim3A_216] : memref<512xf32, #tpu.memory_space<vmem>>[vector<16xi32>], vector<16xf32>,
      %mul3A_218 = arith.constant 32 : i32
      %mul3A_219 = arith.muli %add3A_33, %mul3A_218 : i32
      %add3A_220 = arith.constant 31 : i32
      %add3A_221 = arith.addi %mul3A_219, %add3A_220 : i32
      %broadcast_in_dim3A_222 = vector.broadcast %add3A_221 : i32 to vector<16xi32>
      %gather3A_223 = tpu.vector_load_idx %arg7[%broadcast_in_dim3A_222] : memref<512xf32, #tpu.memory_space<vmem>>[vector<16xi32>], vector<16xf32>,
      %scan3A_224 = arith.constant 0 : i32
      %scan3A_225 = arith.constant 0 : i32
      %scan3A_226 = arith.constant 16 : i32
      %scan3A_227 = arith.addi %scan3A_225, %scan3A_226 : i32
      %scan3A_228 = arith.constant 1 : i32
      scf.for %scan3A_452 = %scan3A_225 to %scan3A_227 step %scan3A_228  : i32 {
        %mul3A_453 = arith.constant 64 : i32
        %mul3A_454 = arith.muli %scan3A_452, %mul3A_453 : i32
        %add3A_455 = arith.constant 0 : i32
        %add3A_456 = arith.addi %mul3A_454, %add3A_455 : i32
        %get3A = arith.index_cast %add3A_456 : i32 to index
        %get3A_457 = tpu.vector_load %arg10[%get3A] {strides = array<i32>} : memref<1024xf32, #tpu.memory_space<vmem>>, vector<16xf32>,
        %get3A_458 = arith.constant 0 : i32
        %get3A_459 = arith.index_cast %get3A_458 : i32 to index
        %get3A_460 = arith.index_cast %add3A_456 : i32 to index
        %get3A_461 = tpu.vector_load %arg8[%get3A_459, %get3A_460] {strides = array<i32>} : memref<32x1024xf32, #tpu.memory_space<vmem>>, vector<16xf32>,
        %mul3A_462 = arith.mulf %get3A_461, %gather3A : vector<16xf32>
        %add3A_463 = arith.addf %get3A_457, %mul3A_462 : vector<16xf32>
        %get3A_464 = arith.constant 1 : i32
        %get3A_465 = arith.index_cast %get3A_464 : i32 to index
        %get3A_466 = arith.index_cast %add3A_456 : i32 to index
        %get3A_467 = tpu.vector_load %arg8[%get3A_465, %get3A_466] {strides = array<i32>} : memref<32x1024xf32, #tpu.memory_space<vmem>>, vector<16xf32>,
        %mul3A_468 = arith.mulf %get3A_467, %gather3A_43 : vector<16xf32>
        %add3A_469 = arith.addf %add3A_463, %mul3A_468 : vector<16xf32>
        %get3A_470 = arith.constant 2 : i32
        %get3A_471 = arith.index_cast %get3A_470 : i32 to index
        %get3A_472 = arith.index_cast %add3A_456 : i32 to index
        %get3A_473 = tpu.vector_load %arg8[%get3A_471, %get3A_472] {strides = array<i32>} : memref<32x1024xf32, #tpu.memory_space<vmem>>, vector<16xf32>,
        %mul3A_474 = arith.mulf %get3A_473, %gather3A_49 : vector<16xf32>
        %add3A_475 = arith.addf %add3A_469, %mul3A_474 : vector<16xf32>
        %get3A_476 = arith.constant 3 : i32
        %get3A_477 = arith.index_cast %get3A_476 : i32 to index
        %get3A_478 = arith.index_cast %add3A_456 : i32 to index
        %get3A_479 = tpu.vector_load %arg8[%get3A_477, %get3A_478] {strides = array<i32>} : memref<32x1024xf32, #tpu.memory_space<vmem>>, vector<16xf32>,
        %mul3A_480 = arith.mulf %get3A_479, %gather3A_55 : vector<16xf32>
        %add3A_481 = arith.addf %add3A_475, %mul3A_480 : vector<16xf32>
        %get3A_482 = arith.constant 4 : i32
        %get3A_483 = arith.index_cast %get3A_482 : i32 to index
        %get3A_484 = arith.index_cast %add3A_456 : i32 to index
        %get3A_485 = tpu.vector_load %arg8[%get3A_483, %get3A_484] {strides = array<i32>} : memref<32x1024xf32, #tpu.memory_space<vmem>>, vector<16xf32>,
        %mul3A_486 = arith.mulf %get3A_485, %gather3A_61 : vector<16xf32>
        %add3A_487 = arith.addf %add3A_481, %mul3A_486 : vector<16xf32>
        %get3A_488 = arith.constant 5 : i32
        %get3A_489 = arith.index_cast %get3A_488 : i32 to index
        %get3A_490 = arith.index_cast %add3A_456 : i32 to index
        %get3A_491 = tpu.vector_load %arg8[%get3A_489, %get3A_490] {strides = array<i32>} : memref<32x1024xf32, #tpu.memory_space<vmem>>, vector<16xf32>,
        %mul3A_492 = arith.mulf %get3A_491, %gather3A_67 : vector<16xf32>
        %add3A_493 = arith.addf %add3A_487, %mul3A_492 : vector<16xf32>
        %get3A_494 = arith.constant 6 : i32
        %get3A_495 = arith.index_cast %get3A_494 : i32 to index
        %get3A_496 = arith.index_cast %add3A_456 : i32 to index
        %get3A_497 = tpu.vector_load %arg8[%get3A_495, %get3A_496] {strides = array<i32>} : memref<32x1024xf32, #tpu.memory_space<vmem>>, vector<16xf32>,
        %mul3A_498 = arith.mulf %get3A_497, %gather3A_73 : vector<16xf32>
        %add3A_499 = arith.addf %add3A_493, %mul3A_498 : vector<16xf32>
        %get3A_500 = arith.constant 7 : i32
        %get3A_501 = arith.index_cast %get3A_500 : i32 to index
        %get3A_502 = arith.index_cast %add3A_456 : i32 to index
        %get3A_503 = tpu.vector_load %arg8[%get3A_501, %get3A_502] {strides = array<i32>} : memref<32x1024xf32, #tpu.memory_space<vmem>>, vector<16xf32>,
        %mul3A_504 = arith.mulf %get3A_503, %gather3A_79 : vector<16xf32>
        %add3A_505 = arith.addf %add3A_499, %mul3A_504 : vector<16xf32>
        %get3A_506 = arith.constant 8 : i32
        %get3A_507 = arith.index_cast %get3A_506 : i32 to index
        %get3A_508 = arith.index_cast %add3A_456 : i32 to index
        %get3A_509 = tpu.vector_load %arg8[%get3A_507, %get3A_508] {strides = array<i32>} : memref<32x1024xf32, #tpu.memory_space<vmem>>, vector<16xf32>,
        %mul3A_510 = arith.mulf %get3A_509, %gather3A_85 : vector<16xf32>
        %add3A_511 = arith.addf %add3A_505, %mul3A_510 : vector<16xf32>
        %get3A_512 = arith.constant 9 : i32
        %get3A_513 = arith.index_cast %get3A_512 : i32 to index
        %get3A_514 = arith.index_cast %add3A_456 : i32 to index
        %get3A_515 = tpu.vector_load %arg8[%get3A_513, %get3A_514] {strides = array<i32>} : memref<32x1024xf32, #tpu.memory_space<vmem>>, vector<16xf32>,
        %mul3A_516 = arith.mulf %get3A_515, %gather3A_91 : vector<16xf32>
        %add3A_517 = arith.addf %add3A_511, %mul3A_516 : vector<16xf32>
        %get3A_518 = arith.constant 10 : i32
        %get3A_519 = arith.index_cast %get3A_518 : i32 to index
        %get3A_520 = arith.index_cast %add3A_456 : i32 to index
        %get3A_521 = tpu.vector_load %arg8[%get3A_519, %get3A_520] {strides = array<i32>} : memref<32x1024xf32, #tpu.memory_space<vmem>>, vector<16xf32>,
        %mul3A_522 = arith.mulf %get3A_521, %gather3A_97 : vector<16xf32>
        %add3A_523 = arith.addf %add3A_517, %mul3A_522 : vector<16xf32>
        %get3A_524 = arith.constant 11 : i32
        %get3A_525 = arith.index_cast %get3A_524 : i32 to index
        %get3A_526 = arith.index_cast %add3A_456 : i32 to index
        %get3A_527 = tpu.vector_load %arg8[%get3A_525, %get3A_526] {strides = array<i32>} : memref<32x1024xf32, #tpu.memory_space<vmem>>, vector<16xf32>,
        %mul3A_528 = arith.mulf %get3A_527, %gather3A_103 : vector<16xf32>
        %add3A_529 = arith.addf %add3A_523, %mul3A_528 : vector<16xf32>
        %get3A_530 = arith.constant 12 : i32
        %get3A_531 = arith.index_cast %get3A_530 : i32 to index
        %get3A_532 = arith.index_cast %add3A_456 : i32 to index
        %get3A_533 = tpu.vector_load %arg8[%get3A_531, %get3A_532] {strides = array<i32>} : memref<32x1024xf32, #tpu.memory_space<vmem>>, vector<16xf32>,
        %mul3A_534 = arith.mulf %get3A_533, %gather3A_109 : vector<16xf32>
        %add3A_535 = arith.addf %add3A_529, %mul3A_534 : vector<16xf32>
        %get3A_536 = arith.constant 13 : i32
        %get3A_537 = arith.index_cast %get3A_536 : i32 to index
        %get3A_538 = arith.index_cast %add3A_456 : i32 to index
        %get3A_539 = tpu.vector_load %arg8[%get3A_537, %get3A_538] {strides = array<i32>} : memref<32x1024xf32, #tpu.memory_space<vmem>>, vector<16xf32>,
        %mul3A_540 = arith.mulf %get3A_539, %gather3A_115 : vector<16xf32>
        %add3A_541 = arith.addf %add3A_535, %mul3A_540 : vector<16xf32>
        %get3A_542 = arith.constant 14 : i32
        %get3A_543 = arith.index_cast %get3A_542 : i32 to index
        %get3A_544 = arith.index_cast %add3A_456 : i32 to index
        %get3A_545 = tpu.vector_load %arg8[%get3A_543, %get3A_544] {strides = array<i32>} : memref<32x1024xf32, #tpu.memory_space<vmem>>, vector<16xf32>,
        %mul3A_546 = arith.mulf %get3A_545, %gather3A_121 : vector<16xf32>
        %add3A_547 = arith.addf %add3A_541, %mul3A_546 : vector<16xf32>
        %get3A_548 = arith.constant 15 : i32
        %get3A_549 = arith.index_cast %get3A_548 : i32 to index
        %get3A_550 = arith.index_cast %add3A_456 : i32 to index
        %get3A_551 = tpu.vector_load %arg8[%get3A_549, %get3A_550] {strides = array<i32>} : memref<32x1024xf32, #tpu.memory_space<vmem>>, vector<16xf32>,
        %mul3A_552 = arith.mulf %get3A_551, %gather3A_127 : vector<16xf32>
        %add3A_553 = arith.addf %add3A_547, %mul3A_552 : vector<16xf32>
        %get3A_554 = arith.constant 16 : i32
        %get3A_555 = arith.index_cast %get3A_554 : i32 to index
        %get3A_556 = arith.index_cast %add3A_456 : i32 to index
        %get3A_557 = tpu.vector_load %arg8[%get3A_555, %get3A_556] {strides = array<i32>} : memref<32x1024xf32, #tpu.memory_space<vmem>>, vector<16xf32>,
        %mul3A_558 = arith.mulf %get3A_557, %gather3A_133 : vector<16xf32>
        %add3A_559 = arith.addf %add3A_553, %mul3A_558 : vector<16xf32>
        %get3A_560 = arith.constant 17 : i32
        %get3A_561 = arith.index_cast %get3A_560 : i32 to index
        %get3A_562 = arith.index_cast %add3A_456 : i32 to index
        %get3A_563 = tpu.vector_load %arg8[%get3A_561, %get3A_562] {strides = array<i32>} : memref<32x1024xf32, #tpu.memory_space<vmem>>, vector<16xf32>,
        %mul3A_564 = arith.mulf %get3A_563, %gather3A_139 : vector<16xf32>
        %add3A_565 = arith.addf %add3A_559, %mul3A_564 : vector<16xf32>
        %get3A_566 = arith.constant 18 : i32
        %get3A_567 = arith.index_cast %get3A_566 : i32 to index
        %get3A_568 = arith.index_cast %add3A_456 : i32 to index
        %get3A_569 = tpu.vector_load %arg8[%get3A_567, %get3A_568] {strides = array<i32>} : memref<32x1024xf32, #tpu.memory_space<vmem>>, vector<16xf32>,
        %mul3A_570 = arith.mulf %get3A_569, %gather3A_145 : vector<16xf32>
        %add3A_571 = arith.addf %add3A_565, %mul3A_570 : vector<16xf32>
        %get3A_572 = arith.constant 19 : i32
        %get3A_573 = arith.index_cast %get3A_572 : i32 to index
        %get3A_574 = arith.index_cast %add3A_456 : i32 to index
        %get3A_575 = tpu.vector_load %arg8[%get3A_573, %get3A_574] {strides = array<i32>} : memref<32x1024xf32, #tpu.memory_space<vmem>>, vector<16xf32>,
        %mul3A_576 = arith.mulf %get3A_575, %gather3A_151 : vector<16xf32>
        %add3A_577 = arith.addf %add3A_571, %mul3A_576 : vector<16xf32>
        %get3A_578 = arith.constant 20 : i32
        %get3A_579 = arith.index_cast %get3A_578 : i32 to index
        %get3A_580 = arith.index_cast %add3A_456 : i32 to index
        %get3A_581 = tpu.vector_load %arg8[%get3A_579, %get3A_580] {strides = array<i32>} : memref<32x1024xf32, #tpu.memory_space<vmem>>, vector<16xf32>,
        %mul3A_582 = arith.mulf %get3A_581, %gather3A_157 : vector<16xf32>
        %add3A_583 = arith.addf %add3A_577, %mul3A_582 : vector<16xf32>
        %get3A_584 = arith.constant 21 : i32
        %get3A_585 = arith.index_cast %get3A_584 : i32 to index
        %get3A_586 = arith.index_cast %add3A_456 : i32 to index
        %get3A_587 = tpu.vector_load %arg8[%get3A_585, %get3A_586] {strides = array<i32>} : memref<32x1024xf32, #tpu.memory_space<vmem>>, vector<16xf32>,
        %mul3A_588 = arith.mulf %get3A_587, %gather3A_163 : vector<16xf32>
        %add3A_589 = arith.addf %add3A_583, %mul3A_588 : vector<16xf32>
        %get3A_590 = arith.constant 22 : i32
        %get3A_591 = arith.index_cast %get3A_590 : i32 to index
        %get3A_592 = arith.index_cast %add3A_456 : i32 to index
        %get3A_593 = tpu.vector_load %arg8[%get3A_591, %get3A_592] {strides = array<i32>} : memref<32x1024xf32, #tpu.memory_space<vmem>>, vector<16xf32>,
        %mul3A_594 = arith.mulf %get3A_593, %gather3A_169 : vector<16xf32>
        %add3A_595 = arith.addf %add3A_589, %mul3A_594 : vector<16xf32>
        %get3A_596 = arith.constant 23 : i32
        %get3A_597 = arith.index_cast %get3A_596 : i32 to index
        %get3A_598 = arith.index_cast %add3A_456 : i32 to index
        %get3A_599 = tpu.vector_load %arg8[%get3A_597, %get3A_598] {strides = array<i32>} : memref<32x1024xf32, #tpu.memory_space<vmem>>, vector<16xf32>,
        %mul3A_600 = arith.mulf %get3A_599, %gather3A_175 : vector<16xf32>
        %add3A_601 = arith.addf %add3A_595, %mul3A_600 : vector<16xf32>
        %get3A_602 = arith.constant 24 : i32
        %get3A_603 = arith.index_cast %get3A_602 : i32 to index
        %get3A_604 = arith.index_cast %add3A_456 : i32 to index
        %get3A_605 = tpu.vector_load %arg8[%get3A_603, %get3A_604] {strides = array<i32>} : memref<32x1024xf32, #tpu.memory_space<vmem>>, vector<16xf32>,
        %mul3A_606 = arith.mulf %get3A_605, %gather3A_181 : vector<16xf32>
        %add3A_607 = arith.addf %add3A_601, %mul3A_606 : vector<16xf32>
        %get3A_608 = arith.constant 25 : i32
        %get3A_609 = arith.index_cast %get3A_608 : i32 to index
        %get3A_610 = arith.index_cast %add3A_456 : i32 to index
        %get3A_611 = tpu.vector_load %arg8[%get3A_609, %get3A_610] {strides = array<i32>} : memref<32x1024xf32, #tpu.memory_space<vmem>>, vector<16xf32>,
        %mul3A_612 = arith.mulf %get3A_611, %gather3A_187 : vector<16xf32>
        %add3A_613 = arith.addf %add3A_607, %mul3A_612 : vector<16xf32>
        %get3A_614 = arith.constant 26 : i32
        %get3A_615 = arith.index_cast %get3A_614 : i32 to index
        %get3A_616 = arith.index_cast %add3A_456 : i32 to index
        %get3A_617 = tpu.vector_load %arg8[%get3A_615, %get3A_616] {strides = array<i32>} : memref<32x1024xf32, #tpu.memory_space<vmem>>, vector<16xf32>,
        %mul3A_618 = arith.mulf %get3A_617, %gather3A_193 : vector<16xf32>
        %add3A_619 = arith.addf %add3A_613, %mul3A_618 : vector<16xf32>
        %get3A_620 = arith.constant 27 : i32
        %get3A_621 = arith.index_cast %get3A_620 : i32 to index
        %get3A_622 = arith.index_cast %add3A_456 : i32 to index
        %get3A_623 = tpu.vector_load %arg8[%get3A_621, %get3A_622] {strides = array<i32>} : memref<32x1024xf32, #tpu.memory_space<vmem>>, vector<16xf32>,
        %mul3A_624 = arith.mulf %get3A_623, %gather3A_199 : vector<16xf32>
        %add3A_625 = arith.addf %add3A_619, %mul3A_624 : vector<16xf32>
        %get3A_626 = arith.constant 28 : i32
        %get3A_627 = arith.index_cast %get3A_626 : i32 to index
        %get3A_628 = arith.index_cast %add3A_456 : i32 to index
        %get3A_629 = tpu.vector_load %arg8[%get3A_627, %get3A_628] {strides = array<i32>} : memref<32x1024xf32, #tpu.memory_space<vmem>>, vector<16xf32>,
        %mul3A_630 = arith.mulf %get3A_629, %gather3A_205 : vector<16xf32>
        %add3A_631 = arith.addf %add3A_625, %mul3A_630 : vector<16xf32>
        %get3A_632 = arith.constant 29 : i32
        %get3A_633 = arith.index_cast %get3A_632 : i32 to index
        %get3A_634 = arith.index_cast %add3A_456 : i32 to index
        %get3A_635 = tpu.vector_load %arg8[%get3A_633, %get3A_634] {strides = array<i32>} : memref<32x1024xf32, #tpu.memory_space<vmem>>, vector<16xf32>,
        %mul3A_636 = arith.mulf %get3A_635, %gather3A_211 : vector<16xf32>
        %add3A_637 = arith.addf %add3A_631, %mul3A_636 : vector<16xf32>
        %get3A_638 = arith.constant 30 : i32
        %get3A_639 = arith.index_cast %get3A_638 : i32 to index
        %get3A_640 = arith.index_cast %add3A_456 : i32 to index
        %get3A_641 = tpu.vector_load %arg8[%get3A_639, %get3A_640] {strides = array<i32>} : memref<32x1024xf32, #tpu.memory_space<vmem>>, vector<16xf32>,
        %mul3A_642 = arith.mulf %get3A_641, %gather3A_217 : vector<16xf32>
        %add3A_643 = arith.addf %add3A_637, %mul3A_642 : vector<16xf32>
        %get3A_644 = arith.constant 31 : i32
        %get3A_645 = arith.index_cast %get3A_644 : i32 to index
        %get3A_646 = arith.index_cast %add3A_456 : i32 to index
        %get3A_647 = tpu.vector_load %arg8[%get3A_645, %get3A_646] {strides = array<i32>} : memref<32x1024xf32, #tpu.memory_space<vmem>>, vector<16xf32>,
        %mul3A_648 = arith.mulf %get3A_647, %gather3A_223 : vector<16xf32>
        %add3A_649 = arith.addf %add3A_643, %mul3A_648 : vector<16xf32>
        %swap3A = arith.index_cast %add3A_456 : i32 to index
        %swap3A_650 = tpu.vector_load %arg10[%swap3A] {strides = array<i32>} : memref<1024xf32, #tpu.memory_space<vmem>>, vector<16xf32>,
        tpu.vector_store %arg10[%swap3A], %add3A_649 {strides = array<i32>} : memref<1024xf32, #tpu.memory_space<vmem>>, vector<16xf32>,
        %mul3A_651 = arith.constant 64 : i32
        %mul3A_652 = arith.muli %scan3A_452, %mul3A_651 : i32
        %add3A_653 = arith.constant 16 : i32
        %add3A_654 = arith.addi %mul3A_652, %add3A_653 : i32
        %get3A_655 = arith.index_cast %add3A_654 : i32 to index
        %get3A_656 = tpu.vector_load %arg10[%get3A_655] {strides = array<i32>} : memref<1024xf32, #tpu.memory_space<vmem>>, vector<16xf32>,
        %get3A_657 = arith.constant 0 : i32
        %get3A_658 = arith.index_cast %get3A_657 : i32 to index
        %get3A_659 = arith.index_cast %add3A_654 : i32 to index
        %get3A_660 = tpu.vector_load %arg8[%get3A_658, %get3A_659] {strides = array<i32>} : memref<32x1024xf32, #tpu.memory_space<vmem>>, vector<16xf32>,
        %mul3A_661 = arith.mulf %get3A_660, %gather3A : vector<16xf32>
        %add3A_662 = arith.addf %get3A_656, %mul3A_661 : vector<16xf32>
        %get3A_663 = arith.constant 1 : i32
        %get3A_664 = arith.index_cast %get3A_663 : i32 to index
        %get3A_665 = arith.index_cast %add3A_654 : i32 to index
        %get3A_666 = tpu.vector_load %arg8[%get3A_664, %get3A_665] {strides = array<i32>} : memref<32x1024xf32, #tpu.memory_space<vmem>>, vector<16xf32>,
        %mul3A_667 = arith.mulf %get3A_666, %gather3A_43 : vector<16xf32>
        %add3A_668 = arith.addf %add3A_662, %mul3A_667 : vector<16xf32>
        %get3A_669 = arith.constant 2 : i32
        %get3A_670 = arith.index_cast %get3A_669 : i32 to index
        %get3A_671 = arith.index_cast %add3A_654 : i32 to index
        %get3A_672 = tpu.vector_load %arg8[%get3A_670, %get3A_671] {strides = array<i32>} : memref<32x1024xf32, #tpu.memory_space<vmem>>, vector<16xf32>,
        %mul3A_673 = arith.mulf %get3A_672, %gather3A_49 : vector<16xf32>
        %add3A_674 = arith.addf %add3A_668, %mul3A_673 : vector<16xf32>
        %get3A_675 = arith.constant 3 : i32
        %get3A_676 = arith.index_cast %get3A_675 : i32 to index
        %get3A_677 = arith.index_cast %add3A_654 : i32 to index
        %get3A_678 = tpu.vector_load %arg8[%get3A_676, %get3A_677] {strides = array<i32>} : memref<32x1024xf32, #tpu.memory_space<vmem>>, vector<16xf32>,
        %mul3A_679 = arith.mulf %get3A_678, %gather3A_55 : vector<16xf32>
        %add3A_680 = arith.addf %add3A_674, %mul3A_679 : vector<16xf32>
        %get3A_681 = arith.constant 4 : i32
        %get3A_682 = arith.index_cast %get3A_681 : i32 to index
        %get3A_683 = arith.index_cast %add3A_654 : i32 to index
        %get3A_684 = tpu.vector_load %arg8[%get3A_682, %get3A_683] {strides = array<i32>} : memref<32x1024xf32, #tpu.memory_space<vmem>>, vector<16xf32>,
        %mul3A_685 = arith.mulf %get3A_684, %gather3A_61 : vector<16xf32>
        %add3A_686 = arith.addf %add3A_680, %mul3A_685 : vector<16xf32>
        %get3A_687 = arith.constant 5 : i32
        %get3A_688 = arith.index_cast %get3A_687 : i32 to index
        %get3A_689 = arith.index_cast %add3A_654 : i32 to index
        %get3A_690 = tpu.vector_load %arg8[%get3A_688, %get3A_689] {strides = array<i32>} : memref<32x1024xf32, #tpu.memory_space<vmem>>, vector<16xf32>,
        %mul3A_691 = arith.mulf %get3A_690, %gather3A_67 : vector<16xf32>
        %add3A_692 = arith.addf %add3A_686, %mul3A_691 : vector<16xf32>
        %get3A_693 = arith.constant 6 : i32
        %get3A_694 = arith.index_cast %get3A_693 : i32 to index
        %get3A_695 = arith.index_cast %add3A_654 : i32 to index
        %get3A_696 = tpu.vector_load %arg8[%get3A_694, %get3A_695] {strides = array<i32>} : memref<32x1024xf32, #tpu.memory_space<vmem>>, vector<16xf32>,
        %mul3A_697 = arith.mulf %get3A_696, %gather3A_73 : vector<16xf32>
        %add3A_698 = arith.addf %add3A_692, %mul3A_697 : vector<16xf32>
        %get3A_699 = arith.constant 7 : i32
        %get3A_700 = arith.index_cast %get3A_699 : i32 to index
        %get3A_701 = arith.index_cast %add3A_654 : i32 to index
        %get3A_702 = tpu.vector_load %arg8[%get3A_700, %get3A_701] {strides = array<i32>} : memref<32x1024xf32, #tpu.memory_space<vmem>>, vector<16xf32>,
        %mul3A_703 = arith.mulf %get3A_702, %gather3A_79 : vector<16xf32>
        %add3A_704 = arith.addf %add3A_698, %mul3A_703 : vector<16xf32>
        %get3A_705 = arith.constant 8 : i32
        %get3A_706 = arith.index_cast %get3A_705 : i32 to index
        %get3A_707 = arith.index_cast %add3A_654 : i32 to index
        %get3A_708 = tpu.vector_load %arg8[%get3A_706, %get3A_707] {strides = array<i32>} : memref<32x1024xf32, #tpu.memory_space<vmem>>, vector<16xf32>,
        %mul3A_709 = arith.mulf %get3A_708, %gather3A_85 : vector<16xf32>
        %add3A_710 = arith.addf %add3A_704, %mul3A_709 : vector<16xf32>
        %get3A_711 = arith.constant 9 : i32
        %get3A_712 = arith.index_cast %get3A_711 : i32 to index
        %get3A_713 = arith.index_cast %add3A_654 : i32 to index
        %get3A_714 = tpu.vector_load %arg8[%get3A_712, %get3A_713] {strides = array<i32>} : memref<32x1024xf32, #tpu.memory_space<vmem>>, vector<16xf32>,
        %mul3A_715 = arith.mulf %get3A_714, %gather3A_91 : vector<16xf32>
        %add3A_716 = arith.addf %add3A_710, %mul3A_715 : vector<16xf32>
        %get3A_717 = arith.constant 10 : i32
        %get3A_718 = arith.index_cast %get3A_717 : i32 to index
        %get3A_719 = arith.index_cast %add3A_654 : i32 to index
        %get3A_720 = tpu.vector_load %arg8[%get3A_718, %get3A_719] {strides = array<i32>} : memref<32x1024xf32, #tpu.memory_space<vmem>>, vector<16xf32>,
        %mul3A_721 = arith.mulf %get3A_720, %gather3A_97 : vector<16xf32>
        %add3A_722 = arith.addf %add3A_716, %mul3A_721 : vector<16xf32>
        %get3A_723 = arith.constant 11 : i32
        %get3A_724 = arith.index_cast %get3A_723 : i32 to index
        %get3A_725 = arith.index_cast %add3A_654 : i32 to index
        %get3A_726 = tpu.vector_load %arg8[%get3A_724, %get3A_725] {strides = array<i32>} : memref<32x1024xf32, #tpu.memory_space<vmem>>, vector<16xf32>,
        %mul3A_727 = arith.mulf %get3A_726, %gather3A_103 : vector<16xf32>
        %add3A_728 = arith.addf %add3A_722, %mul3A_727 : vector<16xf32>
        %get3A_729 = arith.constant 12 : i32
        %get3A_730 = arith.index_cast %get3A_729 : i32 to index
        %get3A_731 = arith.index_cast %add3A_654 : i32 to index
        %get3A_732 = tpu.vector_load %arg8[%get3A_730, %get3A_731] {strides = array<i32>} : memref<32x1024xf32, #tpu.memory_space<vmem>>, vector<16xf32>,
        %mul3A_733 = arith.mulf %get3A_732, %gather3A_109 : vector<16xf32>
        %add3A_734 = arith.addf %add3A_728, %mul3A_733 : vector<16xf32>
        %get3A_735 = arith.constant 13 : i32
        %get3A_736 = arith.index_cast %get3A_735 : i32 to index
        %get3A_737 = arith.index_cast %add3A_654 : i32 to index
        %get3A_738 = tpu.vector_load %arg8[%get3A_736, %get3A_737] {strides = array<i32>} : memref<32x1024xf32, #tpu.memory_space<vmem>>, vector<16xf32>,
        %mul3A_739 = arith.mulf %get3A_738, %gather3A_115 : vector<16xf32>
        %add3A_740 = arith.addf %add3A_734, %mul3A_739 : vector<16xf32>
        %get3A_741 = arith.constant 14 : i32
        %get3A_742 = arith.index_cast %get3A_741 : i32 to index
        %get3A_743 = arith.index_cast %add3A_654 : i32 to index
        %get3A_744 = tpu.vector_load %arg8[%get3A_742, %get3A_743] {strides = array<i32>} : memref<32x1024xf32, #tpu.memory_space<vmem>>, vector<16xf32>,
        %mul3A_745 = arith.mulf %get3A_744, %gather3A_121 : vector<16xf32>
        %add3A_746 = arith.addf %add3A_740, %mul3A_745 : vector<16xf32>
        %get3A_747 = arith.constant 15 : i32
        %get3A_748 = arith.index_cast %get3A_747 : i32 to index
        %get3A_749 = arith.index_cast %add3A_654 : i32 to index
        %get3A_750 = tpu.vector_load %arg8[%get3A_748, %get3A_749] {strides = array<i32>} : memref<32x1024xf32, #tpu.memory_space<vmem>>, vector<16xf32>,
        %mul3A_751 = arith.mulf %get3A_750, %gather3A_127 : vector<16xf32>
        %add3A_752 = arith.addf %add3A_746, %mul3A_751 : vector<16xf32>
        %get3A_753 = arith.constant 16 : i32
        %get3A_754 = arith.index_cast %get3A_753 : i32 to index
        %get3A_755 = arith.index_cast %add3A_654 : i32 to index
        %get3A_756 = tpu.vector_load %arg8[%get3A_754, %get3A_755] {strides = array<i32>} : memref<32x1024xf32, #tpu.memory_space<vmem>>, vector<16xf32>,
        %mul3A_757 = arith.mulf %get3A_756, %gather3A_133 : vector<16xf32>
        %add3A_758 = arith.addf %add3A_752, %mul3A_757 : vector<16xf32>
        %get3A_759 = arith.constant 17 : i32
        %get3A_760 = arith.index_cast %get3A_759 : i32 to index
        %get3A_761 = arith.index_cast %add3A_654 : i32 to index
        %get3A_762 = tpu.vector_load %arg8[%get3A_760, %get3A_761] {strides = array<i32>} : memref<32x1024xf32, #tpu.memory_space<vmem>>, vector<16xf32>,
        %mul3A_763 = arith.mulf %get3A_762, %gather3A_139 : vector<16xf32>
        %add3A_764 = arith.addf %add3A_758, %mul3A_763 : vector<16xf32>
        %get3A_765 = arith.constant 18 : i32
        %get3A_766 = arith.index_cast %get3A_765 : i32 to index
        %get3A_767 = arith.index_cast %add3A_654 : i32 to index
        %get3A_768 = tpu.vector_load %arg8[%get3A_766, %get3A_767] {strides = array<i32>} : memref<32x1024xf32, #tpu.memory_space<vmem>>, vector<16xf32>,
        %mul3A_769 = arith.mulf %get3A_768, %gather3A_145 : vector<16xf32>
        %add3A_770 = arith.addf %add3A_764, %mul3A_769 : vector<16xf32>
        %get3A_771 = arith.constant 19 : i32
        %get3A_772 = arith.index_cast %get3A_771 : i32 to index
        %get3A_773 = arith.index_cast %add3A_654 : i32 to index
        %get3A_774 = tpu.vector_load %arg8[%get3A_772, %get3A_773] {strides = array<i32>} : memref<32x1024xf32, #tpu.memory_space<vmem>>, vector<16xf32>,
        %mul3A_775 = arith.mulf %get3A_774, %gather3A_151 : vector<16xf32>
        %add3A_776 = arith.addf %add3A_770, %mul3A_775 : vector<16xf32>
        %get3A_777 = arith.constant 20 : i32
        %get3A_778 = arith.index_cast %get3A_777 : i32 to index
        %get3A_779 = arith.index_cast %add3A_654 : i32 to index
        %get3A_780 = tpu.vector_load %arg8[%get3A_778, %get3A_779] {strides = array<i32>} : memref<32x1024xf32, #tpu.memory_space<vmem>>, vector<16xf32>,
        %mul3A_781 = arith.mulf %get3A_780, %gather3A_157 : vector<16xf32>
        %add3A_782 = arith.addf %add3A_776, %mul3A_781 : vector<16xf32>
        %get3A_783 = arith.constant 21 : i32
        %get3A_784 = arith.index_cast %get3A_783 : i32 to index
        %get3A_785 = arith.index_cast %add3A_654 : i32 to index
        %get3A_786 = tpu.vector_load %arg8[%get3A_784, %get3A_785] {strides = array<i32>} : memref<32x1024xf32, #tpu.memory_space<vmem>>, vector<16xf32>,
        %mul3A_787 = arith.mulf %get3A_786, %gather3A_163 : vector<16xf32>
        %add3A_788 = arith.addf %add3A_782, %mul3A_787 : vector<16xf32>
        %get3A_789 = arith.constant 22 : i32
        %get3A_790 = arith.index_cast %get3A_789 : i32 to index
        %get3A_791 = arith.index_cast %add3A_654 : i32 to index
        %get3A_792 = tpu.vector_load %arg8[%get3A_790, %get3A_791] {strides = array<i32>} : memref<32x1024xf32, #tpu.memory_space<vmem>>, vector<16xf32>,
        %mul3A_793 = arith.mulf %get3A_792, %gather3A_169 : vector<16xf32>
        %add3A_794 = arith.addf %add3A_788, %mul3A_793 : vector<16xf32>
        %get3A_795 = arith.constant 23 : i32
        %get3A_796 = arith.index_cast %get3A_795 : i32 to index
        %get3A_797 = arith.index_cast %add3A_654 : i32 to index
        %get3A_798 = tpu.vector_load %arg8[%get3A_796, %get3A_797] {strides = array<i32>} : memref<32x1024xf32, #tpu.memory_space<vmem>>, vector<16xf32>,
        %mul3A_799 = arith.mulf %get3A_798, %gather3A_175 : vector<16xf32>
        %add3A_800 = arith.addf %add3A_794, %mul3A_799 : vector<16xf32>
        %get3A_801 = arith.constant 24 : i32
        %get3A_802 = arith.index_cast %get3A_801 : i32 to index
        %get3A_803 = arith.index_cast %add3A_654 : i32 to index
        %get3A_804 = tpu.vector_load %arg8[%get3A_802, %get3A_803] {strides = array<i32>} : memref<32x1024xf32, #tpu.memory_space<vmem>>, vector<16xf32>,
        %mul3A_805 = arith.mulf %get3A_804, %gather3A_181 : vector<16xf32>
        %add3A_806 = arith.addf %add3A_800, %mul3A_805 : vector<16xf32>
        %get3A_807 = arith.constant 25 : i32
        %get3A_808 = arith.index_cast %get3A_807 : i32 to index
        %get3A_809 = arith.index_cast %add3A_654 : i32 to index
        %get3A_810 = tpu.vector_load %arg8[%get3A_808, %get3A_809] {strides = array<i32>} : memref<32x1024xf32, #tpu.memory_space<vmem>>, vector<16xf32>,
        %mul3A_811 = arith.mulf %get3A_810, %gather3A_187 : vector<16xf32>
        %add3A_812 = arith.addf %add3A_806, %mul3A_811 : vector<16xf32>
        %get3A_813 = arith.constant 26 : i32
        %get3A_814 = arith.index_cast %get3A_813 : i32 to index
        %get3A_815 = arith.index_cast %add3A_654 : i32 to index
        %get3A_816 = tpu.vector_load %arg8[%get3A_814, %get3A_815] {strides = array<i32>} : memref<32x1024xf32, #tpu.memory_space<vmem>>, vector<16xf32>,
        %mul3A_817 = arith.mulf %get3A_816, %gather3A_193 : vector<16xf32>
        %add3A_818 = arith.addf %add3A_812, %mul3A_817 : vector<16xf32>
        %get3A_819 = arith.constant 27 : i32
        %get3A_820 = arith.index_cast %get3A_819 : i32 to index
        %get3A_821 = arith.index_cast %add3A_654 : i32 to index
        %get3A_822 = tpu.vector_load %arg8[%get3A_820, %get3A_821] {strides = array<i32>} : memref<32x1024xf32, #tpu.memory_space<vmem>>, vector<16xf32>,
        %mul3A_823 = arith.mulf %get3A_822, %gather3A_199 : vector<16xf32>
        %add3A_824 = arith.addf %add3A_818, %mul3A_823 : vector<16xf32>
        %get3A_825 = arith.constant 28 : i32
        %get3A_826 = arith.index_cast %get3A_825 : i32 to index
        %get3A_827 = arith.index_cast %add3A_654 : i32 to index
        %get3A_828 = tpu.vector_load %arg8[%get3A_826, %get3A_827] {strides = array<i32>} : memref<32x1024xf32, #tpu.memory_space<vmem>>, vector<16xf32>,
        %mul3A_829 = arith.mulf %get3A_828, %gather3A_205 : vector<16xf32>
        %add3A_830 = arith.addf %add3A_824, %mul3A_829 : vector<16xf32>
        %get3A_831 = arith.constant 29 : i32
        %get3A_832 = arith.index_cast %get3A_831 : i32 to index
        %get3A_833 = arith.index_cast %add3A_654 : i32 to index
        %get3A_834 = tpu.vector_load %arg8[%get3A_832, %get3A_833] {strides = array<i32>} : memref<32x1024xf32, #tpu.memory_space<vmem>>, vector<16xf32>,
        %mul3A_835 = arith.mulf %get3A_834, %gather3A_211 : vector<16xf32>
        %add3A_836 = arith.addf %add3A_830, %mul3A_835 : vector<16xf32>
        %get3A_837 = arith.constant 30 : i32
        %get3A_838 = arith.index_cast %get3A_837 : i32 to index
        %get3A_839 = arith.index_cast %add3A_654 : i32 to index
        %get3A_840 = tpu.vector_load %arg8[%get3A_838, %get3A_839] {strides = array<i32>} : memref<32x1024xf32, #tpu.memory_space<vmem>>, vector<16xf32>,
        %mul3A_841 = arith.mulf %get3A_840, %gather3A_217 : vector<16xf32>
        %add3A_842 = arith.addf %add3A_836, %mul3A_841 : vector<16xf32>
        %get3A_843 = arith.constant 31 : i32
        %get3A_844 = arith.index_cast %get3A_843 : i32 to index
        %get3A_845 = arith.index_cast %add3A_654 : i32 to index
        %get3A_846 = tpu.vector_load %arg8[%get3A_844, %get3A_845] {strides = array<i32>} : memref<32x1024xf32, #tpu.memory_space<vmem>>, vector<16xf32>,
        %mul3A_847 = arith.mulf %get3A_846, %gather3A_223 : vector<16xf32>
        %add3A_848 = arith.addf %add3A_842, %mul3A_847 : vector<16xf32>
        %swap3A_849 = arith.index_cast %add3A_654 : i32 to index
        %swap3A_850 = tpu.vector_load %arg10[%swap3A_849] {strides = array<i32>} : memref<1024xf32, #tpu.memory_space<vmem>>, vector<16xf32>,
        tpu.vector_store %arg10[%swap3A_849], %add3A_848 {strides = array<i32>} : memref<1024xf32, #tpu.memory_space<vmem>>, vector<16xf32>,
        %mul3A_851 = arith.constant 64 : i32
        %mul3A_852 = arith.muli %scan3A_452, %mul3A_851 : i32
        %add3A_853 = arith.constant 32 : i32
        %add3A_854 = arith.addi %mul3A_852, %add3A_853 : i32
        %get3A_855 = arith.index_cast %add3A_854 : i32 to index
        %get3A_856 = tpu.vector_load %arg10[%get3A_855] {strides = array<i32>} : memref<1024xf32, #tpu.memory_space<vmem>>, vector<16xf32>,
        %get3A_857 = arith.constant 0 : i32
        %get3A_858 = arith.index_cast %get3A_857 : i32 to index
        %get3A_859 = arith.index_cast %add3A_854 : i32 to index
        %get3A_860 = tpu.vector_load %arg8[%get3A_858, %get3A_859] {strides = array<i32>} : memref<32x1024xf32, #tpu.memory_space<vmem>>, vector<16xf32>,
        %mul3A_861 = arith.mulf %get3A_860, %gather3A : vector<16xf32>
        %add3A_862 = arith.addf %get3A_856, %mul3A_861 : vector<16xf32>
        %get3A_863 = arith.constant 1 : i32
        %get3A_864 = arith.index_cast %get3A_863 : i32 to index
        %get3A_865 = arith.index_cast %add3A_854 : i32 to index
        %get3A_866 = tpu.vector_load %arg8[%get3A_864, %get3A_865] {strides = array<i32>} : memref<32x1024xf32, #tpu.memory_space<vmem>>, vector<16xf32>,
        %mul3A_867 = arith.mulf %get3A_866, %gather3A_43 : vector<16xf32>
        %add3A_868 = arith.addf %add3A_862, %mul3A_867 : vector<16xf32>
        %get3A_869 = arith.constant 2 : i32
        %get3A_870 = arith.index_cast %get3A_869 : i32 to index
        %get3A_871 = arith.index_cast %add3A_854 : i32 to index
        %get3A_872 = tpu.vector_load %arg8[%get3A_870, %get3A_871] {strides = array<i32>} : memref<32x1024xf32, #tpu.memory_space<vmem>>, vector<16xf32>,
        %mul3A_873 = arith.mulf %get3A_872, %gather3A_49 : vector<16xf32>
        %add3A_874 = arith.addf %add3A_868, %mul3A_873 : vector<16xf32>
        %get3A_875 = arith.constant 3 : i32
        %get3A_876 = arith.index_cast %get3A_875 : i32 to index
        %get3A_877 = arith.index_cast %add3A_854 : i32 to index
        %get3A_878 = tpu.vector_load %arg8[%get3A_876, %get3A_877] {strides = array<i32>} : memref<32x1024xf32, #tpu.memory_space<vmem>>, vector<16xf32>,
        %mul3A_879 = arith.mulf %get3A_878, %gather3A_55 : vector<16xf32>
        %add3A_880 = arith.addf %add3A_874, %mul3A_879 : vector<16xf32>
        %get3A_881 = arith.constant 4 : i32
        %get3A_882 = arith.index_cast %get3A_881 : i32 to index
        %get3A_883 = arith.index_cast %add3A_854 : i32 to index
        %get3A_884 = tpu.vector_load %arg8[%get3A_882, %get3A_883] {strides = array<i32>} : memref<32x1024xf32, #tpu.memory_space<vmem>>, vector<16xf32>,
        %mul3A_885 = arith.mulf %get3A_884, %gather3A_61 : vector<16xf32>
        %add3A_886 = arith.addf %add3A_880, %mul3A_885 : vector<16xf32>
        %get3A_887 = arith.constant 5 : i32
        %get3A_888 = arith.index_cast %get3A_887 : i32 to index
        %get3A_889 = arith.index_cast %add3A_854 : i32 to index
        %get3A_890 = tpu.vector_load %arg8[%get3A_888, %get3A_889] {strides = array<i32>} : memref<32x1024xf32, #tpu.memory_space<vmem>>, vector<16xf32>,
        %mul3A_891 = arith.mulf %get3A_890, %gather3A_67 : vector<16xf32>
        %add3A_892 = arith.addf %add3A_886, %mul3A_891 : vector<16xf32>
        %get3A_893 = arith.constant 6 : i32
        %get3A_894 = arith.index_cast %get3A_893 : i32 to index
        %get3A_895 = arith.index_cast %add3A_854 : i32 to index
        %get3A_896 = tpu.vector_load %arg8[%get3A_894, %get3A_895] {strides = array<i32>} : memref<32x1024xf32, #tpu.memory_space<vmem>>, vector<16xf32>,
        %mul3A_897 = arith.mulf %get3A_896, %gather3A_73 : vector<16xf32>
        %add3A_898 = arith.addf %add3A_892, %mul3A_897 : vector<16xf32>
        %get3A_899 = arith.constant 7 : i32
        %get3A_900 = arith.index_cast %get3A_899 : i32 to index
        %get3A_901 = arith.index_cast %add3A_854 : i32 to index
        %get3A_902 = tpu.vector_load %arg8[%get3A_900, %get3A_901] {strides = array<i32>} : memref<32x1024xf32, #tpu.memory_space<vmem>>, vector<16xf32>,
        %mul3A_903 = arith.mulf %get3A_902, %gather3A_79 : vector<16xf32>
        %add3A_904 = arith.addf %add3A_898, %mul3A_903 : vector<16xf32>
        %get3A_905 = arith.constant 8 : i32
        %get3A_906 = arith.index_cast %get3A_905 : i32 to index
        %get3A_907 = arith.index_cast %add3A_854 : i32 to index
        %get3A_908 = tpu.vector_load %arg8[%get3A_906, %get3A_907] {strides = array<i32>} : memref<32x1024xf32, #tpu.memory_space<vmem>>, vector<16xf32>,
        %mul3A_909 = arith.mulf %get3A_908, %gather3A_85 : vector<16xf32>
        %add3A_910 = arith.addf %add3A_904, %mul3A_909 : vector<16xf32>
        %get3A_911 = arith.constant 9 : i32
        %get3A_912 = arith.index_cast %get3A_911 : i32 to index
        %get3A_913 = arith.index_cast %add3A_854 : i32 to index
        %get3A_914 = tpu.vector_load %arg8[%get3A_912, %get3A_913] {strides = array<i32>} : memref<32x1024xf32, #tpu.memory_space<vmem>>, vector<16xf32>,
        %mul3A_915 = arith.mulf %get3A_914, %gather3A_91 : vector<16xf32>
        %add3A_916 = arith.addf %add3A_910, %mul3A_915 : vector<16xf32>
        %get3A_917 = arith.constant 10 : i32
        %get3A_918 = arith.index_cast %get3A_917 : i32 to index
        %get3A_919 = arith.index_cast %add3A_854 : i32 to index
        %get3A_920 = tpu.vector_load %arg8[%get3A_918, %get3A_919] {strides = array<i32>} : memref<32x1024xf32, #tpu.memory_space<vmem>>, vector<16xf32>,
        %mul3A_921 = arith.mulf %get3A_920, %gather3A_97 : vector<16xf32>
        %add3A_922 = arith.addf %add3A_916, %mul3A_921 : vector<16xf32>
        %get3A_923 = arith.constant 11 : i32
        %get3A_924 = arith.index_cast %get3A_923 : i32 to index
        %get3A_925 = arith.index_cast %add3A_854 : i32 to index
        %get3A_926 = tpu.vector_load %arg8[%get3A_924, %get3A_925] {strides = array<i32>} : memref<32x1024xf32, #tpu.memory_space<vmem>>, vector<16xf32>,
        %mul3A_927 = arith.mulf %get3A_926, %gather3A_103 : vector<16xf32>
        %add3A_928 = arith.addf %add3A_922, %mul3A_927 : vector<16xf32>
        %get3A_929 = arith.constant 12 : i32
        %get3A_930 = arith.index_cast %get3A_929 : i32 to index
        %get3A_931 = arith.index_cast %add3A_854 : i32 to index
        %get3A_932 = tpu.vector_load %arg8[%get3A_930, %get3A_931] {strides = array<i32>} : memref<32x1024xf32, #tpu.memory_space<vmem>>, vector<16xf32>,
        %mul3A_933 = arith.mulf %get3A_932, %gather3A_109 : vector<16xf32>
        %add3A_934 = arith.addf %add3A_928, %mul3A_933 : vector<16xf32>
        %get3A_935 = arith.constant 13 : i32
        %get3A_936 = arith.index_cast %get3A_935 : i32 to index
        %get3A_937 = arith.index_cast %add3A_854 : i32 to index
        %get3A_938 = tpu.vector_load %arg8[%get3A_936, %get3A_937] {strides = array<i32>} : memref<32x1024xf32, #tpu.memory_space<vmem>>, vector<16xf32>,
        %mul3A_939 = arith.mulf %get3A_938, %gather3A_115 : vector<16xf32>
        %add3A_940 = arith.addf %add3A_934, %mul3A_939 : vector<16xf32>
        %get3A_941 = arith.constant 14 : i32
        %get3A_942 = arith.index_cast %get3A_941 : i32 to index
        %get3A_943 = arith.index_cast %add3A_854 : i32 to index
        %get3A_944 = tpu.vector_load %arg8[%get3A_942, %get3A_943] {strides = array<i32>} : memref<32x1024xf32, #tpu.memory_space<vmem>>, vector<16xf32>,
        %mul3A_945 = arith.mulf %get3A_944, %gather3A_121 : vector<16xf32>
        %add3A_946 = arith.addf %add3A_940, %mul3A_945 : vector<16xf32>
        %get3A_947 = arith.constant 15 : i32
        %get3A_948 = arith.index_cast %get3A_947 : i32 to index
        %get3A_949 = arith.index_cast %add3A_854 : i32 to index
        %get3A_950 = tpu.vector_load %arg8[%get3A_948, %get3A_949] {strides = array<i32>} : memref<32x1024xf32, #tpu.memory_space<vmem>>, vector<16xf32>,
        %mul3A_951 = arith.mulf %get3A_950, %gather3A_127 : vector<16xf32>
        %add3A_952 = arith.addf %add3A_946, %mul3A_951 : vector<16xf32>
        %get3A_953 = arith.constant 16 : i32
        %get3A_954 = arith.index_cast %get3A_953 : i32 to index
        %get3A_955 = arith.index_cast %add3A_854 : i32 to index
        %get3A_956 = tpu.vector_load %arg8[%get3A_954, %get3A_955] {strides = array<i32>} : memref<32x1024xf32, #tpu.memory_space<vmem>>, vector<16xf32>,
        %mul3A_957 = arith.mulf %get3A_956, %gather3A_133 : vector<16xf32>
        %add3A_958 = arith.addf %add3A_952, %mul3A_957 : vector<16xf32>
        %get3A_959 = arith.constant 17 : i32
        %get3A_960 = arith.index_cast %get3A_959 : i32 to index
        %get3A_961 = arith.index_cast %add3A_854 : i32 to index
        %get3A_962 = tpu.vector_load %arg8[%get3A_960, %get3A_961] {strides = array<i32>} : memref<32x1024xf32, #tpu.memory_space<vmem>>, vector<16xf32>,
        %mul3A_963 = arith.mulf %get3A_962, %gather3A_139 : vector<16xf32>
        %add3A_964 = arith.addf %add3A_958, %mul3A_963 : vector<16xf32>
        %get3A_965 = arith.constant 18 : i32
        %get3A_966 = arith.index_cast %get3A_965 : i32 to index
        %get3A_967 = arith.index_cast %add3A_854 : i32 to index
        %get3A_968 = tpu.vector_load %arg8[%get3A_966, %get3A_967] {strides = array<i32>} : memref<32x1024xf32, #tpu.memory_space<vmem>>, vector<16xf32>,
        %mul3A_969 = arith.mulf %get3A_968, %gather3A_145 : vector<16xf32>
        %add3A_970 = arith.addf %add3A_964, %mul3A_969 : vector<16xf32>
        %get3A_971 = arith.constant 19 : i32
        %get3A_972 = arith.index_cast %get3A_971 : i32 to index
        %get3A_973 = arith.index_cast %add3A_854 : i32 to index
        %get3A_974 = tpu.vector_load %arg8[%get3A_972, %get3A_973] {strides = array<i32>} : memref<32x1024xf32, #tpu.memory_space<vmem>>, vector<16xf32>,
        %mul3A_975 = arith.mulf %get3A_974, %gather3A_151 : vector<16xf32>
        %add3A_976 = arith.addf %add3A_970, %mul3A_975 : vector<16xf32>
        %get3A_977 = arith.constant 20 : i32
        %get3A_978 = arith.index_cast %get3A_977 : i32 to index
        %get3A_979 = arith.index_cast %add3A_854 : i32 to index
        %get3A_980 = tpu.vector_load %arg8[%get3A_978, %get3A_979] {strides = array<i32>} : memref<32x1024xf32, #tpu.memory_space<vmem>>, vector<16xf32>,
        %mul3A_981 = arith.mulf %get3A_980, %gather3A_157 : vector<16xf32>
        %add3A_982 = arith.addf %add3A_976, %mul3A_981 : vector<16xf32>
        %get3A_983 = arith.constant 21 : i32
        %get3A_984 = arith.index_cast %get3A_983 : i32 to index
        %get3A_985 = arith.index_cast %add3A_854 : i32 to index
        %get3A_986 = tpu.vector_load %arg8[%get3A_984, %get3A_985] {strides = array<i32>} : memref<32x1024xf32, #tpu.memory_space<vmem>>, vector<16xf32>,
        %mul3A_987 = arith.mulf %get3A_986, %gather3A_163 : vector<16xf32>
        %add3A_988 = arith.addf %add3A_982, %mul3A_987 : vector<16xf32>
        %get3A_989 = arith.constant 22 : i32
        %get3A_990 = arith.index_cast %get3A_989 : i32 to index
        %get3A_991 = arith.index_cast %add3A_854 : i32 to index
        %get3A_992 = tpu.vector_load %arg8[%get3A_990, %get3A_991] {strides = array<i32>} : memref<32x1024xf32, #tpu.memory_space<vmem>>, vector<16xf32>,
        %mul3A_993 = arith.mulf %get3A_992, %gather3A_169 : vector<16xf32>
        %add3A_994 = arith.addf %add3A_988, %mul3A_993 : vector<16xf32>
        %get3A_995 = arith.constant 23 : i32
        %get3A_996 = arith.index_cast %get3A_995 : i32 to index
        %get3A_997 = arith.index_cast %add3A_854 : i32 to index
        %get3A_998 = tpu.vector_load %arg8[%get3A_996, %get3A_997] {strides = array<i32>} : memref<32x1024xf32, #tpu.memory_space<vmem>>, vector<16xf32>,
        %mul3A_999 = arith.mulf %get3A_998, %gather3A_175 : vector<16xf32>
        %add3A_1000 = arith.addf %add3A_994, %mul3A_999 : vector<16xf32>
        %get3A_1001 = arith.constant 24 : i32
        %get3A_1002 = arith.index_cast %get3A_1001 : i32 to index
        %get3A_1003 = arith.index_cast %add3A_854 : i32 to index
        %get3A_1004 = tpu.vector_load %arg8[%get3A_1002, %get3A_1003] {strides = array<i32>} : memref<32x1024xf32, #tpu.memory_space<vmem>>, vector<16xf32>,
        %mul3A_1005 = arith.mulf %get3A_1004, %gather3A_181 : vector<16xf32>
        %add3A_1006 = arith.addf %add3A_1000, %mul3A_1005 : vector<16xf32>
        %get3A_1007 = arith.constant 25 : i32
        %get3A_1008 = arith.index_cast %get3A_1007 : i32 to index
        %get3A_1009 = arith.index_cast %add3A_854 : i32 to index
        %get3A_1010 = tpu.vector_load %arg8[%get3A_1008, %get3A_1009] {strides = array<i32>} : memref<32x1024xf32, #tpu.memory_space<vmem>>, vector<16xf32>,
        %mul3A_1011 = arith.mulf %get3A_1010, %gather3A_187 : vector<16xf32>
        %add3A_1012 = arith.addf %add3A_1006, %mul3A_1011 : vector<16xf32>
        %get3A_1013 = arith.constant 26 : i32
        %get3A_1014 = arith.index_cast %get3A_1013 : i32 to index
        %get3A_1015 = arith.index_cast %add3A_854 : i32 to index
        %get3A_1016 = tpu.vector_load %arg8[%get3A_1014, %get3A_1015] {strides = array<i32>} : memref<32x1024xf32, #tpu.memory_space<vmem>>, vector<16xf32>,
        %mul3A_1017 = arith.mulf %get3A_1016, %gather3A_193 : vector<16xf32>
        %add3A_1018 = arith.addf %add3A_1012, %mul3A_1017 : vector<16xf32>
        %get3A_1019 = arith.constant 27 : i32
        %get3A_1020 = arith.index_cast %get3A_1019 : i32 to index
        %get3A_1021 = arith.index_cast %add3A_854 : i32 to index
        %get3A_1022 = tpu.vector_load %arg8[%get3A_1020, %get3A_1021] {strides = array<i32>} : memref<32x1024xf32, #tpu.memory_space<vmem>>, vector<16xf32>,
        %mul3A_1023 = arith.mulf %get3A_1022, %gather3A_199 : vector<16xf32>
        %add3A_1024 = arith.addf %add3A_1018, %mul3A_1023 : vector<16xf32>
        %get3A_1025 = arith.constant 28 : i32
        %get3A_1026 = arith.index_cast %get3A_1025 : i32 to index
        %get3A_1027 = arith.index_cast %add3A_854 : i32 to index
        %get3A_1028 = tpu.vector_load %arg8[%get3A_1026, %get3A_1027] {strides = array<i32>} : memref<32x1024xf32, #tpu.memory_space<vmem>>, vector<16xf32>,
        %mul3A_1029 = arith.mulf %get3A_1028, %gather3A_205 : vector<16xf32>
        %add3A_1030 = arith.addf %add3A_1024, %mul3A_1029 : vector<16xf32>
        %get3A_1031 = arith.constant 29 : i32
        %get3A_1032 = arith.index_cast %get3A_1031 : i32 to index
        %get3A_1033 = arith.index_cast %add3A_854 : i32 to index
        %get3A_1034 = tpu.vector_load %arg8[%get3A_1032, %get3A_1033] {strides = array<i32>} : memref<32x1024xf32, #tpu.memory_space<vmem>>, vector<16xf32>,
        %mul3A_1035 = arith.mulf %get3A_1034, %gather3A_211 : vector<16xf32>
        %add3A_1036 = arith.addf %add3A_1030, %mul3A_1035 : vector<16xf32>
        %get3A_1037 = arith.constant 30 : i32
        %get3A_1038 = arith.index_cast %get3A_1037 : i32 to index
        %get3A_1039 = arith.index_cast %add3A_854 : i32 to index
        %get3A_1040 = tpu.vector_load %arg8[%get3A_1038, %get3A_1039] {strides = array<i32>} : memref<32x1024xf32, #tpu.memory_space<vmem>>, vector<16xf32>,
        %mul3A_1041 = arith.mulf %get3A_1040, %gather3A_217 : vector<16xf32>
        %add3A_1042 = arith.addf %add3A_1036, %mul3A_1041 : vector<16xf32>
        %get3A_1043 = arith.constant 31 : i32
        %get3A_1044 = arith.index_cast %get3A_1043 : i32 to index
        %get3A_1045 = arith.index_cast %add3A_854 : i32 to index
        %get3A_1046 = tpu.vector_load %arg8[%get3A_1044, %get3A_1045] {strides = array<i32>} : memref<32x1024xf32, #tpu.memory_space<vmem>>, vector<16xf32>,
        %mul3A_1047 = arith.mulf %get3A_1046, %gather3A_223 : vector<16xf32>
        %add3A_1048 = arith.addf %add3A_1042, %mul3A_1047 : vector<16xf32>
        %swap3A_1049 = arith.index_cast %add3A_854 : i32 to index
        %swap3A_1050 = tpu.vector_load %arg10[%swap3A_1049] {strides = array<i32>} : memref<1024xf32, #tpu.memory_space<vmem>>, vector<16xf32>,
        tpu.vector_store %arg10[%swap3A_1049], %add3A_1048 {strides = array<i32>} : memref<1024xf32, #tpu.memory_space<vmem>>, vector<16xf32>,
        %mul3A_1051 = arith.constant 64 : i32
        %mul3A_1052 = arith.muli %scan3A_452, %mul3A_1051 : i32
        %add3A_1053 = arith.constant 48 : i32
        %add3A_1054 = arith.addi %mul3A_1052, %add3A_1053 : i32
        %get3A_1055 = arith.index_cast %add3A_1054 : i32 to index
        %get3A_1056 = tpu.vector_load %arg10[%get3A_1055] {strides = array<i32>} : memref<1024xf32, #tpu.memory_space<vmem>>, vector<16xf32>,
        %get3A_1057 = arith.constant 0 : i32
        %get3A_1058 = arith.index_cast %get3A_1057 : i32 to index
        %get3A_1059 = arith.index_cast %add3A_1054 : i32 to index
        %get3A_1060 = tpu.vector_load %arg8[%get3A_1058, %get3A_1059] {strides = array<i32>} : memref<32x1024xf32, #tpu.memory_space<vmem>>, vector<16xf32>,
        %mul3A_1061 = arith.mulf %get3A_1060, %gather3A : vector<16xf32>
        %add3A_1062 = arith.addf %get3A_1056, %mul3A_1061 : vector<16xf32>
        %get3A_1063 = arith.constant 1 : i32
        %get3A_1064 = arith.index_cast %get3A_1063 : i32 to index
        %get3A_1065 = arith.index_cast %add3A_1054 : i32 to index
        %get3A_1066 = tpu.vector_load %arg8[%get3A_1064, %get3A_1065] {strides = array<i32>} : memref<32x1024xf32, #tpu.memory_space<vmem>>, vector<16xf32>,
        %mul3A_1067 = arith.mulf %get3A_1066, %gather3A_43 : vector<16xf32>
        %add3A_1068 = arith.addf %add3A_1062, %mul3A_1067 : vector<16xf32>
        %get3A_1069 = arith.constant 2 : i32
        %get3A_1070 = arith.index_cast %get3A_1069 : i32 to index
        %get3A_1071 = arith.index_cast %add3A_1054 : i32 to index
        %get3A_1072 = tpu.vector_load %arg8[%get3A_1070, %get3A_1071] {strides = array<i32>} : memref<32x1024xf32, #tpu.memory_space<vmem>>, vector<16xf32>,
        %mul3A_1073 = arith.mulf %get3A_1072, %gather3A_49 : vector<16xf32>
        %add3A_1074 = arith.addf %add3A_1068, %mul3A_1073 : vector<16xf32>
        %get3A_1075 = arith.constant 3 : i32
        %get3A_1076 = arith.index_cast %get3A_1075 : i32 to index
        %get3A_1077 = arith.index_cast %add3A_1054 : i32 to index
        %get3A_1078 = tpu.vector_load %arg8[%get3A_1076, %get3A_1077] {strides = array<i32>} : memref<32x1024xf32, #tpu.memory_space<vmem>>, vector<16xf32>,
        %mul3A_1079 = arith.mulf %get3A_1078, %gather3A_55 : vector<16xf32>
        %add3A_1080 = arith.addf %add3A_1074, %mul3A_1079 : vector<16xf32>
        %get3A_1081 = arith.constant 4 : i32
        %get3A_1082 = arith.index_cast %get3A_1081 : i32 to index
        %get3A_1083 = arith.index_cast %add3A_1054 : i32 to index
        %get3A_1084 = tpu.vector_load %arg8[%get3A_1082, %get3A_1083] {strides = array<i32>} : memref<32x1024xf32, #tpu.memory_space<vmem>>, vector<16xf32>,
        %mul3A_1085 = arith.mulf %get3A_1084, %gather3A_61 : vector<16xf32>
        %add3A_1086 = arith.addf %add3A_1080, %mul3A_1085 : vector<16xf32>
        %get3A_1087 = arith.constant 5 : i32
        %get3A_1088 = arith.index_cast %get3A_1087 : i32 to index
        %get3A_1089 = arith.index_cast %add3A_1054 : i32 to index
        %get3A_1090 = tpu.vector_load %arg8[%get3A_1088, %get3A_1089] {strides = array<i32>} : memref<32x1024xf32, #tpu.memory_space<vmem>>, vector<16xf32>,
        %mul3A_1091 = arith.mulf %get3A_1090, %gather3A_67 : vector<16xf32>
        %add3A_1092 = arith.addf %add3A_1086, %mul3A_1091 : vector<16xf32>
        %get3A_1093 = arith.constant 6 : i32
        %get3A_1094 = arith.index_cast %get3A_1093 : i32 to index
        %get3A_1095 = arith.index_cast %add3A_1054 : i32 to index
        %get3A_1096 = tpu.vector_load %arg8[%get3A_1094, %get3A_1095] {strides = array<i32>} : memref<32x1024xf32, #tpu.memory_space<vmem>>, vector<16xf32>,
        %mul3A_1097 = arith.mulf %get3A_1096, %gather3A_73 : vector<16xf32>
        %add3A_1098 = arith.addf %add3A_1092, %mul3A_1097 : vector<16xf32>
        %get3A_1099 = arith.constant 7 : i32
        %get3A_1100 = arith.index_cast %get3A_1099 : i32 to index
        %get3A_1101 = arith.index_cast %add3A_1054 : i32 to index
        %get3A_1102 = tpu.vector_load %arg8[%get3A_1100, %get3A_1101] {strides = array<i32>} : memref<32x1024xf32, #tpu.memory_space<vmem>>, vector<16xf32>,
        %mul3A_1103 = arith.mulf %get3A_1102, %gather3A_79 : vector<16xf32>
        %add3A_1104 = arith.addf %add3A_1098, %mul3A_1103 : vector<16xf32>
        %get3A_1105 = arith.constant 8 : i32
        %get3A_1106 = arith.index_cast %get3A_1105 : i32 to index
        %get3A_1107 = arith.index_cast %add3A_1054 : i32 to index
        %get3A_1108 = tpu.vector_load %arg8[%get3A_1106, %get3A_1107] {strides = array<i32>} : memref<32x1024xf32, #tpu.memory_space<vmem>>, vector<16xf32>,
        %mul3A_1109 = arith.mulf %get3A_1108, %gather3A_85 : vector<16xf32>
        %add3A_1110 = arith.addf %add3A_1104, %mul3A_1109 : vector<16xf32>
        %get3A_1111 = arith.constant 9 : i32
        %get3A_1112 = arith.index_cast %get3A_1111 : i32 to index
        %get3A_1113 = arith.index_cast %add3A_1054 : i32 to index
        %get3A_1114 = tpu.vector_load %arg8[%get3A_1112, %get3A_1113] {strides = array<i32>} : memref<32x1024xf32, #tpu.memory_space<vmem>>, vector<16xf32>,
        %mul3A_1115 = arith.mulf %get3A_1114, %gather3A_91 : vector<16xf32>
        %add3A_1116 = arith.addf %add3A_1110, %mul3A_1115 : vector<16xf32>
        %get3A_1117 = arith.constant 10 : i32
        %get3A_1118 = arith.index_cast %get3A_1117 : i32 to index
        %get3A_1119 = arith.index_cast %add3A_1054 : i32 to index
        %get3A_1120 = tpu.vector_load %arg8[%get3A_1118, %get3A_1119] {strides = array<i32>} : memref<32x1024xf32, #tpu.memory_space<vmem>>, vector<16xf32>,
        %mul3A_1121 = arith.mulf %get3A_1120, %gather3A_97 : vector<16xf32>
        %add3A_1122 = arith.addf %add3A_1116, %mul3A_1121 : vector<16xf32>
        %get3A_1123 = arith.constant 11 : i32
        %get3A_1124 = arith.index_cast %get3A_1123 : i32 to index
        %get3A_1125 = arith.index_cast %add3A_1054 : i32 to index
        %get3A_1126 = tpu.vector_load %arg8[%get3A_1124, %get3A_1125] {strides = array<i32>} : memref<32x1024xf32, #tpu.memory_space<vmem>>, vector<16xf32>,
        %mul3A_1127 = arith.mulf %get3A_1126, %gather3A_103 : vector<16xf32>
        %add3A_1128 = arith.addf %add3A_1122, %mul3A_1127 : vector<16xf32>
        %get3A_1129 = arith.constant 12 : i32
        %get3A_1130 = arith.index_cast %get3A_1129 : i32 to index
        %get3A_1131 = arith.index_cast %add3A_1054 : i32 to index
        %get3A_1132 = tpu.vector_load %arg8[%get3A_1130, %get3A_1131] {strides = array<i32>} : memref<32x1024xf32, #tpu.memory_space<vmem>>, vector<16xf32>,
        %mul3A_1133 = arith.mulf %get3A_1132, %gather3A_109 : vector<16xf32>
        %add3A_1134 = arith.addf %add3A_1128, %mul3A_1133 : vector<16xf32>
        %get3A_1135 = arith.constant 13 : i32
        %get3A_1136 = arith.index_cast %get3A_1135 : i32 to index
        %get3A_1137 = arith.index_cast %add3A_1054 : i32 to index
        %get3A_1138 = tpu.vector_load %arg8[%get3A_1136, %get3A_1137] {strides = array<i32>} : memref<32x1024xf32, #tpu.memory_space<vmem>>, vector<16xf32>,
        %mul3A_1139 = arith.mulf %get3A_1138, %gather3A_115 : vector<16xf32>
        %add3A_1140 = arith.addf %add3A_1134, %mul3A_1139 : vector<16xf32>
        %get3A_1141 = arith.constant 14 : i32
        %get3A_1142 = arith.index_cast %get3A_1141 : i32 to index
        %get3A_1143 = arith.index_cast %add3A_1054 : i32 to index
        %get3A_1144 = tpu.vector_load %arg8[%get3A_1142, %get3A_1143] {strides = array<i32>} : memref<32x1024xf32, #tpu.memory_space<vmem>>, vector<16xf32>,
        %mul3A_1145 = arith.mulf %get3A_1144, %gather3A_121 : vector<16xf32>
        %add3A_1146 = arith.addf %add3A_1140, %mul3A_1145 : vector<16xf32>
        %get3A_1147 = arith.constant 15 : i32
        %get3A_1148 = arith.index_cast %get3A_1147 : i32 to index
        %get3A_1149 = arith.index_cast %add3A_1054 : i32 to index
        %get3A_1150 = tpu.vector_load %arg8[%get3A_1148, %get3A_1149] {strides = array<i32>} : memref<32x1024xf32, #tpu.memory_space<vmem>>, vector<16xf32>,
        %mul3A_1151 = arith.mulf %get3A_1150, %gather3A_127 : vector<16xf32>
        %add3A_1152 = arith.addf %add3A_1146, %mul3A_1151 : vector<16xf32>
        %get3A_1153 = arith.constant 16 : i32
        %get3A_1154 = arith.index_cast %get3A_1153 : i32 to index
        %get3A_1155 = arith.index_cast %add3A_1054 : i32 to index
        %get3A_1156 = tpu.vector_load %arg8[%get3A_1154, %get3A_1155] {strides = array<i32>} : memref<32x1024xf32, #tpu.memory_space<vmem>>, vector<16xf32>,
        %mul3A_1157 = arith.mulf %get3A_1156, %gather3A_133 : vector<16xf32>
        %add3A_1158 = arith.addf %add3A_1152, %mul3A_1157 : vector<16xf32>
        %get3A_1159 = arith.constant 17 : i32
        %get3A_1160 = arith.index_cast %get3A_1159 : i32 to index
        %get3A_1161 = arith.index_cast %add3A_1054 : i32 to index
        %get3A_1162 = tpu.vector_load %arg8[%get3A_1160, %get3A_1161] {strides = array<i32>} : memref<32x1024xf32, #tpu.memory_space<vmem>>, vector<16xf32>,
        %mul3A_1163 = arith.mulf %get3A_1162, %gather3A_139 : vector<16xf32>
        %add3A_1164 = arith.addf %add3A_1158, %mul3A_1163 : vector<16xf32>
        %get3A_1165 = arith.constant 18 : i32
        %get3A_1166 = arith.index_cast %get3A_1165 : i32 to index
        %get3A_1167 = arith.index_cast %add3A_1054 : i32 to index
        %get3A_1168 = tpu.vector_load %arg8[%get3A_1166, %get3A_1167] {strides = array<i32>} : memref<32x1024xf32, #tpu.memory_space<vmem>>, vector<16xf32>,
        %mul3A_1169 = arith.mulf %get3A_1168, %gather3A_145 : vector<16xf32>
        %add3A_1170 = arith.addf %add3A_1164, %mul3A_1169 : vector<16xf32>
        %get3A_1171 = arith.constant 19 : i32
        %get3A_1172 = arith.index_cast %get3A_1171 : i32 to index
        %get3A_1173 = arith.index_cast %add3A_1054 : i32 to index
        %get3A_1174 = tpu.vector_load %arg8[%get3A_1172, %get3A_1173] {strides = array<i32>} : memref<32x1024xf32, #tpu.memory_space<vmem>>, vector<16xf32>,
        %mul3A_1175 = arith.mulf %get3A_1174, %gather3A_151 : vector<16xf32>
        %add3A_1176 = arith.addf %add3A_1170, %mul3A_1175 : vector<16xf32>
        %get3A_1177 = arith.constant 20 : i32
        %get3A_1178 = arith.index_cast %get3A_1177 : i32 to index
        %get3A_1179 = arith.index_cast %add3A_1054 : i32 to index
        %get3A_1180 = tpu.vector_load %arg8[%get3A_1178, %get3A_1179] {strides = array<i32>} : memref<32x1024xf32, #tpu.memory_space<vmem>>, vector<16xf32>,
        %mul3A_1181 = arith.mulf %get3A_1180, %gather3A_157 : vector<16xf32>
        %add3A_1182 = arith.addf %add3A_1176, %mul3A_1181 : vector<16xf32>
        %get3A_1183 = arith.constant 21 : i32
        %get3A_1184 = arith.index_cast %get3A_1183 : i32 to index
        %get3A_1185 = arith.index_cast %add3A_1054 : i32 to index
        %get3A_1186 = tpu.vector_load %arg8[%get3A_1184, %get3A_1185] {strides = array<i32>} : memref<32x1024xf32, #tpu.memory_space<vmem>>, vector<16xf32>,
        %mul3A_1187 = arith.mulf %get3A_1186, %gather3A_163 : vector<16xf32>
        %add3A_1188 = arith.addf %add3A_1182, %mul3A_1187 : vector<16xf32>
        %get3A_1189 = arith.constant 22 : i32
        %get3A_1190 = arith.index_cast %get3A_1189 : i32 to index
        %get3A_1191 = arith.index_cast %add3A_1054 : i32 to index
        %get3A_1192 = tpu.vector_load %arg8[%get3A_1190, %get3A_1191] {strides = array<i32>} : memref<32x1024xf32, #tpu.memory_space<vmem>>, vector<16xf32>,
        %mul3A_1193 = arith.mulf %get3A_1192, %gather3A_169 : vector<16xf32>
        %add3A_1194 = arith.addf %add3A_1188, %mul3A_1193 : vector<16xf32>
        %get3A_1195 = arith.constant 23 : i32
        %get3A_1196 = arith.index_cast %get3A_1195 : i32 to index
        %get3A_1197 = arith.index_cast %add3A_1054 : i32 to index
        %get3A_1198 = tpu.vector_load %arg8[%get3A_1196, %get3A_1197] {strides = array<i32>} : memref<32x1024xf32, #tpu.memory_space<vmem>>, vector<16xf32>,
        %mul3A_1199 = arith.mulf %get3A_1198, %gather3A_175 : vector<16xf32>
        %add3A_1200 = arith.addf %add3A_1194, %mul3A_1199 : vector<16xf32>
        %get3A_1201 = arith.constant 24 : i32
        %get3A_1202 = arith.index_cast %get3A_1201 : i32 to index
        %get3A_1203 = arith.index_cast %add3A_1054 : i32 to index
        %get3A_1204 = tpu.vector_load %arg8[%get3A_1202, %get3A_1203] {strides = array<i32>} : memref<32x1024xf32, #tpu.memory_space<vmem>>, vector<16xf32>,
        %mul3A_1205 = arith.mulf %get3A_1204, %gather3A_181 : vector<16xf32>
        %add3A_1206 = arith.addf %add3A_1200, %mul3A_1205 : vector<16xf32>
        %get3A_1207 = arith.constant 25 : i32
        %get3A_1208 = arith.index_cast %get3A_1207 : i32 to index
        %get3A_1209 = arith.index_cast %add3A_1054 : i32 to index
        %get3A_1210 = tpu.vector_load %arg8[%get3A_1208, %get3A_1209] {strides = array<i32>} : memref<32x1024xf32, #tpu.memory_space<vmem>>, vector<16xf32>,
        %mul3A_1211 = arith.mulf %get3A_1210, %gather3A_187 : vector<16xf32>
        %add3A_1212 = arith.addf %add3A_1206, %mul3A_1211 : vector<16xf32>
        %get3A_1213 = arith.constant 26 : i32
        %get3A_1214 = arith.index_cast %get3A_1213 : i32 to index
        %get3A_1215 = arith.index_cast %add3A_1054 : i32 to index
        %get3A_1216 = tpu.vector_load %arg8[%get3A_1214, %get3A_1215] {strides = array<i32>} : memref<32x1024xf32, #tpu.memory_space<vmem>>, vector<16xf32>,
        %mul3A_1217 = arith.mulf %get3A_1216, %gather3A_193 : vector<16xf32>
        %add3A_1218 = arith.addf %add3A_1212, %mul3A_1217 : vector<16xf32>
        %get3A_1219 = arith.constant 27 : i32
        %get3A_1220 = arith.index_cast %get3A_1219 : i32 to index
        %get3A_1221 = arith.index_cast %add3A_1054 : i32 to index
        %get3A_1222 = tpu.vector_load %arg8[%get3A_1220, %get3A_1221] {strides = array<i32>} : memref<32x1024xf32, #tpu.memory_space<vmem>>, vector<16xf32>,
        %mul3A_1223 = arith.mulf %get3A_1222, %gather3A_199 : vector<16xf32>
        %add3A_1224 = arith.addf %add3A_1218, %mul3A_1223 : vector<16xf32>
        %get3A_1225 = arith.constant 28 : i32
        %get3A_1226 = arith.index_cast %get3A_1225 : i32 to index
        %get3A_1227 = arith.index_cast %add3A_1054 : i32 to index
        %get3A_1228 = tpu.vector_load %arg8[%get3A_1226, %get3A_1227] {strides = array<i32>} : memref<32x1024xf32, #tpu.memory_space<vmem>>, vector<16xf32>,
        %mul3A_1229 = arith.mulf %get3A_1228, %gather3A_205 : vector<16xf32>
        %add3A_1230 = arith.addf %add3A_1224, %mul3A_1229 : vector<16xf32>
        %get3A_1231 = arith.constant 29 : i32
        %get3A_1232 = arith.index_cast %get3A_1231 : i32 to index
        %get3A_1233 = arith.index_cast %add3A_1054 : i32 to index
        %get3A_1234 = tpu.vector_load %arg8[%get3A_1232, %get3A_1233] {strides = array<i32>} : memref<32x1024xf32, #tpu.memory_space<vmem>>, vector<16xf32>,
        %mul3A_1235 = arith.mulf %get3A_1234, %gather3A_211 : vector<16xf32>
        %add3A_1236 = arith.addf %add3A_1230, %mul3A_1235 : vector<16xf32>
        %get3A_1237 = arith.constant 30 : i32
        %get3A_1238 = arith.index_cast %get3A_1237 : i32 to index
        %get3A_1239 = arith.index_cast %add3A_1054 : i32 to index
        %get3A_1240 = tpu.vector_load %arg8[%get3A_1238, %get3A_1239] {strides = array<i32>} : memref<32x1024xf32, #tpu.memory_space<vmem>>, vector<16xf32>,
        %mul3A_1241 = arith.mulf %get3A_1240, %gather3A_217 : vector<16xf32>
        %add3A_1242 = arith.addf %add3A_1236, %mul3A_1241 : vector<16xf32>
        %get3A_1243 = arith.constant 31 : i32
        %get3A_1244 = arith.index_cast %get3A_1243 : i32 to index
        %get3A_1245 = arith.index_cast %add3A_1054 : i32 to index
        %get3A_1246 = tpu.vector_load %arg8[%get3A_1244, %get3A_1245] {strides = array<i32>} : memref<32x1024xf32, #tpu.memory_space<vmem>>, vector<16xf32>,
        %mul3A_1247 = arith.mulf %get3A_1246, %gather3A_223 : vector<16xf32>
        %add3A_1248 = arith.addf %add3A_1242, %mul3A_1247 : vector<16xf32>
        %swap3A_1249 = arith.index_cast %add3A_1054 : i32 to index
        %swap3A_1250 = tpu.vector_load %arg10[%swap3A_1249] {strides = array<i32>} : memref<1024xf32, #tpu.memory_space<vmem>>, vector<16xf32>,
        tpu.vector_store %arg10[%swap3A_1249], %add3A_1248 {strides = array<i32>} : memref<1024xf32, #tpu.memory_space<vmem>>, vector<16xf32>,
      }
      %scan3A_229 = arith.constant 16 : i32
      %add3A_230 = arith.constant 0 : i32
      %add3A_231 = arith.addi %mul3A_27, %add3A_230 : i32
      %add3A_232 = arith.constant 2 : i32
      %add3A_233 = arith.addi %add3A_231, %add3A_232 : i32
      %lt3A = arith.constant 16 : i32
      %lt3A_234 = arith.cmpi slt, %add3A_233, %lt3A : i32
      %convert_element_type3A_235 = arith.extui %lt3A_234 : i1 to i32
      %cond3A_236 = arith.constant 0 : i32
      %cond3A_237 = arith.cmpi ne, %convert_element_type3A_235, %cond3A_236 : i32
      scf.if %cond3A_237 {
        %mul3A_452 = arith.constant 32 : i32
        %mul3A_453 = arith.muli %add3A_233, %mul3A_452 : i32
        %dma_start3A_454 = tpu.memref_slice %arg6[%mul3A_453] : memref<512xi32, #tpu.memory_space<vmem>> -> memref<32xi32, #tpu.memory_space<vmem>>
        %dma_start3A_455 = arith.constant 0 : i32
        %dma_start3A_456 = arith.constant 0 : i32
        %dma_start3A_457 = tpu.memref_slice %arg2[%dma_start3A_455, %dma_start3A_456] : memref<100000x1024xf32, #tpu.memory_space<hbm>> -> memref<100000x1024xf32, #tpu.memory_space<hbm>>
        tpu.enqueue_indirect_dma source(%dma_start3A_457 : memref<100000x1024xf32, #tpu.memory_space<hbm>>) target(%arg8 : memref<32x1024xf32, #tpu.memory_space<vmem>>) offsets(%dma_start3A_454 : memref<32xi32, #tpu.memory_space<vmem>>) semaphore(%arg14 : memref<!tpu.dma_semaphore, #tpu.memory_space<semaphore_mem>>)
      } else {
      }
      %dma_wait3A_238 = arith.constant 0 : i32
      %dma_wait3A_239 = tpu.memref_slice %arg6[%dma_wait3A_238] : memref<512xi32, #tpu.memory_space<vmem>> -> memref<32xi32, #tpu.memory_space<vmem>>
      %dma_wait3A_240 = arith.constant 0 : i32
      %dma_wait3A_241 = arith.constant 0 : i32
      %dma_wait3A_242 = tpu.memref_slice %arg2[%dma_wait3A_240, %dma_wait3A_241] : memref<100000x1024xf32, #tpu.memory_space<hbm>> -> memref<100000x1024xf32, #tpu.memory_space<hbm>>
      tpu.wait_indirect_dma semaphore(%arg15 : memref<!tpu.dma_semaphore, #tpu.memory_space<semaphore_mem>>) src(%dma_wait3A_242 : memref<100000x1024xf32, #tpu.memory_space<hbm>>) dst(%arg9 : memref<32x1024xf32, #tpu.memory_space<vmem>>)
      %add3A_243 = arith.constant 1 : i32
      %add3A_244 = arith.addi %mul3A_27, %add3A_243 : i32
      %mul3A_245 = arith.constant 32 : i32
      %mul3A_246 = arith.muli %add3A_244, %mul3A_245 : i32
      %add3A_247 = arith.constant 0 : i32
      %add3A_248 = arith.addi %mul3A_246, %add3A_247 : i32
      %broadcast_in_dim3A_249 = vector.broadcast %add3A_248 : i32 to vector<16xi32>
      %gather3A_250 = tpu.vector_load_idx %arg7[%broadcast_in_dim3A_249] : memref<512xf32, #tpu.memory_space<vmem>>[vector<16xi32>], vector<16xf32>,
      %mul3A_251 = arith.constant 32 : i32
      %mul3A_252 = arith.muli %add3A_244, %mul3A_251 : i32
      %add3A_253 = arith.constant 1 : i32
      %add3A_254 = arith.addi %mul3A_252, %add3A_253 : i32
      %broadcast_in_dim3A_255 = vector.broadcast %add3A_254 : i32 to vector<16xi32>
      %gather3A_256 = tpu.vector_load_idx %arg7[%broadcast_in_dim3A_255] : memref<512xf32, #tpu.memory_space<vmem>>[vector<16xi32>], vector<16xf32>,
      %mul3A_257 = arith.constant 32 : i32
      %mul3A_258 = arith.muli %add3A_244, %mul3A_257 : i32
      %add3A_259 = arith.constant 2 : i32
      %add3A_260 = arith.addi %mul3A_258, %add3A_259 : i32
      %broadcast_in_dim3A_261 = vector.broadcast %add3A_260 : i32 to vector<16xi32>
      %gather3A_262 = tpu.vector_load_idx %arg7[%broadcast_in_dim3A_261] : memref<512xf32, #tpu.memory_space<vmem>>[vector<16xi32>], vector<16xf32>,
      %mul3A_263 = arith.constant 32 : i32
      %mul3A_264 = arith.muli %add3A_244, %mul3A_263 : i32
      %add3A_265 = arith.constant 3 : i32
      %add3A_266 = arith.addi %mul3A_264, %add3A_265 : i32
      %broadcast_in_dim3A_267 = vector.broadcast %add3A_266 : i32 to vector<16xi32>
      %gather3A_268 = tpu.vector_load_idx %arg7[%broadcast_in_dim3A_267] : memref<512xf32, #tpu.memory_space<vmem>>[vector<16xi32>], vector<16xf32>,
      %mul3A_269 = arith.constant 32 : i32
      %mul3A_270 = arith.muli %add3A_244, %mul3A_269 : i32
      %add3A_271 = arith.constant 4 : i32
      %add3A_272 = arith.addi %mul3A_270, %add3A_271 : i32
      %broadcast_in_dim3A_273 = vector.broadcast %add3A_272 : i32 to vector<16xi32>
      %gather3A_274 = tpu.vector_load_idx %arg7[%broadcast_in_dim3A_273] : memref<512xf32, #tpu.memory_space<vmem>>[vector<16xi32>], vector<16xf32>,
      %mul3A_275 = arith.constant 32 : i32
      %mul3A_276 = arith.muli %add3A_244, %mul3A_275 : i32
      %add3A_277 = arith.constant 5 : i32
      %add3A_278 = arith.addi %mul3A_276, %add3A_277 : i32
      %broadcast_in_dim3A_279 = vector.broadcast %add3A_278 : i32 to vector<16xi32>
      %gather3A_280 = tpu.vector_load_idx %arg7[%broadcast_in_dim3A_279] : memref<512xf32, #tpu.memory_space<vmem>>[vector<16xi32>], vector<16xf32>,
      %mul3A_281 = arith.constant 32 : i32
      %mul3A_282 = arith.muli %add3A_244, %mul3A_281 : i32
      %add3A_283 = arith.constant 6 : i32
      %add3A_284 = arith.addi %mul3A_282, %add3A_283 : i32
      %broadcast_in_dim3A_285 = vector.broadcast %add3A_284 : i32 to vector<16xi32>
      %gather3A_286 = tpu.vector_load_idx %arg7[%broadcast_in_dim3A_285] : memref<512xf32, #tpu.memory_space<vmem>>[vector<16xi32>], vector<16xf32>,
      %mul3A_287 = arith.constant 32 : i32
      %mul3A_288 = arith.muli %add3A_244, %mul3A_287 : i32
      %add3A_289 = arith.constant 7 : i32
      %add3A_290 = arith.addi %mul3A_288, %add3A_289 : i32
      %broadcast_in_dim3A_291 = vector.broadcast %add3A_290 : i32 to vector<16xi32>
      %gather3A_292 = tpu.vector_load_idx %arg7[%broadcast_in_dim3A_291] : memref<512xf32, #tpu.memory_space<vmem>>[vector<16xi32>], vector<16xf32>,
      %mul3A_293 = arith.constant 32 : i32
      %mul3A_294 = arith.muli %add3A_244, %mul3A_293 : i32
      %add3A_295 = arith.constant 8 : i32
      %add3A_296 = arith.addi %mul3A_294, %add3A_295 : i32
      %broadcast_in_dim3A_297 = vector.broadcast %add3A_296 : i32 to vector<16xi32>
      %gather3A_298 = tpu.vector_load_idx %arg7[%broadcast_in_dim3A_297] : memref<512xf32, #tpu.memory_space<vmem>>[vector<16xi32>], vector<16xf32>,
      %mul3A_299 = arith.constant 32 : i32
      %mul3A_300 = arith.muli %add3A_244, %mul3A_299 : i32
      %add3A_301 = arith.constant 9 : i32
      %add3A_302 = arith.addi %mul3A_300, %add3A_301 : i32
      %broadcast_in_dim3A_303 = vector.broadcast %add3A_302 : i32 to vector<16xi32>
      %gather3A_304 = tpu.vector_load_idx %arg7[%broadcast_in_dim3A_303] : memref<512xf32, #tpu.memory_space<vmem>>[vector<16xi32>], vector<16xf32>,
      %mul3A_305 = arith.constant 32 : i32
      %mul3A_306 = arith.muli %add3A_244, %mul3A_305 : i32
      %add3A_307 = arith.constant 10 : i32
      %add3A_308 = arith.addi %mul3A_306, %add3A_307 : i32
      %broadcast_in_dim3A_309 = vector.broadcast %add3A_308 : i32 to vector<16xi32>
      %gather3A_310 = tpu.vector_load_idx %arg7[%broadcast_in_dim3A_309] : memref<512xf32, #tpu.memory_space<vmem>>[vector<16xi32>], vector<16xf32>,
      %mul3A_311 = arith.constant 32 : i32
      %mul3A_312 = arith.muli %add3A_244, %mul3A_311 : i32
      %add3A_313 = arith.constant 11 : i32
      %add3A_314 = arith.addi %mul3A_312, %add3A_313 : i32
      %broadcast_in_dim3A_315 = vector.broadcast %add3A_314 : i32 to vector<16xi32>
      %gather3A_316 = tpu.vector_load_idx %arg7[%broadcast_in_dim3A_315] : memref<512xf32, #tpu.memory_space<vmem>>[vector<16xi32>], vector<16xf32>,
      %mul3A_317 = arith.constant 32 : i32
      %mul3A_318 = arith.muli %add3A_244, %mul3A_317 : i32
      %add3A_319 = arith.constant 12 : i32
      %add3A_320 = arith.addi %mul3A_318, %add3A_319 : i32
      %broadcast_in_dim3A_321 = vector.broadcast %add3A_320 : i32 to vector<16xi32>
      %gather3A_322 = tpu.vector_load_idx %arg7[%broadcast_in_dim3A_321] : memref<512xf32, #tpu.memory_space<vmem>>[vector<16xi32>], vector<16xf32>,
      %mul3A_323 = arith.constant 32 : i32
      %mul3A_324 = arith.muli %add3A_244, %mul3A_323 : i32
      %add3A_325 = arith.constant 13 : i32
      %add3A_326 = arith.addi %mul3A_324, %add3A_325 : i32
      %broadcast_in_dim3A_327 = vector.broadcast %add3A_326 : i32 to vector<16xi32>
      %gather3A_328 = tpu.vector_load_idx %arg7[%broadcast_in_dim3A_327] : memref<512xf32, #tpu.memory_space<vmem>>[vector<16xi32>], vector<16xf32>,
      %mul3A_329 = arith.constant 32 : i32
      %mul3A_330 = arith.muli %add3A_244, %mul3A_329 : i32
      %add3A_331 = arith.constant 14 : i32
      %add3A_332 = arith.addi %mul3A_330, %add3A_331 : i32
      %broadcast_in_dim3A_333 = vector.broadcast %add3A_332 : i32 to vector<16xi32>
      %gather3A_334 = tpu.vector_load_idx %arg7[%broadcast_in_dim3A_333] : memref<512xf32, #tpu.memory_space<vmem>>[vector<16xi32>], vector<16xf32>,
      %mul3A_335 = arith.constant 32 : i32
      %mul3A_336 = arith.muli %add3A_244, %mul3A_335 : i32
      %add3A_337 = arith.constant 15 : i32
      %add3A_338 = arith.addi %mul3A_336, %add3A_337 : i32
      %broadcast_in_dim3A_339 = vector.broadcast %add3A_338 : i32 to vector<16xi32>
      %gather3A_340 = tpu.vector_load_idx %arg7[%broadcast_in_dim3A_339] : memref<512xf32, #tpu.memory_space<vmem>>[vector<16xi32>], vector<16xf32>,
      %mul3A_341 = arith.constant 32 : i32
      %mul3A_342 = arith.muli %add3A_244, %mul3A_341 : i32
      %add3A_343 = arith.constant 16 : i32
      %add3A_344 = arith.addi %mul3A_342, %add3A_343 : i32
      %broadcast_in_dim3A_345 = vector.broadcast %add3A_344 : i32 to vector<16xi32>
      %gather3A_346 = tpu.vector_load_idx %arg7[%broadcast_in_dim3A_345] : memref<512xf32, #tpu.memory_space<vmem>>[vector<16xi32>], vector<16xf32>,
      %mul3A_347 = arith.constant 32 : i32
      %mul3A_348 = arith.muli %add3A_244, %mul3A_347 : i32
      %add3A_349 = arith.constant 17 : i32
      %add3A_350 = arith.addi %mul3A_348, %add3A_349 : i32
      %broadcast_in_dim3A_351 = vector.broadcast %add3A_350 : i32 to vector<16xi32>
      %gather3A_352 = tpu.vector_load_idx %arg7[%broadcast_in_dim3A_351] : memref<512xf32, #tpu.memory_space<vmem>>[vector<16xi32>], vector<16xf32>,
      %mul3A_353 = arith.constant 32 : i32
      %mul3A_354 = arith.muli %add3A_244, %mul3A_353 : i32
      %add3A_355 = arith.constant 18 : i32
      %add3A_356 = arith.addi %mul3A_354, %add3A_355 : i32
      %broadcast_in_dim3A_357 = vector.broadcast %add3A_356 : i32 to vector<16xi32>
      %gather3A_358 = tpu.vector_load_idx %arg7[%broadcast_in_dim3A_357] : memref<512xf32, #tpu.memory_space<vmem>>[vector<16xi32>], vector<16xf32>,
      %mul3A_359 = arith.constant 32 : i32
      %mul3A_360 = arith.muli %add3A_244, %mul3A_359 : i32
      %add3A_361 = arith.constant 19 : i32
      %add3A_362 = arith.addi %mul3A_360, %add3A_361 : i32
      %broadcast_in_dim3A_363 = vector.broadcast %add3A_362 : i32 to vector<16xi32>
      %gather3A_364 = tpu.vector_load_idx %arg7[%broadcast_in_dim3A_363] : memref<512xf32, #tpu.memory_space<vmem>>[vector<16xi32>], vector<16xf32>,
      %mul3A_365 = arith.constant 32 : i32
      %mul3A_366 = arith.muli %add3A_244, %mul3A_365 : i32
      %add3A_367 = arith.constant 20 : i32
      %add3A_368 = arith.addi %mul3A_366, %add3A_367 : i32
      %broadcast_in_dim3A_369 = vector.broadcast %add3A_368 : i32 to vector<16xi32>
      %gather3A_370 = tpu.vector_load_idx %arg7[%broadcast_in_dim3A_369] : memref<512xf32, #tpu.memory_space<vmem>>[vector<16xi32>], vector<16xf32>,
      %mul3A_371 = arith.constant 32 : i32
      %mul3A_372 = arith.muli %add3A_244, %mul3A_371 : i32
      %add3A_373 = arith.constant 21 : i32
      %add3A_374 = arith.addi %mul3A_372, %add3A_373 : i32
      %broadcast_in_dim3A_375 = vector.broadcast %add3A_374 : i32 to vector<16xi32>
      %gather3A_376 = tpu.vector_load_idx %arg7[%broadcast_in_dim3A_375] : memref<512xf32, #tpu.memory_space<vmem>>[vector<16xi32>], vector<16xf32>,
      %mul3A_377 = arith.constant 32 : i32
      %mul3A_378 = arith.muli %add3A_244, %mul3A_377 : i32
      %add3A_379 = arith.constant 22 : i32
      %add3A_380 = arith.addi %mul3A_378, %add3A_379 : i32
      %broadcast_in_dim3A_381 = vector.broadcast %add3A_380 : i32 to vector<16xi32>
      %gather3A_382 = tpu.vector_load_idx %arg7[%broadcast_in_dim3A_381] : memref<512xf32, #tpu.memory_space<vmem>>[vector<16xi32>], vector<16xf32>,
      %mul3A_383 = arith.constant 32 : i32
      %mul3A_384 = arith.muli %add3A_244, %mul3A_383 : i32
      %add3A_385 = arith.constant 23 : i32
      %add3A_386 = arith.addi %mul3A_384, %add3A_385 : i32
      %broadcast_in_dim3A_387 = vector.broadcast %add3A_386 : i32 to vector<16xi32>
      %gather3A_388 = tpu.vector_load_idx %arg7[%broadcast_in_dim3A_387] : memref<512xf32, #tpu.memory_space<vmem>>[vector<16xi32>], vector<16xf32>,
      %mul3A_389 = arith.constant 32 : i32
      %mul3A_390 = arith.muli %add3A_244, %mul3A_389 : i32
      %add3A_391 = arith.constant 24 : i32
      %add3A_392 = arith.addi %mul3A_390, %add3A_391 : i32
      %broadcast_in_dim3A_393 = vector.broadcast %add3A_392 : i32 to vector<16xi32>
      %gather3A_394 = tpu.vector_load_idx %arg7[%broadcast_in_dim3A_393] : memref<512xf32, #tpu.memory_space<vmem>>[vector<16xi32>], vector<16xf32>,
      %mul3A_395 = arith.constant 32 : i32
      %mul3A_396 = arith.muli %add3A_244, %mul3A_395 : i32
      %add3A_397 = arith.constant 25 : i32
      %add3A_398 = arith.addi %mul3A_396, %add3A_397 : i32
      %broadcast_in_dim3A_399 = vector.broadcast %add3A_398 : i32 to vector<16xi32>
      %gather3A_400 = tpu.vector_load_idx %arg7[%broadcast_in_dim3A_399] : memref<512xf32, #tpu.memory_space<vmem>>[vector<16xi32>], vector<16xf32>,
      %mul3A_401 = arith.constant 32 : i32
      %mul3A_402 = arith.muli %add3A_244, %mul3A_401 : i32
      %add3A_403 = arith.constant 26 : i32
      %add3A_404 = arith.addi %mul3A_402, %add3A_403 : i32
      %broadcast_in_dim3A_405 = vector.broadcast %add3A_404 : i32 to vector<16xi32>
      %gather3A_406 = tpu.vector_load_idx %arg7[%broadcast_in_dim3A_405] : memref<512xf32, #tpu.memory_space<vmem>>[vector<16xi32>], vector<16xf32>,
      %mul3A_407 = arith.constant 32 : i32
      %mul3A_408 = arith.muli %add3A_244, %mul3A_407 : i32
      %add3A_409 = arith.constant 27 : i32
      %add3A_410 = arith.addi %mul3A_408, %add3A_409 : i32
      %broadcast_in_dim3A_411 = vector.broadcast %add3A_410 : i32 to vector<16xi32>
      %gather3A_412 = tpu.vector_load_idx %arg7[%broadcast_in_dim3A_411] : memref<512xf32, #tpu.memory_space<vmem>>[vector<16xi32>], vector<16xf32>,
      %mul3A_413 = arith.constant 32 : i32
      %mul3A_414 = arith.muli %add3A_244, %mul3A_413 : i32
      %add3A_415 = arith.constant 28 : i32
      %add3A_416 = arith.addi %mul3A_414, %add3A_415 : i32
      %broadcast_in_dim3A_417 = vector.broadcast %add3A_416 : i32 to vector<16xi32>
      %gather3A_418 = tpu.vector_load_idx %arg7[%broadcast_in_dim3A_417] : memref<512xf32, #tpu.memory_space<vmem>>[vector<16xi32>], vector<16xf32>,
      %mul3A_419 = arith.constant 32 : i32
      %mul3A_420 = arith.muli %add3A_244, %mul3A_419 : i32
      %add3A_421 = arith.constant 29 : i32
      %add3A_422 = arith.addi %mul3A_420, %add3A_421 : i32
      %broadcast_in_dim3A_423 = vector.broadcast %add3A_422 : i32 to vector<16xi32>
      %gather3A_424 = tpu.vector_load_idx %arg7[%broadcast_in_dim3A_423] : memref<512xf32, #tpu.memory_space<vmem>>[vector<16xi32>], vector<16xf32>,
      %mul3A_425 = arith.constant 32 : i32
      %mul3A_426 = arith.muli %add3A_244, %mul3A_425 : i32
      %add3A_427 = arith.constant 30 : i32
      %add3A_428 = arith.addi %mul3A_426, %add3A_427 : i32
      %broadcast_in_dim3A_429 = vector.broadcast %add3A_428 : i32 to vector<16xi32>
      %gather3A_430 = tpu.vector_load_idx %arg7[%broadcast_in_dim3A_429] : memref<512xf32, #tpu.memory_space<vmem>>[vector<16xi32>], vector<16xf32>,
      %mul3A_431 = arith.constant 32 : i32
      %mul3A_432 = arith.muli %add3A_244, %mul3A_431 : i32
      %add3A_433 = arith.constant 31 : i32
      %add3A_434 = arith.addi %mul3A_432, %add3A_433 : i32
      %broadcast_in_dim3A_435 = vector.broadcast %add3A_434 : i32 to vector<16xi32>
      %gather3A_436 = tpu.vector_load_idx %arg7[%broadcast_in_dim3A_435] : memref<512xf32, #tpu.memory_space<vmem>>[vector<16xi32>], vector<16xf32>,
      %scan3A_437 = arith.constant 0 : i32
      %scan3A_438 = arith.constant 0 : i32
      %scan3A_439 = arith.constant 16 : i32
      %scan3A_440 = arith.addi %scan3A_438, %scan3A_439 : i32
      %scan3A_441 = arith.constant 1 : i32
      scf.for %scan3A_452 = %scan3A_438 to %scan3A_440 step %scan3A_441  : i32 {
        %mul3A_453 = arith.constant 64 : i32
        %mul3A_454 = arith.muli %scan3A_452, %mul3A_453 : i32
        %add3A_455 = arith.constant 0 : i32
        %add3A_456 = arith.addi %mul3A_454, %add3A_455 : i32
        %get3A = arith.index_cast %add3A_456 : i32 to index
        %get3A_457 = tpu.vector_load %arg10[%get3A] {strides = array<i32>} : memref<1024xf32, #tpu.memory_space<vmem>>, vector<16xf32>,
        %get3A_458 = arith.constant 0 : i32
        %get3A_459 = arith.index_cast %get3A_458 : i32 to index
        %get3A_460 = arith.index_cast %add3A_456 : i32 to index
        %get3A_461 = tpu.vector_load %arg9[%get3A_459, %get3A_460] {strides = array<i32>} : memref<32x1024xf32, #tpu.memory_space<vmem>>, vector<16xf32>,
        %mul3A_462 = arith.mulf %get3A_461, %gather3A_250 : vector<16xf32>
        %add3A_463 = arith.addf %get3A_457, %mul3A_462 : vector<16xf32>
        %get3A_464 = arith.constant 1 : i32
        %get3A_465 = arith.index_cast %get3A_464 : i32 to index
        %get3A_466 = arith.index_cast %add3A_456 : i32 to index
        %get3A_467 = tpu.vector_load %arg9[%get3A_465, %get3A_466] {strides = array<i32>} : memref<32x1024xf32, #tpu.memory_space<vmem>>, vector<16xf32>,
        %mul3A_468 = arith.mulf %get3A_467, %gather3A_256 : vector<16xf32>
        %add3A_469 = arith.addf %add3A_463, %mul3A_468 : vector<16xf32>
        %get3A_470 = arith.constant 2 : i32
        %get3A_471 = arith.index_cast %get3A_470 : i32 to index
        %get3A_472 = arith.index_cast %add3A_456 : i32 to index
        %get3A_473 = tpu.vector_load %arg9[%get3A_471, %get3A_472] {strides = array<i32>} : memref<32x1024xf32, #tpu.memory_space<vmem>>, vector<16xf32>,
        %mul3A_474 = arith.mulf %get3A_473, %gather3A_262 : vector<16xf32>
        %add3A_475 = arith.addf %add3A_469, %mul3A_474 : vector<16xf32>
        %get3A_476 = arith.constant 3 : i32
        %get3A_477 = arith.index_cast %get3A_476 : i32 to index
        %get3A_478 = arith.index_cast %add3A_456 : i32 to index
        %get3A_479 = tpu.vector_load %arg9[%get3A_477, %get3A_478] {strides = array<i32>} : memref<32x1024xf32, #tpu.memory_space<vmem>>, vector<16xf32>,
        %mul3A_480 = arith.mulf %get3A_479, %gather3A_268 : vector<16xf32>
        %add3A_481 = arith.addf %add3A_475, %mul3A_480 : vector<16xf32>
        %get3A_482 = arith.constant 4 : i32
        %get3A_483 = arith.index_cast %get3A_482 : i32 to index
        %get3A_484 = arith.index_cast %add3A_456 : i32 to index
        %get3A_485 = tpu.vector_load %arg9[%get3A_483, %get3A_484] {strides = array<i32>} : memref<32x1024xf32, #tpu.memory_space<vmem>>, vector<16xf32>,
        %mul3A_486 = arith.mulf %get3A_485, %gather3A_274 : vector<16xf32>
        %add3A_487 = arith.addf %add3A_481, %mul3A_486 : vector<16xf32>
        %get3A_488 = arith.constant 5 : i32
        %get3A_489 = arith.index_cast %get3A_488 : i32 to index
        %get3A_490 = arith.index_cast %add3A_456 : i32 to index
        %get3A_491 = tpu.vector_load %arg9[%get3A_489, %get3A_490] {strides = array<i32>} : memref<32x1024xf32, #tpu.memory_space<vmem>>, vector<16xf32>,
        %mul3A_492 = arith.mulf %get3A_491, %gather3A_280 : vector<16xf32>
        %add3A_493 = arith.addf %add3A_487, %mul3A_492 : vector<16xf32>
        %get3A_494 = arith.constant 6 : i32
        %get3A_495 = arith.index_cast %get3A_494 : i32 to index
        %get3A_496 = arith.index_cast %add3A_456 : i32 to index
        %get3A_497 = tpu.vector_load %arg9[%get3A_495, %get3A_496] {strides = array<i32>} : memref<32x1024xf32, #tpu.memory_space<vmem>>, vector<16xf32>,
        %mul3A_498 = arith.mulf %get3A_497, %gather3A_286 : vector<16xf32>
        %add3A_499 = arith.addf %add3A_493, %mul3A_498 : vector<16xf32>
        %get3A_500 = arith.constant 7 : i32
        %get3A_501 = arith.index_cast %get3A_500 : i32 to index
        %get3A_502 = arith.index_cast %add3A_456 : i32 to index
        %get3A_503 = tpu.vector_load %arg9[%get3A_501, %get3A_502] {strides = array<i32>} : memref<32x1024xf32, #tpu.memory_space<vmem>>, vector<16xf32>,
        %mul3A_504 = arith.mulf %get3A_503, %gather3A_292 : vector<16xf32>
        %add3A_505 = arith.addf %add3A_499, %mul3A_504 : vector<16xf32>
        %get3A_506 = arith.constant 8 : i32
        %get3A_507 = arith.index_cast %get3A_506 : i32 to index
        %get3A_508 = arith.index_cast %add3A_456 : i32 to index
        %get3A_509 = tpu.vector_load %arg9[%get3A_507, %get3A_508] {strides = array<i32>} : memref<32x1024xf32, #tpu.memory_space<vmem>>, vector<16xf32>,
        %mul3A_510 = arith.mulf %get3A_509, %gather3A_298 : vector<16xf32>
        %add3A_511 = arith.addf %add3A_505, %mul3A_510 : vector<16xf32>
        %get3A_512 = arith.constant 9 : i32
        %get3A_513 = arith.index_cast %get3A_512 : i32 to index
        %get3A_514 = arith.index_cast %add3A_456 : i32 to index
        %get3A_515 = tpu.vector_load %arg9[%get3A_513, %get3A_514] {strides = array<i32>} : memref<32x1024xf32, #tpu.memory_space<vmem>>, vector<16xf32>,
        %mul3A_516 = arith.mulf %get3A_515, %gather3A_304 : vector<16xf32>
        %add3A_517 = arith.addf %add3A_511, %mul3A_516 : vector<16xf32>
        %get3A_518 = arith.constant 10 : i32
        %get3A_519 = arith.index_cast %get3A_518 : i32 to index
        %get3A_520 = arith.index_cast %add3A_456 : i32 to index
        %get3A_521 = tpu.vector_load %arg9[%get3A_519, %get3A_520] {strides = array<i32>} : memref<32x1024xf32, #tpu.memory_space<vmem>>, vector<16xf32>,
        %mul3A_522 = arith.mulf %get3A_521, %gather3A_310 : vector<16xf32>
        %add3A_523 = arith.addf %add3A_517, %mul3A_522 : vector<16xf32>
        %get3A_524 = arith.constant 11 : i32
        %get3A_525 = arith.index_cast %get3A_524 : i32 to index
        %get3A_526 = arith.index_cast %add3A_456 : i32 to index
        %get3A_527 = tpu.vector_load %arg9[%get3A_525, %get3A_526] {strides = array<i32>} : memref<32x1024xf32, #tpu.memory_space<vmem>>, vector<16xf32>,
        %mul3A_528 = arith.mulf %get3A_527, %gather3A_316 : vector<16xf32>
        %add3A_529 = arith.addf %add3A_523, %mul3A_528 : vector<16xf32>
        %get3A_530 = arith.constant 12 : i32
        %get3A_531 = arith.index_cast %get3A_530 : i32 to index
        %get3A_532 = arith.index_cast %add3A_456 : i32 to index
        %get3A_533 = tpu.vector_load %arg9[%get3A_531, %get3A_532] {strides = array<i32>} : memref<32x1024xf32, #tpu.memory_space<vmem>>, vector<16xf32>,
        %mul3A_534 = arith.mulf %get3A_533, %gather3A_322 : vector<16xf32>
        %add3A_535 = arith.addf %add3A_529, %mul3A_534 : vector<16xf32>
        %get3A_536 = arith.constant 13 : i32
        %get3A_537 = arith.index_cast %get3A_536 : i32 to index
        %get3A_538 = arith.index_cast %add3A_456 : i32 to index
        %get3A_539 = tpu.vector_load %arg9[%get3A_537, %get3A_538] {strides = array<i32>} : memref<32x1024xf32, #tpu.memory_space<vmem>>, vector<16xf32>,
        %mul3A_540 = arith.mulf %get3A_539, %gather3A_328 : vector<16xf32>
        %add3A_541 = arith.addf %add3A_535, %mul3A_540 : vector<16xf32>
        %get3A_542 = arith.constant 14 : i32
        %get3A_543 = arith.index_cast %get3A_542 : i32 to index
        %get3A_544 = arith.index_cast %add3A_456 : i32 to index
        %get3A_545 = tpu.vector_load %arg9[%get3A_543, %get3A_544] {strides = array<i32>} : memref<32x1024xf32, #tpu.memory_space<vmem>>, vector<16xf32>,
        %mul3A_546 = arith.mulf %get3A_545, %gather3A_334 : vector<16xf32>
        %add3A_547 = arith.addf %add3A_541, %mul3A_546 : vector<16xf32>
        %get3A_548 = arith.constant 15 : i32
        %get3A_549 = arith.index_cast %get3A_548 : i32 to index
        %get3A_550 = arith.index_cast %add3A_456 : i32 to index
        %get3A_551 = tpu.vector_load %arg9[%get3A_549, %get3A_550] {strides = array<i32>} : memref<32x1024xf32, #tpu.memory_space<vmem>>, vector<16xf32>,
        %mul3A_552 = arith.mulf %get3A_551, %gather3A_340 : vector<16xf32>
        %add3A_553 = arith.addf %add3A_547, %mul3A_552 : vector<16xf32>
        %get3A_554 = arith.constant 16 : i32
        %get3A_555 = arith.index_cast %get3A_554 : i32 to index
        %get3A_556 = arith.index_cast %add3A_456 : i32 to index
        %get3A_557 = tpu.vector_load %arg9[%get3A_555, %get3A_556] {strides = array<i32>} : memref<32x1024xf32, #tpu.memory_space<vmem>>, vector<16xf32>,
        %mul3A_558 = arith.mulf %get3A_557, %gather3A_346 : vector<16xf32>
        %add3A_559 = arith.addf %add3A_553, %mul3A_558 : vector<16xf32>
        %get3A_560 = arith.constant 17 : i32
        %get3A_561 = arith.index_cast %get3A_560 : i32 to index
        %get3A_562 = arith.index_cast %add3A_456 : i32 to index
        %get3A_563 = tpu.vector_load %arg9[%get3A_561, %get3A_562] {strides = array<i32>} : memref<32x1024xf32, #tpu.memory_space<vmem>>, vector<16xf32>,
        %mul3A_564 = arith.mulf %get3A_563, %gather3A_352 : vector<16xf32>
        %add3A_565 = arith.addf %add3A_559, %mul3A_564 : vector<16xf32>
        %get3A_566 = arith.constant 18 : i32
        %get3A_567 = arith.index_cast %get3A_566 : i32 to index
        %get3A_568 = arith.index_cast %add3A_456 : i32 to index
        %get3A_569 = tpu.vector_load %arg9[%get3A_567, %get3A_568] {strides = array<i32>} : memref<32x1024xf32, #tpu.memory_space<vmem>>, vector<16xf32>,
        %mul3A_570 = arith.mulf %get3A_569, %gather3A_358 : vector<16xf32>
        %add3A_571 = arith.addf %add3A_565, %mul3A_570 : vector<16xf32>
        %get3A_572 = arith.constant 19 : i32
        %get3A_573 = arith.index_cast %get3A_572 : i32 to index
        %get3A_574 = arith.index_cast %add3A_456 : i32 to index
        %get3A_575 = tpu.vector_load %arg9[%get3A_573, %get3A_574] {strides = array<i32>} : memref<32x1024xf32, #tpu.memory_space<vmem>>, vector<16xf32>,
        %mul3A_576 = arith.mulf %get3A_575, %gather3A_364 : vector<16xf32>
        %add3A_577 = arith.addf %add3A_571, %mul3A_576 : vector<16xf32>
        %get3A_578 = arith.constant 20 : i32
        %get3A_579 = arith.index_cast %get3A_578 : i32 to index
        %get3A_580 = arith.index_cast %add3A_456 : i32 to index
        %get3A_581 = tpu.vector_load %arg9[%get3A_579, %get3A_580] {strides = array<i32>} : memref<32x1024xf32, #tpu.memory_space<vmem>>, vector<16xf32>,
        %mul3A_582 = arith.mulf %get3A_581, %gather3A_370 : vector<16xf32>
        %add3A_583 = arith.addf %add3A_577, %mul3A_582 : vector<16xf32>
        %get3A_584 = arith.constant 21 : i32
        %get3A_585 = arith.index_cast %get3A_584 : i32 to index
        %get3A_586 = arith.index_cast %add3A_456 : i32 to index
        %get3A_587 = tpu.vector_load %arg9[%get3A_585, %get3A_586] {strides = array<i32>} : memref<32x1024xf32, #tpu.memory_space<vmem>>, vector<16xf32>,
        %mul3A_588 = arith.mulf %get3A_587, %gather3A_376 : vector<16xf32>
        %add3A_589 = arith.addf %add3A_583, %mul3A_588 : vector<16xf32>
        %get3A_590 = arith.constant 22 : i32
        %get3A_591 = arith.index_cast %get3A_590 : i32 to index
        %get3A_592 = arith.index_cast %add3A_456 : i32 to index
        %get3A_593 = tpu.vector_load %arg9[%get3A_591, %get3A_592] {strides = array<i32>} : memref<32x1024xf32, #tpu.memory_space<vmem>>, vector<16xf32>,
        %mul3A_594 = arith.mulf %get3A_593, %gather3A_382 : vector<16xf32>
        %add3A_595 = arith.addf %add3A_589, %mul3A_594 : vector<16xf32>
        %get3A_596 = arith.constant 23 : i32
        %get3A_597 = arith.index_cast %get3A_596 : i32 to index
        %get3A_598 = arith.index_cast %add3A_456 : i32 to index
        %get3A_599 = tpu.vector_load %arg9[%get3A_597, %get3A_598] {strides = array<i32>} : memref<32x1024xf32, #tpu.memory_space<vmem>>, vector<16xf32>,
        %mul3A_600 = arith.mulf %get3A_599, %gather3A_388 : vector<16xf32>
        %add3A_601 = arith.addf %add3A_595, %mul3A_600 : vector<16xf32>
        %get3A_602 = arith.constant 24 : i32
        %get3A_603 = arith.index_cast %get3A_602 : i32 to index
        %get3A_604 = arith.index_cast %add3A_456 : i32 to index
        %get3A_605 = tpu.vector_load %arg9[%get3A_603, %get3A_604] {strides = array<i32>} : memref<32x1024xf32, #tpu.memory_space<vmem>>, vector<16xf32>,
        %mul3A_606 = arith.mulf %get3A_605, %gather3A_394 : vector<16xf32>
        %add3A_607 = arith.addf %add3A_601, %mul3A_606 : vector<16xf32>
        %get3A_608 = arith.constant 25 : i32
        %get3A_609 = arith.index_cast %get3A_608 : i32 to index
        %get3A_610 = arith.index_cast %add3A_456 : i32 to index
        %get3A_611 = tpu.vector_load %arg9[%get3A_609, %get3A_610] {strides = array<i32>} : memref<32x1024xf32, #tpu.memory_space<vmem>>, vector<16xf32>,
        %mul3A_612 = arith.mulf %get3A_611, %gather3A_400 : vector<16xf32>
        %add3A_613 = arith.addf %add3A_607, %mul3A_612 : vector<16xf32>
        %get3A_614 = arith.constant 26 : i32
        %get3A_615 = arith.index_cast %get3A_614 : i32 to index
        %get3A_616 = arith.index_cast %add3A_456 : i32 to index
        %get3A_617 = tpu.vector_load %arg9[%get3A_615, %get3A_616] {strides = array<i32>} : memref<32x1024xf32, #tpu.memory_space<vmem>>, vector<16xf32>,
        %mul3A_618 = arith.mulf %get3A_617, %gather3A_406 : vector<16xf32>
        %add3A_619 = arith.addf %add3A_613, %mul3A_618 : vector<16xf32>
        %get3A_620 = arith.constant 27 : i32
        %get3A_621 = arith.index_cast %get3A_620 : i32 to index
        %get3A_622 = arith.index_cast %add3A_456 : i32 to index
        %get3A_623 = tpu.vector_load %arg9[%get3A_621, %get3A_622] {strides = array<i32>} : memref<32x1024xf32, #tpu.memory_space<vmem>>, vector<16xf32>,
        %mul3A_624 = arith.mulf %get3A_623, %gather3A_412 : vector<16xf32>
        %add3A_625 = arith.addf %add3A_619, %mul3A_624 : vector<16xf32>
        %get3A_626 = arith.constant 28 : i32
        %get3A_627 = arith.index_cast %get3A_626 : i32 to index
        %get3A_628 = arith.index_cast %add3A_456 : i32 to index
        %get3A_629 = tpu.vector_load %arg9[%get3A_627, %get3A_628] {strides = array<i32>} : memref<32x1024xf32, #tpu.memory_space<vmem>>, vector<16xf32>,
        %mul3A_630 = arith.mulf %get3A_629, %gather3A_418 : vector<16xf32>
        %add3A_631 = arith.addf %add3A_625, %mul3A_630 : vector<16xf32>
        %get3A_632 = arith.constant 29 : i32
        %get3A_633 = arith.index_cast %get3A_632 : i32 to index
        %get3A_634 = arith.index_cast %add3A_456 : i32 to index
        %get3A_635 = tpu.vector_load %arg9[%get3A_633, %get3A_634] {strides = array<i32>} : memref<32x1024xf32, #tpu.memory_space<vmem>>, vector<16xf32>,
        %mul3A_636 = arith.mulf %get3A_635, %gather3A_424 : vector<16xf32>
        %add3A_637 = arith.addf %add3A_631, %mul3A_636 : vector<16xf32>
        %get3A_638 = arith.constant 30 : i32
        %get3A_639 = arith.index_cast %get3A_638 : i32 to index
        %get3A_640 = arith.index_cast %add3A_456 : i32 to index
        %get3A_641 = tpu.vector_load %arg9[%get3A_639, %get3A_640] {strides = array<i32>} : memref<32x1024xf32, #tpu.memory_space<vmem>>, vector<16xf32>,
        %mul3A_642 = arith.mulf %get3A_641, %gather3A_430 : vector<16xf32>
        %add3A_643 = arith.addf %add3A_637, %mul3A_642 : vector<16xf32>
        %get3A_644 = arith.constant 31 : i32
        %get3A_645 = arith.index_cast %get3A_644 : i32 to index
        %get3A_646 = arith.index_cast %add3A_456 : i32 to index
        %get3A_647 = tpu.vector_load %arg9[%get3A_645, %get3A_646] {strides = array<i32>} : memref<32x1024xf32, #tpu.memory_space<vmem>>, vector<16xf32>,
        %mul3A_648 = arith.mulf %get3A_647, %gather3A_436 : vector<16xf32>
        %add3A_649 = arith.addf %add3A_643, %mul3A_648 : vector<16xf32>
        %swap3A = arith.index_cast %add3A_456 : i32 to index
        %swap3A_650 = tpu.vector_load %arg10[%swap3A] {strides = array<i32>} : memref<1024xf32, #tpu.memory_space<vmem>>, vector<16xf32>,
        tpu.vector_store %arg10[%swap3A], %add3A_649 {strides = array<i32>} : memref<1024xf32, #tpu.memory_space<vmem>>, vector<16xf32>,
        %mul3A_651 = arith.constant 64 : i32
        %mul3A_652 = arith.muli %scan3A_452, %mul3A_651 : i32
        %add3A_653 = arith.constant 16 : i32
        %add3A_654 = arith.addi %mul3A_652, %add3A_653 : i32
        %get3A_655 = arith.index_cast %add3A_654 : i32 to index
        %get3A_656 = tpu.vector_load %arg10[%get3A_655] {strides = array<i32>} : memref<1024xf32, #tpu.memory_space<vmem>>, vector<16xf32>,
        %get3A_657 = arith.constant 0 : i32
        %get3A_658 = arith.index_cast %get3A_657 : i32 to index
        %get3A_659 = arith.index_cast %add3A_654 : i32 to index
        %get3A_660 = tpu.vector_load %arg9[%get3A_658, %get3A_659] {strides = array<i32>} : memref<32x1024xf32, #tpu.memory_space<vmem>>, vector<16xf32>,
        %mul3A_661 = arith.mulf %get3A_660, %gather3A_250 : vector<16xf32>
        %add3A_662 = arith.addf %get3A_656, %mul3A_661 : vector<16xf32>
        %get3A_663 = arith.constant 1 : i32
        %get3A_664 = arith.index_cast %get3A_663 : i32 to index
        %get3A_665 = arith.index_cast %add3A_654 : i32 to index
        %get3A_666 = tpu.vector_load %arg9[%get3A_664, %get3A_665] {strides = array<i32>} : memref<32x1024xf32, #tpu.memory_space<vmem>>, vector<16xf32>,
        %mul3A_667 = arith.mulf %get3A_666, %gather3A_256 : vector<16xf32>
        %add3A_668 = arith.addf %add3A_662, %mul3A_667 : vector<16xf32>
        %get3A_669 = arith.constant 2 : i32
        %get3A_670 = arith.index_cast %get3A_669 : i32 to index
        %get3A_671 = arith.index_cast %add3A_654 : i32 to index
        %get3A_672 = tpu.vector_load %arg9[%get3A_670, %get3A_671] {strides = array<i32>} : memref<32x1024xf32, #tpu.memory_space<vmem>>, vector<16xf32>,
        %mul3A_673 = arith.mulf %get3A_672, %gather3A_262 : vector<16xf32>
        %add3A_674 = arith.addf %add3A_668, %mul3A_673 : vector<16xf32>
        %get3A_675 = arith.constant 3 : i32
        %get3A_676 = arith.index_cast %get3A_675 : i32 to index
        %get3A_677 = arith.index_cast %add3A_654 : i32 to index
        %get3A_678 = tpu.vector_load %arg9[%get3A_676, %get3A_677] {strides = array<i32>} : memref<32x1024xf32, #tpu.memory_space<vmem>>, vector<16xf32>,
        %mul3A_679 = arith.mulf %get3A_678, %gather3A_268 : vector<16xf32>
        %add3A_680 = arith.addf %add3A_674, %mul3A_679 : vector<16xf32>
        %get3A_681 = arith.constant 4 : i32
        %get3A_682 = arith.index_cast %get3A_681 : i32 to index
        %get3A_683 = arith.index_cast %add3A_654 : i32 to index
        %get3A_684 = tpu.vector_load %arg9[%get3A_682, %get3A_683] {strides = array<i32>} : memref<32x1024xf32, #tpu.memory_space<vmem>>, vector<16xf32>,
        %mul3A_685 = arith.mulf %get3A_684, %gather3A_274 : vector<16xf32>
        %add3A_686 = arith.addf %add3A_680, %mul3A_685 : vector<16xf32>
        %get3A_687 = arith.constant 5 : i32
        %get3A_688 = arith.index_cast %get3A_687 : i32 to index
        %get3A_689 = arith.index_cast %add3A_654 : i32 to index
        %get3A_690 = tpu.vector_load %arg9[%get3A_688, %get3A_689] {strides = array<i32>} : memref<32x1024xf32, #tpu.memory_space<vmem>>, vector<16xf32>,
        %mul3A_691 = arith.mulf %get3A_690, %gather3A_280 : vector<16xf32>
        %add3A_692 = arith.addf %add3A_686, %mul3A_691 : vector<16xf32>
        %get3A_693 = arith.constant 6 : i32
        %get3A_694 = arith.index_cast %get3A_693 : i32 to index
        %get3A_695 = arith.index_cast %add3A_654 : i32 to index
        %get3A_696 = tpu.vector_load %arg9[%get3A_694, %get3A_695] {strides = array<i32>} : memref<32x1024xf32, #tpu.memory_space<vmem>>, vector<16xf32>,
        %mul3A_697 = arith.mulf %get3A_696, %gather3A_286 : vector<16xf32>
        %add3A_698 = arith.addf %add3A_692, %mul3A_697 : vector<16xf32>
        %get3A_699 = arith.constant 7 : i32
        %get3A_700 = arith.index_cast %get3A_699 : i32 to index
        %get3A_701 = arith.index_cast %add3A_654 : i32 to index
        %get3A_702 = tpu.vector_load %arg9[%get3A_700, %get3A_701] {strides = array<i32>} : memref<32x1024xf32, #tpu.memory_space<vmem>>, vector<16xf32>,
        %mul3A_703 = arith.mulf %get3A_702, %gather3A_292 : vector<16xf32>
        %add3A_704 = arith.addf %add3A_698, %mul3A_703 : vector<16xf32>
        %get3A_705 = arith.constant 8 : i32
        %get3A_706 = arith.index_cast %get3A_705 : i32 to index
        %get3A_707 = arith.index_cast %add3A_654 : i32 to index
        %get3A_708 = tpu.vector_load %arg9[%get3A_706, %get3A_707] {strides = array<i32>} : memref<32x1024xf32, #tpu.memory_space<vmem>>, vector<16xf32>,
        %mul3A_709 = arith.mulf %get3A_708, %gather3A_298 : vector<16xf32>
        %add3A_710 = arith.addf %add3A_704, %mul3A_709 : vector<16xf32>
        %get3A_711 = arith.constant 9 : i32
        %get3A_712 = arith.index_cast %get3A_711 : i32 to index
        %get3A_713 = arith.index_cast %add3A_654 : i32 to index
        %get3A_714 = tpu.vector_load %arg9[%get3A_712, %get3A_713] {strides = array<i32>} : memref<32x1024xf32, #tpu.memory_space<vmem>>, vector<16xf32>,
        %mul3A_715 = arith.mulf %get3A_714, %gather3A_304 : vector<16xf32>
        %add3A_716 = arith.addf %add3A_710, %mul3A_715 : vector<16xf32>
        %get3A_717 = arith.constant 10 : i32
        %get3A_718 = arith.index_cast %get3A_717 : i32 to index
        %get3A_719 = arith.index_cast %add3A_654 : i32 to index
        %get3A_720 = tpu.vector_load %arg9[%get3A_718, %get3A_719] {strides = array<i32>} : memref<32x1024xf32, #tpu.memory_space<vmem>>, vector<16xf32>,
        %mul3A_721 = arith.mulf %get3A_720, %gather3A_310 : vector<16xf32>
        %add3A_722 = arith.addf %add3A_716, %mul3A_721 : vector<16xf32>
        %get3A_723 = arith.constant 11 : i32
        %get3A_724 = arith.index_cast %get3A_723 : i32 to index
        %get3A_725 = arith.index_cast %add3A_654 : i32 to index
        %get3A_726 = tpu.vector_load %arg9[%get3A_724, %get3A_725] {strides = array<i32>} : memref<32x1024xf32, #tpu.memory_space<vmem>>, vector<16xf32>,
        %mul3A_727 = arith.mulf %get3A_726, %gather3A_316 : vector<16xf32>
        %add3A_728 = arith.addf %add3A_722, %mul3A_727 : vector<16xf32>
        %get3A_729 = arith.constant 12 : i32
        %get3A_730 = arith.index_cast %get3A_729 : i32 to index
        %get3A_731 = arith.index_cast %add3A_654 : i32 to index
        %get3A_732 = tpu.vector_load %arg9[%get3A_730, %get3A_731] {strides = array<i32>} : memref<32x1024xf32, #tpu.memory_space<vmem>>, vector<16xf32>,
        %mul3A_733 = arith.mulf %get3A_732, %gather3A_322 : vector<16xf32>
        %add3A_734 = arith.addf %add3A_728, %mul3A_733 : vector<16xf32>
        %get3A_735 = arith.constant 13 : i32
        %get3A_736 = arith.index_cast %get3A_735 : i32 to index
        %get3A_737 = arith.index_cast %add3A_654 : i32 to index
        %get3A_738 = tpu.vector_load %arg9[%get3A_736, %get3A_737] {strides = array<i32>} : memref<32x1024xf32, #tpu.memory_space<vmem>>, vector<16xf32>,
        %mul3A_739 = arith.mulf %get3A_738, %gather3A_328 : vector<16xf32>
        %add3A_740 = arith.addf %add3A_734, %mul3A_739 : vector<16xf32>
        %get3A_741 = arith.constant 14 : i32
        %get3A_742 = arith.index_cast %get3A_741 : i32 to index
        %get3A_743 = arith.index_cast %add3A_654 : i32 to index
        %get3A_744 = tpu.vector_load %arg9[%get3A_742, %get3A_743] {strides = array<i32>} : memref<32x1024xf32, #tpu.memory_space<vmem>>, vector<16xf32>,
        %mul3A_745 = arith.mulf %get3A_744, %gather3A_334 : vector<16xf32>
        %add3A_746 = arith.addf %add3A_740, %mul3A_745 : vector<16xf32>
        %get3A_747 = arith.constant 15 : i32
        %get3A_748 = arith.index_cast %get3A_747 : i32 to index
        %get3A_749 = arith.index_cast %add3A_654 : i32 to index
        %get3A_750 = tpu.vector_load %arg9[%get3A_748, %get3A_749] {strides = array<i32>} : memref<32x1024xf32, #tpu.memory_space<vmem>>, vector<16xf32>,
        %mul3A_751 = arith.mulf %get3A_750, %gather3A_340 : vector<16xf32>
        %add3A_752 = arith.addf %add3A_746, %mul3A_751 : vector<16xf32>
        %get3A_753 = arith.constant 16 : i32
        %get3A_754 = arith.index_cast %get3A_753 : i32 to index
        %get3A_755 = arith.index_cast %add3A_654 : i32 to index
        %get3A_756 = tpu.vector_load %arg9[%get3A_754, %get3A_755] {strides = array<i32>} : memref<32x1024xf32, #tpu.memory_space<vmem>>, vector<16xf32>,
        %mul3A_757 = arith.mulf %get3A_756, %gather3A_346 : vector<16xf32>
        %add3A_758 = arith.addf %add3A_752, %mul3A_757 : vector<16xf32>
        %get3A_759 = arith.constant 17 : i32
        %get3A_760 = arith.index_cast %get3A_759 : i32 to index
        %get3A_761 = arith.index_cast %add3A_654 : i32 to index
        %get3A_762 = tpu.vector_load %arg9[%get3A_760, %get3A_761] {strides = array<i32>} : memref<32x1024xf32, #tpu.memory_space<vmem>>, vector<16xf32>,
        %mul3A_763 = arith.mulf %get3A_762, %gather3A_352 : vector<16xf32>
        %add3A_764 = arith.addf %add3A_758, %mul3A_763 : vector<16xf32>
        %get3A_765 = arith.constant 18 : i32
        %get3A_766 = arith.index_cast %get3A_765 : i32 to index
        %get3A_767 = arith.index_cast %add3A_654 : i32 to index
        %get3A_768 = tpu.vector_load %arg9[%get3A_766, %get3A_767] {strides = array<i32>} : memref<32x1024xf32, #tpu.memory_space<vmem>>, vector<16xf32>,
        %mul3A_769 = arith.mulf %get3A_768, %gather3A_358 : vector<16xf32>
        %add3A_770 = arith.addf %add3A_764, %mul3A_769 : vector<16xf32>
        %get3A_771 = arith.constant 19 : i32
        %get3A_772 = arith.index_cast %get3A_771 : i32 to index
        %get3A_773 = arith.index_cast %add3A_654 : i32 to index
        %get3A_774 = tpu.vector_load %arg9[%get3A_772, %get3A_773] {strides = array<i32>} : memref<32x1024xf32, #tpu.memory_space<vmem>>, vector<16xf32>,
        %mul3A_775 = arith.mulf %get3A_774, %gather3A_364 : vector<16xf32>
        %add3A_776 = arith.addf %add3A_770, %mul3A_775 : vector<16xf32>
        %get3A_777 = arith.constant 20 : i32
        %get3A_778 = arith.index_cast %get3A_777 : i32 to index
        %get3A_779 = arith.index_cast %add3A_654 : i32 to index
        %get3A_780 = tpu.vector_load %arg9[%get3A_778, %get3A_779] {strides = array<i32>} : memref<32x1024xf32, #tpu.memory_space<vmem>>, vector<16xf32>,
        %mul3A_781 = arith.mulf %get3A_780, %gather3A_370 : vector<16xf32>
        %add3A_782 = arith.addf %add3A_776, %mul3A_781 : vector<16xf32>
        %get3A_783 = arith.constant 21 : i32
        %get3A_784 = arith.index_cast %get3A_783 : i32 to index
        %get3A_785 = arith.index_cast %add3A_654 : i32 to index
        %get3A_786 = tpu.vector_load %arg9[%get3A_784, %get3A_785] {strides = array<i32>} : memref<32x1024xf32, #tpu.memory_space<vmem>>, vector<16xf32>,
        %mul3A_787 = arith.mulf %get3A_786, %gather3A_376 : vector<16xf32>
        %add3A_788 = arith.addf %add3A_782, %mul3A_787 : vector<16xf32>
        %get3A_789 = arith.constant 22 : i32
        %get3A_790 = arith.index_cast %get3A_789 : i32 to index
        %get3A_791 = arith.index_cast %add3A_654 : i32 to index
        %get3A_792 = tpu.vector_load %arg9[%get3A_790, %get3A_791] {strides = array<i32>} : memref<32x1024xf32, #tpu.memory_space<vmem>>, vector<16xf32>,
        %mul3A_793 = arith.mulf %get3A_792, %gather3A_382 : vector<16xf32>
        %add3A_794 = arith.addf %add3A_788, %mul3A_793 : vector<16xf32>
        %get3A_795 = arith.constant 23 : i32
        %get3A_796 = arith.index_cast %get3A_795 : i32 to index
        %get3A_797 = arith.index_cast %add3A_654 : i32 to index
        %get3A_798 = tpu.vector_load %arg9[%get3A_796, %get3A_797] {strides = array<i32>} : memref<32x1024xf32, #tpu.memory_space<vmem>>, vector<16xf32>,
        %mul3A_799 = arith.mulf %get3A_798, %gather3A_388 : vector<16xf32>
        %add3A_800 = arith.addf %add3A_794, %mul3A_799 : vector<16xf32>
        %get3A_801 = arith.constant 24 : i32
        %get3A_802 = arith.index_cast %get3A_801 : i32 to index
        %get3A_803 = arith.index_cast %add3A_654 : i32 to index
        %get3A_804 = tpu.vector_load %arg9[%get3A_802, %get3A_803] {strides = array<i32>} : memref<32x1024xf32, #tpu.memory_space<vmem>>, vector<16xf32>,
        %mul3A_805 = arith.mulf %get3A_804, %gather3A_394 : vector<16xf32>
        %add3A_806 = arith.addf %add3A_800, %mul3A_805 : vector<16xf32>
        %get3A_807 = arith.constant 25 : i32
        %get3A_808 = arith.index_cast %get3A_807 : i32 to index
        %get3A_809 = arith.index_cast %add3A_654 : i32 to index
        %get3A_810 = tpu.vector_load %arg9[%get3A_808, %get3A_809] {strides = array<i32>} : memref<32x1024xf32, #tpu.memory_space<vmem>>, vector<16xf32>,
        %mul3A_811 = arith.mulf %get3A_810, %gather3A_400 : vector<16xf32>
        %add3A_812 = arith.addf %add3A_806, %mul3A_811 : vector<16xf32>
        %get3A_813 = arith.constant 26 : i32
        %get3A_814 = arith.index_cast %get3A_813 : i32 to index
        %get3A_815 = arith.index_cast %add3A_654 : i32 to index
        %get3A_816 = tpu.vector_load %arg9[%get3A_814, %get3A_815] {strides = array<i32>} : memref<32x1024xf32, #tpu.memory_space<vmem>>, vector<16xf32>,
        %mul3A_817 = arith.mulf %get3A_816, %gather3A_406 : vector<16xf32>
        %add3A_818 = arith.addf %add3A_812, %mul3A_817 : vector<16xf32>
        %get3A_819 = arith.constant 27 : i32
        %get3A_820 = arith.index_cast %get3A_819 : i32 to index
        %get3A_821 = arith.index_cast %add3A_654 : i32 to index
        %get3A_822 = tpu.vector_load %arg9[%get3A_820, %get3A_821] {strides = array<i32>} : memref<32x1024xf32, #tpu.memory_space<vmem>>, vector<16xf32>,
        %mul3A_823 = arith.mulf %get3A_822, %gather3A_412 : vector<16xf32>
        %add3A_824 = arith.addf %add3A_818, %mul3A_823 : vector<16xf32>
        %get3A_825 = arith.constant 28 : i32
        %get3A_826 = arith.index_cast %get3A_825 : i32 to index
        %get3A_827 = arith.index_cast %add3A_654 : i32 to index
        %get3A_828 = tpu.vector_load %arg9[%get3A_826, %get3A_827] {strides = array<i32>} : memref<32x1024xf32, #tpu.memory_space<vmem>>, vector<16xf32>,
        %mul3A_829 = arith.mulf %get3A_828, %gather3A_418 : vector<16xf32>
        %add3A_830 = arith.addf %add3A_824, %mul3A_829 : vector<16xf32>
        %get3A_831 = arith.constant 29 : i32
        %get3A_832 = arith.index_cast %get3A_831 : i32 to index
        %get3A_833 = arith.index_cast %add3A_654 : i32 to index
        %get3A_834 = tpu.vector_load %arg9[%get3A_832, %get3A_833] {strides = array<i32>} : memref<32x1024xf32, #tpu.memory_space<vmem>>, vector<16xf32>,
        %mul3A_835 = arith.mulf %get3A_834, %gather3A_424 : vector<16xf32>
        %add3A_836 = arith.addf %add3A_830, %mul3A_835 : vector<16xf32>
        %get3A_837 = arith.constant 30 : i32
        %get3A_838 = arith.index_cast %get3A_837 : i32 to index
        %get3A_839 = arith.index_cast %add3A_654 : i32 to index
        %get3A_840 = tpu.vector_load %arg9[%get3A_838, %get3A_839] {strides = array<i32>} : memref<32x1024xf32, #tpu.memory_space<vmem>>, vector<16xf32>,
        %mul3A_841 = arith.mulf %get3A_840, %gather3A_430 : vector<16xf32>
        %add3A_842 = arith.addf %add3A_836, %mul3A_841 : vector<16xf32>
        %get3A_843 = arith.constant 31 : i32
        %get3A_844 = arith.index_cast %get3A_843 : i32 to index
        %get3A_845 = arith.index_cast %add3A_654 : i32 to index
        %get3A_846 = tpu.vector_load %arg9[%get3A_844, %get3A_845] {strides = array<i32>} : memref<32x1024xf32, #tpu.memory_space<vmem>>, vector<16xf32>,
        %mul3A_847 = arith.mulf %get3A_846, %gather3A_436 : vector<16xf32>
        %add3A_848 = arith.addf %add3A_842, %mul3A_847 : vector<16xf32>
        %swap3A_849 = arith.index_cast %add3A_654 : i32 to index
        %swap3A_850 = tpu.vector_load %arg10[%swap3A_849] {strides = array<i32>} : memref<1024xf32, #tpu.memory_space<vmem>>, vector<16xf32>,
        tpu.vector_store %arg10[%swap3A_849], %add3A_848 {strides = array<i32>} : memref<1024xf32, #tpu.memory_space<vmem>>, vector<16xf32>,
        %mul3A_851 = arith.constant 64 : i32
        %mul3A_852 = arith.muli %scan3A_452, %mul3A_851 : i32
        %add3A_853 = arith.constant 32 : i32
        %add3A_854 = arith.addi %mul3A_852, %add3A_853 : i32
        %get3A_855 = arith.index_cast %add3A_854 : i32 to index
        %get3A_856 = tpu.vector_load %arg10[%get3A_855] {strides = array<i32>} : memref<1024xf32, #tpu.memory_space<vmem>>, vector<16xf32>,
        %get3A_857 = arith.constant 0 : i32
        %get3A_858 = arith.index_cast %get3A_857 : i32 to index
        %get3A_859 = arith.index_cast %add3A_854 : i32 to index
        %get3A_860 = tpu.vector_load %arg9[%get3A_858, %get3A_859] {strides = array<i32>} : memref<32x1024xf32, #tpu.memory_space<vmem>>, vector<16xf32>,
        %mul3A_861 = arith.mulf %get3A_860, %gather3A_250 : vector<16xf32>
        %add3A_862 = arith.addf %get3A_856, %mul3A_861 : vector<16xf32>
        %get3A_863 = arith.constant 1 : i32
        %get3A_864 = arith.index_cast %get3A_863 : i32 to index
        %get3A_865 = arith.index_cast %add3A_854 : i32 to index
        %get3A_866 = tpu.vector_load %arg9[%get3A_864, %get3A_865] {strides = array<i32>} : memref<32x1024xf32, #tpu.memory_space<vmem>>, vector<16xf32>,
        %mul3A_867 = arith.mulf %get3A_866, %gather3A_256 : vector<16xf32>
        %add3A_868 = arith.addf %add3A_862, %mul3A_867 : vector<16xf32>
        %get3A_869 = arith.constant 2 : i32
        %get3A_870 = arith.index_cast %get3A_869 : i32 to index
        %get3A_871 = arith.index_cast %add3A_854 : i32 to index
        %get3A_872 = tpu.vector_load %arg9[%get3A_870, %get3A_871] {strides = array<i32>} : memref<32x1024xf32, #tpu.memory_space<vmem>>, vector<16xf32>,
        %mul3A_873 = arith.mulf %get3A_872, %gather3A_262 : vector<16xf32>
        %add3A_874 = arith.addf %add3A_868, %mul3A_873 : vector<16xf32>
        %get3A_875 = arith.constant 3 : i32
        %get3A_876 = arith.index_cast %get3A_875 : i32 to index
        %get3A_877 = arith.index_cast %add3A_854 : i32 to index
        %get3A_878 = tpu.vector_load %arg9[%get3A_876, %get3A_877] {strides = array<i32>} : memref<32x1024xf32, #tpu.memory_space<vmem>>, vector<16xf32>,
        %mul3A_879 = arith.mulf %get3A_878, %gather3A_268 : vector<16xf32>
        %add3A_880 = arith.addf %add3A_874, %mul3A_879 : vector<16xf32>
        %get3A_881 = arith.constant 4 : i32
        %get3A_882 = arith.index_cast %get3A_881 : i32 to index
        %get3A_883 = arith.index_cast %add3A_854 : i32 to index
        %get3A_884 = tpu.vector_load %arg9[%get3A_882, %get3A_883] {strides = array<i32>} : memref<32x1024xf32, #tpu.memory_space<vmem>>, vector<16xf32>,
        %mul3A_885 = arith.mulf %get3A_884, %gather3A_274 : vector<16xf32>
        %add3A_886 = arith.addf %add3A_880, %mul3A_885 : vector<16xf32>
        %get3A_887 = arith.constant 5 : i32
        %get3A_888 = arith.index_cast %get3A_887 : i32 to index
        %get3A_889 = arith.index_cast %add3A_854 : i32 to index
        %get3A_890 = tpu.vector_load %arg9[%get3A_888, %get3A_889] {strides = array<i32>} : memref<32x1024xf32, #tpu.memory_space<vmem>>, vector<16xf32>,
        %mul3A_891 = arith.mulf %get3A_890, %gather3A_280 : vector<16xf32>
        %add3A_892 = arith.addf %add3A_886, %mul3A_891 : vector<16xf32>
        %get3A_893 = arith.constant 6 : i32
        %get3A_894 = arith.index_cast %get3A_893 : i32 to index
        %get3A_895 = arith.index_cast %add3A_854 : i32 to index
        %get3A_896 = tpu.vector_load %arg9[%get3A_894, %get3A_895] {strides = array<i32>} : memref<32x1024xf32, #tpu.memory_space<vmem>>, vector<16xf32>,
        %mul3A_897 = arith.mulf %get3A_896, %gather3A_286 : vector<16xf32>
        %add3A_898 = arith.addf %add3A_892, %mul3A_897 : vector<16xf32>
        %get3A_899 = arith.constant 7 : i32
        %get3A_900 = arith.index_cast %get3A_899 : i32 to index
        %get3A_901 = arith.index_cast %add3A_854 : i32 to index
        %get3A_902 = tpu.vector_load %arg9[%get3A_900, %get3A_901] {strides = array<i32>} : memref<32x1024xf32, #tpu.memory_space<vmem>>, vector<16xf32>,
        %mul3A_903 = arith.mulf %get3A_902, %gather3A_292 : vector<16xf32>
        %add3A_904 = arith.addf %add3A_898, %mul3A_903 : vector<16xf32>
        %get3A_905 = arith.constant 8 : i32
        %get3A_906 = arith.index_cast %get3A_905 : i32 to index
        %get3A_907 = arith.index_cast %add3A_854 : i32 to index
        %get3A_908 = tpu.vector_load %arg9[%get3A_906, %get3A_907] {strides = array<i32>} : memref<32x1024xf32, #tpu.memory_space<vmem>>, vector<16xf32>,
        %mul3A_909 = arith.mulf %get3A_908, %gather3A_298 : vector<16xf32>
        %add3A_910 = arith.addf %add3A_904, %mul3A_909 : vector<16xf32>
        %get3A_911 = arith.constant 9 : i32
        %get3A_912 = arith.index_cast %get3A_911 : i32 to index
        %get3A_913 = arith.index_cast %add3A_854 : i32 to index
        %get3A_914 = tpu.vector_load %arg9[%get3A_912, %get3A_913] {strides = array<i32>} : memref<32x1024xf32, #tpu.memory_space<vmem>>, vector<16xf32>,
        %mul3A_915 = arith.mulf %get3A_914, %gather3A_304 : vector<16xf32>
        %add3A_916 = arith.addf %add3A_910, %mul3A_915 : vector<16xf32>
        %get3A_917 = arith.constant 10 : i32
        %get3A_918 = arith.index_cast %get3A_917 : i32 to index
        %get3A_919 = arith.index_cast %add3A_854 : i32 to index
        %get3A_920 = tpu.vector_load %arg9[%get3A_918, %get3A_919] {strides = array<i32>} : memref<32x1024xf32, #tpu.memory_space<vmem>>, vector<16xf32>,
        %mul3A_921 = arith.mulf %get3A_920, %gather3A_310 : vector<16xf32>
        %add3A_922 = arith.addf %add3A_916, %mul3A_921 : vector<16xf32>
        %get3A_923 = arith.constant 11 : i32
        %get3A_924 = arith.index_cast %get3A_923 : i32 to index
        %get3A_925 = arith.index_cast %add3A_854 : i32 to index
        %get3A_926 = tpu.vector_load %arg9[%get3A_924, %get3A_925] {strides = array<i32>} : memref<32x1024xf32, #tpu.memory_space<vmem>>, vector<16xf32>,
        %mul3A_927 = arith.mulf %get3A_926, %gather3A_316 : vector<16xf32>
        %add3A_928 = arith.addf %add3A_922, %mul3A_927 : vector<16xf32>
        %get3A_929 = arith.constant 12 : i32
        %get3A_930 = arith.index_cast %get3A_929 : i32 to index
        %get3A_931 = arith.index_cast %add3A_854 : i32 to index
        %get3A_932 = tpu.vector_load %arg9[%get3A_930, %get3A_931] {strides = array<i32>} : memref<32x1024xf32, #tpu.memory_space<vmem>>, vector<16xf32>,
        %mul3A_933 = arith.mulf %get3A_932, %gather3A_322 : vector<16xf32>
        %add3A_934 = arith.addf %add3A_928, %mul3A_933 : vector<16xf32>
        %get3A_935 = arith.constant 13 : i32
        %get3A_936 = arith.index_cast %get3A_935 : i32 to index
        %get3A_937 = arith.index_cast %add3A_854 : i32 to index
        %get3A_938 = tpu.vector_load %arg9[%get3A_936, %get3A_937] {strides = array<i32>} : memref<32x1024xf32, #tpu.memory_space<vmem>>, vector<16xf32>,
        %mul3A_939 = arith.mulf %get3A_938, %gather3A_328 : vector<16xf32>
        %add3A_940 = arith.addf %add3A_934, %mul3A_939 : vector<16xf32>
        %get3A_941 = arith.constant 14 : i32
        %get3A_942 = arith.index_cast %get3A_941 : i32 to index
        %get3A_943 = arith.index_cast %add3A_854 : i32 to index
        %get3A_944 = tpu.vector_load %arg9[%get3A_942, %get3A_943] {strides = array<i32>} : memref<32x1024xf32, #tpu.memory_space<vmem>>, vector<16xf32>,
        %mul3A_945 = arith.mulf %get3A_944, %gather3A_334 : vector<16xf32>
        %add3A_946 = arith.addf %add3A_940, %mul3A_945 : vector<16xf32>
        %get3A_947 = arith.constant 15 : i32
        %get3A_948 = arith.index_cast %get3A_947 : i32 to index
        %get3A_949 = arith.index_cast %add3A_854 : i32 to index
        %get3A_950 = tpu.vector_load %arg9[%get3A_948, %get3A_949] {strides = array<i32>} : memref<32x1024xf32, #tpu.memory_space<vmem>>, vector<16xf32>,
        %mul3A_951 = arith.mulf %get3A_950, %gather3A_340 : vector<16xf32>
        %add3A_952 = arith.addf %add3A_946, %mul3A_951 : vector<16xf32>
        %get3A_953 = arith.constant 16 : i32
        %get3A_954 = arith.index_cast %get3A_953 : i32 to index
        %get3A_955 = arith.index_cast %add3A_854 : i32 to index
        %get3A_956 = tpu.vector_load %arg9[%get3A_954, %get3A_955] {strides = array<i32>} : memref<32x1024xf32, #tpu.memory_space<vmem>>, vector<16xf32>,
        %mul3A_957 = arith.mulf %get3A_956, %gather3A_346 : vector<16xf32>
        %add3A_958 = arith.addf %add3A_952, %mul3A_957 : vector<16xf32>
        %get3A_959 = arith.constant 17 : i32
        %get3A_960 = arith.index_cast %get3A_959 : i32 to index
        %get3A_961 = arith.index_cast %add3A_854 : i32 to index
        %get3A_962 = tpu.vector_load %arg9[%get3A_960, %get3A_961] {strides = array<i32>} : memref<32x1024xf32, #tpu.memory_space<vmem>>, vector<16xf32>,
        %mul3A_963 = arith.mulf %get3A_962, %gather3A_352 : vector<16xf32>
        %add3A_964 = arith.addf %add3A_958, %mul3A_963 : vector<16xf32>
        %get3A_965 = arith.constant 18 : i32
        %get3A_966 = arith.index_cast %get3A_965 : i32 to index
        %get3A_967 = arith.index_cast %add3A_854 : i32 to index
        %get3A_968 = tpu.vector_load %arg9[%get3A_966, %get3A_967] {strides = array<i32>} : memref<32x1024xf32, #tpu.memory_space<vmem>>, vector<16xf32>,
        %mul3A_969 = arith.mulf %get3A_968, %gather3A_358 : vector<16xf32>
        %add3A_970 = arith.addf %add3A_964, %mul3A_969 : vector<16xf32>
        %get3A_971 = arith.constant 19 : i32
        %get3A_972 = arith.index_cast %get3A_971 : i32 to index
        %get3A_973 = arith.index_cast %add3A_854 : i32 to index
        %get3A_974 = tpu.vector_load %arg9[%get3A_972, %get3A_973] {strides = array<i32>} : memref<32x1024xf32, #tpu.memory_space<vmem>>, vector<16xf32>,
        %mul3A_975 = arith.mulf %get3A_974, %gather3A_364 : vector<16xf32>
        %add3A_976 = arith.addf %add3A_970, %mul3A_975 : vector<16xf32>
        %get3A_977 = arith.constant 20 : i32
        %get3A_978 = arith.index_cast %get3A_977 : i32 to index
        %get3A_979 = arith.index_cast %add3A_854 : i32 to index
        %get3A_980 = tpu.vector_load %arg9[%get3A_978, %get3A_979] {strides = array<i32>} : memref<32x1024xf32, #tpu.memory_space<vmem>>, vector<16xf32>,
        %mul3A_981 = arith.mulf %get3A_980, %gather3A_370 : vector<16xf32>
        %add3A_982 = arith.addf %add3A_976, %mul3A_981 : vector<16xf32>
        %get3A_983 = arith.constant 21 : i32
        %get3A_984 = arith.index_cast %get3A_983 : i32 to index
        %get3A_985 = arith.index_cast %add3A_854 : i32 to index
        %get3A_986 = tpu.vector_load %arg9[%get3A_984, %get3A_985] {strides = array<i32>} : memref<32x1024xf32, #tpu.memory_space<vmem>>, vector<16xf32>,
        %mul3A_987 = arith.mulf %get3A_986, %gather3A_376 : vector<16xf32>
        %add3A_988 = arith.addf %add3A_982, %mul3A_987 : vector<16xf32>
        %get3A_989 = arith.constant 22 : i32
        %get3A_990 = arith.index_cast %get3A_989 : i32 to index
        %get3A_991 = arith.index_cast %add3A_854 : i32 to index
        %get3A_992 = tpu.vector_load %arg9[%get3A_990, %get3A_991] {strides = array<i32>} : memref<32x1024xf32, #tpu.memory_space<vmem>>, vector<16xf32>,
        %mul3A_993 = arith.mulf %get3A_992, %gather3A_382 : vector<16xf32>
        %add3A_994 = arith.addf %add3A_988, %mul3A_993 : vector<16xf32>
        %get3A_995 = arith.constant 23 : i32
        %get3A_996 = arith.index_cast %get3A_995 : i32 to index
        %get3A_997 = arith.index_cast %add3A_854 : i32 to index
        %get3A_998 = tpu.vector_load %arg9[%get3A_996, %get3A_997] {strides = array<i32>} : memref<32x1024xf32, #tpu.memory_space<vmem>>, vector<16xf32>,
        %mul3A_999 = arith.mulf %get3A_998, %gather3A_388 : vector<16xf32>
        %add3A_1000 = arith.addf %add3A_994, %mul3A_999 : vector<16xf32>
        %get3A_1001 = arith.constant 24 : i32
        %get3A_1002 = arith.index_cast %get3A_1001 : i32 to index
        %get3A_1003 = arith.index_cast %add3A_854 : i32 to index
        %get3A_1004 = tpu.vector_load %arg9[%get3A_1002, %get3A_1003] {strides = array<i32>} : memref<32x1024xf32, #tpu.memory_space<vmem>>, vector<16xf32>,
        %mul3A_1005 = arith.mulf %get3A_1004, %gather3A_394 : vector<16xf32>
        %add3A_1006 = arith.addf %add3A_1000, %mul3A_1005 : vector<16xf32>
        %get3A_1007 = arith.constant 25 : i32
        %get3A_1008 = arith.index_cast %get3A_1007 : i32 to index
        %get3A_1009 = arith.index_cast %add3A_854 : i32 to index
        %get3A_1010 = tpu.vector_load %arg9[%get3A_1008, %get3A_1009] {strides = array<i32>} : memref<32x1024xf32, #tpu.memory_space<vmem>>, vector<16xf32>,
        %mul3A_1011 = arith.mulf %get3A_1010, %gather3A_400 : vector<16xf32>
        %add3A_1012 = arith.addf %add3A_1006, %mul3A_1011 : vector<16xf32>
        %get3A_1013 = arith.constant 26 : i32
        %get3A_1014 = arith.index_cast %get3A_1013 : i32 to index
        %get3A_1015 = arith.index_cast %add3A_854 : i32 to index
        %get3A_1016 = tpu.vector_load %arg9[%get3A_1014, %get3A_1015] {strides = array<i32>} : memref<32x1024xf32, #tpu.memory_space<vmem>>, vector<16xf32>,
        %mul3A_1017 = arith.mulf %get3A_1016, %gather3A_406 : vector<16xf32>
        %add3A_1018 = arith.addf %add3A_1012, %mul3A_1017 : vector<16xf32>
        %get3A_1019 = arith.constant 27 : i32
        %get3A_1020 = arith.index_cast %get3A_1019 : i32 to index
        %get3A_1021 = arith.index_cast %add3A_854 : i32 to index
        %get3A_1022 = tpu.vector_load %arg9[%get3A_1020, %get3A_1021] {strides = array<i32>} : memref<32x1024xf32, #tpu.memory_space<vmem>>, vector<16xf32>,
        %mul3A_1023 = arith.mulf %get3A_1022, %gather3A_412 : vector<16xf32>
        %add3A_1024 = arith.addf %add3A_1018, %mul3A_1023 : vector<16xf32>
        %get3A_1025 = arith.constant 28 : i32
        %get3A_1026 = arith.index_cast %get3A_1025 : i32 to index
        %get3A_1027 = arith.index_cast %add3A_854 : i32 to index
        %get3A_1028 = tpu.vector_load %arg9[%get3A_1026, %get3A_1027] {strides = array<i32>} : memref<32x1024xf32, #tpu.memory_space<vmem>>, vector<16xf32>,
        %mul3A_1029 = arith.mulf %get3A_1028, %gather3A_418 : vector<16xf32>
        %add3A_1030 = arith.addf %add3A_1024, %mul3A_1029 : vector<16xf32>
        %get3A_1031 = arith.constant 29 : i32
        %get3A_1032 = arith.index_cast %get3A_1031 : i32 to index
        %get3A_1033 = arith.index_cast %add3A_854 : i32 to index
        %get3A_1034 = tpu.vector_load %arg9[%get3A_1032, %get3A_1033] {strides = array<i32>} : memref<32x1024xf32, #tpu.memory_space<vmem>>, vector<16xf32>,
        %mul3A_1035 = arith.mulf %get3A_1034, %gather3A_424 : vector<16xf32>
        %add3A_1036 = arith.addf %add3A_1030, %mul3A_1035 : vector<16xf32>
        %get3A_1037 = arith.constant 30 : i32
        %get3A_1038 = arith.index_cast %get3A_1037 : i32 to index
        %get3A_1039 = arith.index_cast %add3A_854 : i32 to index
        %get3A_1040 = tpu.vector_load %arg9[%get3A_1038, %get3A_1039] {strides = array<i32>} : memref<32x1024xf32, #tpu.memory_space<vmem>>, vector<16xf32>,
        %mul3A_1041 = arith.mulf %get3A_1040, %gather3A_430 : vector<16xf32>
        %add3A_1042 = arith.addf %add3A_1036, %mul3A_1041 : vector<16xf32>
        %get3A_1043 = arith.constant 31 : i32
        %get3A_1044 = arith.index_cast %get3A_1043 : i32 to index
        %get3A_1045 = arith.index_cast %add3A_854 : i32 to index
        %get3A_1046 = tpu.vector_load %arg9[%get3A_1044, %get3A_1045] {strides = array<i32>} : memref<32x1024xf32, #tpu.memory_space<vmem>>, vector<16xf32>,
        %mul3A_1047 = arith.mulf %get3A_1046, %gather3A_436 : vector<16xf32>
        %add3A_1048 = arith.addf %add3A_1042, %mul3A_1047 : vector<16xf32>
        %swap3A_1049 = arith.index_cast %add3A_854 : i32 to index
        %swap3A_1050 = tpu.vector_load %arg10[%swap3A_1049] {strides = array<i32>} : memref<1024xf32, #tpu.memory_space<vmem>>, vector<16xf32>,
        tpu.vector_store %arg10[%swap3A_1049], %add3A_1048 {strides = array<i32>} : memref<1024xf32, #tpu.memory_space<vmem>>, vector<16xf32>,
        %mul3A_1051 = arith.constant 64 : i32
        %mul3A_1052 = arith.muli %scan3A_452, %mul3A_1051 : i32
        %add3A_1053 = arith.constant 48 : i32
        %add3A_1054 = arith.addi %mul3A_1052, %add3A_1053 : i32
        %get3A_1055 = arith.index_cast %add3A_1054 : i32 to index
        %get3A_1056 = tpu.vector_load %arg10[%get3A_1055] {strides = array<i32>} : memref<1024xf32, #tpu.memory_space<vmem>>, vector<16xf32>,
        %get3A_1057 = arith.constant 0 : i32
        %get3A_1058 = arith.index_cast %get3A_1057 : i32 to index
        %get3A_1059 = arith.index_cast %add3A_1054 : i32 to index
        %get3A_1060 = tpu.vector_load %arg9[%get3A_1058, %get3A_1059] {strides = array<i32>} : memref<32x1024xf32, #tpu.memory_space<vmem>>, vector<16xf32>,
        %mul3A_1061 = arith.mulf %get3A_1060, %gather3A_250 : vector<16xf32>
        %add3A_1062 = arith.addf %get3A_1056, %mul3A_1061 : vector<16xf32>
        %get3A_1063 = arith.constant 1 : i32
        %get3A_1064 = arith.index_cast %get3A_1063 : i32 to index
        %get3A_1065 = arith.index_cast %add3A_1054 : i32 to index
        %get3A_1066 = tpu.vector_load %arg9[%get3A_1064, %get3A_1065] {strides = array<i32>} : memref<32x1024xf32, #tpu.memory_space<vmem>>, vector<16xf32>,
        %mul3A_1067 = arith.mulf %get3A_1066, %gather3A_256 : vector<16xf32>
        %add3A_1068 = arith.addf %add3A_1062, %mul3A_1067 : vector<16xf32>
        %get3A_1069 = arith.constant 2 : i32
        %get3A_1070 = arith.index_cast %get3A_1069 : i32 to index
        %get3A_1071 = arith.index_cast %add3A_1054 : i32 to index
        %get3A_1072 = tpu.vector_load %arg9[%get3A_1070, %get3A_1071] {strides = array<i32>} : memref<32x1024xf32, #tpu.memory_space<vmem>>, vector<16xf32>,
        %mul3A_1073 = arith.mulf %get3A_1072, %gather3A_262 : vector<16xf32>
        %add3A_1074 = arith.addf %add3A_1068, %mul3A_1073 : vector<16xf32>
        %get3A_1075 = arith.constant 3 : i32
        %get3A_1076 = arith.index_cast %get3A_1075 : i32 to index
        %get3A_1077 = arith.index_cast %add3A_1054 : i32 to index
        %get3A_1078 = tpu.vector_load %arg9[%get3A_1076, %get3A_1077] {strides = array<i32>} : memref<32x1024xf32, #tpu.memory_space<vmem>>, vector<16xf32>,
        %mul3A_1079 = arith.mulf %get3A_1078, %gather3A_268 : vector<16xf32>
        %add3A_1080 = arith.addf %add3A_1074, %mul3A_1079 : vector<16xf32>
        %get3A_1081 = arith.constant 4 : i32
        %get3A_1082 = arith.index_cast %get3A_1081 : i32 to index
        %get3A_1083 = arith.index_cast %add3A_1054 : i32 to index
        %get3A_1084 = tpu.vector_load %arg9[%get3A_1082, %get3A_1083] {strides = array<i32>} : memref<32x1024xf32, #tpu.memory_space<vmem>>, vector<16xf32>,
        %mul3A_1085 = arith.mulf %get3A_1084, %gather3A_274 : vector<16xf32>
        %add3A_1086 = arith.addf %add3A_1080, %mul3A_1085 : vector<16xf32>
        %get3A_1087 = arith.constant 5 : i32
        %get3A_1088 = arith.index_cast %get3A_1087 : i32 to index
        %get3A_1089 = arith.index_cast %add3A_1054 : i32 to index
        %get3A_1090 = tpu.vector_load %arg9[%get3A_1088, %get3A_1089] {strides = array<i32>} : memref<32x1024xf32, #tpu.memory_space<vmem>>, vector<16xf32>,
        %mul3A_1091 = arith.mulf %get3A_1090, %gather3A_280 : vector<16xf32>
        %add3A_1092 = arith.addf %add3A_1086, %mul3A_1091 : vector<16xf32>
        %get3A_1093 = arith.constant 6 : i32
        %get3A_1094 = arith.index_cast %get3A_1093 : i32 to index
        %get3A_1095 = arith.index_cast %add3A_1054 : i32 to index
        %get3A_1096 = tpu.vector_load %arg9[%get3A_1094, %get3A_1095] {strides = array<i32>} : memref<32x1024xf32, #tpu.memory_space<vmem>>, vector<16xf32>,
        %mul3A_1097 = arith.mulf %get3A_1096, %gather3A_286 : vector<16xf32>
        %add3A_1098 = arith.addf %add3A_1092, %mul3A_1097 : vector<16xf32>
        %get3A_1099 = arith.constant 7 : i32
        %get3A_1100 = arith.index_cast %get3A_1099 : i32 to index
        %get3A_1101 = arith.index_cast %add3A_1054 : i32 to index
        %get3A_1102 = tpu.vector_load %arg9[%get3A_1100, %get3A_1101] {strides = array<i32>} : memref<32x1024xf32, #tpu.memory_space<vmem>>, vector<16xf32>,
        %mul3A_1103 = arith.mulf %get3A_1102, %gather3A_292 : vector<16xf32>
        %add3A_1104 = arith.addf %add3A_1098, %mul3A_1103 : vector<16xf32>
        %get3A_1105 = arith.constant 8 : i32
        %get3A_1106 = arith.index_cast %get3A_1105 : i32 to index
        %get3A_1107 = arith.index_cast %add3A_1054 : i32 to index
        %get3A_1108 = tpu.vector_load %arg9[%get3A_1106, %get3A_1107] {strides = array<i32>} : memref<32x1024xf32, #tpu.memory_space<vmem>>, vector<16xf32>,
        %mul3A_1109 = arith.mulf %get3A_1108, %gather3A_298 : vector<16xf32>
        %add3A_1110 = arith.addf %add3A_1104, %mul3A_1109 : vector<16xf32>
        %get3A_1111 = arith.constant 9 : i32
        %get3A_1112 = arith.index_cast %get3A_1111 : i32 to index
        %get3A_1113 = arith.index_cast %add3A_1054 : i32 to index
        %get3A_1114 = tpu.vector_load %arg9[%get3A_1112, %get3A_1113] {strides = array<i32>} : memref<32x1024xf32, #tpu.memory_space<vmem>>, vector<16xf32>,
        %mul3A_1115 = arith.mulf %get3A_1114, %gather3A_304 : vector<16xf32>
        %add3A_1116 = arith.addf %add3A_1110, %mul3A_1115 : vector<16xf32>
        %get3A_1117 = arith.constant 10 : i32
        %get3A_1118 = arith.index_cast %get3A_1117 : i32 to index
        %get3A_1119 = arith.index_cast %add3A_1054 : i32 to index
        %get3A_1120 = tpu.vector_load %arg9[%get3A_1118, %get3A_1119] {strides = array<i32>} : memref<32x1024xf32, #tpu.memory_space<vmem>>, vector<16xf32>,
        %mul3A_1121 = arith.mulf %get3A_1120, %gather3A_310 : vector<16xf32>
        %add3A_1122 = arith.addf %add3A_1116, %mul3A_1121 : vector<16xf32>
        %get3A_1123 = arith.constant 11 : i32
        %get3A_1124 = arith.index_cast %get3A_1123 : i32 to index
        %get3A_1125 = arith.index_cast %add3A_1054 : i32 to index
        %get3A_1126 = tpu.vector_load %arg9[%get3A_1124, %get3A_1125] {strides = array<i32>} : memref<32x1024xf32, #tpu.memory_space<vmem>>, vector<16xf32>,
        %mul3A_1127 = arith.mulf %get3A_1126, %gather3A_316 : vector<16xf32>
        %add3A_1128 = arith.addf %add3A_1122, %mul3A_1127 : vector<16xf32>
        %get3A_1129 = arith.constant 12 : i32
        %get3A_1130 = arith.index_cast %get3A_1129 : i32 to index
        %get3A_1131 = arith.index_cast %add3A_1054 : i32 to index
        %get3A_1132 = tpu.vector_load %arg9[%get3A_1130, %get3A_1131] {strides = array<i32>} : memref<32x1024xf32, #tpu.memory_space<vmem>>, vector<16xf32>,
        %mul3A_1133 = arith.mulf %get3A_1132, %gather3A_322 : vector<16xf32>
        %add3A_1134 = arith.addf %add3A_1128, %mul3A_1133 : vector<16xf32>
        %get3A_1135 = arith.constant 13 : i32
        %get3A_1136 = arith.index_cast %get3A_1135 : i32 to index
        %get3A_1137 = arith.index_cast %add3A_1054 : i32 to index
        %get3A_1138 = tpu.vector_load %arg9[%get3A_1136, %get3A_1137] {strides = array<i32>} : memref<32x1024xf32, #tpu.memory_space<vmem>>, vector<16xf32>,
        %mul3A_1139 = arith.mulf %get3A_1138, %gather3A_328 : vector<16xf32>
        %add3A_1140 = arith.addf %add3A_1134, %mul3A_1139 : vector<16xf32>
        %get3A_1141 = arith.constant 14 : i32
        %get3A_1142 = arith.index_cast %get3A_1141 : i32 to index
        %get3A_1143 = arith.index_cast %add3A_1054 : i32 to index
        %get3A_1144 = tpu.vector_load %arg9[%get3A_1142, %get3A_1143] {strides = array<i32>} : memref<32x1024xf32, #tpu.memory_space<vmem>>, vector<16xf32>,
        %mul3A_1145 = arith.mulf %get3A_1144, %gather3A_334 : vector<16xf32>
        %add3A_1146 = arith.addf %add3A_1140, %mul3A_1145 : vector<16xf32>
        %get3A_1147 = arith.constant 15 : i32
        %get3A_1148 = arith.index_cast %get3A_1147 : i32 to index
        %get3A_1149 = arith.index_cast %add3A_1054 : i32 to index
        %get3A_1150 = tpu.vector_load %arg9[%get3A_1148, %get3A_1149] {strides = array<i32>} : memref<32x1024xf32, #tpu.memory_space<vmem>>, vector<16xf32>,
        %mul3A_1151 = arith.mulf %get3A_1150, %gather3A_340 : vector<16xf32>
        %add3A_1152 = arith.addf %add3A_1146, %mul3A_1151 : vector<16xf32>
        %get3A_1153 = arith.constant 16 : i32
        %get3A_1154 = arith.index_cast %get3A_1153 : i32 to index
        %get3A_1155 = arith.index_cast %add3A_1054 : i32 to index
        %get3A_1156 = tpu.vector_load %arg9[%get3A_1154, %get3A_1155] {strides = array<i32>} : memref<32x1024xf32, #tpu.memory_space<vmem>>, vector<16xf32>,
        %mul3A_1157 = arith.mulf %get3A_1156, %gather3A_346 : vector<16xf32>
        %add3A_1158 = arith.addf %add3A_1152, %mul3A_1157 : vector<16xf32>
        %get3A_1159 = arith.constant 17 : i32
        %get3A_1160 = arith.index_cast %get3A_1159 : i32 to index
        %get3A_1161 = arith.index_cast %add3A_1054 : i32 to index
        %get3A_1162 = tpu.vector_load %arg9[%get3A_1160, %get3A_1161] {strides = array<i32>} : memref<32x1024xf32, #tpu.memory_space<vmem>>, vector<16xf32>,
        %mul3A_1163 = arith.mulf %get3A_1162, %gather3A_352 : vector<16xf32>
        %add3A_1164 = arith.addf %add3A_1158, %mul3A_1163 : vector<16xf32>
        %get3A_1165 = arith.constant 18 : i32
        %get3A_1166 = arith.index_cast %get3A_1165 : i32 to index
        %get3A_1167 = arith.index_cast %add3A_1054 : i32 to index
        %get3A_1168 = tpu.vector_load %arg9[%get3A_1166, %get3A_1167] {strides = array<i32>} : memref<32x1024xf32, #tpu.memory_space<vmem>>, vector<16xf32>,
        %mul3A_1169 = arith.mulf %get3A_1168, %gather3A_358 : vector<16xf32>
        %add3A_1170 = arith.addf %add3A_1164, %mul3A_1169 : vector<16xf32>
        %get3A_1171 = arith.constant 19 : i32
        %get3A_1172 = arith.index_cast %get3A_1171 : i32 to index
        %get3A_1173 = arith.index_cast %add3A_1054 : i32 to index
        %get3A_1174 = tpu.vector_load %arg9[%get3A_1172, %get3A_1173] {strides = array<i32>} : memref<32x1024xf32, #tpu.memory_space<vmem>>, vector<16xf32>,
        %mul3A_1175 = arith.mulf %get3A_1174, %gather3A_364 : vector<16xf32>
        %add3A_1176 = arith.addf %add3A_1170, %mul3A_1175 : vector<16xf32>
        %get3A_1177 = arith.constant 20 : i32
        %get3A_1178 = arith.index_cast %get3A_1177 : i32 to index
        %get3A_1179 = arith.index_cast %add3A_1054 : i32 to index
        %get3A_1180 = tpu.vector_load %arg9[%get3A_1178, %get3A_1179] {strides = array<i32>} : memref<32x1024xf32, #tpu.memory_space<vmem>>, vector<16xf32>,
        %mul3A_1181 = arith.mulf %get3A_1180, %gather3A_370 : vector<16xf32>
        %add3A_1182 = arith.addf %add3A_1176, %mul3A_1181 : vector<16xf32>
        %get3A_1183 = arith.constant 21 : i32
        %get3A_1184 = arith.index_cast %get3A_1183 : i32 to index
        %get3A_1185 = arith.index_cast %add3A_1054 : i32 to index
        %get3A_1186 = tpu.vector_load %arg9[%get3A_1184, %get3A_1185] {strides = array<i32>} : memref<32x1024xf32, #tpu.memory_space<vmem>>, vector<16xf32>,
        %mul3A_1187 = arith.mulf %get3A_1186, %gather3A_376 : vector<16xf32>
        %add3A_1188 = arith.addf %add3A_1182, %mul3A_1187 : vector<16xf32>
        %get3A_1189 = arith.constant 22 : i32
        %get3A_1190 = arith.index_cast %get3A_1189 : i32 to index
        %get3A_1191 = arith.index_cast %add3A_1054 : i32 to index
        %get3A_1192 = tpu.vector_load %arg9[%get3A_1190, %get3A_1191] {strides = array<i32>} : memref<32x1024xf32, #tpu.memory_space<vmem>>, vector<16xf32>,
        %mul3A_1193 = arith.mulf %get3A_1192, %gather3A_382 : vector<16xf32>
        %add3A_1194 = arith.addf %add3A_1188, %mul3A_1193 : vector<16xf32>
        %get3A_1195 = arith.constant 23 : i32
        %get3A_1196 = arith.index_cast %get3A_1195 : i32 to index
        %get3A_1197 = arith.index_cast %add3A_1054 : i32 to index
        %get3A_1198 = tpu.vector_load %arg9[%get3A_1196, %get3A_1197] {strides = array<i32>} : memref<32x1024xf32, #tpu.memory_space<vmem>>, vector<16xf32>,
        %mul3A_1199 = arith.mulf %get3A_1198, %gather3A_388 : vector<16xf32>
        %add3A_1200 = arith.addf %add3A_1194, %mul3A_1199 : vector<16xf32>
        %get3A_1201 = arith.constant 24 : i32
        %get3A_1202 = arith.index_cast %get3A_1201 : i32 to index
        %get3A_1203 = arith.index_cast %add3A_1054 : i32 to index
        %get3A_1204 = tpu.vector_load %arg9[%get3A_1202, %get3A_1203] {strides = array<i32>} : memref<32x1024xf32, #tpu.memory_space<vmem>>, vector<16xf32>,
        %mul3A_1205 = arith.mulf %get3A_1204, %gather3A_394 : vector<16xf32>
        %add3A_1206 = arith.addf %add3A_1200, %mul3A_1205 : vector<16xf32>
        %get3A_1207 = arith.constant 25 : i32
        %get3A_1208 = arith.index_cast %get3A_1207 : i32 to index
        %get3A_1209 = arith.index_cast %add3A_1054 : i32 to index
        %get3A_1210 = tpu.vector_load %arg9[%get3A_1208, %get3A_1209] {strides = array<i32>} : memref<32x1024xf32, #tpu.memory_space<vmem>>, vector<16xf32>,
        %mul3A_1211 = arith.mulf %get3A_1210, %gather3A_400 : vector<16xf32>
        %add3A_1212 = arith.addf %add3A_1206, %mul3A_1211 : vector<16xf32>
        %get3A_1213 = arith.constant 26 : i32
        %get3A_1214 = arith.index_cast %get3A_1213 : i32 to index
        %get3A_1215 = arith.index_cast %add3A_1054 : i32 to index
        %get3A_1216 = tpu.vector_load %arg9[%get3A_1214, %get3A_1215] {strides = array<i32>} : memref<32x1024xf32, #tpu.memory_space<vmem>>, vector<16xf32>,
        %mul3A_1217 = arith.mulf %get3A_1216, %gather3A_406 : vector<16xf32>
        %add3A_1218 = arith.addf %add3A_1212, %mul3A_1217 : vector<16xf32>
        %get3A_1219 = arith.constant 27 : i32
        %get3A_1220 = arith.index_cast %get3A_1219 : i32 to index
        %get3A_1221 = arith.index_cast %add3A_1054 : i32 to index
        %get3A_1222 = tpu.vector_load %arg9[%get3A_1220, %get3A_1221] {strides = array<i32>} : memref<32x1024xf32, #tpu.memory_space<vmem>>, vector<16xf32>,
        %mul3A_1223 = arith.mulf %get3A_1222, %gather3A_412 : vector<16xf32>
        %add3A_1224 = arith.addf %add3A_1218, %mul3A_1223 : vector<16xf32>
        %get3A_1225 = arith.constant 28 : i32
        %get3A_1226 = arith.index_cast %get3A_1225 : i32 to index
        %get3A_1227 = arith.index_cast %add3A_1054 : i32 to index
        %get3A_1228 = tpu.vector_load %arg9[%get3A_1226, %get3A_1227] {strides = array<i32>} : memref<32x1024xf32, #tpu.memory_space<vmem>>, vector<16xf32>,
        %mul3A_1229 = arith.mulf %get3A_1228, %gather3A_418 : vector<16xf32>
        %add3A_1230 = arith.addf %add3A_1224, %mul3A_1229 : vector<16xf32>
        %get3A_1231 = arith.constant 29 : i32
        %get3A_1232 = arith.index_cast %get3A_1231 : i32 to index
        %get3A_1233 = arith.index_cast %add3A_1054 : i32 to index
        %get3A_1234 = tpu.vector_load %arg9[%get3A_1232, %get3A_1233] {strides = array<i32>} : memref<32x1024xf32, #tpu.memory_space<vmem>>, vector<16xf32>,
        %mul3A_1235 = arith.mulf %get3A_1234, %gather3A_424 : vector<16xf32>
        %add3A_1236 = arith.addf %add3A_1230, %mul3A_1235 : vector<16xf32>
        %get3A_1237 = arith.constant 30 : i32
        %get3A_1238 = arith.index_cast %get3A_1237 : i32 to index
        %get3A_1239 = arith.index_cast %add3A_1054 : i32 to index
        %get3A_1240 = tpu.vector_load %arg9[%get3A_1238, %get3A_1239] {strides = array<i32>} : memref<32x1024xf32, #tpu.memory_space<vmem>>, vector<16xf32>,
        %mul3A_1241 = arith.mulf %get3A_1240, %gather3A_430 : vector<16xf32>
        %add3A_1242 = arith.addf %add3A_1236, %mul3A_1241 : vector<16xf32>
        %get3A_1243 = arith.constant 31 : i32
        %get3A_1244 = arith.index_cast %get3A_1243 : i32 to index
        %get3A_1245 = arith.index_cast %add3A_1054 : i32 to index
        %get3A_1246 = tpu.vector_load %arg9[%get3A_1244, %get3A_1245] {strides = array<i32>} : memref<32x1024xf32, #tpu.memory_space<vmem>>, vector<16xf32>,
        %mul3A_1247 = arith.mulf %get3A_1246, %gather3A_436 : vector<16xf32>
        %add3A_1248 = arith.addf %add3A_1242, %mul3A_1247 : vector<16xf32>
        %swap3A_1249 = arith.index_cast %add3A_1054 : i32 to index
        %swap3A_1250 = tpu.vector_load %arg10[%swap3A_1249] {strides = array<i32>} : memref<1024xf32, #tpu.memory_space<vmem>>, vector<16xf32>,
        tpu.vector_store %arg10[%swap3A_1249], %add3A_1248 {strides = array<i32>} : memref<1024xf32, #tpu.memory_space<vmem>>, vector<16xf32>,
      }
      %scan3A_442 = arith.constant 16 : i32
      %add3A_443 = arith.constant 1 : i32
      %add3A_444 = arith.addi %mul3A_27, %add3A_443 : i32
      %add3A_445 = arith.constant 2 : i32
      %add3A_446 = arith.addi %add3A_444, %add3A_445 : i32
      %lt3A_447 = arith.constant 16 : i32
      %lt3A_448 = arith.cmpi slt, %add3A_446, %lt3A_447 : i32
      %convert_element_type3A_449 = arith.extui %lt3A_448 : i1 to i32
      %cond3A_450 = arith.constant 0 : i32
      %cond3A_451 = arith.cmpi ne, %convert_element_type3A_449, %cond3A_450 : i32
      scf.if %cond3A_451 {
        %mul3A_452 = arith.constant 32 : i32
        %mul3A_453 = arith.muli %add3A_446, %mul3A_452 : i32
        %dma_start3A_454 = tpu.memref_slice %arg6[%mul3A_453] : memref<512xi32, #tpu.memory_space<vmem>> -> memref<32xi32, #tpu.memory_space<vmem>>
        %dma_start3A_455 = arith.constant 0 : i32
        %dma_start3A_456 = arith.constant 0 : i32
        %dma_start3A_457 = tpu.memref_slice %arg2[%dma_start3A_455, %dma_start3A_456] : memref<100000x1024xf32, #tpu.memory_space<hbm>> -> memref<100000x1024xf32, #tpu.memory_space<hbm>>
        tpu.enqueue_indirect_dma source(%dma_start3A_457 : memref<100000x1024xf32, #tpu.memory_space<hbm>>) target(%arg9 : memref<32x1024xf32, #tpu.memory_space<vmem>>) offsets(%dma_start3A_454 : memref<32xi32, #tpu.memory_space<vmem>>) semaphore(%arg15 : memref<!tpu.dma_semaphore, #tpu.memory_space<semaphore_mem>>)
      } else {
      }
    }
    %scan3A_22 = arith.constant 8 : i32
    "tpu.region"() ({
      %run_scoped3A = tpu.sem_alloc : memref<!tpu.dma_semaphore, #tpu.memory_space<semaphore_mem>>
      %dma_start3A_25 = arith.constant 0 : i32
      %dma_start3A_26 = tpu.memref_slice %arg13[%arg1, %dma_start3A_25] : memref<16x1024xf32, #tpu.memory_space<vmem_shared>> -> memref<1x1024xf32, #tpu.memory_space<vmem_shared>>
      %dma_start3A_27 = tpu.memref_squeeze %dma_start3A_26 : memref<1x1024xf32, #tpu.memory_space<vmem_shared>> -> memref<1024xf32, #tpu.memory_space<vmem_shared>>
      %dma_start3A_28 = arith.constant 0 : i32
      %dma_start3A_29 = tpu.memref_slice %arg13[%arg1, %dma_start3A_28] : memref<16x1024xf32, #tpu.memory_space<vmem_shared>> -> memref<1x1024xf32, #tpu.memory_space<vmem_shared>>
      %dma_start3A_30 = tpu.memref_squeeze %dma_start3A_29 : memref<1x1024xf32, #tpu.memory_space<vmem_shared>> -> memref<1024xf32, #tpu.memory_space<vmem_shared>>
      tpu.enqueue_dma source(%arg10 : memref<1024xf32, #tpu.memory_space<vmem>>) target(%dma_start3A_30 : memref<1024xf32, #tpu.memory_space<vmem_shared>>) target_semaphore(%run_scoped3A : memref<!tpu.dma_semaphore, #tpu.memory_space<semaphore_mem>>)
      %dma_wait3A = arith.constant 0 : i32
      %dma_wait3A_31 = tpu.memref_slice %arg13[%arg1, %dma_wait3A] : memref<16x1024xf32, #tpu.memory_space<vmem_shared>> -> memref<1x1024xf32, #tpu.memory_space<vmem_shared>>
      %dma_wait3A_32 = tpu.memref_squeeze %dma_wait3A_31 : memref<1x1024xf32, #tpu.memory_space<vmem_shared>> -> memref<1024xf32, #tpu.memory_space<vmem_shared>>
      %dma_wait3A_33 = arith.constant 0 : i32
      %dma_wait3A_34 = tpu.memref_slice %arg13[%arg1, %dma_wait3A_33] : memref<16x1024xf32, #tpu.memory_space<vmem_shared>> -> memref<1x1024xf32, #tpu.memory_space<vmem_shared>>
      %dma_wait3A_35 = tpu.memref_squeeze %dma_wait3A_34 : memref<1x1024xf32, #tpu.memory_space<vmem_shared>> -> memref<1024xf32, #tpu.memory_space<vmem_shared>>
      tpu.wait_dma2 semaphore(%run_scoped3A : memref<!tpu.dma_semaphore, #tpu.memory_space<semaphore_mem>>) src(%arg10 : memref<1024xf32, #tpu.memory_space<vmem>>) dst(%dma_wait3A_35 : memref<1024xf32, #tpu.memory_space<vmem_shared>>)
      tpu.yield
    }) : () -> ()
    %barrier3A = arith.constant 0 : index
    tpu.barrier barrier_id(%barrier3A)
    %eq3A = arith.constant 0 : i32
    %eq3A_23 = arith.cmpi eq, %arg1, %eq3A : i32
    %convert_element_type3A = arith.extui %eq3A_23 : i1 to i32
    %cond3A = arith.constant 0 : i32
    %cond3A_24 = arith.cmpi ne, %convert_element_type3A, %cond3A : i32
    scf.if %cond3A_24 {
      %scan3A_25 = arith.constant 0 : i32
      %scan3A_26 = arith.constant 0 : i32
      %scan3A_27 = arith.constant 64 : i32
      %scan3A_28 = arith.addi %scan3A_26, %scan3A_27 : i32
      %scan3A_29 = arith.constant 1 : i32
      scf.for %scan3A_55 = %scan3A_26 to %scan3A_28 step %scan3A_29  : i32 {
        %broadcast_in_dim3A = arith.constant 0.000000e+00 : f32
        %broadcast_in_dim3A_56 = vector.broadcast %broadcast_in_dim3A : f32 to vector<16xf32>
        %mul3A_57 = arith.constant 16 : i32
        %mul3A_58 = arith.muli %scan3A_55, %mul3A_57 : i32
        %swap3A = arith.index_cast %mul3A_58 : i32 to index
        %swap3A_59 = tpu.vector_load %arg12[%swap3A] {strides = array<i32>} : memref<1024xf32, #tpu.memory_space<vmem>>, vector<16xf32>,
        tpu.vector_store %arg12[%swap3A], %broadcast_in_dim3A_56 {strides = array<i32>} : memref<1024xf32, #tpu.memory_space<vmem>>, vector<16xf32>,
      }
      %scan3A_30 = arith.constant 64 : i32
      "tpu.region"() ({
        %run_scoped3A = tpu.sem_alloc : memref<!tpu.dma_semaphore, #tpu.memory_space<semaphore_mem>>
        %dma_start3A_55 = arith.constant 0 : i32
        %dma_start3A_56 = arith.constant 0 : i32
        %dma_start3A_57 = tpu.memref_slice %arg13[%dma_start3A_55, %dma_start3A_56] : memref<16x1024xf32, #tpu.memory_space<vmem_shared>> -> memref<4x1024xf32, #tpu.memory_space<vmem_shared>>
        %dma_start3A_58 = arith.constant 0 : i32
        %dma_start3A_59 = arith.constant 0 : i32
        %dma_start3A_60 = tpu.memref_slice %arg13[%dma_start3A_58, %dma_start3A_59] : memref<16x1024xf32, #tpu.memory_space<vmem_shared>> -> memref<4x1024xf32, #tpu.memory_space<vmem_shared>>
        tpu.enqueue_dma source(%dma_start3A_60 : memref<4x1024xf32, #tpu.memory_space<vmem_shared>>) target(%arg11 : memref<4x1024xf32, #tpu.memory_space<vmem>>) target_semaphore(%run_scoped3A : memref<!tpu.dma_semaphore, #tpu.memory_space<semaphore_mem>>)
        %dma_wait3A = arith.constant 0 : i32
        %dma_wait3A_61 = arith.constant 0 : i32
        %dma_wait3A_62 = tpu.memref_slice %arg13[%dma_wait3A, %dma_wait3A_61] : memref<16x1024xf32, #tpu.memory_space<vmem_shared>> -> memref<4x1024xf32, #tpu.memory_space<vmem_shared>>
        %dma_wait3A_63 = arith.constant 0 : i32
        %dma_wait3A_64 = arith.constant 0 : i32
        %dma_wait3A_65 = tpu.memref_slice %arg13[%dma_wait3A_63, %dma_wait3A_64] : memref<16x1024xf32, #tpu.memory_space<vmem_shared>> -> memref<4x1024xf32, #tpu.memory_space<vmem_shared>>
        tpu.wait_dma2 semaphore(%run_scoped3A : memref<!tpu.dma_semaphore, #tpu.memory_space<semaphore_mem>>) src(%dma_wait3A_65 : memref<4x1024xf32, #tpu.memory_space<vmem_shared>>) dst(%arg11 : memref<4x1024xf32, #tpu.memory_space<vmem>>)
        tpu.yield
      }) : () -> ()
      %scan3A_31 = arith.constant 0 : i32
      %scan3A_32 = arith.constant 0 : i32
      %scan3A_33 = arith.constant 64 : i32
      %scan3A_34 = arith.addi %scan3A_32, %scan3A_33 : i32
      %scan3A_35 = arith.constant 1 : i32
      scf.for %scan3A_55 = %scan3A_32 to %scan3A_34 step %scan3A_35  : i32 {
        %broadcast_in_dim3A = arith.constant 0.000000e+00 : f32
        %broadcast_in_dim3A_56 = vector.broadcast %broadcast_in_dim3A : f32 to vector<16xf32>
        %scan3A_57 = arith.constant 0 : i32
        %scan3A_58 = arith.constant 4 : i32
        %scan3A_59 = arith.addi %scan3A_57, %scan3A_58 : i32
        %scan3A_60 = arith.constant 1 : i32
        %scan3A_61 = scf.for %scan3A_66 = %scan3A_57 to %scan3A_59 step %scan3A_60 iter_args(%scan3A_67 = %broadcast_in_dim3A_56) -> (vector<16xf32>)  : i32 {
          %mul3A_68 = arith.constant 16 : i32
          %mul3A_69 = arith.muli %scan3A_55, %mul3A_68 : i32
          %get3A = arith.index_cast %scan3A_66 : i32 to index
          %get3A_70 = arith.index_cast %mul3A_69 : i32 to index
          %get3A_71 = tpu.vector_load %arg11[%get3A, %get3A_70] {strides = array<i32>} : memref<4x1024xf32, #tpu.memory_space<vmem>>, vector<16xf32>,
          %add3A_72 = arith.addf %scan3A_67, %get3A_71 : vector<16xf32>
          scf.yield %add3A_72 : vector<16xf32>
        }
        %scan3A_62 = arith.constant 4 : i32
        %mul3A_63 = arith.constant 16 : i32
        %mul3A_64 = arith.muli %scan3A_55, %mul3A_63 : i32
        %swap3A = arith.index_cast %mul3A_64 : i32 to index
        %swap3A_65 = tpu.vector_load %arg12[%swap3A] {strides = array<i32>} : memref<1024xf32, #tpu.memory_space<vmem>>, vector<16xf32>,
        tpu.vector_store %arg12[%swap3A], %scan3A_61 {add = true, strides = array<i32>} : memref<1024xf32, #tpu.memory_space<vmem>>, vector<16xf32>,
      }
      %scan3A_36 = arith.constant 64 : i32
      "tpu.region"() ({
        %run_scoped3A = tpu.sem_alloc : memref<!tpu.dma_semaphore, #tpu.memory_space<semaphore_mem>>
        %dma_start3A_55 = arith.constant 4 : i32
        %dma_start3A_56 = arith.constant 0 : i32
        %dma_start3A_57 = tpu.memref_slice %arg13[%dma_start3A_55, %dma_start3A_56] : memref<16x1024xf32, #tpu.memory_space<vmem_shared>> -> memref<4x1024xf32, #tpu.memory_space<vmem_shared>>
        %dma_start3A_58 = arith.constant 4 : i32
        %dma_start3A_59 = arith.constant 0 : i32
        %dma_start3A_60 = tpu.memref_slice %arg13[%dma_start3A_58, %dma_start3A_59] : memref<16x1024xf32, #tpu.memory_space<vmem_shared>> -> memref<4x1024xf32, #tpu.memory_space<vmem_shared>>
        tpu.enqueue_dma source(%dma_start3A_60 : memref<4x1024xf32, #tpu.memory_space<vmem_shared>>) target(%arg11 : memref<4x1024xf32, #tpu.memory_space<vmem>>) target_semaphore(%run_scoped3A : memref<!tpu.dma_semaphore, #tpu.memory_space<semaphore_mem>>)
        %dma_wait3A = arith.constant 4 : i32
        %dma_wait3A_61 = arith.constant 0 : i32
        %dma_wait3A_62 = tpu.memref_slice %arg13[%dma_wait3A, %dma_wait3A_61] : memref<16x1024xf32, #tpu.memory_space<vmem_shared>> -> memref<4x1024xf32, #tpu.memory_space<vmem_shared>>
        %dma_wait3A_63 = arith.constant 4 : i32
        %dma_wait3A_64 = arith.constant 0 : i32
        %dma_wait3A_65 = tpu.memref_slice %arg13[%dma_wait3A_63, %dma_wait3A_64] : memref<16x1024xf32, #tpu.memory_space<vmem_shared>> -> memref<4x1024xf32, #tpu.memory_space<vmem_shared>>
        tpu.wait_dma2 semaphore(%run_scoped3A : memref<!tpu.dma_semaphore, #tpu.memory_space<semaphore_mem>>) src(%dma_wait3A_65 : memref<4x1024xf32, #tpu.memory_space<vmem_shared>>) dst(%arg11 : memref<4x1024xf32, #tpu.memory_space<vmem>>)
        tpu.yield
      }) : () -> ()
      %scan3A_37 = arith.constant 0 : i32
      %scan3A_38 = arith.constant 0 : i32
      %scan3A_39 = arith.constant 64 : i32
      %scan3A_40 = arith.addi %scan3A_38, %scan3A_39 : i32
      %scan3A_41 = arith.constant 1 : i32
      scf.for %scan3A_55 = %scan3A_38 to %scan3A_40 step %scan3A_41  : i32 {
        %broadcast_in_dim3A = arith.constant 0.000000e+00 : f32
        %broadcast_in_dim3A_56 = vector.broadcast %broadcast_in_dim3A : f32 to vector<16xf32>
        %scan3A_57 = arith.constant 0 : i32
        %scan3A_58 = arith.constant 4 : i32
        %scan3A_59 = arith.addi %scan3A_57, %scan3A_58 : i32
        %scan3A_60 = arith.constant 1 : i32
        %scan3A_61 = scf.for %scan3A_66 = %scan3A_57 to %scan3A_59 step %scan3A_60 iter_args(%scan3A_67 = %broadcast_in_dim3A_56) -> (vector<16xf32>)  : i32 {
          %mul3A_68 = arith.constant 16 : i32
          %mul3A_69 = arith.muli %scan3A_55, %mul3A_68 : i32
          %get3A = arith.index_cast %scan3A_66 : i32 to index
          %get3A_70 = arith.index_cast %mul3A_69 : i32 to index
          %get3A_71 = tpu.vector_load %arg11[%get3A, %get3A_70] {strides = array<i32>} : memref<4x1024xf32, #tpu.memory_space<vmem>>, vector<16xf32>,
          %add3A_72 = arith.addf %scan3A_67, %get3A_71 : vector<16xf32>
          scf.yield %add3A_72 : vector<16xf32>
        }
        %scan3A_62 = arith.constant 4 : i32
        %mul3A_63 = arith.constant 16 : i32
        %mul3A_64 = arith.muli %scan3A_55, %mul3A_63 : i32
        %swap3A = arith.index_cast %mul3A_64 : i32 to index
        %swap3A_65 = tpu.vector_load %arg12[%swap3A] {strides = array<i32>} : memref<1024xf32, #tpu.memory_space<vmem>>, vector<16xf32>,
        tpu.vector_store %arg12[%swap3A], %scan3A_61 {add = true, strides = array<i32>} : memref<1024xf32, #tpu.memory_space<vmem>>, vector<16xf32>,
      }
      %scan3A_42 = arith.constant 64 : i32
      "tpu.region"() ({
        %run_scoped3A = tpu.sem_alloc : memref<!tpu.dma_semaphore, #tpu.memory_space<semaphore_mem>>
        %dma_start3A_55 = arith.constant 8 : i32
        %dma_start3A_56 = arith.constant 0 : i32
        %dma_start3A_57 = tpu.memref_slice %arg13[%dma_start3A_55, %dma_start3A_56] : memref<16x1024xf32, #tpu.memory_space<vmem_shared>> -> memref<4x1024xf32, #tpu.memory_space<vmem_shared>>
        %dma_start3A_58 = arith.constant 8 : i32
        %dma_start3A_59 = arith.constant 0 : i32
        %dma_start3A_60 = tpu.memref_slice %arg13[%dma_start3A_58, %dma_start3A_59] : memref<16x1024xf32, #tpu.memory_space<vmem_shared>> -> memref<4x1024xf32, #tpu.memory_space<vmem_shared>>
        tpu.enqueue_dma source(%dma_start3A_60 : memref<4x1024xf32, #tpu.memory_space<vmem_shared>>) target(%arg11 : memref<4x1024xf32, #tpu.memory_space<vmem>>) target_semaphore(%run_scoped3A : memref<!tpu.dma_semaphore, #tpu.memory_space<semaphore_mem>>)
        %dma_wait3A = arith.constant 8 : i32
        %dma_wait3A_61 = arith.constant 0 : i32
        %dma_wait3A_62 = tpu.memref_slice %arg13[%dma_wait3A, %dma_wait3A_61] : memref<16x1024xf32, #tpu.memory_space<vmem_shared>> -> memref<4x1024xf32, #tpu.memory_space<vmem_shared>>
        %dma_wait3A_63 = arith.constant 8 : i32
        %dma_wait3A_64 = arith.constant 0 : i32
        %dma_wait3A_65 = tpu.memref_slice %arg13[%dma_wait3A_63, %dma_wait3A_64] : memref<16x1024xf32, #tpu.memory_space<vmem_shared>> -> memref<4x1024xf32, #tpu.memory_space<vmem_shared>>
        tpu.wait_dma2 semaphore(%run_scoped3A : memref<!tpu.dma_semaphore, #tpu.memory_space<semaphore_mem>>) src(%dma_wait3A_65 : memref<4x1024xf32, #tpu.memory_space<vmem_shared>>) dst(%arg11 : memref<4x1024xf32, #tpu.memory_space<vmem>>)
        tpu.yield
      }) : () -> ()
      %scan3A_43 = arith.constant 0 : i32
      %scan3A_44 = arith.constant 0 : i32
      %scan3A_45 = arith.constant 64 : i32
      %scan3A_46 = arith.addi %scan3A_44, %scan3A_45 : i32
      %scan3A_47 = arith.constant 1 : i32
      scf.for %scan3A_55 = %scan3A_44 to %scan3A_46 step %scan3A_47  : i32 {
        %broadcast_in_dim3A = arith.constant 0.000000e+00 : f32
        %broadcast_in_dim3A_56 = vector.broadcast %broadcast_in_dim3A : f32 to vector<16xf32>
        %scan3A_57 = arith.constant 0 : i32
        %scan3A_58 = arith.constant 4 : i32
        %scan3A_59 = arith.addi %scan3A_57, %scan3A_58 : i32
        %scan3A_60 = arith.constant 1 : i32
        %scan3A_61 = scf.for %scan3A_66 = %scan3A_57 to %scan3A_59 step %scan3A_60 iter_args(%scan3A_67 = %broadcast_in_dim3A_56) -> (vector<16xf32>)  : i32 {
          %mul3A_68 = arith.constant 16 : i32
          %mul3A_69 = arith.muli %scan3A_55, %mul3A_68 : i32
          %get3A = arith.index_cast %scan3A_66 : i32 to index
          %get3A_70 = arith.index_cast %mul3A_69 : i32 to index
          %get3A_71 = tpu.vector_load %arg11[%get3A, %get3A_70] {strides = array<i32>} : memref<4x1024xf32, #tpu.memory_space<vmem>>, vector<16xf32>,
          %add3A_72 = arith.addf %scan3A_67, %get3A_71 : vector<16xf32>
          scf.yield %add3A_72 : vector<16xf32>
        }
        %scan3A_62 = arith.constant 4 : i32
        %mul3A_63 = arith.constant 16 : i32
        %mul3A_64 = arith.muli %scan3A_55, %mul3A_63 : i32
        %swap3A = arith.index_cast %mul3A_64 : i32 to index
        %swap3A_65 = tpu.vector_load %arg12[%swap3A] {strides = array<i32>} : memref<1024xf32, #tpu.memory_space<vmem>>, vector<16xf32>,
        tpu.vector_store %arg12[%swap3A], %scan3A_61 {add = true, strides = array<i32>} : memref<1024xf32, #tpu.memory_space<vmem>>, vector<16xf32>,
      }
      %scan3A_48 = arith.constant 64 : i32
      "tpu.region"() ({
        %run_scoped3A = tpu.sem_alloc : memref<!tpu.dma_semaphore, #tpu.memory_space<semaphore_mem>>
        %dma_start3A_55 = arith.constant 12 : i32
        %dma_start3A_56 = arith.constant 0 : i32
        %dma_start3A_57 = tpu.memref_slice %arg13[%dma_start3A_55, %dma_start3A_56] : memref<16x1024xf32, #tpu.memory_space<vmem_shared>> -> memref<4x1024xf32, #tpu.memory_space<vmem_shared>>
        %dma_start3A_58 = arith.constant 12 : i32
        %dma_start3A_59 = arith.constant 0 : i32
        %dma_start3A_60 = tpu.memref_slice %arg13[%dma_start3A_58, %dma_start3A_59] : memref<16x1024xf32, #tpu.memory_space<vmem_shared>> -> memref<4x1024xf32, #tpu.memory_space<vmem_shared>>
        tpu.enqueue_dma source(%dma_start3A_60 : memref<4x1024xf32, #tpu.memory_space<vmem_shared>>) target(%arg11 : memref<4x1024xf32, #tpu.memory_space<vmem>>) target_semaphore(%run_scoped3A : memref<!tpu.dma_semaphore, #tpu.memory_space<semaphore_mem>>)
        %dma_wait3A = arith.constant 12 : i32
        %dma_wait3A_61 = arith.constant 0 : i32
        %dma_wait3A_62 = tpu.memref_slice %arg13[%dma_wait3A, %dma_wait3A_61] : memref<16x1024xf32, #tpu.memory_space<vmem_shared>> -> memref<4x1024xf32, #tpu.memory_space<vmem_shared>>
        %dma_wait3A_63 = arith.constant 12 : i32
        %dma_wait3A_64 = arith.constant 0 : i32
        %dma_wait3A_65 = tpu.memref_slice %arg13[%dma_wait3A_63, %dma_wait3A_64] : memref<16x1024xf32, #tpu.memory_space<vmem_shared>> -> memref<4x1024xf32, #tpu.memory_space<vmem_shared>>
        tpu.wait_dma2 semaphore(%run_scoped3A : memref<!tpu.dma_semaphore, #tpu.memory_space<semaphore_mem>>) src(%dma_wait3A_65 : memref<4x1024xf32, #tpu.memory_space<vmem_shared>>) dst(%arg11 : memref<4x1024xf32, #tpu.memory_space<vmem>>)
        tpu.yield
      }) : () -> ()
      %scan3A_49 = arith.constant 0 : i32
      %scan3A_50 = arith.constant 0 : i32
      %scan3A_51 = arith.constant 64 : i32
      %scan3A_52 = arith.addi %scan3A_50, %scan3A_51 : i32
      %scan3A_53 = arith.constant 1 : i32
      scf.for %scan3A_55 = %scan3A_50 to %scan3A_52 step %scan3A_53  : i32 {
        %broadcast_in_dim3A = arith.constant 0.000000e+00 : f32
        %broadcast_in_dim3A_56 = vector.broadcast %broadcast_in_dim3A : f32 to vector<16xf32>
        %scan3A_57 = arith.constant 0 : i32
        %scan3A_58 = arith.constant 4 : i32
        %scan3A_59 = arith.addi %scan3A_57, %scan3A_58 : i32
        %scan3A_60 = arith.constant 1 : i32
        %scan3A_61 = scf.for %scan3A_66 = %scan3A_57 to %scan3A_59 step %scan3A_60 iter_args(%scan3A_67 = %broadcast_in_dim3A_56) -> (vector<16xf32>)  : i32 {
          %mul3A_68 = arith.constant 16 : i32
          %mul3A_69 = arith.muli %scan3A_55, %mul3A_68 : i32
          %get3A = arith.index_cast %scan3A_66 : i32 to index
          %get3A_70 = arith.index_cast %mul3A_69 : i32 to index
          %get3A_71 = tpu.vector_load %arg11[%get3A, %get3A_70] {strides = array<i32>} : memref<4x1024xf32, #tpu.memory_space<vmem>>, vector<16xf32>,
          %add3A_72 = arith.addf %scan3A_67, %get3A_71 : vector<16xf32>
          scf.yield %add3A_72 : vector<16xf32>
        }
        %scan3A_62 = arith.constant 4 : i32
        %mul3A_63 = arith.constant 16 : i32
        %mul3A_64 = arith.muli %scan3A_55, %mul3A_63 : i32
        %swap3A = arith.index_cast %mul3A_64 : i32 to index
        %swap3A_65 = tpu.vector_load %arg12[%swap3A] {strides = array<i32>} : memref<1024xf32, #tpu.memory_space<vmem>>, vector<16xf32>,
        tpu.vector_store %arg12[%swap3A], %scan3A_61 {add = true, strides = array<i32>} : memref<1024xf32, #tpu.memory_space<vmem>>, vector<16xf32>,
      }
      %scan3A_54 = arith.constant 64 : i32
      "tpu.region"() ({
        %run_scoped3A = tpu.sem_alloc : memref<!tpu.dma_semaphore, #tpu.memory_space<semaphore_mem>>
        %dma_start3A_55 = arith.constant 0 : i32
        %dma_start3A_56 = tpu.memref_slice %arg5[%arg0, %dma_start3A_55] : memref<2x1024xf32, #tpu.memory_space<hbm>> -> memref<1x1024xf32, #tpu.memory_space<hbm>>
        %dma_start3A_57 = tpu.memref_squeeze %dma_start3A_56 : memref<1x1024xf32, #tpu.memory_space<hbm>> -> memref<1024xf32, #tpu.memory_space<hbm>>
        %dma_start3A_58 = arith.constant 0 : i32
        %dma_start3A_59 = tpu.memref_slice %arg5[%arg0, %dma_start3A_58] : memref<2x1024xf32, #tpu.memory_space<hbm>> -> memref<1x1024xf32, #tpu.memory_space<hbm>>
        %dma_start3A_60 = tpu.memref_squeeze %dma_start3A_59 : memref<1x1024xf32, #tpu.memory_space<hbm>> -> memref<1024xf32, #tpu.memory_space<hbm>>
        tpu.enqueue_dma source(%arg12 : memref<1024xf32, #tpu.memory_space<vmem>>) target(%dma_start3A_60 : memref<1024xf32, #tpu.memory_space<hbm>>) target_semaphore(%run_scoped3A : memref<!tpu.dma_semaphore, #tpu.memory_space<semaphore_mem>>)
        %dma_wait3A = arith.constant 0 : i32
        %dma_wait3A_61 = tpu.memref_slice %arg5[%arg0, %dma_wait3A] : memref<2x1024xf32, #tpu.memory_space<hbm>> -> memref<1x1024xf32, #tpu.memory_space<hbm>>
        %dma_wait3A_62 = tpu.memref_squeeze %dma_wait3A_61 : memref<1x1024xf32, #tpu.memory_space<hbm>> -> memref<1024xf32, #tpu.memory_space<hbm>>
        %dma_wait3A_63 = arith.constant 0 : i32
        %dma_wait3A_64 = tpu.memref_slice %arg5[%arg0, %dma_wait3A_63] : memref<2x1024xf32, #tpu.memory_space<hbm>> -> memref<1x1024xf32, #tpu.memory_space<hbm>>
        %dma_wait3A_65 = tpu.memref_squeeze %dma_wait3A_64 : memref<1x1024xf32, #tpu.memory_space<hbm>> -> memref<1024xf32, #tpu.memory_space<hbm>>
        tpu.wait_dma2 semaphore(%run_scoped3A : memref<!tpu.dma_semaphore, #tpu.memory_space<semaphore_mem>>) src(%arg12 : memref<1024xf32, #tpu.memory_space<vmem>>) dst(%dma_wait3A_65 : memref<1024xf32, #tpu.memory_space<hbm>>)
        tpu.yield
      }) : () -> ()
    } else {
    }
    return
  }
}

module attributes {stable_mosaic.version = 14 : i64} {
  func.func @_combine_body(%arg0: memref<2x1024xf32, #tpu.memory_space<vmem>>, %arg1: memref<1x1024xi32, #tpu.memory_space<vmem>>) attributes {dimension_semantics = [], scalar_prefetch = 0 : i64, scratch_operands = 0 : i64, tpu.core_type = #tpu.core_type<tc>} {
    %get3A = arith.constant 0 : index
    %get3A_0 = arith.constant 0 : index
    %get3A_1 = vector.load %arg0[%get3A, %get3A_0] : memref<2x1024xf32, #tpu.memory_space<vmem>>, vector<2x1024xf32>
    %reduce_sum3A = arith.constant dense<0.000000e+00> : vector<1024xf32>
    %reduce_sum3A_2 = vector.multi_reduction <add>, %get3A_1, %reduce_sum3A [0] : vector<2x1024xf32> to vector<1024xf32>
    %broadcast_in_dim3A = vector.shape_cast %reduce_sum3A_2 : vector<1024xf32> to vector<1x1024xf32>
    %le3A = arith.constant 0.000000e+00 : f32
    %le3A_3 = vector.broadcast %le3A : f32 to vector<1x1024xf32>
    %le3A_4 = arith.cmpf ole, %broadcast_in_dim3A, %le3A_3 : vector<1x1024xf32>
    %convert_element_type3A = arith.extui %le3A_4 : vector<1x1024xi1> to vector<1x1024xi32>
    %swap3A = arith.constant 0 : index
    %swap3A_5 = arith.constant 0 : index
    %swap3A_6 = vector.load %arg1[%swap3A, %swap3A_5] : memref<1x1024xi32, #tpu.memory_space<vmem>>, vector<1x1024xi32>
    tpu.vector_store %arg1[%swap3A, %swap3A_5], %convert_element_type3A {strides = array<i32>} : memref<1x1024xi32, #tpu.memory_space<vmem>>, vector<1x1024xi32>,
    return
  }
}

</mosaic_0001>

<sc_bundles>
// kernel: kernel.4.cloned.1.call-start
scs
__scs_entry_jumppad:
0x0: {  	(pc) =	sbr.rel $0x88, $3  }
0x1: {  	(tag) =	ssettag $0x0;
	lr =	simm.s32 $0x1  }
0x2: {  	[smem:$0x3F9E] =	sst lr;
	_ =	strace $0xD0000000  }
0x3: {  	_ = 	snop  }
0x4: {  	_ = 	snop  }
0x5: {  	_ = 	snop  }
0x6: {  	_ = 	snop  }
0x7: {  	_ = 	snop  }
__scs_overlays_trampoline_lowered:
0x8: {  	[smem:$0x3FAD] =	sst s0  }
0x9: {  	[smem:$0x3FAE] =	sst s1  }
0xa: {  	[smem:$0x3FAF] =	sst s2  }
0xb: {  	[smem:$0x3FB0] =	sst s3  }
0xc: {  	[smem:$0x3FB1] =	sst s4  }
0xd: {  	[smem:$0x3FB2] =	sst s5  }
0xe: {  	[smem:$0x3FB3] =	sst s6  }
0xf: {  	[smem:$0x3FB4] =	sst s7  }
0x10: {  	[smem:$0x3FB5] =	sst s8  }
0x11: {  	[smem:$0x3FB6] =	sst s9;
	s0 =	simm.s32 @!p0 $0x0  }
0x12: {  	s1 =	sld [smem:$0x3F9C];
	s0 =	simm.s32 @p0 $0x1  }
0x13: {  	[smem:$0x3FB7] =	sst s0;
	s0 =	simm.s32 @!p1 $0x0  }
0x14: {  	s2 =	sld [smem:$0x3F9B];
	s0 =	simm.s32 @p1 $0x1  }
0x15: {  	[smem:$0x3FB8] =	sst s0;
	s0 =	simm.s32 @!p2 $0x0  }
0x16: {  	s3 =	sld [smem:$0x3FDB];
	s0 =	simm.s32 @p2 $0x1  }
0x17: {  	s4 =	simm.s32 $0x1BF5;
	[smem:$0x3FBA] =	sst s0  }
0x18: {  	s0 =	sld [smem:$0x3F9D];
	_ =	swait.ge [sflag:s4], $0x0  }
0x19: {  	s7 =	sld [smem:$0x3F9E]  }
0x1a: {  	s8 =	sadd.s32 $0xFFFFE003, lr  }
0x1b: {  	s9 =	sadd.s32 $0xFFFFFEF7, lr;
	s5 =	simm.s32 $0xFFFFFFFF;
	p2 =	slt.u32 s8, $0xFFFFF086  }
0x1c: {  	p1 =	slt.u32 s9, $0xF7A;
	s5 =	simm.s32 @!p2 $0x0  }
0x1d: {  	s5 =	simm.s32 @p1 $0x1;
	p0 =	seq.s32 s7, s2  }
0x1e: {  	s7 =	smul.u32 @!p0 $0xF7A, s2;
	p2 =	seq.s32 @!p0 s5, $0x0  }
0x1f: {  	s9 =	smul.u32 $0xF7A, s1;
	s8 =	simm.s32 @!p0 $0x1BF5;
	p2 =	por !p2, p0  }
0x20: {  	[sflag:s8] =	ssyncset.s32 @!p0 $0xFFFFF086;
	s6 =	sadd.s32 @!p0 s3, s7;
	s7 =	simm.s32 @!p0 $0x108  }
0x21: {  	s3 =	sadd.s32 s3, s9;
	s6 =	sadd.s32 @!p0 $0x88, s6;
	s7 =	simm.s32 @p2 $0x1082  }
0x22: {  	[simem:s7], [sflag:s8] =	dma.local @!p0 [hbm:s6], $0xF7A  }
0x23: {  	s9 =	sor.u32 $0xD0000000, s2;
	s6 =	simm.s32 $0x108;
	_ =	swait.ge @!p0 [sflag:s8], $0x0  }
0x24: {  	s3 =	sadd.s32 $0x88, s3;
	s6 =	simm.s32 @!p1 $0x1082;
	[sflag:s4] =	ssyncset.s32 $0xFFFFF086  }
0x25: {  	[simem:s6], [sflag:s4] =	dma.local [hbm:s3], $0xF7A  }
0x26: {  	[smem:$0x3F9E] =	sst s1;
	(tag) =	ssettag s2;
	_ =	strace s9  }
0x27: {  	s1 =	sld [smem:$0x3FAE]  }
0x28: {  	s2 =	sld [smem:$0x3FAF]  }
0x29: {  	s4 =	sld [smem:$0x3FB1]  }
0x2a: {  	p0 =	seq.s32 s5, $0x0;
	s5 =	sld [smem:$0x3FB2]  }
0x2b: {  	s6 =	sld [smem:$0x3FB3]  }
0x2c: {  	s7 =	sld [smem:$0x3FB4]  }
0x2d: {  	s3 =	simm.s32 $0x108;
	s8 =	sld [smem:$0x3FB5]  }
0x2e: {  	s3 =	simm.s32 @!p0 $0x1082;
	s9 =	sld [smem:$0x3FB6]  }
0x2f: {  	lr =	sadd.s32 s0, s3;
	s0 =	sld [smem:$0x3FAD]  }
0x30: {  	s3 =	sld [smem:$0x3FB0]  }
0x31: {  	[smem:$0x3FB9] =	sst s10  }
0x32: {  	s10 =	sld [smem:$0x3FB7];
	_ =	sdelay $0x3  }
0x33: {  	p0 =	seq.s32 s10, $0x1;
	s10 =	sld [smem:$0x3FB9];
	_ =	sdelay $0x3  }
0x34: {  	[smem:$0x3FB9] =	sst s10  }
0x35: {  	s10 =	sld [smem:$0x3FB8];
	_ =	sdelay $0x3  }
0x36: {  	p1 =	seq.s32 s10, $0x1;
	s10 =	sld [smem:$0x3FB9];
	_ =	sdelay $0x3  }
0x37: {  	[smem:$0x3FB9] =	sst s10  }
0x38: {  	s10 =	sld [smem:$0x3FBA]  }
0x39: {  	_ = 	snop;
	(pc) =	sbr.ind lr, $3  }
0x3a: {  	_ = 	snop  }
0x3b: {  	_ = 	snop  }
0x3c: {  	p2 =	seq.s32 s10, $0x1;
	s10 =	sld [smem:$0x3FB9]  }
0x3d: {  	_ =	shalt  }
0x3e: {  	_ =	shalt  }
0x3f: {  	_ =	shalt  }
0x40: {  	_ =	shalt  }
0x41: {  	_ =	shalt  }
0x42: {  	_ =	shalt  }
0x43: {  	_ =	shalt  }
0x44: {  	_ =	shalt  }
0x45: {  	_ =	shalt  }
0x46: {  	_ =	shalt  }
0x47: {  	_ =	shalt  }
0x48: {  	_ =	shalt  }
0x49: {  	_ =	shalt  }
0x4a: {  	_ =	shalt  }
0x4b: {  	_ =	shalt  }
0x4c: {  	_ =	shalt  }
0x4d: {  	_ =	shalt  }
0x4e: {  	_ =	shalt  }
0x4f: {  	_ =	shalt  }
0x50: {  	_ =	shalt  }
0x51: {  	_ =	shalt  }
0x52: {  	_ =	shalt  }
0x53: {  	_ =	shalt  }
0x54: {  	_ =	shalt  }
0x55: {  	_ =	shalt  }
0x56: {  	_ =	shalt  }
0x57: {  	_ =	shalt  }
0x58: {  	_ =	shalt  }
0x59: {  	_ =	shalt  }
0x5a: {  	_ =	shalt  }
0x5b: {  	_ =	shalt  }
0x5c: {  	_ =	shalt  }
0x5d: {  	_ =	shalt  }
0x5e: {  	_ =	shalt  }
0x5f: {  	_ =	shalt  }
0x60: {  	_ =	shalt  }
0x61: {  	_ =	shalt  }
0x62: {  	_ =	shalt  }
0x63: {  	_ =	shalt  }
0x64: {  	_ =	shalt  }
0x65: {  	_ =	shalt  }
0x66: {  	_ =	shalt  }
0x67: {  	_ =	shalt  }
0x68: {  	_ =	shalt  }
0x69: {  	_ =	shalt  }
0x6a: {  	_ =	shalt  }
0x6b: {  	_ =	shalt  }
0x6c: {  	_ =	shalt  }
0x6d: {  	_ =	shalt  }
0x6e: {  	_ =	shalt  }
0x6f: {  	_ =	shalt  }
0x70: {  	_ =	shalt  }
0x71: {  	_ =	shalt  }
0x72: {  	_ =	shalt  }
0x73: {  	_ =	shalt  }
0x74: {  	_ =	shalt  }
0x75: {  	_ =	shalt  }
0x76: {  	_ =	shalt  }
0x77: {  	_ =	shalt  }
0x78: {  	_ =	shalt  }
0x79: {  	_ =	shalt  }
0x7a: {  	_ =	shalt  }
0x7b: {  	_ =	shalt  }
0x7c: {  	_ =	shalt  }
0x7d: {  	_ =	shalt  }
0x7e: {  	_ =	shalt  }
0x7f: {  	_ =	shalt  }
0x80: {  	_ =	shalt  }
0x81: {  	_ =	shalt  }
0x82: {  	_ =	shalt  }
0x83: {  	_ =	shalt  }
0x84: {  	_ =	shalt  }
0x85: {  	_ =	shalt  }
0x86: {  	_ =	shalt  }
0x87: {  	_ =	shalt  }
.Lfunc_end0:
.L_simem_size_0:
called_computation_lowered:
.L_overlay_start_0:
0x88: {  	s2 =	sld [smem:$0x3FD9]  }
0x89: {  	s3 =	sld [smem:$0x3FFE];
	_ =	sdelay $0x1  }
0x8a: {  	s1 =	srdreg.scid  }
0x8b: {  	s0 =	sand.u32 $0x1, s1  }
0x8c: {  	s17 =	sshll.u32 s0, $0xA;
	s2 =	sadd.s32 s3, s2  }
0x8d: {  	s2 =	sadd.s32 s2, s17  }
0x8e: {  	[smem:$0x3FC5] =	sst s2  }
0x8f: {  	_ = 	snop  }
0x90: {  	s2 =	sld [smem:$0x3FC9]  }
0x91: {  	s18 =	sld [smem:$0x3FC8]  }
0x92: {  	s4 =	sld [smem:$0x3FC7];
	(tm) =	ssettm $0x1  }
0x93: {  	s5 =	sld [smem:$0x3FFB];
	_ =	sdelay $0x3  }
0x94: {  	_ =	strace s5  }
0x95: {  	s5 =	sld [smem:$0x3FFC];
	_ =	sdelay $0x3  }
0x96: {  	_ =	strace s5  }
0x97: {  	s5 =	sld [smem:$0x3FFD];
	_ =	sdelay $0x3  }
0x98: {  	_ =	strace s5  }
0x99: {  	_ =	strace $0x8FFFFFFF  }
0x9a: {  	s19 =	sld [smem:$0x3FDB];
	_ =	sdelay $0x1  }
0x9b: {  	s6 =	simm.s32 $_scs_section_size  }
0x9c: {  	s7 =	simm.s32 $_size__tile_overlayer_lowered;
	s8 =	simm.s32 $_tile_overlayer_lowered  }
0x9d: {  	s22 =	simm.s32 $0x1BFF;
	s21 =	sshll.u32 s8, $0x1;
	s5 =	sadd.s32 s6, s19  }
0x9e: {  	s9 =	simm.s32 $0x0;
	s20 =	sshll.u32 s7, $0x1;
	s7 =	sadd.s32 s21, s5  }
0x9f: {  	[timem:s9], [sflag:s22] =	dma.local [hbm:s7], s20  }
0xa0: {  	_ =	swait.ge [sflag:s22], s20  }
0xa1: {  	s6 =	ssub.s32 $0x0, s20;
	[sflag:s22] =	ssyncset.done $0x0  }
0xa2: {  	[sflag:s22] =	ssyncadd.s32 s6;
	_ =	sdelay $0x1  }
0xa3: {  	s23 =	simm.s32 $0x1B8B  }
0xa4: {  	_ =	swait.ge [sflag:s23], $0x1  }
0xa5: {  	[sflag:s23] =	ssyncset.done $0x0  }
0xa6: {  	s25 =	simm.s32 $0x1B8E;
	s24 =	sld [smem:$0x3FFE];
	[sflag:s23] =	ssyncadd.s32 $0xFFFFFFFF  }
0xa7: {  	s26 =	simm.s32 $execute0_lowered;
	[smem:$0x3FD2] =	sst s25  }
0xa8: {  	s7 =	sshll.u32 s26, $0x1;
	_ =	strace $0x80000046;
	[dreg:$0x1] =	wrdreg $0xFFFFFFFF  }
0xa9: {  	s28 =	simm.s32 $_size_execute0_lowered;
	s5 =	sadd.s32 s5, s7;
	[dreg:$0x0] =	wrdreg $0x0  }
0xaa: {  	s7 =	sshll.u32 s28, $0x1;
	[dreg:$0x2] =	wrdreg s5  }
0xab: {  	[dreg:$0x3] =	wrdreg s7  }
0xac: {  	[dreg:$0x4] =	wrdreg $0xC0  }
0xad: {  	_ =	task [dreg:s9], $0x5FFFF  }
0xae: {  	[dreg:$0x1] =	wrdreg $0xFFFFFFFF  }
0xaf: {  	[dreg:$0x0] =	wrdreg $0x60  }
0xb0: {  	[dreg:$0x2] =	wrdreg s2  }
0xb1: {  	[dreg:$0x3] =	wrdreg s18  }
0xb2: {  	[dreg:$0x4] =	wrdreg s4  }
0xb3: {  	[dreg:$0x5] =	wrdreg s24  }
0xb4: {  	[dreg:$0x6] =	wrdreg $0x11C000  }
0xb5: {  	[dreg:$0x7] =	wrdreg $0x9  }
0xb6: {  	_ =	task.clear_ibuf [dreg:s9], $0x8FFFF;
	_ =	strace $0x90000046  }
0xb7: {  	s29 =	simm.s32 $0x9;
	_ =	strace $0x80000048  }
0xb8: {  	_ =	swait.ge [sflag:s29], $0x1  }
0xb9: {  	[sflag:s29] =	ssyncadd.s32 $0xFFFFFFFF  }
0xba: {  	_ =	strace $0x90000048  }
0xbb: {  	_ =	sfence  }
0xbc: {  	s30 =	sld [smem:$0x0];
	_ =	sdelay $0x2  }
0xbd: {  	s31 =	sshll.u32 s1, $0xD;
	s1 =	sshrl.u32 s1, $0x2  }
0xbe: {  	s3 =	sand.u32 $0x4000, s31;
	s1 =	sadd.s32 s1, s30  }
0xbf: {  	s0 =	sor.u32 s3, s0;
	s1 =	sshll.u32 s1, $0x11  }
0xc0: {  	s0 =	sor.u32 s1, s0  }
0xc1: {  	s0 =	sadd.s32 $0x8F2B, s0  }
0xc2: {  	[sflag:s0] =	ssyncadd.remote.s32 $0x1  }
0xc3: {  	_ =	sfence.sel $0xFFFF  }
0xc4: {  	[dreg:$0x0] =	wrdreg $0xFFFFFFFF;
	(pc) =	sbr.abs _section_cstart, $3  }
0xc5: {  	[dreg:$0x1] =	wrdreg $0xFFFFFFFF  }
0xc6: {  	_ =	task.clear_ibuf [dreg:s9], $0x2FFFF;
	_ =	strace $0x9FFFFFFF  }
0xc7: {  	(tm) =	ssettm $0x7FFFFFFF  }
tec
execute0_lowered:
.L_overlay_start_1:
0x0: {  	(tag) =	ssettag $0x1  }
0x1: {  	s9 =	rddreg [dreg:$0x0]  }
0x2: {  	s0 =	rddreg [dreg:$0x1]  }
0x3: {  	s1 =	rddreg [dreg:$0x2]  }
0x4: {  	s2 =	rddreg [dreg:$0x3]  }
0x5: {  	s10 =	rddreg [dreg:$0x4];
	s3 =	srdreg.scid  }
0x6: {  	s5 =	simm.s32 $0x0;
	s4 =	stileid.u32;
	s3 =	sand.u32 $0x1, s3  }
0x7: {  	[smem:$0x7FF] =	sst s5;
	s18 =	sshll.u32 s4, $0xA;
	s23 =	sadd.s32 $0x100, s9  }
0x8: {  	s24 =	sadd.s32 $0x200, s9;
	_ =	strace $0x80000047;
	[smem:$0x7F5] =	sst s23  }
0x9: {  	s22 =	sshll.u32 s4, $0x7;
	s25 =	sadd.s32 $0x300, s9;
	[smem:$0x7F6] =	sst s24  }
0xa: {  	s26 =	sadd.s32 $0x200, s10;
	s28 =	sadd.s32 $0x2000, s10;
	[smem:$0x7F7] =	sst s25  }
0xb: {  	s29 =	sadd.s32 $0x2200, s10;
	s5 =	simm.s32 $0x3;
	[smem:$0x7F9] =	sst s26  }
0xc: {  	s6 =	sshll.u32 s3, $0x9;
	s7 =	ssub.s32 $0x2, s3;
	[smem:$0x7FA] =	sst s28  }
0xd: {  	s3 =	sshll.u32 s3, $0x4;
	s21 =	sand.u32 $0x2000, s18;
	[smem:$0x7FB] =	sst s29  }
0xe: {  	s6 =	sor.u32 s6, s18;
	s8 =	sshrl.u32 s7, $0x1;
	s2 =	sadd.s32 s3, s2  }
0xf: {  	s6 =	sshrl.u32 s6, $0x3;
	s19 =	ssub.s32 s7, s8;
	s30 =	sadd.s32 $0x200, s2  }
.Ltmp0:
0x10: {  	s0 =	sadd.s32 s0, s6;
	[smem:$0x7FC] =	sst s30;
	(pc) =	sbr.rel .LBB2_1-.Ltmp0, $4  }
0x11: {  	s20 =	sadd.s32 s1, s6;
	s1 =	sand.u32 $0x380, s22;
	[smem:$0x7F3] =	sst s0  }
0x12: {  	v3 =	vlaneseq.u32;
	s31 =	smax.u32 s19, $0x1;
	[smem:$0x7F4] =	sst s20;
	s0 =	sadd.s32 s21, s10  }
0x13: {  	v0 =	vimm.f32 $0.0e+00;
	vm0 =	vmmov $0xffff;
	p0 =	sne.s32 s4, $0x0;
	v2 =	vshrl.u32 v3, $0x3;
	[smem:$0x7FD] =	sst s31;
	s0 =	sadd.s32 s1, s0  }
0x14: {  	v1 =	vand.u32 $0x7, v3;
	v3 =	vor.u32 $0x8, v3;
	v2 =	vmul.u32 $0x8, v2;
	s6 =	simm.s32 $0x400;
	s1 =	simm.s32 $0x0;
	[smem:$0x7F8] =	sst s0  }
.LBB2_10:
0x15: {  	s0 =	sld [smem:$0x7F8]  }
0x16: {  	s6 =	simm.s32 $0x400  }
0x17: {  	s1 =	simm.s32 $0x80;
	s2 =	simm.s32 $0x10400;
	s5 =	simm.s32 $0x3  }
0x18: {  	[spmem:s0] =	stream.strided.scatter [tilespmem:s2], [sflag:$0x3], $0x400, s6, s1, $0x38;
	[tilespmem:$0x12000] =	vst v63  }
.Ltmp1:
0x19: {  	_ =	swait.ge [sflag:s5], $0x400;
	(pc) =	sbr.rel @!p0 .LBB2_11-.Ltmp1, $4  }
0x1a: {  	[sflag:s5] =	ssyncset.done $0x0  }
0x1b: {  	[sflag:s5] =	ssyncadd.s32 $0xFFFFFC00  }
0x1c: {  	[bflag:$0x0] =	sbarrier.arrive $0xFFFF  }
0x1d: {  	s1 =	sld [smem:$0x7F2]  }
.LBB2_22:
0x1e: {  	s0 =	sld [smem:$0x7FD];
	_ =	sdelay $0x1  }
0x1f: {  	s1 =	sadd.s32 $0x1, s1  }
0x20: {  	p1 =	sne.s32 s1, s0  }
.Ltmp2:
0x21: {  	_ = 	snop;
	(pc) =	sbr.rel @!p1 .LBB2_23-.Ltmp2, $1  }
0x22: {  	_ =	sdelay $0x3  }
.LBB2_1:
0x23: {  	s30 =	sld [smem:$0x7F3];
	_ =	sdelay $0x1  }
0x24: {  	[smem:$0x7F2] =	sst s1;
	s0 =	simm.s32 $0x0  }
0x25: {  	[tilespmem:s0], [sflag:$0x3] =	stream.linear.gather [hbm4b:s30+s0], $0x200, $0x38;
	[tilespmem:$0x12000] =	vst v63  }
0x26: {  	_ =	swait.ge [sflag:s5], $0x200  }
0x27: {  	s31 =	sld [smem:$0x7F4]  }
0x28: {  	[sflag:s5] =	ssyncset.done $0x0  }
0x29: {  	s2 =	simm.s32 $0x200;
	[sflag:s5] =	ssyncadd.s32 $0xFFFFFE00  }
0x2a: {  	[tilespmem:s2], [sflag:$0x3] =	stream.linear.gather [hbm4b:s31+s0], $0x200, $0x38;
	[tilespmem:$0x12000] =	vst v63  }
0x2b: {  	_ =	swait.ge [sflag:s5], $0x200  }
0x2c: {  	[sflag:s5] =	ssyncset.done $0x0  }
0x2d: {  	s1 =	simm.s32 $0x0;
	s0 =	simm.s32 $0x40;
	[sflag:s5] =	ssyncadd.s32 $0xFFFFFE00  }
.LBB2_2:
0x2e: {  	p1 =	sne.s32 s0, $0xFC0;
	[tilespmem:s1+$0x10400] =	vst v0;
	s1 =	smov.u32 s0;
	s0 =	sadd.s32 $0x40, s0  }
.Ltmp3:
0x2f: {  	(pc) =	sbr.rel @p1 .LBB2_2-.Ltmp3, $2  }
0x30: {  	_ =	sdelay $0x2  }
0x31: {  	s1 =	sshra.s32 s1, $0x2  }
0x32: {  	[tilespmem:s1+$0x10400] =	vst v0  }
0x33: {  	v4 =	vld [tilespmem:$0x0];
	_ =	sdelay $0x4  }
0x34: {  	v5 =	vshll.u32 v4, $0x3  }
0x35: {  	v4 =	vand.u32 $0x7, v4;
	v5 =	vand.u32 $0xFFFFFFC0, v5  }
0x36: {  	v4 =	vor.u32 v4, v5  }
0x37: {  	v5 =	vperm.xlane v4, v1;
	_ =	sdelay $0x1  }
0x38: {  	v5 =	vadd.s32 v2, v5;
	_ =	sdelay $0x2  }
0x39: {  	s0 =	rddreg [dreg:$0x0]  }
0x3a: {  	s5 =	simm.s32 $0x0;
	s1 =	sld [smem:$0x7F5]  }
0x3b: {  	[tilespmem:s6], [sflag:$0x1] =	stream.indirect_vreg.gather [hbm4b:s0+s5], $0x80, v5, vm0, $0xb8;
	[tilespmem:$0x12000] =	vst v63  }
0x3c: {  	s2 =	simm.s32 $0xC00  }
0x3d: {  	[tilespmem:s2], [sflag:$0x1] =	stream.indirect_vreg.gather [hbm4b:s1+s5], $0x80, v5, vm0, $0xb8;
	[tilespmem:$0x12000] =	vst v63  }
0x3e: {  	s2 =	sld [smem:$0x7F6];
	_ =	sdelay $0x1  }
0x3f: {  	s3 =	simm.s32 $0x1400;
	v4 =	vperm.xlane v4, v3  }
0x40: {  	[tilespmem:s3], [sflag:$0x1] =	stream.indirect_vreg.gather [hbm4b:s2+s5], $0x80, v5, vm0, $0xb8;
	[tilespmem:$0x12000] =	vst v63  }
0x41: {  	v4 =	vadd.s32 v2, v4;
	s3 =	sld [smem:$0x7F7];
	_ =	sdelay $0x1  }
0x42: {  	s4 =	simm.s32 $0x1C00  }
0x43: {  	[tilespmem:s4], [sflag:$0x1] =	stream.indirect_vreg.gather [hbm4b:s3+s5], $0x80, v5, vm0, $0xb8;
	[tilespmem:$0x12000] =	vst v63  }
0x44: {  	s29 =	simm.s32 $0x2400  }
0x45: {  	[tilespmem:s29], [sflag:$0x1] =	stream.indirect_vreg.gather [hbm4b:s0+s5], $0x80, v4, vm0, $0xb8;
	[tilespmem:$0x12000] =	vst v63  }
0x46: {  	s30 =	simm.s32 $0x2C00  }
0x47: {  	[tilespmem:s30], [sflag:$0x1] =	stream.indirect_vreg.gather [hbm4b:s1+s5], $0x80, v4, vm0, $0xb8;
	[tilespmem:$0x12000] =	vst v63  }
0x48: {  	s31 =	simm.s32 $0x3400  }
0x49: {  	[tilespmem:s31], [sflag:$0x1] =	stream.indirect_vreg.gather [hbm4b:s2+s5], $0x80, v4, vm0, $0xb8;
	[tilespmem:$0x12000] =	vst v63  }
0x4a: {  	s6 =	simm.s32 $0x3C00  }
0x4b: {  	[tilespmem:s6], [sflag:$0x1] =	stream.indirect_vreg.gather [hbm4b:s3+s5], $0x80, v4, vm0, $0xb8;
	[tilespmem:$0x12000] =	vst v63  }
0x4c: {  	v4 =	vld [tilespmem:$0x10];
	_ =	sdelay $0x4  }
0x4d: {  	v5 =	vshll.u32 v4, $0x3  }
0x4e: {  	v4 =	vand.u32 $0x7, v4;
	v5 =	vand.u32 $0xFFFFFFC0, v5  }
0x4f: {  	v4 =	vor.u32 v4, v5  }
0x50: {  	v5 =	vperm.xlane v4, v1;
	_ =	sdelay $0x1  }
0x51: {  	v5 =	vadd.s32 v2, v5;
	_ =	sdelay $0x3  }
0x52: {  	s7 =	simm.s32 $0x4400  }
0x53: {  	[tilespmem:s7], [sflag:$0x1] =	stream.indirect_vreg.gather [hbm4b:s0+s5], $0x80, v5, vm0, $0xb8;
	[tilespmem:$0x12000] =	vst v63  }
0x54: {  	s8 =	simm.s32 $0x4C00;
	v4 =	vperm.xlane v4, v3  }
0x55: {  	[tilespmem:s8], [sflag:$0x1] =	stream.indirect_vreg.gather [hbm4b:s1+s5], $0x80, v5, vm0, $0xb8;
	[tilespmem:$0x12000] =	vst v63  }
0x56: {  	s9 =	simm.s32 $0x5400;
	v4 =	vadd.s32 v2, v4  }
0x57: {  	[tilespmem:s9], [sflag:$0x1] =	stream.indirect_vreg.gather [hbm4b:s2+s5], $0x80, v5, vm0, $0xb8;
	[tilespmem:$0x12000] =	vst v63  }
0x58: {  	s10 =	simm.s32 $0x5C00  }
0x59: {  	[tilespmem:s10], [sflag:$0x1] =	stream.indirect_vreg.gather [hbm4b:s3+s5], $0x80, v5, vm0, $0xb8;
	[tilespmem:$0x12000] =	vst v63  }
0x5a: {  	s11 =	simm.s32 $0x6400  }
0x5b: {  	[tilespmem:s11], [sflag:$0x1] =	stream.indirect_vreg.gather [hbm4b:s0+s5], $0x80, v4, vm0, $0xb8;
	[tilespmem:$0x12000] =	vst v63  }
0x5c: {  	s12 =	simm.s32 $0x6C00  }
0x5d: {  	[tilespmem:s12], [sflag:$0x1] =	stream.indirect_vreg.gather [hbm4b:s1+s5], $0x80, v4, vm0, $0xb8;
	[tilespmem:$0x12000] =	vst v63  }
0x5e: {  	s13 =	simm.s32 $0x7400  }
0x5f: {  	[tilespmem:s13], [sflag:$0x1] =	stream.indirect_vreg.gather [hbm4b:s2+s5], $0x80, v4, vm0, $0xb8;
	[tilespmem:$0x12000] =	vst v63  }
0x60: {  	s14 =	simm.s32 $0x7C00  }
0x61: {  	[tilespmem:s14], [sflag:$0x1] =	stream.indirect_vreg.gather [hbm4b:s3+s5], $0x80, v4, vm0, $0xb8;
	[tilespmem:$0x12000] =	vst v63  }
0x62: {  	v4 =	vld [tilespmem:$0x20];
	_ =	sdelay $0x4  }
0x63: {  	v5 =	vshll.u32 v4, $0x3  }
0x64: {  	v4 =	vand.u32 $0x7, v4;
	v5 =	vand.u32 $0xFFFFFFC0, v5  }
0x65: {  	v4 =	vor.u32 v4, v5  }
0x66: {  	v5 =	vperm.xlane v4, v1;
	_ =	sdelay $0x1  }
0x67: {  	v5 =	vadd.s32 v2, v5;
	_ =	sdelay $0x3  }
0x68: {  	s15 =	simm.s32 $0x8400  }
0x69: {  	[tilespmem:s15], [sflag:$0x2] =	stream.indirect_vreg.gather [hbm4b:s0+s5], $0x80, v5, vm0, $0xb8;
	[tilespmem:$0x12000] =	vst v63  }
0x6a: {  	s16 =	simm.s32 $0x8C00;
	v4 =	vperm.xlane v4, v3  }
0x6b: {  	[tilespmem:s16], [sflag:$0x2] =	stream.indirect_vreg.gather [hbm4b:s1+s5], $0x80, v5, vm0, $0xb8;
	[tilespmem:$0x12000] =	vst v63  }
0x6c: {  	s17 =	simm.s32 $0x9400;
	v4 =	vadd.s32 v2, v4  }
0x6d: {  	[tilespmem:s17], [sflag:$0x2] =	stream.indirect_vreg.gather [hbm4b:s2+s5], $0x80, v5, vm0, $0xb8;
	[tilespmem:$0x12000] =	vst v63  }
0x6e: {  	s18 =	simm.s32 $0x9C00  }
0x6f: {  	[tilespmem:s18], [sflag:$0x2] =	stream.indirect_vreg.gather [hbm4b:s3+s5], $0x80, v5, vm0, $0xb8;
	[tilespmem:$0x12000] =	vst v63  }
0x70: {  	s19 =	simm.s32 $0xA400  }
0x71: {  	[tilespmem:s19], [sflag:$0x2] =	stream.indirect_vreg.gather [hbm4b:s0+s5], $0x80, v4, vm0, $0xb8;
	[tilespmem:$0x12000] =	vst v63  }
0x72: {  	s20 =	simm.s32 $0xAC00  }
0x73: {  	[tilespmem:s20], [sflag:$0x2] =	stream.indirect_vreg.gather [hbm4b:s1+s5], $0x80, v4, vm0, $0xb8;
	[tilespmem:$0x12000] =	vst v63  }
0x74: {  	s21 =	simm.s32 $0xB400  }
0x75: {  	[tilespmem:s21], [sflag:$0x2] =	stream.indirect_vreg.gather [hbm4b:s2+s5], $0x80, v4, vm0, $0xb8;
	[tilespmem:$0x12000] =	vst v63  }
0x76: {  	s22 =	simm.s32 $0xBC00  }
0x77: {  	[tilespmem:s22], [sflag:$0x2] =	stream.indirect_vreg.gather [hbm4b:s3+s5], $0x80, v4, vm0, $0xb8;
	[tilespmem:$0x12000] =	vst v63  }
0x78: {  	v4 =	vld [tilespmem:$0x30];
	_ =	sdelay $0x4  }
0x79: {  	v5 =	vshll.u32 v4, $0x3  }
0x7a: {  	v4 =	vand.u32 $0x7, v4;
	v5 =	vand.u32 $0xFFFFFFC0, v5  }
0x7b: {  	v4 =	vor.u32 v4, v5  }
0x7c: {  	v5 =	vperm.xlane v4, v1;
	_ =	sdelay $0x1  }
0x7d: {  	v5 =	vadd.s32 v2, v5;
	_ =	sdelay $0x3  }
0x7e: {  	s23 =	simm.s32 $0xC400  }
0x7f: {  	[tilespmem:s23], [sflag:$0x2] =	stream.indirect_vreg.gather [hbm4b:s0+s5], $0x80, v5, vm0, $0xb8;
	[tilespmem:$0x12000] =	vst v63  }
0x80: {  	s24 =	simm.s32 $0xCC00;
	v4 =	vperm.xlane v4, v3  }
0x81: {  	[tilespmem:s24], [sflag:$0x2] =	stream.indirect_vreg.gather [hbm4b:s1+s5], $0x80, v5, vm0, $0xb8;
	[tilespmem:$0x12000] =	vst v63  }
0x82: {  	s25 =	simm.s32 $0xD400;
	v4 =	vadd.s32 v2, v4  }
0x83: {  	[tilespmem:s25], [sflag:$0x2] =	stream.indirect_vreg.gather [hbm4b:s2+s5], $0x80, v5, vm0, $0xb8;
	[tilespmem:$0x12000] =	vst v63  }
0x84: {  	s26 =	simm.s32 $0xDC00  }
0x85: {  	[tilespmem:s26], [sflag:$0x2] =	stream.indirect_vreg.gather [hbm4b:s3+s5], $0x80, v5, vm0, $0xb8;
	[tilespmem:$0x12000] =	vst v63  }
0x86: {  	s28 =	simm.s32 $0xE400  }
0x87: {  	[tilespmem:s28], [sflag:$0x2] =	stream.indirect_vreg.gather [hbm4b:s0+s5], $0x80, v4, vm0, $0xb8;
	[tilespmem:$0x12000] =	vst v63  }
0x88: {  	s29 =	simm.s32 $0xEC00  }
0x89: {  	[tilespmem:s29], [sflag:$0x2] =	stream.indirect_vreg.gather [hbm4b:s1+s5], $0x80, v4, vm0, $0xb8;
	[tilespmem:$0x12000] =	vst v63  }
0x8a: {  	s30 =	simm.s32 $0xF400  }
0x8b: {  	[tilespmem:s30], [sflag:$0x2] =	stream.indirect_vreg.gather [hbm4b:s2+s5], $0x80, v4, vm0, $0xb8;
	[tilespmem:$0x12000] =	vst v63  }
0x8c: {  	s31 =	simm.s32 $0xFC00;
	s0 =	simm.s32 $0x0  }
0x8d: {  	[tilespmem:s31], [sflag:$0x2] =	stream.indirect_vreg.gather [hbm4b:s3+s5], $0x80, v4, vm0, $0xb8;
	[tilespmem:$0x12000] =	vst v63  }
.LBB2_4:
0x8e: {  	s25 =	sshll.u32 s0, $0x6  }
0x8f: {  	v4 =	vmov s25  }
0x90: {  	[smem:$0x7E6] =	sst s0;
	s1 =	simm.s32 $0x1;
	s0 =	sor.u32 $0x1, s25;
	v4 =	vbroadcast v4, $0x0  }
0x91: {  	s31 =	simm.s32 $0x0;
	s3 =	simm.s32 $0x10400;
	_ =	swait.ge [sflag:s1], $0x8000;
	v5 =	vmov s0  }
0x92: {  	s13 =	sor.u32 $0x2, s25;
	s26 =	sand.u32 $0x1C00, s31;
	[sflag:s1] =	ssyncset.done $0x0;
	v5 =	vbroadcast v5, $0x0  }
0x93: {  	v6 =	vmov s13;
	s15 =	sadd.s32 $0x400, s26;
	[sflag:s1] =	ssyncadd.s32 $0xFFFF8000;
	s1 =	sand.u32 $0x40, s31  }
0x94: {  	s14 =	sor.u32 $0x3, s25;
	v6 =	vbroadcast v6, $0x0;
	s4 =	sor.u32 s1, s15;
	v12 =	vld [tilespmem:s3+$0x0]  }
0x95: {  	s30 =	simm.s32 $0x200;
	v7 =	vmov s14;
	v9 =	vld [tilespmem:s4+$0x0]  }
0x96: {  	s2 =	sor.u32 $0x4, s25;
	v7 =	vbroadcast v7, $0x0;
	v4 =	vld.idx.msk [tilespmem:v4+s30+$0x0], $0xffff  }
0x97: {  	s16 =	sor.u32 $0x5, s25;
	v8 =	vmov s2;
	v10 =	vld [tilespmem:s4+$0x80]  }
0x98: {  	p1 =	por $0x0, $0x0;
	s5 =	simm.s32 $0x1;
	v11 =	vmov s16;
	v8 =	vbroadcast v8, $0x0;
	v5 =	vld.idx.msk [tilespmem:v5+s30+$0x0], $0xffff  }
0x99: {  	s17 =	sor.u32 $0x6, s25;
	s5 =	simm.s32 @!p1 $0x0;
	v11 =	vbroadcast v11, $0x0;
	v14 =	vld [tilespmem:s4+$0x100]  }
0x9a: {  	v13 =	vmov s17;
	s5 =	sshll.u32 s5, $0x6;
	v6 =	vld.idx.msk [tilespmem:v6+s30+$0x0], $0xffff  }
0x9b: {  	s18 =	sor.u32 $0x7, s25;
	v13 =	vbroadcast v13, $0x0;
	s0 =	sadd.s32 $0x0, s5;
	v16 =	vld [tilespmem:s4+$0x180];
	v9 =	vmul.f32 v9, v4  }
0x9c: {  	v15 =	vmov s18;
	s5 =	sor.u32 $0x200, s0;
	v7 =	vld.idx.msk [tilespmem:v7+s30+$0x0], $0xffff  }
0x9d: {  	s19 =	sor.u32 $0x8, s25;
	v15 =	vbroadcast v15, $0x0;
	v18 =	vld [tilespmem:s5+$0x400];
	v10 =	vmul.f32 v10, v5;
	v12 =	vadd.f32 v9, v12  }
0x9e: {  	v17 =	vmov s19;
	v8 =	vld.idx.msk [tilespmem:v8+s30+$0x0], $0xffff  }
0x9f: {  	s20 =	sor.u32 $0x9, s25;
	v17 =	vbroadcast v17, $0x0;
	s21 =	sor.u32 $0x280, s0;
	v9 =	vld.idx.msk [tilespmem:v11+s30+$0x0], $0xffff;
	v11 =	vadd.f32 v10, v12;
	v12 =	vmul.f32 v14, v6  }
0xa0: {  	v19 =	vld [tilespmem:s21+$0x400];
	v14 =	vmov s20  }
0xa1: {  	s22 =	sor.u32 $0xA, s25;
	s23 =	sor.u32 $0x300, s0;
	v10 =	vld.idx.msk [tilespmem:v13+s30+$0x0], $0xffff;
	v13 =	vbroadcast v14, $0x0;
	v14 =	vmul.f32 v16, v7;
	v12 =	vadd.f32 v12, v11  }
0xa2: {  	s24 =	sor.u32 s31, s31;
	v20 =	vld [tilespmem:s23+$0x400];
	v16 =	vmov s22  }
0xa3: {  	s28 =	sor.u32 $0xB, s25;
	s4 =	sor.u32 $0x380, s24;
	v11 =	vld.idx.msk [tilespmem:v15+s30+$0x0], $0xffff;
	v15 =	vbroadcast v16, $0x0;
	v16 =	vmul.f32 v18, v8;
	v14 =	vadd.f32 v14, v12  }
0xa4: {  	s29 =	sadd.s32 $0x2400, s26;
	v21 =	vld [tilespmem:s4+$0x400];
	v18 =	vmov s28  }
0xa5: {  	s6 =	sor.u32 s1, s29;
	s5 =	sor.u32 $0xC, s25;
	v12 =	vld.idx.msk [tilespmem:v17+s30+$0x0], $0xffff;
	v17 =	vbroadcast v18, $0x0;
	v14 =	vadd.f32 v16, v14;
	v16 =	vmul.f32 v19, v9  }
0xa6: {  	s4 =	sadd.s32 $0x2480, s26;
	v18 =	vmov s5;
	v19 =	vld [tilespmem:s6+$0x0]  }
0xa7: {  	s7 =	sor.u32 $0xD, s25;
	s5 =	sadd.s32 $0x2500, s26;
	v18 =	vbroadcast v18, $0x0;
	v20 =	vmul.f32 v20, v10;
	s6 =	sor.u32 s1, s4;
	v13 =	vld.idx.msk [tilespmem:v13+s30+$0x0], $0xffff;
	v16 =	vadd.f32 v16, v14  }
0xa8: {  	v22 =	vmov s7;
	s7 =	sor.u32 s1, s5;
	v23 =	vld [tilespmem:s6+$0x0]  }
0xa9: {  	s8 =	sor.u32 $0xE, s25;
	v22 =	vbroadcast v22, $0x0;
	v24 =	vld [tilespmem:s7+$0x0];
	v16 =	vadd.f32 v20, v16;
	v20 =	vmul.f32 v21, v11  }
0xaa: {  	s6 =	sadd.s32 $0x2580, s26;
	v14 =	vld.idx.msk [tilespmem:v15+s30+$0x0], $0xffff;
	v21 =	vmov s8  }
0xab: {  	v15 =	vld.idx.msk [tilespmem:v17+s30+$0x0], $0xffff;
	s8 =	sor.u32 s1, s6;
	v21 =	vbroadcast v21, $0x0;
	v19 =	vmul.f32 v19, v12;
	v17 =	vadd.f32 v20, v16  }
0xac: {  	s9 =	sor.u32 $0xF, s25;
	s7 =	sadd.s32 $0x2600, s26;
	v25 =	vld [tilespmem:s8+$0x0]  }
0xad: {  	s10 =	sor.u32 $0x10, s25;
	v20 =	vmov s9;
	v16 =	vld.idx.msk [tilespmem:v18+s30+$0x0], $0xffff;
	s9 =	sor.u32 s1, s7;
	v18 =	vadd.f32 v19, v17;
	v19 =	vmul.f32 v23, v13  }
0xae: {  	s8 =	sadd.s32 $0x2680, s26;
	v20 =	vbroadcast v20, $0x0;
	v26 =	vld [tilespmem:s9+$0x0];
	v23 =	vmov s10  }
0xaf: {  	s11 =	sor.u32 $0x11, s25;
	v17 =	vld.idx.msk [tilespmem:v22+s30+$0x0], $0xffff;
	s10 =	sor.u32 s1, s8;
	v22 =	vbroadcast v23, $0x0;
	v23 =	vmul.f32 v24, v14;
	v19 =	vadd.f32 v19, v18  }
0xb0: {  	s9 =	sadd.s32 $0x2700, s26;
	v24 =	vmov s11;
	v27 =	vld [tilespmem:s10+$0x0]  }
0xb1: {  	s12 =	sor.u32 $0x12, s25;
	s11 =	sor.u32 s1, s9;
	s10 =	sadd.s32 $0x2780, s26;
	v18 =	vld.idx.msk [tilespmem:v21+s30+$0x0], $0xffff;
	v21 =	vbroadcast v24, $0x0;
	v24 =	vmul.f32 v25, v15;
	v23 =	vadd.f32 v23, v19  }
0xb2: {  	v28 =	vld [tilespmem:s11+$0x0];
	v25 =	vmov s12;
	s12 =	sor.u32 s1, s10  }
0xb3: {  	s13 =	sor.u32 $0x13, s25;
	v25 =	vbroadcast v25, $0x0;
	v29 =	vld [tilespmem:s12+$0x0];
	v23 =	vadd.f32 v24, v23;
	v24 =	vmul.f32 v26, v16  }
0xb4: {  	s11 =	sadd.s32 $0x4400, s26;
	v19 =	vld.idx.msk [tilespmem:v20+s30+$0x0], $0xffff;
	v26 =	vmov s13  }
0xb5: {  	s14 =	sor.u32 $0x14, s25;
	s13 =	sor.u32 s1, s11;
	v20 =	vld.idx.msk [tilespmem:v22+s30+$0x0], $0xffff;
	v26 =	vbroadcast v26, $0x0;
	v22 =	vadd.f32 v24, v23;
	v23 =	vmul.f32 v27, v17  }
0xb6: {  	s12 =	sadd.s32 $0x4480, s26;
	v24 =	vmov s14;
	v27 =	vld [tilespmem:s13+$0x0]  }
0xb7: {  	s14 =	sor.u32 s1, s12;
	v28 =	vmul.f32 v28, v18;
	v21 =	vld.idx.msk [tilespmem:v21+s30+$0x0], $0xffff;
	v24 =	vbroadcast v24, $0x0;
	v23 =	vadd.f32 v23, v22  }
0xb8: {  	[smem:$0x7F0] =	sst s15;
	s15 =	sor.u32 $0x15, s25;
	s13 =	sadd.s32 $0x4500, s26;
	v31 =	vld [tilespmem:s14+$0x0]  }
0xb9: {  	v30 =	vmov s15;
	s15 =	sor.u32 s1, s13;
	v22 =	vld.idx.msk [tilespmem:v25+s30+$0x0], $0xffff;
	v29 =	vmul.f32 v29, v19;
	v28 =	vadd.f32 v28, v23  }
0xba: {  	s16 =	sor.u32 $0x16, s25;
	s14 =	sadd.s32 $0x4580, s26;
	v25 =	vbroadcast v30, $0x0;
	v32 =	vld [tilespmem:s15+$0x0]  }
0xbb: {  	s17 =	sor.u32 $0x17, s25;
	v30 =	vmov s16;
	s16 =	sor.u32 s1, s14;
	v23 =	vld.idx.msk [tilespmem:v26+s30+$0x0], $0xffff;
	v27 =	vmul.f32 v27, v20;
	v28 =	vadd.f32 v29, v28  }
0xbc: {  	s18 =	sadd.s32 $0x4600, s26;
	v26 =	vbroadcast v30, $0x0;
	v30 =	vld [tilespmem:s16+$0x0];
	v29 =	vmov s17  }
0xbd: {  	s19 =	sor.u32 $0x18, s25;
	s16 =	sadd.s32 $0x4680, s26;
	s17 =	sor.u32 s1, s18;
	v24 =	vld.idx.msk [tilespmem:v24+s30+$0x0], $0xffff;
	v29 =	vbroadcast v29, $0x0;
	v27 =	vadd.f32 v27, v28;
	v28 =	vmul.f32 v31, v21  }
0xbe: {  	[smem:$0x7E9] =	sst s18;
	s18 =	sor.u32 s1, s16;
	v33 =	vld [tilespmem:s17+$0x0];
	v31 =	vmov s19  }
0xbf: {  	s15 =	sadd.s32 $0x4700, s26;
	v34 =	vld [tilespmem:s18+$0x0];
	v31 =	vbroadcast v31, $0x0;
	v27 =	vadd.f32 v28, v27;
	v28 =	vmul.f32 v32, v22  }
0xc0: {  	s20 =	sor.u32 $0x19, s25;
	v25 =	vld.idx.msk [tilespmem:v25+s30+$0x0], $0xffff;
	s19 =	sor.u32 s1, s15  }
0xc1: {  	v62 =	vmov s20;
	v35 =	vld [tilespmem:s19+$0x0];
	v30 =	vmul.f32 v30, v23;
	v28 =	vadd.f32 v28, v27  }
0xc2: {  	s21 =	sadd.s32 $0x4780, s26;
	s20 =	sor.u32 $0x1A, s25;
	v32 =	vbroadcast v62, $0x0;
	v26 =	vld.idx.msk [tilespmem:v26+s30+$0x0], $0xffff  }
0xc3: {  	s22 =	sor.u32 s1, s21;
	v33 =	vmul.f32 v33, v24;
	v27 =	vld.idx.msk [tilespmem:v29+s30+$0x0], $0xffff;
	v29 =	vmov s20;
	v30 =	vadd.f32 v30, v28  }
0xc4: {  	s23 =	sadd.s32 $0x6400, s26;
	[smem:$0x7EA] =	sst s21;
	s21 =	sor.u32 $0x1B, s25;
	v37 =	vld [tilespmem:s22+$0x0];
	v36 =	vbroadcast v29, $0x0  }
0xc5: {  	s24 =	sor.u32 s1, s23;
	s28 =	sadd.s32 $0x6480, s26;
	v29 =	vmov s21;
	v28 =	vld.idx.msk [tilespmem:v31+s30+$0x0], $0xffff;
	v31 =	vmul.f32 v34, v25;
	v30 =	vadd.f32 v33, v30  }
0xc6: {  	[smem:$0x7E8] =	sst s29;
	v44 =	vld [tilespmem:s24+$0x0];
	s22 =	sor.u32 $0x1C, s25;
	s29 =	sor.u32 s1, s28;
	v63 =	vbroadcast v29, $0x0  }
0xc7: {  	v45 =	vmov s22;
	v46 =	vld [tilespmem:s29+$0x0];
	s17 =	sadd.s32 $0x6500, s26;
	v30 =	vadd.f32 v31, v30;
	v31 =	vmul.f32 v35, v26  }
0xc8: {  	[smem:$0x7EB] =	sst s23;
	s18 =	sor.u32 $0x1D, s25;
	s23 =	sor.u32 s1, s17;
	v29 =	vld.idx.msk [tilespmem:v32+s30+$0x0], $0xffff;
	v32 =	vbroadcast v45, $0x0  }
0xc9: {  	v38 =	vmov s18;
	s18 =	sadd.s32 $0x6580, s26;
	v39 =	vld [tilespmem:s23+$0x0];
	v37 =	vmul.f32 v37, v27;
	v31 =	vadd.f32 v31, v30  }
0xca: {  	v47 =	vbroadcast v38, $0x0;
	s19 =	sor.u32 $0x1E, s25;
	s24 =	sor.u32 s1, s18;
	v30 =	vld.idx.msk [tilespmem:v36+s30+$0x0], $0xffff  }
0xcb: {  	v48 =	vmov s19;
	v40 =	vld [tilespmem:s24+$0x0];
	s20 =	sadd.s32 $0x6600, s26;
	v34 =	vmul.f32 v44, v28;
	v37 =	vadd.f32 v37, v31  }
0xcc: {  	s22 =	sor.u32 $0x1F, s25;
	v38 =	vbroadcast v48, $0x0;
	s23 =	sor.u32 s1, s20;
	v31 =	vld.idx.msk [tilespmem:v63+s30+$0x0], $0xffff  }
0xcd: {  	v49 =	vmov s22;
	s19 =	sadd.s32 $0x6680, s26;
	v41 =	vld [tilespmem:s23+$0x0];
	v35 =	vmul.f32 v46, v29;
	v34 =	vadd.f32 v34, v37  }
0xce: {  	v50 =	vbroadcast v49, $0x0;
	s21 =	smov.u32 s28;
	s28 =	sor.u32 s1, s19;
	v32 =	vld.idx.msk [tilespmem:v32+s30+$0x0], $0xffff  }
0xcf: {  	s29 =	sadd.s32 $0x6700, s26;
	v42 =	vld [tilespmem:s28+$0x0];
	v51 =	vmul.f32 v39, v30;
	v34 =	vadd.f32 v35, v34  }
0xd0: {  	[smem:$0x7EE] =	sst s29;
	s29 =	sor.u32 s1, s29;
	v33 =	vld.idx.msk [tilespmem:v47+s30+$0x0], $0xffff  }
0xd1: {  	v52 =	vld [tilespmem:s29+$0x0];
	s28 =	sadd.s32 $0x6780, s26;
	v53 =	vmul.f32 v40, v31;
	v35 =	vadd.f32 v51, v34  }
0xd2: {  	s2 =	sor.u32 s1, s28;
	v34 =	vld.idx.msk [tilespmem:v38+s30+$0x0], $0xffff  }
0xd3: {  	v54 =	vld [tilespmem:s2+$0x0];
	v55 =	vmul.f32 v41, v32;
	v39 =	vadd.f32 v53, v35  }
0xd4: {  	v35 =	vld.idx.msk [tilespmem:v50+s30+$0x0], $0xffff  }
0xd5: {  	v57 =	vmul.f32 v42, v33;
	v56 =	vadd.f32 v55, v39;
	_ =	sdelay $0x1  }
0xd6: {  	v36 =	vmul.f32 v52, v34;
	v37 =	vadd.f32 v57, v56;
	_ =	sdelay $0x1  }
0xd7: {  	v58 =	vmul.f32 v54, v35;
	v36 =	vadd.f32 v36, v37  }
0xd8: {  	s22 =	sld [smem:$0x7F0]  }
0xd9: {  	v36 =	vadd.f32 v58, v36  }
0xda: {  	[smem:$0x7EC] =	sst s17;
	s30 =	sor.u32 $0x10, s1  }
0xdb: {  	s17 =	sand.u32 $0x380, s31;
	[smem:$0x7ED] =	sst s20;
	s20 =	sor.u32 s30, s22;
	[tilespmem:s3+$0x0] =	vst v36  }
0xdc: {  	s23 =	sor.u32 $0x10400, s17;
	v36 =	vld [tilespmem:s20+$0x0]  }
0xdd: {  	s29 =	sor.u32 s30, s23;
	v59 =	vld [tilespmem:s20+$0x80]  }
0xde: {  	v60 =	vld [tilespmem:s29+$0x0];
	_ =	sdelay $0x1  }
0xdf: {  	v61 =	vld [tilespmem:s20+$0x100]  }
0xe0: {  	v36 =	vmul.f32 v36, v4  }
0xe1: {  	s24 =	sadd.s32 $0x10, s0;
	v62 =	vld [tilespmem:s20+$0x180]  }
0xe2: {  	[smem:$0x7F1] =	sst s0;
	s20 =	smov.u32 s0;
	s0 =	sor.u32 $0x200, s24;
	v37 =	vmul.f32 v59, v5;
	v36 =	vadd.f32 v36, v60  }
0xe3: {  	v63 =	vld [tilespmem:s0+$0x400]  }
0xe4: {  	[smem:$0x7E7] =	sst s25;
	s25 =	sor.u32 $0x280, s24;
	v44 =	vmul.f32 v61, v6;
	v36 =	vadd.f32 v37, v36  }
0xe5: {  	v45 =	vld [tilespmem:s25+$0x400]  }
0xe6: {  	s26 =	sor.u32 $0x300, s24;
	v46 =	vmul.f32 v62, v7;
	v36 =	vadd.f32 v44, v36  }
0xe7: {  	v47 =	vld [tilespmem:s26+$0x400];
	s26 =	sld [smem:$0x7E8]  }
0xe8: {  	s2 =	sor.u32 $0x380, s24;
	v48 =	vmul.f32 v63, v8;
	v36 =	vadd.f32 v46, v36  }
0xe9: {  	v49 =	vld [tilespmem:s2+$0x400]  }
0xea: {  	s3 =	sor.u32 s30, s26;
	v50 =	vmul.f32 v45, v9;
	v36 =	vadd.f32 v48, v36  }
0xeb: {  	v51 =	vld [tilespmem:s3+$0x0]  }
0xec: {  	s2 =	smov.u32 s4;
	s4 =	sor.u32 s30, s4;
	v52 =	vmul.f32 v47, v10;
	v36 =	vadd.f32 v50, v36  }
0xed: {  	v53 =	vld [tilespmem:s4+$0x0]  }
0xee: {  	s3 =	smov.u32 s5;
	s5 =	sor.u32 s30, s5;
	v54 =	vmul.f32 v49, v11;
	v36 =	vadd.f32 v52, v36  }
0xef: {  	v55 =	vld [tilespmem:s5+$0x0]  }
0xf0: {  	s4 =	smov.u32 s6;
	s6 =	sor.u32 s30, s6;
	v56 =	vmul.f32 v51, v12;
	v36 =	vadd.f32 v54, v36  }
0xf1: {  	v57 =	vld [tilespmem:s6+$0x0]  }
0xf2: {  	s5 =	smov.u32 s7;
	s7 =	sor.u32 s30, s7;
	v58 =	vmul.f32 v53, v13;
	v36 =	vadd.f32 v56, v36  }
0xf3: {  	v59 =	vld [tilespmem:s7+$0x0]  }
0xf4: {  	s6 =	smov.u32 s8;
	s8 =	sor.u32 s30, s8;
	v60 =	vmul.f32 v55, v14;
	v36 =	vadd.f32 v58, v36  }
0xf5: {  	v61 =	vld [tilespmem:s8+$0x0]  }
0xf6: {  	s7 =	smov.u32 s9;
	s9 =	sor.u32 s30, s9;
	v62 =	vmul.f32 v57, v15;
	v36 =	vadd.f32 v60, v36  }
0xf7: {  	v63 =	vld [tilespmem:s9+$0x0]  }
0xf8: {  	s8 =	smov.u32 s10;
	s10 =	sor.u32 s30, s10;
	v44 =	vmul.f32 v59, v16;
	v36 =	vadd.f32 v62, v36  }
0xf9: {  	v45 =	vld [tilespmem:s10+$0x0]  }
0xfa: {  	s9 =	smov.u32 s11;
	s11 =	sor.u32 s30, s11;
	v46 =	vmul.f32 v61, v17;
	v36 =	vadd.f32 v44, v36  }
0xfb: {  	v47 =	vld [tilespmem:s11+$0x0]  }
0xfc: {  	s10 =	smov.u32 s12;
	s12 =	sor.u32 s30, s12;
	v48 =	vmul.f32 v63, v18;
	v36 =	vadd.f32 v46, v36  }
0xfd: {  	v49 =	vld [tilespmem:s12+$0x0]  }
0xfe: {  	s17 =	sor.u32 s30, s13;
	v50 =	vmul.f32 v45, v19;
	v36 =	vadd.f32 v48, v36  }
0xff: {  	s11 =	smov.u32 s13;
	s13 =	sld [smem:$0x7E9];
	v51 =	vld [tilespmem:s17+$0x0]  }
0x100: {  	[smem:$0x7EF] =	sst s23;
	s23 =	sor.u32 s30, s14;
	v52 =	vmul.f32 v47, v20;
	v36 =	vadd.f32 v50, v36  }
0x101: {  	v53 =	vld [tilespmem:s23+$0x0]  }
0x102: {  	s24 =	sor.u32 s30, s13;
	v54 =	vmul.f32 v49, v21;
	v36 =	vadd.f32 v52, v36  }
0x103: {  	s31 =	sor.u32 s30, s15;
	v55 =	vld [tilespmem:s24+$0x0];
	s24 =	smov.u32 s15;
	s15 =	sld [smem:$0x7EA]  }
0x104: {  	s25 =	sor.u32 s30, s16;
	v56 =	vmul.f32 v51, v22;
	v36 =	vadd.f32 v54, v36  }
0x105: {  	v57 =	vld [tilespmem:s25+$0x0]  }
0x106: {  	s12 =	smov.u32 s14;
	s14 =	smov.u32 s16;
	v59 =	vld [tilespmem:s31+$0x0];
	s16 =	sor.u32 s30, s15;
	v58 =	vmul.f32 v53, v23;
	v36 =	vadd.f32 v56, v36  }
0x107: {  	v61 =	vld [tilespmem:s16+$0x0];
	s16 =	sld [smem:$0x7EB]  }
0x108: {  	v60 =	vmul.f32 v55, v24;
	v36 =	vadd.f32 v58, v36;
	_ =	sdelay $0x1  }
0x109: {  	s17 =	sor.u32 s30, s16;
	v62 =	vmul.f32 v57, v25;
	v36 =	vadd.f32 v60, v36  }
0x10a: {  	v63 =	vld [tilespmem:s17+$0x0];
	s17 =	sld [smem:$0x7EC]  }
0x10b: {  	s23 =	sor.u32 s30, s21;
	v44 =	vmul.f32 v59, v26;
	v36 =	vadd.f32 v62, v36  }
0x10c: {  	v45 =	vld [tilespmem:s23+$0x0]  }
0x10d: {  	s25 =	sor.u32 s30, s17;
	v46 =	vmul.f32 v61, v27;
	v36 =	vadd.f32 v44, v36  }
0x10e: {  	s31 =	sor.u32 s30, s18;
	s23 =	smov.u32 s18;
	s18 =	sld [smem:$0x7ED];
	v47 =	vld [tilespmem:s25+$0x0]  }
0x10f: {  	v48 =	vmul.f32 v63, v28;
	v36 =	vadd.f32 v46, v36  }
0x110: {  	v49 =	vld [tilespmem:s31+$0x0]  }
0x111: {  	s25 =	sor.u32 s30, s18;
	v50 =	vmul.f32 v45, v29;
	v36 =	vadd.f32 v48, v36  }
0x112: {  	s31 =	sor.u32 s30, s19;
	v51 =	vld [tilespmem:s25+$0x0];
	s25 =	smov.u32 s19;
	s19 =	sld [smem:$0x7EE]  }
0x113: {  	v52 =	vmul.f32 v47, v30;
	v36 =	vadd.f32 v50, v36  }
0x114: {  	v53 =	vld [tilespmem:s31+$0x0]  }
0x115: {  	s31 =	sor.u32 s30, s19;
	v54 =	vmul.f32 v49, v31;
	v36 =	vadd.f32 v52, v36  }
0x116: {  	v55 =	vld [tilespmem:s31+$0x0]  }
0x117: {  	s31 =	sor.u32 s30, s28;
	v56 =	vmul.f32 v51, v32;
	v36 =	vadd.f32 v54, v36  }
0x118: {  	v57 =	vld [tilespmem:s31+$0x0]  }
0x119: {  	v58 =	vmul.f32 v53, v33;
	v36 =	vadd.f32 v56, v36;
	_ =	sdelay $0x1  }
0x11a: {  	v59 =	vmul.f32 v55, v34;
	v36 =	vadd.f32 v58, v36;
	_ =	sdelay $0x1  }
0x11b: {  	v60 =	vmul.f32 v57, v35;
	v36 =	vadd.f32 v59, v36;
	_ =	sdelay $0x1  }
0x11c: {  	s30 =	sor.u32 $0x20, s1;
	v36 =	vadd.f32 v60, v36  }
0x11d: {  	s31 =	sor.u32 s30, s22;
	s22 =	sld [smem:$0x7EF]  }
0x11e: {  	[tilespmem:s29+$0x0] =	vst v36  }
0x11f: {  	v36 =	vld [tilespmem:s31+$0x0]  }
0x120: {  	s29 =	sor.u32 s30, s22;
	v61 =	vld [tilespmem:s31+$0x80]  }
0x121: {  	v62 =	vld [tilespmem:s29+$0x0];
	_ =	sdelay $0x1  }
0x122: {  	v63 =	vld [tilespmem:s31+$0x100]  }
0x123: {  	v36 =	vmul.f32 v36, v4  }
0x124: {  	s0 =	sadd.s32 $0x20, s20;
	v44 =	vld [tilespmem:s31+$0x180]  }
0x125: {  	s20 =	sor.u32 $0x200, s0;
	v37 =	vmul.f32 v61, v5;
	v36 =	vadd.f32 v36, v62  }
0x126: {  	v45 =	vld [tilespmem:s20+$0x400]  }
0x127: {  	s20 =	sor.u32 $0x280, s0;
	v46 =	vmul.f32 v63, v6;
	v36 =	vadd.f32 v37, v36  }
0x128: {  	v47 =	vld [tilespmem:s20+$0x400]  }
0x129: {  	s20 =	sor.u32 $0x300, s0;
	v48 =	vmul.f32 v44, v7;
	v36 =	vadd.f32 v46, v36  }
0x12a: {  	v49 =	vld [tilespmem:s20+$0x400]  }
0x12b: {  	s0 =	sor.u32 $0x380, s0;
	v50 =	vmul.f32 v45, v8;
	v36 =	vadd.f32 v48, v36  }
0x12c: {  	v51 =	vld [tilespmem:s0+$0x400]  }
0x12d: {  	s31 =	smov.u32 s26;
	s26 =	sor.u32 s30, s26;
	v52 =	vmul.f32 v47, v9;
	v36 =	vadd.f32 v50, v36  }
0x12e: {  	v53 =	vld [tilespmem:s26+$0x0]  }
0x12f: {  	s20 =	sor.u32 s30, s2;
	v54 =	vmul.f32 v49, v10;
	v36 =	vadd.f32 v52, v36  }
0x130: {  	v55 =	vld [tilespmem:s20+$0x0]  }
0x131: {  	s26 =	smov.u32 s2;
	s2 =	sor.u32 s30, s3;
	v56 =	vmul.f32 v51, v11;
	v36 =	vadd.f32 v54, v36  }
0x132: {  	v57 =	vld [tilespmem:s2+$0x0]  }
0x133: {  	s2 =	sor.u32 s30, s4;
	v58 =	vmul.f32 v53, v12;
	v36 =	vadd.f32 v56, v36  }
0x134: {  	v59 =	vld [tilespmem:s2+$0x0]  }
0x135: {  	s20 =	smov.u32 s3;
	s3 =	sor.u32 s30, s5;
	v60 =	vmul.f32 v55, v13;
	v36 =	vadd.f32 v58, v36  }
0x136: {  	v61 =	vld [tilespmem:s3+$0x0]  }
0x137: {  	s2 =	sor.u32 s30, s6;
	v62 =	vmul.f32 v57, v14;
	v36 =	vadd.f32 v60, v36  }
0x138: {  	v63 =	vld [tilespmem:s2+$0x0]  }
0x139: {  	s3 =	sor.u32 s30, s7;
	v43 =	vmul.f32 v59, v15;
	v36 =	vadd.f32 v62, v36  }
0x13a: {  	v44 =	vld [tilespmem:s3+$0x0]  }
0x13b: {  	s2 =	sor.u32 s30, s8;
	v45 =	vmul.f32 v61, v16;
	v36 =	vadd.f32 v43, v36  }
0x13c: {  	v46 =	vld [tilespmem:s2+$0x0]  }
0x13d: {  	s3 =	sor.u32 s30, s9;
	v47 =	vmul.f32 v63, v17;
	v36 =	vadd.f32 v45, v36  }
0x13e: {  	v48 =	vld [tilespmem:s3+$0x0]  }
0x13f: {  	v49 =	vmul.f32 v44, v18;
	s2 =	sor.u32 s30, s10;
	v36 =	vadd.f32 v47, v36  }
0x140: {  	v50 =	vld [tilespmem:s2+$0x0]  }
0x141: {  	s3 =	sor.u32 s30, s11;
	v51 =	vmul.f32 v46, v19;
	v36 =	vadd.f32 v49, v36  }
0x142: {  	v52 =	vld [tilespmem:s3+$0x0]  }
0x143: {  	s2 =	sor.u32 s30, s12;
	v53 =	vmul.f32 v48, v20;
	v36 =	vadd.f32 v51, v36  }
0x144: {  	v54 =	vld [tilespmem:s2+$0x0]  }
0x145: {  	s3 =	sor.u32 s30, s13;
	v55 =	vmul.f32 v50, v21;
	v36 =	vadd.f32 v53, v36  }
0x146: {  	v56 =	vld [tilespmem:s3+$0x0]  }
0x147: {  	s2 =	sor.u32 s30, s14;
	v57 =	vmul.f32 v52, v22;
	v36 =	vadd.f32 v55, v36  }
0x148: {  	v58 =	vld [tilespmem:s2+$0x0]  }
0x149: {  	s3 =	sor.u32 s30, s24;
	v59 =	vmul.f32 v54, v23;
	v36 =	vadd.f32 v57, v36  }
0x14a: {  	v60 =	vld [tilespmem:s3+$0x0]  }
0x14b: {  	s2 =	sor.u32 s30, s15;
	v61 =	vmul.f32 v56, v24;
	v36 =	vadd.f32 v59, v36  }
0x14c: {  	v62 =	vld [tilespmem:s2+$0x0]  }
0x14d: {  	s3 =	sor.u32 s30, s16;
	v63 =	vmul.f32 v58, v25;
	v36 =	vadd.f32 v61, v36  }
0x14e: {  	v44 =	vld [tilespmem:s3+$0x0]  }
0x14f: {  	s2 =	sor.u32 s30, s21;
	v45 =	vmul.f32 v60, v26;
	v36 =	vadd.f32 v63, v36  }
0x150: {  	v46 =	vld [tilespmem:s2+$0x0]  }
0x151: {  	s3 =	sor.u32 s30, s17;
	v47 =	vmul.f32 v62, v27;
	v36 =	vadd.f32 v45, v36  }
0x152: {  	v48 =	vld [tilespmem:s3+$0x0]  }
0x153: {  	s2 =	sor.u32 s30, s23;
	v49 =	vmul.f32 v44, v28;
	v36 =	vadd.f32 v47, v36  }
0x154: {  	v50 =	vld [tilespmem:s2+$0x0]  }
0x155: {  	s3 =	sor.u32 s30, s18;
	v51 =	vmul.f32 v46, v29;
	v36 =	vadd.f32 v49, v36  }
0x156: {  	v52 =	vld [tilespmem:s3+$0x0]  }
0x157: {  	s2 =	sor.u32 s30, s25;
	v53 =	vmul.f32 v48, v30;
	v36 =	vadd.f32 v51, v36  }
0x158: {  	v54 =	vld [tilespmem:s2+$0x0]  }
0x159: {  	s3 =	sor.u32 s30, s19;
	v55 =	vmul.f32 v50, v31;
	v36 =	vadd.f32 v53, v36  }
0x15a: {  	v56 =	vld [tilespmem:s3+$0x0]  }
0x15b: {  	s2 =	sor.u32 s30, s28;
	v57 =	vmul.f32 v52, v32;
	v36 =	vadd.f32 v55, v36  }
0x15c: {  	v58 =	vld [tilespmem:s2+$0x0]  }
0x15d: {  	v59 =	vmul.f32 v54, v33;
	v36 =	vadd.f32 v57, v36;
	_ =	sdelay $0x1  }
0x15e: {  	v60 =	vmul.f32 v56, v34;
	v36 =	vadd.f32 v59, v36;
	_ =	sdelay $0x1  }
0x15f: {  	v61 =	vmul.f32 v58, v35;
	v36 =	vadd.f32 v60, v36  }
0x160: {  	s3 =	sld [smem:$0x7F0]  }
0x161: {  	v36 =	vadd.f32 v61, v36  }
0x162: {  	s1 =	sor.u32 $0x30, s1  }
0x163: {  	s0 =	sor.u32 s1, s3;
	[tilespmem:s29+$0x0] =	vst v36  }
0x164: {  	s3 =	sor.u32 s1, s22;
	v36 =	vld [tilespmem:s0+$0x0]  }
0x165: {  	v62 =	vld [tilespmem:s3+$0x0]  }
0x166: {  	v63 =	vld [tilespmem:s0+$0x80]  }
0x167: {  	s22 =	sld [smem:$0x7F1]  }
0x168: {  	v44 =	vld [tilespmem:s0+$0x100]  }
0x169: {  	v36 =	vmul.f32 v36, v4  }
0x16a: {  	v45 =	vld [tilespmem:s0+$0x180];
	s0 =	sadd.s32 $0x30, s22  }
0x16b: {  	s29 =	sor.u32 $0x200, s0;
	v46 =	vmul.f32 v63, v5;
	v36 =	vadd.f32 v36, v62  }
0x16c: {  	v47 =	vld [tilespmem:s29+$0x400]  }
0x16d: {  	s22 =	sor.u32 $0x280, s0;
	v48 =	vmul.f32 v44, v6;
	v36 =	vadd.f32 v46, v36  }
0x16e: {  	v49 =	vld [tilespmem:s22+$0x400]  }
0x16f: {  	s29 =	sor.u32 $0x300, s0;
	v50 =	vmul.f32 v45, v7;
	v36 =	vadd.f32 v48, v36  }
0x170: {  	v51 =	vld [tilespmem:s29+$0x400]  }
0x171: {  	s0 =	sor.u32 $0x380, s0;
	v52 =	vmul.f32 v47, v8;
	v36 =	vadd.f32 v50, v36  }
0x172: {  	v53 =	vld [tilespmem:s0+$0x400]  }
0x173: {  	s22 =	sor.u32 s1, s31;
	v54 =	vmul.f32 v49, v9;
	v36 =	vadd.f32 v52, v36  }
0x174: {  	v55 =	vld [tilespmem:s22+$0x0]  }
0x175: {  	s29 =	sor.u32 s1, s26;
	v56 =	vmul.f32 v51, v10;
	v36 =	vadd.f32 v54, v36  }
0x176: {  	v57 =	vld [tilespmem:s29+$0x0]  }
0x177: {  	s31 =	sor.u32 s1, s20;
	v58 =	vmul.f32 v53, v11;
	v36 =	vadd.f32 v56, v36  }
0x178: {  	v59 =	vld [tilespmem:s31+$0x0]  }
0x179: {  	s2 =	sor.u32 s1, s4;
	v60 =	vmul.f32 v55, v12;
	v36 =	vadd.f32 v58, v36  }
0x17a: {  	v61 =	vld [tilespmem:s2+$0x0]  }
0x17b: {  	s4 =	sor.u32 s1, s5;
	v62 =	vmul.f32 v57, v13;
	v36 =	vadd.f32 v60, v36  }
0x17c: {  	v63 =	vld [tilespmem:s4+$0x0]  }
0x17d: {  	s5 =	sor.u32 s1, s6;
	v44 =	vmul.f32 v59, v14;
	v36 =	vadd.f32 v62, v36  }
0x17e: {  	v45 =	vld [tilespmem:s5+$0x0]  }
0x17f: {  	s6 =	sor.u32 s1, s7;
	v46 =	vmul.f32 v61, v15;
	v36 =	vadd.f32 v44, v36  }
0x180: {  	v47 =	vld [tilespmem:s6+$0x0]  }
0x181: {  	s7 =	sor.u32 s1, s8;
	v48 =	vmul.f32 v63, v16;
	v36 =	vadd.f32 v46, v36  }
0x182: {  	v49 =	vld [tilespmem:s7+$0x0]  }
0x183: {  	s8 =	sor.u32 s1, s9;
	v50 =	vmul.f32 v45, v17;
	v36 =	vadd.f32 v48, v36  }
0x184: {  	v51 =	vld [tilespmem:s8+$0x0]  }
0x185: {  	s9 =	sor.u32 s1, s10;
	v52 =	vmul.f32 v47, v18;
	v36 =	vadd.f32 v50, v36  }
0x186: {  	v53 =	vld [tilespmem:s9+$0x0]  }
0x187: {  	s10 =	sor.u32 s1, s11;
	v54 =	vmul.f32 v49, v19;
	v36 =	vadd.f32 v52, v36  }
0x188: {  	v55 =	vld [tilespmem:s10+$0x0]  }
0x189: {  	s11 =	sor.u32 s1, s12;
	v56 =	vmul.f32 v51, v20;
	v36 =	vadd.f32 v54, v36  }
0x18a: {  	v57 =	vld [tilespmem:s11+$0x0]  }
0x18b: {  	s12 =	sor.u32 s1, s13;
	v58 =	vmul.f32 v53, v21;
	v36 =	vadd.f32 v56, v36  }
0x18c: {  	v59 =	vld [tilespmem:s12+$0x0]  }
0x18d: {  	s13 =	sor.u32 s1, s14;
	v60 =	vmul.f32 v55, v22;
	v36 =	vadd.f32 v58, v36  }
0x18e: {  	v61 =	vld [tilespmem:s13+$0x0]  }
0x18f: {  	s14 =	sor.u32 s1, s24;
	v62 =	vmul.f32 v57, v23;
	v36 =	vadd.f32 v60, v36  }
0x190: {  	v63 =	vld [tilespmem:s14+$0x0]  }
0x191: {  	s15 =	sor.u32 s1, s15;
	v43 =	vmul.f32 v59, v24;
	v36 =	vadd.f32 v62, v36  }
0x192: {  	v44 =	vld [tilespmem:s15+$0x0]  }
0x193: {  	s20 =	sor.u32 s1, s16;
	v45 =	vmul.f32 v61, v25;
	v36 =	vadd.f32 v43, v36  }
0x194: {  	v46 =	vld [tilespmem:s20+$0x0]  }
0x195: {  	s21 =	sor.u32 s1, s21;
	v47 =	vmul.f32 v63, v26;
	v36 =	vadd.f32 v45, v36  }
0x196: {  	v48 =	vld [tilespmem:s21+$0x0]  }
0x197: {  	s22 =	sor.u32 s1, s17;
	v49 =	vmul.f32 v44, v27;
	v36 =	vadd.f32 v47, v36  }
0x198: {  	v50 =	vld [tilespmem:s22+$0x0]  }
0x199: {  	s23 =	sor.u32 s1, s23;
	v51 =	vmul.f32 v46, v28;
	v36 =	vadd.f32 v49, v36  }
0x19a: {  	v52 =	vld [tilespmem:s23+$0x0]  }
0x19b: {  	s24 =	sor.u32 s1, s18;
	v53 =	vmul.f32 v48, v29;
	v36 =	vadd.f32 v51, v36  }
0x19c: {  	v54 =	vld [tilespmem:s24+$0x0]  }
0x19d: {  	s25 =	sor.u32 s1, s25;
	v55 =	vmul.f32 v50, v30;
	v36 =	vadd.f32 v53, v36  }
0x19e: {  	v56 =	vld [tilespmem:s25+$0x0]  }
0x19f: {  	s26 =	sor.u32 s1, s19;
	v57 =	vmul.f32 v52, v31;
	v36 =	vadd.f32 v55, v36  }
0x1a0: {  	v58 =	vld [tilespmem:s26+$0x0]  }
0x1a1: {  	s29 =	sor.u32 s1, s28;
	v59 =	vmul.f32 v54, v32;
	v36 =	vadd.f32 v57, v36  }
0x1a2: {  	v60 =	vld [tilespmem:s29+$0x0]  }
0x1a3: {  	v61 =	vmul.f32 v56, v33;
	v36 =	vadd.f32 v59, v36;
	_ =	sdelay $0x1  }
0x1a4: {  	p1 =	por !p1, !p1;
	s30 =	simm.s32 $0x400;
	v62 =	vmul.f32 v58, v34;
	v36 =	vadd.f32 v61, v36  }
0x1a5: {  	s17 =	simm.s32 $0x40;
	s0 =	simm.s32 $0x1;
	s5 =	simm.s32 $0x200  }
0x1a6: {  	s0 =	simm.s32 @!p1 $0x0;
	s2 =	sand.u32 $0x40, s17;
	s31 =	sor.u32 s5, s17;
	v63 =	vmul.f32 v60, v35;
	v36 =	vadd.f32 v62, v36  }
0x1a7: {  	s6 =	simm.s32 $0x10440;
	s9 =	sand.u32 $0x1C00, s5;
	s13 =	sor.u32 $0x380, s31  }
0x1a8: {  	s12 =	sadd.s32 $0x400, s9;
	s11 =	sadd.s32 $0x4780, s9;
	s21 =	sadd.s32 $0x2400, s9;
	v36 =	vadd.f32 v63, v36  }
.LBB2_5:
0x1a9: {  	[smem:$0x7E1] =	sst s12  }
0x1aa: {  	[smem:$0x7DC] =	sst s11;
	s24 =	sor.u32 s2, s12;
	[tilespmem:s3+$0x0] =	vst v36  }
0x1ab: {  	[dreg:$0x6] =	wrdreg s6;
	s7 =	sadd.s32 $0x4700, s9;
	s8 =	smov.u32 s30;
	v36 =	vld [tilespmem:s24+$0x0]  }
0x1ac: {  	s16 =	sadd.s32 $0x2580, s9;
	s1 =	sadd.s32 $0x2600, s9;
	s10 =	sadd.s32 $0x4580, s9;
	v37 =	vld [tilespmem:s24+$0x80]  }
0x1ad: {  	s14 =	sadd.s32 $0x2780, s9;
	s26 =	sadd.s32 $0x4480, s9;
	[smem:$0x7DB] =	sst s7;
	v38 =	vld [tilespmem:s6+$0x0]  }
0x1ae: {  	s0 =	sshll.u32 s0, $0x6;
	s28 =	sadd.s32 $0x4500, s9;
	[smem:$0x7D8] =	sst s10  }
0x1af: {  	s22 =	sor.u32 s2, s11;
	s11 =	sadd.s32 $0x6400, s9;
	[smem:$0x7D5] =	sst s14;
	v39 =	vld [tilespmem:s24+$0x100]  }
0x1b0: {  	p2 =	sne.s32 s30, $0x1E00;
	[smem:$0x7D6] =	sst s26;
	s19 =	sor.u32 s2, s14;
	v36 =	vmul.f32 v36, v4  }
0x1b1: {  	s5 =	sadd.s32 s0, s5;
	s29 =	sor.u32 s2, s26;
	[smem:$0x7D7] =	sst s28;
	v40 =	vld [tilespmem:s24+$0x180]  }
0x1b2: {  	s20 =	sor.u32 s2, s28;
	s26 =	sor.u32 s2, s10;
	s10 =	sor.u32 $0x200, s5;
	v37 =	vmul.f32 v37, v5;
	v36 =	vadd.f32 v36, v38  }
0x1b3: {  	[dreg:$0x1e] =	wrdreg s11;
	s14 =	sadd.s32 $0x6480, s9;
	s23 =	sor.u32 s2, s11;
	v51 =	vld [tilespmem:s10+$0x400]  }
0x1b4: {  	s11 =	sadd.s32 $0x6600, s9;
	s12 =	sor.u32 $0x280, s5;
	[dreg:$0x1c] =	wrdreg s14;
	v52 =	vmul.f32 v39, v6;
	v36 =	vadd.f32 v37, v36  }
0x1b5: {  	s0 =	sor.u32 $0x300, s5;
	s6 =	sadd.s32 $0x4680, s9;
	[dreg:$0x16] =	wrdreg s11;
	v53 =	vld [tilespmem:s12+$0x400]  }
0x1b6: {  	s24 =	sor.u32 s2, s7;
	s3 =	sor.u32 s2, s14;
	[smem:$0x7DA] =	sst s6;
	v54 =	vmul.f32 v40, v7;
	v36 =	vadd.f32 v52, v36  }
0x1b7: {  	s7 =	sadd.s32 $0x6500, s9;
	s14 =	sadd.s32 $0x6680, s9;
	[smem:$0x7CF] =	sst s3;
	v55 =	vld [tilespmem:s0+$0x400]  }
0x1b8: {  	s28 =	sor.u32 s2, s6;
	s3 =	sor.u32 s2, s7;
	[dreg:$0x12] =	wrdreg s14;
	v56 =	vmul.f32 v51, v8;
	v36 =	vadd.f32 v54, v36  }
0x1b9: {  	v57 =	vld [tilespmem:s13+$0x400];
	s6 =	sor.u32 s2, s14;
	s14 =	smov.u32 s16;
	[smem:$0x7D0] =	sst s3  }
0x1ba: {  	s3 =	sor.u32 s2, s11;
	s11 =	sor.u32 s2, s16;
	s16 =	sor.u32 s2, s21;
	v58 =	vmul.f32 v53, v9;
	v36 =	vadd.f32 v56, v36  }
0x1bb: {  	s13 =	smov.u32 s1;
	[smem:$0x7D2] =	sst s6;
	v59 =	vld [tilespmem:s16+$0x0];
	s16 =	sadd.s32 $0x2480, s9  }
0x1bc: {  	s6 =	sor.u32 s2, s1;
	s1 =	sadd.s32 $0x200, s30;
	s30 =	sor.u32 s2, s16;
	v60 =	vmul.f32 v55, v10;
	v36 =	vadd.f32 v58, v36  }
0x1bd: {  	s4 =	sadd.s32 $0x2500, s9;
	v61 =	vld [tilespmem:s30+$0x0]  }
0x1be: {  	s18 =	sor.u32 s2, s4;
	v62 =	vmul.f32 v57, v11;
	v36 =	vadd.f32 v60, v36  }
0x1bf: {  	v63 =	vld [tilespmem:s18+$0x0]  }
0x1c0: {  	v44 =	vmul.f32 v59, v12;
	v36 =	vadd.f32 v62, v36  }
0x1c1: {  	v45 =	vld [tilespmem:s11+$0x0]  }
0x1c2: {  	v46 =	vmul.f32 v61, v13;
	v36 =	vadd.f32 v44, v36  }
0x1c3: {  	[smem:$0x7D4] =	sst s4;
	s4 =	sadd.s32 $0x2680, s9;
	v47 =	vld [tilespmem:s6+$0x0]  }
0x1c4: {  	s18 =	sor.u32 s2, s4;
	v48 =	vmul.f32 v63, v14;
	v36 =	vadd.f32 v46, v36  }
0x1c5: {  	s15 =	sadd.s32 $0x2700, s9;
	[dreg:$0x18] =	wrdreg s7;
	s7 =	sadd.s32 $0x6700, s9;
	v49 =	vld [tilespmem:s18+$0x0]  }
0x1c6: {  	[dreg:$0x14] =	wrdreg s7;
	s0 =	sor.u32 s2, s7;
	s7 =	sor.u32 s2, s15;
	v50 =	vmul.f32 v45, v15;
	v36 =	vadd.f32 v48, v36  }
0x1c7: {  	s10 =	sadd.s32 $0x6580, s9;
	v51 =	vld [tilespmem:s7+$0x0]  }
0x1c8: {  	[dreg:$0x1a] =	wrdreg s10;
	s12 =	sor.u32 s2, s10;
	s10 =	sadd.s32 $0x6780, s9;
	v52 =	vmul.f32 v47, v16;
	v36 =	vadd.f32 v50, v36  }
0x1c9: {  	s31 =	sadd.s32 $0x4400, s9;
	[dreg:$0x10] =	wrdreg s10;
	v53 =	vld [tilespmem:s19+$0x0]  }
0x1ca: {  	[smem:$0x7D3] =	sst s0;
	s0 =	sor.u32 s2, s10;
	s10 =	sor.u32 s2, s31;
	v54 =	vmul.f32 v49, v17;
	v36 =	vadd.f32 v52, v36  }
0x1cb: {  	v55 =	vld [tilespmem:s10+$0x0]  }
0x1cc: {  	v56 =	vmul.f32 v51, v18;
	v36 =	vadd.f32 v54, v36  }
0x1cd: {  	v57 =	vld [tilespmem:s29+$0x0]  }
0x1ce: {  	v58 =	vmul.f32 v53, v19;
	v36 =	vadd.f32 v56, v36  }
0x1cf: {  	v59 =	vld [tilespmem:s20+$0x0]  }
0x1d0: {  	v60 =	vmul.f32 v55, v20;
	v36 =	vadd.f32 v58, v36  }
0x1d1: {  	s25 =	sadd.s32 $0x4600, s9;
	v61 =	vld [tilespmem:s26+$0x0]  }
0x1d2: {  	[smem:$0x7D9] =	sst s25;
	s25 =	sor.u32 s2, s25;
	v62 =	vmul.f32 v57, v21;
	v36 =	vadd.f32 v60, v36  }
0x1d3: {  	v63 =	vld [tilespmem:s25+$0x0]  }
0x1d4: {  	v44 =	vmul.f32 v59, v22;
	v36 =	vadd.f32 v62, v36  }
0x1d5: {  	v45 =	vld [tilespmem:s28+$0x0]  }
0x1d6: {  	v46 =	vmul.f32 v61, v23;
	v36 =	vadd.f32 v44, v36  }
0x1d7: {  	v47 =	vld [tilespmem:s24+$0x0]  }
0x1d8: {  	v48 =	vmul.f32 v63, v24;
	v36 =	vadd.f32 v46, v36  }
0x1d9: {  	v49 =	vld [tilespmem:s22+$0x0]  }
0x1da: {  	s20 =	sld [smem:$0x7CF];
	v50 =	vmul.f32 v45, v25;
	v36 =	vadd.f32 v48, v36  }
0x1db: {  	v51 =	vld [tilespmem:s23+$0x0]  }
0x1dc: {  	s22 =	sld [smem:$0x7D0];
	v52 =	vmul.f32 v47, v26;
	v36 =	vadd.f32 v50, v36  }
0x1dd: {  	v53 =	vld [tilespmem:s20+$0x0]  }
0x1de: {  	v54 =	vmul.f32 v49, v27;
	v36 =	vadd.f32 v52, v36  }
0x1df: {  	[smem:$0x7D1] =	sst s3;
	v55 =	vld [tilespmem:s22+$0x0]  }
0x1e0: {  	s23 =	sld [smem:$0x7D1];
	v56 =	vmul.f32 v51, v28;
	v36 =	vadd.f32 v54, v36  }
0x1e1: {  	v57 =	vld [tilespmem:s12+$0x0]  }
0x1e2: {  	s24 =	sld [smem:$0x7D2];
	v58 =	vmul.f32 v53, v29;
	v36 =	vadd.f32 v56, v36  }
0x1e3: {  	v59 =	vld [tilespmem:s23+$0x0]  }
0x1e4: {  	s25 =	sld [smem:$0x7D3];
	v60 =	vmul.f32 v55, v30;
	v36 =	vadd.f32 v58, v36  }
0x1e5: {  	v61 =	vld [tilespmem:s24+$0x0]  }
0x1e6: {  	v62 =	vmul.f32 v57, v31;
	v36 =	vadd.f32 v60, v36  }
0x1e7: {  	v63 =	vld [tilespmem:s25+$0x0]  }
0x1e8: {  	v42 =	vmul.f32 v59, v32;
	v36 =	vadd.f32 v62, v36  }
0x1e9: {  	v43 =	vld [tilespmem:s0+$0x0]  }
0x1ea: {  	v44 =	vmul.f32 v61, v33;
	v36 =	vadd.f32 v42, v36  }
0x1eb: {  	[smem:$0x7E4] =	sst s15  }
0x1ec: {  	[smem:$0x7E3] =	sst s13;
	v45 =	vmul.f32 v63, v34;
	v36 =	vadd.f32 v44, v36  }
0x1ed: {  	s15 =	sadd.s32 $0x10, s5;
	s3 =	sadd.s32 $0x20, s5;
	s5 =	sadd.s32 $0x30, s5  }
0x1ee: {  	[dreg:$0xc] =	wrdreg s5;
	v46 =	vmul.f32 v43, v35;
	v36 =	vadd.f32 v45, v36  }
0x1ef: {  	s5 =	sld [smem:$0x7E1]  }
0x1f0: {  	[smem:$0x7E2] =	sst s14;
	v36 =	vadd.f32 v46, v36  }
0x1f1: {  	s9 =	smov.u32 s8;
	s0 =	sor.u32 $0x10, s2;
	s28 =	rddreg [dreg:$0x6]  }
0x1f2: {  	[dreg:$0xd] =	wrdreg s9;
	s29 =	sor.u32 s0, s5;
	s26 =	sand.u32 $0x380, s17;
	[tilespmem:s28+$0x0] =	vst v36  }
0x1f3: {  	s9 =	smov.u32 s14;
	s18 =	sor.u32 s0, s14;
	s12 =	sor.u32 $0x10400, s26;
	v36 =	vld [tilespmem:s29+$0x0]  }
0x1f4: {  	s14 =	smov.u32 s13;
	s19 =	sor.u32 s0, s13;
	s13 =	sor.u32 s0, s12;
	v47 =	vld [tilespmem:s29+$0x80]  }
0x1f5: {  	v48 =	vld [tilespmem:s13+$0x0];
	_ =	sdelay $0x1  }
0x1f6: {  	v49 =	vld [tilespmem:s29+$0x100]  }
0x1f7: {  	v36 =	vmul.f32 v36, v4  }
0x1f8: {  	v50 =	vld [tilespmem:s29+$0x180]  }
0x1f9: {  	s20 =	sor.u32 $0x200, s15;
	v37 =	vmul.f32 v47, v5;
	v36 =	vadd.f32 v36, v48  }
0x1fa: {  	v51 =	vld [tilespmem:s20+$0x400]  }
0x1fb: {  	s22 =	sor.u32 $0x280, s15;
	v52 =	vmul.f32 v49, v6;
	v36 =	vadd.f32 v37, v36  }
0x1fc: {  	v53 =	vld [tilespmem:s22+$0x400]  }
0x1fd: {  	s23 =	sor.u32 $0x300, s15;
	v54 =	vmul.f32 v50, v7;
	v36 =	vadd.f32 v52, v36  }
0x1fe: {  	v55 =	vld [tilespmem:s23+$0x400]  }
0x1ff: {  	s25 =	sor.u32 $0x380, s15;
	v56 =	vmul.f32 v51, v8;
	v36 =	vadd.f32 v54, v36  }
0x200: {  	v57 =	vld [tilespmem:s25+$0x400]  }
0x201: {  	s26 =	sor.u32 s0, s21;
	v58 =	vmul.f32 v53, v9;
	v36 =	vadd.f32 v56, v36  }
0x202: {  	s30 =	sld [smem:$0x7D4];
	v59 =	vld [tilespmem:s26+$0x0]  }
0x203: {  	s28 =	sor.u32 s0, s16;
	v60 =	vmul.f32 v55, v10;
	v36 =	vadd.f32 v58, v36  }
0x204: {  	v61 =	vld [tilespmem:s28+$0x0]  }
0x205: {  	s29 =	sor.u32 s0, s30;
	v62 =	vmul.f32 v57, v11;
	v36 =	vadd.f32 v60, v36  }
0x206: {  	v63 =	vld [tilespmem:s29+$0x0]  }
0x207: {  	v44 =	vmul.f32 v59, v12;
	v36 =	vadd.f32 v62, v36  }
0x208: {  	[smem:$0x7E5] =	sst s31;
	v45 =	vld [tilespmem:s18+$0x0]  }
0x209: {  	s8 =	sld [smem:$0x7E4];
	v46 =	vmul.f32 v61, v13;
	v36 =	vadd.f32 v44, v36  }
0x20a: {  	[dreg:$0xe] =	wrdreg s3;
	s3 =	smov.u32 s4;
	v47 =	vld [tilespmem:s19+$0x0]  }
0x20b: {  	s11 =	sor.u32 s0, s31;
	s24 =	smov.u32 s31;
	s31 =	sor.u32 s0, s3;
	v48 =	vmul.f32 v63, v14;
	v36 =	vadd.f32 v46, v36  }
0x20c: {  	s28 =	sld [smem:$0x7D5];
	v49 =	vld [tilespmem:s31+$0x0]  }
0x20d: {  	[dreg:$0x7] =	wrdreg s1;
	s1 =	sor.u32 s0, s8;
	v50 =	vmul.f32 v45, v15;
	v36 =	vadd.f32 v48, v36  }
0x20e: {  	v51 =	vld [tilespmem:s1+$0x0]  }
0x20f: {  	s3 =	sor.u32 s0, s28;
	v52 =	vmul.f32 v47, v16;
	v36 =	vadd.f32 v50, v36  }
0x210: {  	s25 =	sld [smem:$0x7D6];
	v53 =	vld [tilespmem:s3+$0x0]  }
0x211: {  	v54 =	vmul.f32 v49, v17;
	v36 =	vadd.f32 v52, v36  }
0x212: {  	s29 =	sld [smem:$0x7D7];
	v55 =	vld [tilespmem:s11+$0x0]  }
0x213: {  	[smem:$0x7E0] =	sst s4;
	s4 =	sor.u32 s0, s25;
	v56 =	vmul.f32 v51, v18;
	v36 =	vadd.f32 v54, v36  }
0x214: {  	s20 =	sld [smem:$0x7D8];
	v57 =	vld [tilespmem:s4+$0x0]  }
0x215: {  	s6 =	sor.u32 s0, s29;
	v58 =	vmul.f32 v53, v19;
	v36 =	vadd.f32 v56, v36  }
0x216: {  	s22 =	sld [smem:$0x7D9];
	v59 =	vld [tilespmem:s6+$0x0]  }
0x217: {  	s7 =	sor.u32 s0, s20;
	v60 =	vmul.f32 v55, v20;
	v36 =	vadd.f32 v58, v36  }
0x218: {  	s26 =	sld [smem:$0x7DA];
	v61 =	vld [tilespmem:s7+$0x0]  }
0x219: {  	s10 =	sor.u32 s0, s22;
	v62 =	vmul.f32 v57, v21;
	v36 =	vadd.f32 v60, v36  }
0x21a: {  	s19 =	sld [smem:$0x7DB];
	v63 =	vld [tilespmem:s10+$0x0]  }
0x21b: {  	s11 =	sor.u32 s0, s26;
	v44 =	vmul.f32 v59, v22;
	v36 =	vadd.f32 v62, v36  }
0x21c: {  	s31 =	sld [smem:$0x7DC];
	v45 =	vld [tilespmem:s11+$0x0]  }
0x21d: {  	[smem:$0x7DD] =	sst s12;
	s12 =	sor.u32 s0, s19;
	v46 =	vmul.f32 v61, v23;
	v36 =	vadd.f32 v44, v36  }
0x21e: {  	v47 =	vld [tilespmem:s12+$0x0]  }
0x21f: {  	s15 =	sor.u32 s0, s31;
	v48 =	vmul.f32 v63, v24;
	v36 =	vadd.f32 v46, v36  }
0x220: {  	s23 =	rddreg [dreg:$0x1e];
	v49 =	vld [tilespmem:s15+$0x0]  }
0x221: {  	[smem:$0x7DF] =	sst s16;
	s16 =	sor.u32 s0, s23;
	v50 =	vmul.f32 v45, v25;
	v36 =	vadd.f32 v48, v36  }
0x222: {  	s7 =	rddreg [dreg:$0x1c];
	v51 =	vld [tilespmem:s16+$0x0]  }
0x223: {  	s18 =	sor.u32 s0, s7;
	v52 =	vmul.f32 v47, v26;
	v36 =	vadd.f32 v50, v36  }
0x224: {  	s11 =	rddreg [dreg:$0x18];
	v53 =	vld [tilespmem:s18+$0x0]  }
0x225: {  	[smem:$0x7DE] =	sst s21;
	s21 =	sor.u32 s0, s11;
	v54 =	vmul.f32 v49, v27;
	v36 =	vadd.f32 v52, v36  }
0x226: {  	s18 =	rddreg [dreg:$0x1a];
	v55 =	vld [tilespmem:s21+$0x0]  }
0x227: {  	s3 =	sor.u32 s0, s18;
	v56 =	vmul.f32 v51, v28;
	v36 =	vadd.f32 v54, v36  }
0x228: {  	s10 =	rddreg [dreg:$0x16];
	v57 =	vld [tilespmem:s3+$0x0]  }
0x229: {  	s4 =	sor.u32 s0, s10;
	v58 =	vmul.f32 v53, v29;
	v36 =	vadd.f32 v56, v36  }
0x22a: {  	s3 =	rddreg [dreg:$0x12];
	v59 =	vld [tilespmem:s4+$0x0]  }
0x22b: {  	s6 =	sor.u32 s0, s3;
	v60 =	vmul.f32 v55, v30;
	v36 =	vadd.f32 v58, v36  }
0x22c: {  	s21 =	rddreg [dreg:$0x14];
	v61 =	vld [tilespmem:s6+$0x0]  }
0x22d: {  	s12 =	sor.u32 s0, s21;
	v62 =	vmul.f32 v57, v31;
	v36 =	vadd.f32 v60, v36  }
0x22e: {  	s16 =	rddreg [dreg:$0x10];
	v63 =	vld [tilespmem:s12+$0x0]  }
0x22f: {  	s0 =	sor.u32 s0, s16;
	v42 =	vmul.f32 v59, v32;
	v36 =	vadd.f32 v62, v36  }
0x230: {  	v43 =	vld [tilespmem:s0+$0x0]  }
0x231: {  	v44 =	vmul.f32 v61, v33;
	v36 =	vadd.f32 v42, v36;
	_ =	sdelay $0x1  }
0x232: {  	v45 =	vmul.f32 v63, v34;
	v36 =	vadd.f32 v44, v36;
	_ =	sdelay $0x1  }
0x233: {  	v46 =	vmul.f32 v43, v35;
	v36 =	vadd.f32 v45, v36;
	_ =	sdelay $0x1  }
0x234: {  	s0 =	sor.u32 $0x20, s2;
	v36 =	vadd.f32 v46, v36  }
0x235: {  	s4 =	sor.u32 s0, s8;
	s8 =	sld [smem:$0x7DD]  }
0x236: {  	[tilespmem:s13+$0x0] =	vst v36;
	s13 =	sor.u32 s0, s5  }
0x237: {  	v36 =	vld [tilespmem:s13+$0x0]  }
0x238: {  	s5 =	sor.u32 s0, s8;
	v47 =	vld [tilespmem:s13+$0x80]  }
0x239: {  	v48 =	vld [tilespmem:s5+$0x0];
	_ =	sdelay $0x1  }
0x23a: {  	v49 =	vld [tilespmem:s13+$0x100]  }
0x23b: {  	v36 =	vmul.f32 v36, v4  }
0x23c: {  	s15 =	sor.u32 s0, s9;
	s9 =	rddreg [dreg:$0xe];
	v50 =	vld [tilespmem:s13+$0x180]  }
0x23d: {  	s13 =	sor.u32 $0x200, s9;
	v37 =	vmul.f32 v47, v5;
	v36 =	vadd.f32 v36, v48  }
0x23e: {  	v51 =	vld [tilespmem:s13+$0x400]  }
0x23f: {  	s12 =	sor.u32 s0, s14;
	s14 =	sor.u32 $0x280, s9;
	v52 =	vmul.f32 v49, v6;
	v36 =	vadd.f32 v37, v36  }
0x240: {  	v53 =	vld [tilespmem:s14+$0x400];
	s14 =	sld [smem:$0x7DE]  }
0x241: {  	s1 =	sor.u32 s0, s24;
	s24 =	sor.u32 $0x300, s9;
	v54 =	vmul.f32 v50, v7;
	v36 =	vadd.f32 v52, v36  }
0x242: {  	v55 =	vld [tilespmem:s24+$0x400];
	s9 =	sor.u32 $0x380, s9  }
0x243: {  	v57 =	vld [tilespmem:s9+$0x400];
	s13 =	sor.u32 s0, s14;
	v56 =	vmul.f32 v51, v8;
	v36 =	vadd.f32 v54, v36  }
0x244: {  	v59 =	vld [tilespmem:s13+$0x0];
	s13 =	sld [smem:$0x7DF]  }
0x245: {  	v58 =	vmul.f32 v53, v9;
	v36 =	vadd.f32 v56, v36;
	_ =	sdelay $0x1  }
0x246: {  	v60 =	vmul.f32 v55, v10;
	s24 =	sor.u32 s0, s13;
	v36 =	vadd.f32 v58, v36  }
0x247: {  	v61 =	vld [tilespmem:s24+$0x0]  }
0x248: {  	s9 =	sor.u32 s0, s30;
	v62 =	vmul.f32 v57, v11;
	v36 =	vadd.f32 v60, v36  }
0x249: {  	v63 =	vld [tilespmem:s9+$0x0]  }
0x24a: {  	v44 =	vmul.f32 v59, v12;
	v36 =	vadd.f32 v62, v36  }
0x24b: {  	v45 =	vld [tilespmem:s15+$0x0];
	s9 =	sld [smem:$0x7E0]  }
0x24c: {  	v46 =	vmul.f32 v61, v13;
	v36 =	vadd.f32 v44, v36  }
0x24d: {  	v47 =	vld [tilespmem:s12+$0x0]  }
0x24e: {  	v48 =	vmul.f32 v63, v14;
	s24 =	sor.u32 s0, s9;
	v36 =	vadd.f32 v46, v36  }
0x24f: {  	v49 =	vld [tilespmem:s24+$0x0]  }
0x250: {  	v50 =	vmul.f32 v45, v15;
	v36 =	vadd.f32 v48, v36  }
0x251: {  	v51 =	vld [tilespmem:s4+$0x0]  }
0x252: {  	s12 =	sor.u32 s0, s28;
	v52 =	vmul.f32 v47, v16;
	v36 =	vadd.f32 v50, v36  }
0x253: {  	v53 =	vld [tilespmem:s12+$0x0]  }
0x254: {  	v54 =	vmul.f32 v49, v17;
	v36 =	vadd.f32 v52, v36  }
0x255: {  	v55 =	vld [tilespmem:s1+$0x0]  }
0x256: {  	s15 =	sor.u32 s0, s25;
	v56 =	vmul.f32 v51, v18;
	v36 =	vadd.f32 v54, v36  }
0x257: {  	v57 =	vld [tilespmem:s15+$0x0]  }
0x258: {  	s24 =	sor.u32 s0, s29;
	v58 =	vmul.f32 v53, v19;
	v36 =	vadd.f32 v56, v36  }
0x259: {  	v59 =	vld [tilespmem:s24+$0x0]  }
0x25a: {  	s4 =	sor.u32 s0, s20;
	v60 =	vmul.f32 v55, v20;
	v36 =	vadd.f32 v58, v36  }
0x25b: {  	v61 =	vld [tilespmem:s4+$0x0]  }
0x25c: {  	s6 =	sor.u32 s0, s22;
	v62 =	vmul.f32 v57, v21;
	v36 =	vadd.f32 v60, v36  }
0x25d: {  	v63 =	vld [tilespmem:s6+$0x0]  }
0x25e: {  	s12 =	sor.u32 s0, s26;
	v44 =	vmul.f32 v59, v22;
	v36 =	vadd.f32 v62, v36  }
0x25f: {  	v45 =	vld [tilespmem:s12+$0x0]  }
0x260: {  	s15 =	sor.u32 s0, s19;
	v46 =	vmul.f32 v61, v23;
	v36 =	vadd.f32 v44, v36  }
0x261: {  	v47 =	vld [tilespmem:s15+$0x0]  }
0x262: {  	s24 =	smov.u32 s20;
	s20 =	smov.u32 s19;
	s19 =	sor.u32 s0, s31;
	v48 =	vmul.f32 v63, v24;
	v36 =	vadd.f32 v46, v36  }
0x263: {  	v49 =	vld [tilespmem:s19+$0x0]  }
0x264: {  	s4 =	sor.u32 s0, s23;
	v50 =	vmul.f32 v45, v25;
	v36 =	vadd.f32 v48, v36  }
0x265: {  	v51 =	vld [tilespmem:s4+$0x0]  }
0x266: {  	s6 =	sor.u32 s0, s7;
	v52 =	vmul.f32 v47, v26;
	v36 =	vadd.f32 v50, v36  }
0x267: {  	v53 =	vld [tilespmem:s6+$0x0]  }
0x268: {  	s12 =	sor.u32 s0, s11;
	v54 =	vmul.f32 v49, v27;
	v36 =	vadd.f32 v52, v36  }
0x269: {  	v55 =	vld [tilespmem:s12+$0x0]  }
0x26a: {  	s4 =	sor.u32 s0, s18;
	v56 =	vmul.f32 v51, v28;
	v36 =	vadd.f32 v54, v36  }
0x26b: {  	v57 =	vld [tilespmem:s4+$0x0]  }
0x26c: {  	s6 =	sor.u32 s0, s10;
	v58 =	vmul.f32 v53, v29;
	v36 =	vadd.f32 v56, v36  }
0x26d: {  	v59 =	vld [tilespmem:s6+$0x0]  }
0x26e: {  	s19 =	smov.u32 s7;
	s7 =	sor.u32 s0, s3;
	v60 =	vmul.f32 v55, v30;
	v36 =	vadd.f32 v58, v36  }
0x26f: {  	v61 =	vld [tilespmem:s7+$0x0]  }
0x270: {  	s12 =	sor.u32 s0, s21;
	v62 =	vmul.f32 v57, v31;
	v36 =	vadd.f32 v60, v36  }
0x271: {  	v63 =	vld [tilespmem:s12+$0x0]  }
0x272: {  	s0 =	sor.u32 s0, s16;
	v43 =	vmul.f32 v59, v32;
	v36 =	vadd.f32 v62, v36  }
0x273: {  	v44 =	vld [tilespmem:s0+$0x0]  }
0x274: {  	v45 =	vmul.f32 v61, v33;
	v36 =	vadd.f32 v43, v36;
	_ =	sdelay $0x1  }
0x275: {  	v46 =	vmul.f32 v63, v34;
	v36 =	vadd.f32 v45, v36;
	_ =	sdelay $0x1  }
0x276: {  	v47 =	vmul.f32 v44, v35;
	v36 =	vadd.f32 v46, v36  }
0x277: {  	s15 =	smov.u32 s11;
	s11 =	smov.u32 s3;
	s3 =	sld [smem:$0x7E1]  }
0x278: {  	v36 =	vadd.f32 v47, v36  }
0x279: {  	s0 =	sor.u32 $0x30, s2  }
0x27a: {  	s1 =	sor.u32 s0, s3;
	[tilespmem:s5+$0x0] =	vst v36  }
0x27b: {  	s4 =	sld [smem:$0x7E2];
	s3 =	sor.u32 s0, s8;
	v36 =	vld [tilespmem:s1+$0x0]  }
0x27c: {  	s6 =	sld [smem:$0x7E3];
	v48 =	vld [tilespmem:s3+$0x0]  }
0x27d: {  	s7 =	sld [smem:$0x7E4];
	v49 =	vld [tilespmem:s1+$0x80]  }
0x27e: {  	s8 =	sld [smem:$0x7E5]  }
0x27f: {  	v50 =	vld [tilespmem:s1+$0x100]  }
0x280: {  	s2 =	sor.u32 s0, s4;
	s4 =	sor.u32 s0, s6;
	v36 =	vmul.f32 v36, v4  }
0x281: {  	s6 =	sor.u32 s0, s7;
	s7 =	sor.u32 s0, s8;
	s8 =	rddreg [dreg:$0xc];
	v51 =	vld [tilespmem:s1+$0x180]  }
0x282: {  	s12 =	sor.u32 $0x200, s8;
	v52 =	vmul.f32 v49, v5;
	v36 =	vadd.f32 v36, v48  }
0x283: {  	v41 =	vld [tilespmem:s12+$0x400]  }
0x284: {  	s12 =	sor.u32 $0x280, s8;
	v54 =	vmul.f32 v50, v6;
	v36 =	vadd.f32 v52, v36  }
0x285: {  	v42 =	vld [tilespmem:s12+$0x400]  }
0x286: {  	s12 =	sor.u32 $0x300, s8;
	v56 =	vmul.f32 v51, v7;
	v36 =	vadd.f32 v54, v36  }
0x287: {  	v53 =	vld [tilespmem:s12+$0x400]  }
0x288: {  	s12 =	sor.u32 $0x380, s8;
	v58 =	vmul.f32 v41, v8;
	v36 =	vadd.f32 v56, v36  }
0x289: {  	v43 =	vld [tilespmem:s12+$0x400]  }
0x28a: {  	s8 =	sor.u32 s0, s14;
	v60 =	vmul.f32 v42, v9;
	v36 =	vadd.f32 v58, v36  }
0x28b: {  	v55 =	vld [tilespmem:s8+$0x0]  }
0x28c: {  	s12 =	sor.u32 s0, s13;
	v62 =	vmul.f32 v53, v10;
	v36 =	vadd.f32 v60, v36  }
0x28d: {  	v44 =	vld [tilespmem:s12+$0x0]  }
0x28e: {  	s13 =	sor.u32 s0, s30;
	v53 =	vmul.f32 v43, v11;
	v36 =	vadd.f32 v62, v36  }
0x28f: {  	v57 =	vld [tilespmem:s13+$0x0]  }
0x290: {  	v54 =	vmul.f32 v55, v12;
	v36 =	vadd.f32 v53, v36  }
0x291: {  	v45 =	vld [tilespmem:s2+$0x0]  }
0x292: {  	v55 =	vmul.f32 v44, v13;
	v36 =	vadd.f32 v54, v36  }
0x293: {  	v59 =	vld [tilespmem:s4+$0x0]  }
0x294: {  	s14 =	sor.u32 s0, s9;
	v56 =	vmul.f32 v57, v14;
	v36 =	vadd.f32 v55, v36  }
0x295: {  	v46 =	vld [tilespmem:s14+$0x0]  }
0x296: {  	v57 =	vmul.f32 v45, v15;
	v36 =	vadd.f32 v56, v36  }
0x297: {  	v61 =	vld [tilespmem:s6+$0x0]  }
0x298: {  	s4 =	sor.u32 s0, s28;
	v59 =	vmul.f32 v59, v16;
	v36 =	vadd.f32 v57, v36  }
0x299: {  	v47 =	vld [tilespmem:s4+$0x0]  }
0x29a: {  	v60 =	vmul.f32 v46, v17;
	v36 =	vadd.f32 v59, v36  }
0x29b: {  	v63 =	vld [tilespmem:s7+$0x0]  }
0x29c: {  	s7 =	sor.u32 s0, s25;
	v61 =	vmul.f32 v61, v18;
	v36 =	vadd.f32 v60, v36  }
0x29d: {  	v48 =	vld [tilespmem:s7+$0x0]  }
0x29e: {  	s8 =	sor.u32 s0, s29;
	v62 =	vmul.f32 v47, v19;
	v36 =	vadd.f32 v61, v36  }
0x29f: {  	v43 =	vld [tilespmem:s8+$0x0]  }
0x2a0: {  	s9 =	sor.u32 s0, s24;
	v63 =	vmul.f32 v63, v20;
	v36 =	vadd.f32 v62, v36  }
0x2a1: {  	v49 =	vld [tilespmem:s9+$0x0]  }
0x2a2: {  	s12 =	sor.u32 s0, s22;
	v42 =	vmul.f32 v48, v21;
	v36 =	vadd.f32 v63, v36  }
0x2a3: {  	v39 =	vld [tilespmem:s12+$0x0]  }
0x2a4: {  	s13 =	sor.u32 s0, s26;
	v43 =	vmul.f32 v43, v22;
	v36 =	vadd.f32 v42, v36  }
0x2a5: {  	v50 =	vld [tilespmem:s13+$0x0]  }
0x2a6: {  	s14 =	sor.u32 s0, s20;
	v47 =	vmul.f32 v49, v23;
	v36 =	vadd.f32 v43, v36  }
0x2a7: {  	v44 =	vld [tilespmem:s14+$0x0]  }
0x2a8: {  	s20 =	sor.u32 s0, s31;
	v48 =	vmul.f32 v39, v24;
	v36 =	vadd.f32 v47, v36  }
0x2a9: {  	v51 =	vld [tilespmem:s20+$0x0]  }
0x2aa: {  	s22 =	sor.u32 s0, s23;
	v49 =	vmul.f32 v50, v25;
	v36 =	vadd.f32 v48, v36  }
0x2ab: {  	v40 =	vld [tilespmem:s22+$0x0]  }
0x2ac: {  	s23 =	sor.u32 s0, s19;
	v50 =	vmul.f32 v44, v26;
	v36 =	vadd.f32 v49, v36  }
0x2ad: {  	v52 =	vld [tilespmem:s23+$0x0]  }
0x2ae: {  	s24 =	sor.u32 s0, s15;
	v51 =	vmul.f32 v51, v27;
	v36 =	vadd.f32 v50, v36  }
0x2af: {  	v58 =	vld [tilespmem:s24+$0x0]  }
0x2b0: {  	s25 =	sor.u32 s0, s18;
	v56 =	vmul.f32 v40, v28;
	v36 =	vadd.f32 v51, v36  }
0x2b1: {  	v53 =	vld [tilespmem:s25+$0x0]  }
0x2b2: {  	s26 =	sor.u32 s0, s10;
	v57 =	vmul.f32 v52, v29;
	v36 =	vadd.f32 v56, v36  }
0x2b3: {  	v41 =	vld [tilespmem:s26+$0x0]  }
0x2b4: {  	s28 =	sor.u32 s0, s11;
	v58 =	vmul.f32 v58, v30;
	v36 =	vadd.f32 v57, v36  }
0x2b5: {  	v54 =	vld [tilespmem:s28+$0x0]  }
0x2b6: {  	s29 =	sor.u32 s0, s21;
	v59 =	vmul.f32 v53, v31;
	v36 =	vadd.f32 v58, v36  }
0x2b7: {  	v46 =	vld [tilespmem:s29+$0x0]  }
0x2b8: {  	s0 =	sor.u32 s0, s16;
	v60 =	vmul.f32 v41, v32;
	v36 =	vadd.f32 v59, v36  }
0x2b9: {  	v55 =	vld [tilespmem:s0+$0x0]  }
0x2ba: {  	v61 =	vmul.f32 v54, v33;
	v36 =	vadd.f32 v60, v36  }
0x2bb: {  	p1 =	por !p1, !p1  }
.Ltmp4:
0x2bc: {  	s17 =	sadd.s32 $0x40, s17;
	s2 =	rddreg [dreg:$0x6];
	v62 =	vmul.f32 v46, v34;
	v36 =	vadd.f32 v61, v36;
	(pc) =	sbr.rel @p2 .LBB2_5-.Ltmp4, $4  }
0x2bd: {  	s5 =	rddreg [dreg:$0xd];
	s6 =	sadd.s32 $0x40, s2;
	s2 =	sand.u32 $0x40, s17  }
0x2be: {  	s31 =	sor.u32 s5, s17;
	s30 =	rddreg [dreg:$0x7];
	s9 =	sand.u32 $0x1C00, s5;
	v63 =	vmul.f32 v55, v35;
	v36 =	vadd.f32 v62, v36  }
0x2bf: {  	s13 =	sor.u32 $0x380, s31;
	s12 =	sadd.s32 $0x400, s9;
	s0 =	simm.s32 $0x1  }
0x2c0: {  	s21 =	sadd.s32 $0x2400, s9;
	s11 =	sadd.s32 $0x4780, s9;
	s0 =	simm.s32 @!p1 $0x0;
	v36 =	vadd.f32 v63, v36  }
0x2c1: {  	_ = 	snop  }
0x2c2: {  	s4 =	sor.u32 s2, s12;
	[tilespmem:s3+$0x0] =	vst v36  }
0x2c3: {  	v36 =	vld [tilespmem:s4+$0x0]  }
0x2c4: {  	v37 =	vld [tilespmem:s4+$0x80]  }
0x2c5: {  	v38 =	vld [tilespmem:s6+$0x0];
	_ =	sdelay $0x1  }
0x2c6: {  	v39 =	vld [tilespmem:s4+$0x100]  }
0x2c7: {  	s0 =	sshll.u32 s0, $0x6;
	v36 =	vmul.f32 v36, v4  }
0x2c8: {  	s30 =	sadd.s32 s0, s5;
	v40 =	vld [tilespmem:s4+$0x180]  }
0x2c9: {  	s0 =	sor.u32 $0x200, s30;
	v37 =	vmul.f32 v37, v5;
	v36 =	vadd.f32 v36, v38  }
0x2ca: {  	v51 =	vld [tilespmem:s0+$0x400]  }
0x2cb: {  	s25 =	sor.u32 $0x280, s30;
	v52 =	vmul.f32 v39, v6;
	v36 =	vadd.f32 v37, v36  }
0x2cc: {  	v53 =	vld [tilespmem:s25+$0x400]  }
0x2cd: {  	s26 =	sor.u32 $0x300, s30;
	v54 =	vmul.f32 v40, v7;
	v36 =	vadd.f32 v52, v36  }
0x2ce: {  	v55 =	vld [tilespmem:s26+$0x400]  }
0x2cf: {  	v56 =	vmul.f32 v51, v8;
	v36 =	vadd.f32 v54, v36  }
0x2d0: {  	v57 =	vld [tilespmem:s13+$0x400]  }
0x2d1: {  	s28 =	sor.u32 s2, s21;
	v58 =	vmul.f32 v53, v9;
	v36 =	vadd.f32 v56, v36  }
0x2d2: {  	s29 =	sadd.s32 $0x2480, s9;
	v59 =	vld [tilespmem:s28+$0x0]  }
0x2d3: {  	s1 =	sor.u32 s2, s29;
	v60 =	vmul.f32 v55, v10;
	v36 =	vadd.f32 v58, v36  }
0x2d4: {  	s3 =	sadd.s32 $0x2500, s9;
	v61 =	vld [tilespmem:s1+$0x0]  }
0x2d5: {  	s4 =	sor.u32 s2, s3;
	v62 =	vmul.f32 v57, v11;
	v36 =	vadd.f32 v60, v36  }
0x2d6: {  	s7 =	sadd.s32 $0x2580, s9;
	v63 =	vld [tilespmem:s4+$0x0]  }
0x2d7: {  	s8 =	sor.u32 s2, s7;
	v44 =	vmul.f32 v59, v12;
	v36 =	vadd.f32 v62, v36  }
0x2d8: {  	s14 =	sadd.s32 $0x2600, s9;
	v45 =	vld [tilespmem:s8+$0x0]  }
0x2d9: {  	s10 =	sor.u32 s2, s14;
	v46 =	vmul.f32 v61, v13;
	v36 =	vadd.f32 v44, v36  }
0x2da: {  	v47 =	vld [tilespmem:s10+$0x0];
	s4 =	sadd.s32 $0x2680, s9  }
0x2db: {  	[smem:$0x7C0] =	sst s7;
	s7 =	sor.u32 s2, s4;
	v48 =	vmul.f32 v63, v14;
	v36 =	vadd.f32 v46, v36  }
0x2dc: {  	s1 =	smov.u32 s6;
	s6 =	sadd.s32 $0x2700, s9;
	v49 =	vld [tilespmem:s7+$0x0]  }
0x2dd: {  	s10 =	sor.u32 s2, s6;
	v50 =	vmul.f32 v45, v15;
	v36 =	vadd.f32 v48, v36  }
0x2de: {  	s13 =	sadd.s32 $0x2780, s9;
	v51 =	vld [tilespmem:s10+$0x0]  }
0x2df: {  	s15 =	sor.u32 s2, s13;
	v52 =	vmul.f32 v47, v16;
	v36 =	vadd.f32 v50, v36  }
0x2e0: {  	s5 =	sadd.s32 $0x4400, s9;
	v53 =	vld [tilespmem:s15+$0x0]  }
0x2e1: {  	s16 =	sor.u32 s2, s5;
	v54 =	vmul.f32 v49, v17;
	v36 =	vadd.f32 v52, v36  }
0x2e2: {  	s7 =	sadd.s32 $0x4480, s9;
	v55 =	vld [tilespmem:s16+$0x0]  }
0x2e3: {  	s18 =	sor.u32 s2, s7;
	v56 =	vmul.f32 v51, v18;
	v36 =	vadd.f32 v54, v36  }
0x2e4: {  	[smem:$0x7C1] =	sst s13;
	s13 =	sadd.s32 $0x4500, s9;
	v57 =	vld [tilespmem:s18+$0x0]  }
0x2e5: {  	s19 =	sor.u32 s2, s13;
	v58 =	vmul.f32 v53, v19;
	v36 =	vadd.f32 v56, v36  }
0x2e6: {  	v59 =	vld [tilespmem:s19+$0x0];
	s16 =	sadd.s32 $0x4580, s9  }
0x2e7: {  	s20 =	sor.u32 s2, s16;
	v60 =	vmul.f32 v55, v20;
	v36 =	vadd.f32 v58, v36  }
0x2e8: {  	s18 =	sadd.s32 $0x4600, s9;
	v61 =	vld [tilespmem:s20+$0x0]  }
0x2e9: {  	s22 =	sor.u32 s2, s18;
	v62 =	vmul.f32 v57, v21;
	v36 =	vadd.f32 v60, v36  }
0x2ea: {  	s19 =	sadd.s32 $0x4680, s9;
	v63 =	vld [tilespmem:s22+$0x0]  }
0x2eb: {  	s23 =	sor.u32 s2, s19;
	v44 =	vmul.f32 v59, v22;
	v36 =	vadd.f32 v62, v36  }
0x2ec: {  	v45 =	vld [tilespmem:s23+$0x0];
	s20 =	sadd.s32 $0x4700, s9  }
0x2ed: {  	s24 =	sor.u32 s2, s20;
	v46 =	vmul.f32 v61, v23;
	v36 =	vadd.f32 v44, v36  }
0x2ee: {  	v47 =	vld [tilespmem:s24+$0x0]  }
0x2ef: {  	s25 =	sor.u32 s2, s11;
	v48 =	vmul.f32 v63, v24;
	v36 =	vadd.f32 v46, v36  }
0x2f0: {  	s22 =	sadd.s32 $0x6400, s9;
	v49 =	vld [tilespmem:s25+$0x0]  }
0x2f1: {  	s26 =	sor.u32 s2, s22;
	v50 =	vmul.f32 v45, v25;
	v36 =	vadd.f32 v48, v36  }
0x2f2: {  	s23 =	sadd.s32 $0x6480, s9;
	v51 =	vld [tilespmem:s26+$0x0]  }
0x2f3: {  	s28 =	sor.u32 s2, s23;
	v52 =	vmul.f32 v47, v26;
	v36 =	vadd.f32 v50, v36  }
0x2f4: {  	s24 =	sadd.s32 $0x6500, s9;
	v53 =	vld [tilespmem:s28+$0x0]  }
0x2f5: {  	[smem:$0x7BE] =	sst s29;
	s29 =	sor.u32 s2, s24;
	v54 =	vmul.f32 v49, v27;
	v36 =	vadd.f32 v52, v36  }
0x2f6: {  	s25 =	sadd.s32 $0x6580, s9;
	v55 =	vld [tilespmem:s29+$0x0]  }
0x2f7: {  	s0 =	sor.u32 s2, s25;
	v56 =	vmul.f32 v51, v28;
	v36 =	vadd.f32 v54, v36  }
0x2f8: {  	s26 =	sadd.s32 $0x6600, s9;
	v57 =	vld [tilespmem:s0+$0x0]  }
0x2f9: {  	[smem:$0x7BF] =	sst s3;
	s3 =	sor.u32 s2, s26;
	v58 =	vmul.f32 v53, v29;
	v36 =	vadd.f32 v56, v36  }
0x2fa: {  	s28 =	sadd.s32 $0x6680, s9;
	v59 =	vld [tilespmem:s3+$0x0]  }
0x2fb: {  	s8 =	sor.u32 s2, s28;
	v60 =	vmul.f32 v55, v30;
	v36 =	vadd.f32 v58, v36  }
0x2fc: {  	s29 =	sadd.s32 $0x6700, s9;
	v61 =	vld [tilespmem:s8+$0x0]  }
0x2fd: {  	s15 =	sor.u32 s2, s29;
	v62 =	vmul.f32 v57, v31;
	v36 =	vadd.f32 v60, v36  }
0x2fe: {  	s31 =	sadd.s32 $0x6780, s9;
	v63 =	vld [tilespmem:s15+$0x0]  }
0x2ff: {  	s9 =	sor.u32 s2, s31;
	v42 =	vmul.f32 v59, v32;
	v36 =	vadd.f32 v62, v36  }
0x300: {  	v43 =	vld [tilespmem:s9+$0x0]  }
0x301: {  	v44 =	vmul.f32 v61, v33;
	v36 =	vadd.f32 v42, v36;
	_ =	sdelay $0x1  }
0x302: {  	v45 =	vmul.f32 v63, v34;
	v36 =	vadd.f32 v44, v36;
	_ =	sdelay $0x1  }
0x303: {  	v46 =	vmul.f32 v43, v35;
	v36 =	vadd.f32 v45, v36;
	_ =	sdelay $0x1  }
0x304: {  	v36 =	vadd.f32 v46, v36  }
0x305: {  	s15 =	sor.u32 $0x10, s2  }
0x306: {  	s8 =	sand.u32 $0x380, s17;
	s17 =	sor.u32 s15, s12;
	[tilespmem:s1+$0x0] =	vst v36  }
0x307: {  	s10 =	sor.u32 $0x10400, s8;
	v36 =	vld [tilespmem:s17+$0x0]  }
0x308: {  	s9 =	sor.u32 s15, s10;
	v47 =	vld [tilespmem:s17+$0x80]  }
0x309: {  	v48 =	vld [tilespmem:s9+$0x0];
	_ =	sdelay $0x1  }
0x30a: {  	v49 =	vld [tilespmem:s17+$0x100]  }
0x30b: {  	v36 =	vmul.f32 v36, v4  }
0x30c: {  	s8 =	sadd.s32 $0x10, s30;
	v50 =	vld [tilespmem:s17+$0x180]  }
0x30d: {  	s1 =	sor.u32 $0x200, s8;
	v37 =	vmul.f32 v47, v5;
	v36 =	vadd.f32 v36, v48  }
0x30e: {  	v51 =	vld [tilespmem:s1+$0x400];
	s17 =	sor.u32 $0x280, s8  }
0x30f: {  	s1 =	sor.u32 $0x300, s8;
	v53 =	vld [tilespmem:s17+$0x400];
	v52 =	vmul.f32 v49, v6;
	v36 =	vadd.f32 v37, v36  }
0x310: {  	v55 =	vld [tilespmem:s1+$0x400];
	s1 =	sld [smem:$0x7BE]  }
0x311: {  	v54 =	vmul.f32 v50, v7;
	v36 =	vadd.f32 v52, v36  }
0x312: {  	s8 =	sor.u32 $0x380, s8  }
0x313: {  	v57 =	vld [tilespmem:s8+$0x400];
	s17 =	sor.u32 s15, s1;
	v56 =	vmul.f32 v51, v8;
	v36 =	vadd.f32 v54, v36  }
0x314: {  	v61 =	vld [tilespmem:s17+$0x0];
	s17 =	sld [smem:$0x7BF]  }
0x315: {  	[smem:$0x7DC] =	sst s11;
	s0 =	smov.u32 s11;
	s11 =	sor.u32 s15, s21;
	v58 =	vmul.f32 v53, v9;
	v36 =	vadd.f32 v56, v36  }
0x316: {  	v59 =	vld [tilespmem:s11+$0x0]  }
0x317: {  	s3 =	smov.u32 s21;
	v60 =	vmul.f32 v55, v10;
	s21 =	sor.u32 s15, s17;
	v36 =	vadd.f32 v58, v36  }
0x318: {  	v63 =	vld [tilespmem:s21+$0x0];
	s21 =	sld [smem:$0x7C0]  }
0x319: {  	v62 =	vmul.f32 v57, v11;
	v36 =	vadd.f32 v60, v36;
	_ =	sdelay $0x1  }
0x31a: {  	v44 =	vmul.f32 v59, v12;
	s11 =	sor.u32 s15, s21;
	v36 =	vadd.f32 v62, v36  }
0x31b: {  	v45 =	vld [tilespmem:s11+$0x0]  }
0x31c: {  	v46 =	vmul.f32 v61, v13;
	s11 =	sor.u32 s15, s14;
	v36 =	vadd.f32 v44, v36  }
0x31d: {  	[smem:$0x7C2] =	sst s6;
	s6 =	sor.u32 s15, s6;
	v47 =	vld [tilespmem:s11+$0x0]  }
0x31e: {  	v51 =	vld [tilespmem:s6+$0x0];
	v48 =	vmul.f32 v63, v14;
	s11 =	sor.u32 s15, s4;
	v36 =	vadd.f32 v46, v36  }
0x31f: {  	s6 =	sld [smem:$0x7C1];
	v49 =	vld [tilespmem:s11+$0x0]  }
0x320: {  	v50 =	vmul.f32 v45, v15;
	v36 =	vadd.f32 v48, v36;
	_ =	sdelay $0x1  }
0x321: {  	s11 =	sor.u32 s15, s6;
	v52 =	vmul.f32 v47, v16;
	v36 =	vadd.f32 v50, v36  }
0x322: {  	v53 =	vld [tilespmem:s11+$0x0]  }
0x323: {  	s11 =	sor.u32 s15, s5;
	v54 =	vmul.f32 v49, v17;
	v36 =	vadd.f32 v52, v36  }
0x324: {  	v55 =	vld [tilespmem:s11+$0x0]  }
0x325: {  	v56 =	vmul.f32 v51, v18;
	s11 =	sor.u32 s15, s7;
	v36 =	vadd.f32 v54, v36  }
0x326: {  	v57 =	vld [tilespmem:s11+$0x0]  }
0x327: {  	s11 =	sor.u32 s15, s13;
	v58 =	vmul.f32 v53, v19;
	v36 =	vadd.f32 v56, v36  }
0x328: {  	v59 =	vld [tilespmem:s11+$0x0]  }
0x329: {  	s11 =	sor.u32 s15, s16;
	v60 =	vmul.f32 v55, v20;
	v36 =	vadd.f32 v58, v36  }
0x32a: {  	v61 =	vld [tilespmem:s11+$0x0]  }
0x32b: {  	s11 =	sor.u32 s15, s18;
	v62 =	vmul.f32 v57, v21;
	v36 =	vadd.f32 v60, v36  }
0x32c: {  	v63 =	vld [tilespmem:s11+$0x0]  }
0x32d: {  	s11 =	sor.u32 s15, s19;
	v44 =	vmul.f32 v59, v22;
	v36 =	vadd.f32 v62, v36  }
0x32e: {  	v45 =	vld [tilespmem:s11+$0x0]  }
0x32f: {  	s11 =	sor.u32 s15, s20;
	v46 =	vmul.f32 v61, v23;
	v36 =	vadd.f32 v44, v36  }
0x330: {  	v47 =	vld [tilespmem:s11+$0x0]  }
0x331: {  	s0 =	sor.u32 s15, s0;
	v48 =	vmul.f32 v63, v24;
	v36 =	vadd.f32 v46, v36  }
0x332: {  	v49 =	vld [tilespmem:s0+$0x0]  }
0x333: {  	s11 =	sor.u32 s15, s22;
	v50 =	vmul.f32 v45, v25;
	v36 =	vadd.f32 v48, v36  }
0x334: {  	v51 =	vld [tilespmem:s11+$0x0]  }
0x335: {  	s0 =	sor.u32 s15, s23;
	v52 =	vmul.f32 v47, v26;
	v36 =	vadd.f32 v50, v36  }
0x336: {  	v53 =	vld [tilespmem:s0+$0x0]  }
0x337: {  	s11 =	sor.u32 s15, s24;
	v54 =	vmul.f32 v49, v27;
	v36 =	vadd.f32 v52, v36  }
0x338: {  	v55 =	vld [tilespmem:s11+$0x0]  }
0x339: {  	s0 =	sor.u32 s15, s25;
	v56 =	vmul.f32 v51, v28;
	v36 =	vadd.f32 v54, v36  }
0x33a: {  	v57 =	vld [tilespmem:s0+$0x0]  }
0x33b: {  	s11 =	sor.u32 s15, s26;
	v58 =	vmul.f32 v53, v29;
	v36 =	vadd.f32 v56, v36  }
0x33c: {  	v59 =	vld [tilespmem:s11+$0x0]  }
0x33d: {  	s0 =	sor.u32 s15, s28;
	v60 =	vmul.f32 v55, v30;
	v36 =	vadd.f32 v58, v36  }
0x33e: {  	v61 =	vld [tilespmem:s0+$0x0]  }
0x33f: {  	s11 =	sor.u32 s15, s29;
	v62 =	vmul.f32 v57, v31;
	v36 =	vadd.f32 v60, v36  }
0x340: {  	v63 =	vld [tilespmem:s11+$0x0]  }
0x341: {  	s15 =	sor.u32 s15, s31;
	v42 =	vmul.f32 v59, v32;
	v36 =	vadd.f32 v62, v36  }
0x342: {  	v43 =	vld [tilespmem:s15+$0x0]  }
0x343: {  	v44 =	vmul.f32 v61, v33;
	v36 =	vadd.f32 v42, v36;
	_ =	sdelay $0x1  }
0x344: {  	v45 =	vmul.f32 v63, v34;
	v36 =	vadd.f32 v44, v36;
	_ =	sdelay $0x1  }
0x345: {  	v46 =	vmul.f32 v43, v35;
	v36 =	vadd.f32 v45, v36;
	_ =	sdelay $0x1  }
0x346: {  	v36 =	vadd.f32 v46, v36  }
0x347: {  	s11 =	sor.u32 $0x20, s2  }
0x348: {  	s0 =	sor.u32 s11, s12;
	[tilespmem:s9+$0x0] =	vst v36  }
0x349: {  	v36 =	vld [tilespmem:s0+$0x0]  }
0x34a: {  	s9 =	sor.u32 s11, s10;
	v47 =	vld [tilespmem:s0+$0x80]  }
0x34b: {  	v48 =	vld [tilespmem:s9+$0x0];
	_ =	sdelay $0x1  }
0x34c: {  	v49 =	vld [tilespmem:s0+$0x100]  }
0x34d: {  	v36 =	vmul.f32 v36, v4  }
0x34e: {  	s8 =	sadd.s32 $0x20, s30;
	v50 =	vld [tilespmem:s0+$0x180]  }
0x34f: {  	[smem:$0x7E1] =	sst s12;
	s12 =	sor.u32 $0x200, s8;
	v37 =	vmul.f32 v47, v5;
	v36 =	vadd.f32 v36, v48  }
0x350: {  	v51 =	vld [tilespmem:s12+$0x400]  }
0x351: {  	s0 =	sor.u32 $0x280, s8;
	v52 =	vmul.f32 v49, v6;
	v36 =	vadd.f32 v37, v36  }
0x352: {  	v53 =	vld [tilespmem:s0+$0x400]  }
0x353: {  	s12 =	sor.u32 $0x300, s8;
	v54 =	vmul.f32 v50, v7;
	v36 =	vadd.f32 v52, v36  }
0x354: {  	v55 =	vld [tilespmem:s12+$0x400]  }
0x355: {  	s8 =	sor.u32 $0x380, s8;
	v56 =	vmul.f32 v51, v8;
	v36 =	vadd.f32 v54, v36  }
0x356: {  	v57 =	vld [tilespmem:s8+$0x400]  }
0x357: {  	s0 =	sor.u32 s11, s3;
	v58 =	vmul.f32 v53, v9;
	v36 =	vadd.f32 v56, v36  }
0x358: {  	v59 =	vld [tilespmem:s0+$0x0]  }
0x359: {  	s15 =	sor.u32 s11, s1;
	v60 =	vmul.f32 v55, v10;
	v36 =	vadd.f32 v58, v36  }
0x35a: {  	v61 =	vld [tilespmem:s15+$0x0]  }
0x35b: {  	s0 =	smov.u32 s1;
	s1 =	sor.u32 s11, s17;
	v62 =	vmul.f32 v57, v11;
	v36 =	vadd.f32 v60, v36  }
0x35c: {  	v63 =	vld [tilespmem:s1+$0x0]  }
0x35d: {  	s12 =	smov.u32 s3;
	s3 =	sor.u32 s11, s21;
	v44 =	vmul.f32 v59, v12;
	v36 =	vadd.f32 v62, v36  }
0x35e: {  	v45 =	vld [tilespmem:s3+$0x0]  }
0x35f: {  	s15 =	smov.u32 s14;
	s14 =	sor.u32 s11, s14;
	v46 =	vmul.f32 v61, v13;
	v36 =	vadd.f32 v44, v36  }
0x360: {  	s1 =	sor.u32 s11, s4;
	v47 =	vld [tilespmem:s14+$0x0];
	s14 =	smov.u32 s4;
	s4 =	sld [smem:$0x7C2]  }
0x361: {  	v48 =	vmul.f32 v63, v14;
	v36 =	vadd.f32 v46, v36  }
0x362: {  	v49 =	vld [tilespmem:s1+$0x0]  }
0x363: {  	v50 =	vmul.f32 v45, v15;
	s3 =	sor.u32 s11, s4;
	v36 =	vadd.f32 v48, v36  }
0x364: {  	v51 =	vld [tilespmem:s3+$0x0]  }
0x365: {  	s1 =	sor.u32 s11, s6;
	v52 =	vmul.f32 v47, v16;
	v36 =	vadd.f32 v50, v36  }
0x366: {  	v53 =	vld [tilespmem:s1+$0x0]  }
0x367: {  	s3 =	sor.u32 s11, s5;
	v54 =	vmul.f32 v49, v17;
	v36 =	vadd.f32 v52, v36  }
0x368: {  	v55 =	vld [tilespmem:s3+$0x0]  }
0x369: {  	s1 =	sor.u32 s11, s7;
	v56 =	vmul.f32 v51, v18;
	v36 =	vadd.f32 v54, v36  }
0x36a: {  	v57 =	vld [tilespmem:s1+$0x0]  }
0x36b: {  	s3 =	sor.u32 s11, s13;
	v58 =	vmul.f32 v53, v19;
	v36 =	vadd.f32 v56, v36  }
0x36c: {  	v59 =	vld [tilespmem:s3+$0x0]  }
0x36d: {  	s1 =	sor.u32 s11, s16;
	v60 =	vmul.f32 v55, v20;
	v36 =	vadd.f32 v58, v36  }
0x36e: {  	v61 =	vld [tilespmem:s1+$0x0]  }
0x36f: {  	s3 =	sor.u32 s11, s18;
	v62 =	vmul.f32 v57, v21;
	v36 =	vadd.f32 v60, v36  }
0x370: {  	s1 =	sor.u32 s11, s19;
	v63 =	vld [tilespmem:s3+$0x0]  }
0x371: {  	v45 =	vld [tilespmem:s1+$0x0];
	s3 =	sor.u32 s11, s20;
	v44 =	vmul.f32 v59, v22;
	v36 =	vadd.f32 v62, v36  }
0x372: {  	v47 =	vld [tilespmem:s3+$0x0];
	s3 =	sld [smem:$0x7DC]  }
0x373: {  	v46 =	vmul.f32 v61, v23;
	v36 =	vadd.f32 v44, v36;
	_ =	sdelay $0x1  }
0x374: {  	s1 =	sor.u32 s11, s3;
	v48 =	vmul.f32 v63, v24;
	v36 =	vadd.f32 v46, v36  }
0x375: {  	v49 =	vld [tilespmem:s1+$0x0]  }
0x376: {  	s1 =	sor.u32 s11, s22;
	v50 =	vmul.f32 v45, v25;
	v36 =	vadd.f32 v48, v36  }
0x377: {  	v51 =	vld [tilespmem:s1+$0x0]  }
0x378: {  	s1 =	sor.u32 s11, s23;
	v52 =	vmul.f32 v47, v26;
	v36 =	vadd.f32 v50, v36  }
0x379: {  	v53 =	vld [tilespmem:s1+$0x0]  }
0x37a: {  	s1 =	sor.u32 s11, s24;
	v54 =	vmul.f32 v49, v27;
	v36 =	vadd.f32 v52, v36  }
0x37b: {  	v55 =	vld [tilespmem:s1+$0x0]  }
0x37c: {  	s1 =	sor.u32 s11, s25;
	v56 =	vmul.f32 v51, v28;
	v36 =	vadd.f32 v54, v36  }
0x37d: {  	v57 =	vld [tilespmem:s1+$0x0]  }
0x37e: {  	s1 =	sor.u32 s11, s26;
	v58 =	vmul.f32 v53, v29;
	v36 =	vadd.f32 v56, v36  }
0x37f: {  	v59 =	vld [tilespmem:s1+$0x0]  }
0x380: {  	s1 =	sor.u32 s11, s28;
	v60 =	vmul.f32 v55, v30;
	v36 =	vadd.f32 v58, v36  }
0x381: {  	v61 =	vld [tilespmem:s1+$0x0]  }
0x382: {  	s1 =	sor.u32 s11, s29;
	v62 =	vmul.f32 v57, v31;
	v36 =	vadd.f32 v60, v36  }
0x383: {  	v63 =	vld [tilespmem:s1+$0x0]  }
0x384: {  	s1 =	sor.u32 s11, s31;
	v43 =	vmul.f32 v59, v32;
	v36 =	vadd.f32 v62, v36  }
0x385: {  	v44 =	vld [tilespmem:s1+$0x0]  }
0x386: {  	v45 =	vmul.f32 v61, v33;
	v36 =	vadd.f32 v43, v36;
	_ =	sdelay $0x1  }
0x387: {  	v46 =	vmul.f32 v63, v34;
	v36 =	vadd.f32 v45, v36;
	_ =	sdelay $0x1  }
0x388: {  	v47 =	vmul.f32 v44, v35;
	v36 =	vadd.f32 v46, v36  }
0x389: {  	s8 =	sld [smem:$0x7E1]  }
0x38a: {  	v36 =	vadd.f32 v47, v36  }
0x38b: {  	s11 =	sor.u32 $0x30, s2  }
0x38c: {  	[tilespmem:s9+$0x0] =	vst v36;
	s9 =	sor.u32 s11, s8  }
0x38d: {  	s2 =	sor.u32 s11, s10;
	v36 =	vld [tilespmem:s9+$0x0]  }
0x38e: {  	v48 =	vld [tilespmem:s2+$0x0]  }
0x38f: {  	v49 =	vld [tilespmem:s9+$0x80];
	_ =	sdelay $0x1  }
0x390: {  	v50 =	vld [tilespmem:s9+$0x100]  }
0x391: {  	v4 =	vmul.f32 v36, v4  }
0x392: {  	s1 =	sadd.s32 $0x30, s30;
	v51 =	vld [tilespmem:s9+$0x180]  }
0x393: {  	s10 =	sor.u32 $0x200, s1;
	v5 =	vmul.f32 v49, v5;
	v4 =	vadd.f32 v4, v48  }
0x394: {  	v52 =	vld [tilespmem:s10+$0x400]  }
0x395: {  	s9 =	sor.u32 $0x280, s1;
	v4 =	vadd.f32 v5, v4;
	v5 =	vmul.f32 v50, v6  }
0x396: {  	v6 =	vld [tilespmem:s9+$0x400]  }
0x397: {  	s10 =	sor.u32 $0x300, s1;
	v4 =	vadd.f32 v5, v4;
	v5 =	vmul.f32 v51, v7  }
0x398: {  	v7 =	vld [tilespmem:s10+$0x400]  }
0x399: {  	s1 =	sor.u32 $0x380, s1;
	v4 =	vadd.f32 v5, v4;
	v5 =	vmul.f32 v52, v8  }
0x39a: {  	v8 =	vld [tilespmem:s1+$0x400]  }
0x39b: {  	s12 =	sor.u32 s11, s12;
	v4 =	vadd.f32 v5, v4;
	v5 =	vmul.f32 v6, v9  }
0x39c: {  	v6 =	vld [tilespmem:s12+$0x0]  }
0x39d: {  	s0 =	sor.u32 s11, s0;
	v4 =	vadd.f32 v5, v4;
	v5 =	vmul.f32 v7, v10  }
0x39e: {  	v7 =	vld [tilespmem:s0+$0x0]  }
0x39f: {  	s8 =	sor.u32 s11, s17;
	v4 =	vadd.f32 v5, v4;
	v5 =	vmul.f32 v8, v11  }
0x3a0: {  	v8 =	vld [tilespmem:s8+$0x0]  }
0x3a1: {  	s9 =	sor.u32 s11, s21;
	v4 =	vadd.f32 v5, v4;
	v5 =	vmul.f32 v6, v12  }
0x3a2: {  	v6 =	vld [tilespmem:s9+$0x0]  }
0x3a3: {  	s10 =	sor.u32 s11, s15;
	v4 =	vadd.f32 v5, v4;
	v5 =	vmul.f32 v7, v13  }
0x3a4: {  	v7 =	vld [tilespmem:s10+$0x0]  }
0x3a5: {  	s12 =	sor.u32 s11, s14;
	v4 =	vadd.f32 v5, v4;
	v5 =	vmul.f32 v8, v14  }
0x3a6: {  	v8 =	vld [tilespmem:s12+$0x0]  }
0x3a7: {  	s14 =	sor.u32 s11, s4;
	v4 =	vadd.f32 v5, v4;
	v5 =	vmul.f32 v6, v15  }
0x3a8: {  	v6 =	vld [tilespmem:s14+$0x0]  }
0x3a9: {  	s15 =	sor.u32 s11, s6;
	v4 =	vadd.f32 v5, v4;
	v5 =	vmul.f32 v7, v16  }
0x3aa: {  	v7 =	vld [tilespmem:s15+$0x0]  }
0x3ab: {  	s17 =	sor.u32 s11, s5;
	v4 =	vadd.f32 v5, v4;
	v5 =	vmul.f32 v8, v17  }
0x3ac: {  	v8 =	vld [tilespmem:s17+$0x0]  }
0x3ad: {  	s21 =	sor.u32 s11, s7;
	v4 =	vadd.f32 v5, v4;
	v5 =	vmul.f32 v6, v18  }
0x3ae: {  	v6 =	vld [tilespmem:s21+$0x0]  }
0x3af: {  	s1 =	sor.u32 s11, s13;
	v4 =	vadd.f32 v5, v4;
	v5 =	vmul.f32 v7, v19  }
0x3b0: {  	v7 =	vld [tilespmem:s1+$0x0]  }
0x3b1: {  	s4 =	sor.u32 s11, s16;
	v4 =	vadd.f32 v5, v4;
	v5 =	vmul.f32 v8, v20  }
0x3b2: {  	v8 =	vld [tilespmem:s4+$0x0]  }
0x3b3: {  	s5 =	sor.u32 s11, s18;
	v4 =	vadd.f32 v5, v4;
	v5 =	vmul.f32 v6, v21  }
0x3b4: {  	v6 =	vld [tilespmem:s5+$0x0]  }
0x3b5: {  	s6 =	sor.u32 s11, s19;
	v4 =	vadd.f32 v5, v4;
	v5 =	vmul.f32 v7, v22  }
0x3b6: {  	v7 =	vld [tilespmem:s6+$0x0]  }
0x3b7: {  	s7 =	sor.u32 s11, s20;
	v4 =	vadd.f32 v5, v4;
	v5 =	vmul.f32 v8, v23  }
0x3b8: {  	v8 =	vld [tilespmem:s7+$0x0]  }
0x3b9: {  	s8 =	sor.u32 s11, s3;
	v4 =	vadd.f32 v5, v4;
	v5 =	vmul.f32 v6, v24  }
0x3ba: {  	v6 =	vld [tilespmem:s8+$0x0]  }
0x3bb: {  	s9 =	sor.u32 s11, s22;
	v4 =	vadd.f32 v5, v4;
	v5 =	vmul.f32 v7, v25  }
0x3bc: {  	v7 =	vld [tilespmem:s9+$0x0]  }
0x3bd: {  	s10 =	sor.u32 s11, s23;
	v4 =	vadd.f32 v5, v4;
	v5 =	vmul.f32 v8, v26  }
0x3be: {  	v8 =	vld [tilespmem:s10+$0x0]  }
0x3bf: {  	s12 =	sor.u32 s11, s24;
	v4 =	vadd.f32 v5, v4;
	v5 =	vmul.f32 v6, v27  }
0x3c0: {  	v6 =	vld [tilespmem:s12+$0x0]  }
0x3c1: {  	s13 =	sor.u32 s11, s25;
	v4 =	vadd.f32 v5, v4;
	v5 =	vmul.f32 v7, v28  }
0x3c2: {  	v7 =	vld [tilespmem:s13+$0x0]  }
0x3c3: {  	s14 =	sor.u32 s11, s26;
	v4 =	vadd.f32 v5, v4;
	v5 =	vmul.f32 v8, v29  }
0x3c4: {  	v8 =	vld [tilespmem:s14+$0x0]  }
0x3c5: {  	s15 =	sor.u32 s11, s28;
	v4 =	vadd.f32 v5, v4;
	v5 =	vmul.f32 v6, v30  }
0x3c6: {  	v6 =	vld [tilespmem:s15+$0x0]  }
0x3c7: {  	s16 =	sor.u32 s11, s29;
	v4 =	vadd.f32 v5, v4;
	v5 =	vmul.f32 v7, v31  }
0x3c8: {  	v7 =	vld [tilespmem:s16+$0x0]  }
0x3c9: {  	s17 =	sor.u32 s11, s31;
	v4 =	vadd.f32 v5, v4;
	v5 =	vmul.f32 v8, v32  }
0x3ca: {  	v8 =	vld [tilespmem:s17+$0x0]  }
0x3cb: {  	v4 =	vadd.f32 v5, v4;
	v5 =	vmul.f32 v6, v33;
	_ =	sdelay $0x1  }
0x3cc: {  	v4 =	vadd.f32 v5, v4;
	v5 =	vmul.f32 v7, v34;
	_ =	sdelay $0x1  }
0x3cd: {  	s18 =	sld [smem:$0x7E6];
	v4 =	vadd.f32 v5, v4;
	v5 =	vmul.f32 v8, v35;
	_ =	sdelay $0x1  }
0x3ce: {  	v4 =	vadd.f32 v5, v4  }
0x3cf: {  	p1 =	seq.s32 s18, $0x7;
	s1 =	sshll.u32 s18, $0x8  }
0x3d0: {  	s0 =	sshrl.u32 @!p1 s1, $0x2;
	[tilespmem:s2+$0x0] =	vst v4  }
0x3d1: {  	v4 =	vld @!p1 [tilespmem:s0+$0x40];
	_ =	sdelay $0x4  }
0x3d2: {  	v5 =	vshll.u32 @!p1 v4, $0x3  }
0x3d3: {  	v6 =	vlaneseq.u32 @!p1;
	v4 =	vand.u32 @!p1 $0x7, v4;
	v5 =	vand.u32 @!p1 $0xFFFFFFC0, v5  }
0x3d4: {  	v7 =	vshrl.u32 @!p1 v6, $0x3;
	v4 =	vor.u32 @!p1 v4, v5;
	v5 =	vand.u32 @!p1 $0x7, v6  }
0x3d5: {  	v7 =	vmul.u32 @!p1 $0x8, v7;
	v8 =	vperm.xlane @!p1 v4, v5;
	_ =	sdelay $0x1  }
0x3d6: {  	v8 =	vadd.s32 @!p1 v7, v8;
	_ =	sdelay $0x1  }
0x3d7: {  	s3 =	rddreg [dreg:$0x0]  }
0x3d8: {  	[smem:$0x7C3] =	sst s1  }
0x3d9: {  	vm1 =	vmmov @!p1 $0xffff;
	s1 =	simm.s32 @!p1 $0x0;
	s4 =	sld [smem:$0x7F5];
	s2 =	simm.s32 @!p1 $0x400  }
0x3da: {  	v6 =	vor.u32 @!p1 $0x8, v6;
	[tilespmem:s2], [sflag:$0x1] =	stream.indirect_vreg.gather @!p1 [hbm4b:s3+s1], $0x80, v8, vm1, $0xb8;
	[tilespmem:$0x12000] =	vst v63  }
0x3db: {  	s5 =	sld [smem:$0x7F6];
	v4 =	vperm.xlane @!p1 v4, v6;
	s2 =	simm.s32 @!p1 $0xC00  }
0x3dc: {  	[tilespmem:s2], [sflag:$0x1] =	stream.indirect_vreg.gather @!p1 [hbm4b:s4+s1], $0x80, v8, vm1, $0xb8;
	[tilespmem:$0x12000] =	vst v63  }
0x3dd: {  	s6 =	sld [smem:$0x7F7];
	v4 =	vadd.s32 @!p1 v7, v4;
	s2 =	simm.s32 @!p1 $0x1400  }
0x3de: {  	[tilespmem:s2], [sflag:$0x1] =	stream.indirect_vreg.gather @!p1 [hbm4b:s5+s1], $0x80, v8, vm1, $0xb8;
	[tilespmem:$0x12000] =	vst v63  }
0x3df: {  	s2 =	simm.s32 @!p1 $0x1C00  }
0x3e0: {  	[tilespmem:s2], [sflag:$0x1] =	stream.indirect_vreg.gather @!p1 [hbm4b:s6+s1], $0x80, v8, vm1, $0xb8;
	[tilespmem:$0x12000] =	vst v63  }
0x3e1: {  	s2 =	simm.s32 @!p1 $0x2400  }
0x3e2: {  	[tilespmem:s2], [sflag:$0x1] =	stream.indirect_vreg.gather @!p1 [hbm4b:s3+s1], $0x80, v4, vm1, $0xb8;
	[tilespmem:$0x12000] =	vst v63  }
0x3e3: {  	s2 =	simm.s32 @!p1 $0x2C00  }
0x3e4: {  	[tilespmem:s2], [sflag:$0x1] =	stream.indirect_vreg.gather @!p1 [hbm4b:s4+s1], $0x80, v4, vm1, $0xb8;
	[tilespmem:$0x12000] =	vst v63  }
0x3e5: {  	s2 =	simm.s32 @!p1 $0x3400  }
0x3e6: {  	[tilespmem:s2], [sflag:$0x1] =	stream.indirect_vreg.gather @!p1 [hbm4b:s5+s1], $0x80, v4, vm1, $0xb8;
	[tilespmem:$0x12000] =	vst v63  }
0x3e7: {  	s2 =	simm.s32 @!p1 $0x3C00  }
0x3e8: {  	[tilespmem:s2], [sflag:$0x1] =	stream.indirect_vreg.gather @!p1 [hbm4b:s6+s1], $0x80, v4, vm1, $0xb8;
	[tilespmem:$0x12000] =	vst v63  }
0x3e9: {  	v4 =	vld @!p1 [tilespmem:s0+$0x50];
	_ =	sdelay $0x4  }
0x3ea: {  	v8 =	vshll.u32 @!p1 v4, $0x3  }
0x3eb: {  	v4 =	vand.u32 @!p1 $0x7, v4;
	v8 =	vand.u32 @!p1 $0xFFFFFFC0, v8  }
0x3ec: {  	v4 =	vor.u32 @!p1 v4, v8  }
0x3ed: {  	v5 =	vperm.xlane @!p1 v4, v5;
	_ =	sdelay $0x1  }
0x3ee: {  	v5 =	vadd.s32 @!p1 v7, v5;
	_ =	sdelay $0x3  }
0x3ef: {  	s0 =	simm.s32 @!p1 $0x4400  }
0x3f0: {  	[tilespmem:s0], [sflag:$0x1] =	stream.indirect_vreg.gather @!p1 [hbm4b:s3+s1], $0x80, v5, vm1, $0xb8;
	[tilespmem:$0x12000] =	vst v63  }
0x3f1: {  	v4 =	vperm.xlane @!p1 v4, v6;
	s0 =	simm.s32 @!p1 $0x4C00  }
0x3f2: {  	[tilespmem:s0], [sflag:$0x1] =	stream.indirect_vreg.gather @!p1 [hbm4b:s4+s1], $0x80, v5, vm1, $0xb8;
	[tilespmem:$0x12000] =	vst v63  }
0x3f3: {  	v4 =	vadd.s32 @!p1 v7, v4;
	s0 =	simm.s32 @!p1 $0x5400  }
0x3f4: {  	[tilespmem:s0], [sflag:$0x1] =	stream.indirect_vreg.gather @!p1 [hbm4b:s5+s1], $0x80, v5, vm1, $0xb8;
	[tilespmem:$0x12000] =	vst v63  }
0x3f5: {  	s25 =	sld [smem:$0x7E7];
	s0 =	simm.s32 @!p1 $0x5C00  }
0x3f6: {  	[tilespmem:s0], [sflag:$0x1] =	stream.indirect_vreg.gather @!p1 [hbm4b:s6+s1], $0x80, v5, vm1, $0xb8;
	[tilespmem:$0x12000] =	vst v63  }
0x3f7: {  	s0 =	simm.s32 @!p1 $0x6400  }
0x3f8: {  	[tilespmem:s0], [sflag:$0x1] =	stream.indirect_vreg.gather @!p1 [hbm4b:s3+s1], $0x80, v4, vm1, $0xb8;
	[tilespmem:$0x12000] =	vst v63  }
0x3f9: {  	s19 =	sor.u32 $0x20, s25;
	s20 =	sor.u32 $0x21, s25;
	s0 =	simm.s32 @!p1 $0x6C00  }
0x3fa: {  	v5 =	vmov s19;
	[tilespmem:s0], [sflag:$0x1] =	stream.indirect_vreg.gather @!p1 [hbm4b:s4+s1], $0x80, v4, vm1, $0xb8;
	[tilespmem:$0x12000] =	vst v63  }
0x3fb: {  	s2 =	simm.s32 @!p1 $0x7400;
	v6 =	vmov s20;
	v5 =	vand.u32 $0xFFFFFFE0, v5  }
0x3fc: {  	v6 =	vand.u32 $0xFFFFFFE1, v6;
	v5 =	vbroadcast v5, $0x0;
	[tilespmem:s2], [sflag:$0x1] =	stream.indirect_vreg.gather @!p1 [hbm4b:s5+s1], $0x80, v4, vm1, $0xb8;
	[tilespmem:$0x12000] =	vst v63  }
0x3fd: {  	s22 =	simm.s32 $0x2;
	s21 =	sor.u32 $0x22, s25;
	v6 =	vbroadcast v6, $0x0;
	s0 =	simm.s32 @!p1 $0x7C00  }
0x3fe: {  	[tilespmem:s0], [sflag:$0x1] =	stream.indirect_vreg.gather @!p1 [hbm4b:s6+s1], $0x80, v4, vm1, $0xb8;
	[tilespmem:$0x12000] =	vst v63  }
0x3ff: {  	v4 =	vmov s21;
	_ =	swait.ge [sflag:s22], $0x8000  }
0x400: {  	s23 =	sor.u32 $0x23, s25;
	s3 =	simm.s32 $0x0;
	v4 =	vand.u32 $0xFFFFFFE2, v4;
	[sflag:s22] =	ssyncset.done $0x0  }
0x401: {  	s26 =	sand.u32 $0x1C00, s3;
	s0 =	simm.s32 $0x200;
	v7 =	vbroadcast v4, $0x0;
	[sflag:s22] =	ssyncadd.s32 $0xFFFF8000  }
0x402: {  	s24 =	sor.u32 $0x24, s25;
	v8 =	vmov s23;
	s31 =	sadd.s32 $0x8400, s26;
	s1 =	sand.u32 $0x40, s3;
	v4 =	vld.idx.msk [tilespmem:v5+s0+$0x0], $0xffff  }
0x403: {  	v8 =	vand.u32 $0xFFFFFFE3, v8;
	s28 =	sor.u32 s1, s31;
	v5 =	vld.idx.msk [tilespmem:v6+s0+$0x0], $0xffff;
	v6 =	vmov s24  }
0x404: {  	v8 =	vbroadcast v8, $0x0;
	s5 =	sor.u32 $0x25, s25;
	v9 =	vld [tilespmem:s28+$0x0];
	v6 =	vand.u32 $0xFFFFFFE4, v6  }
0x405: {  	s29 =	simm.s32 $0x10400;
	v11 =	vld [tilespmem:s28+$0x80];
	v10 =	vbroadcast v6, $0x0;
	v6 =	vmov s5  }
0x406: {  	s6 =	sor.u32 $0x26, s25;
	v13 =	vld [tilespmem:s29+$0x0];
	v12 =	vand.u32 $0xFFFFFFE5, v6  }
0x407: {  	p2 =	por $0x0, $0x0;
	s5 =	simm.s32 $0x1;
	v6 =	vld.idx.msk [tilespmem:v7+s0+$0x0], $0xffff;
	v12 =	vbroadcast v12, $0x0;
	v7 =	vmov s6  }
0x408: {  	s7 =	sor.u32 $0x27, s25;
	v16 =	vld [tilespmem:s28+$0x100];
	s5 =	simm.s32 @!p2 $0x0;
	v14 =	vand.u32 $0xFFFFFFE6, v7  }
0x409: {  	v15 =	vmov s7;
	s8 =	sor.u32 $0x28, s25;
	v18 =	vld [tilespmem:s28+$0x180];
	s5 =	sshll.u32 s5, $0x6;
	v9 =	vmul.f32 v9, v4;
	v14 =	vbroadcast v14, $0x0  }
0x40a: {  	v17 =	vmov s8;
	v7 =	vld.idx.msk [tilespmem:v8+s0+$0x0], $0xffff;
	v8 =	vand.u32 $0xFFFFFFE7, v15;
	s9 =	sadd.s32 $0x0, s5;
	v11 =	vmul.f32 v11, v5  }
0x40b: {  	s10 =	sor.u32 $0x29, s25;
	v15 =	vbroadcast v8, $0x0;
	s5 =	sor.u32 $0x200, s9;
	v13 =	vadd.f32 v9, v13;
	v8 =	vld.idx.msk [tilespmem:v10+s0+$0x0], $0xffff;
	v10 =	vand.u32 $0xFFFFFFE8, v17  }
0x40c: {  	v19 =	vld [tilespmem:s5+$0x8400];
	v17 =	vbroadcast v10, $0x0;
	v10 =	vmov s10  }
0x40d: {  	s11 =	sor.u32 $0x2A, s25;
	s12 =	sor.u32 $0x280, s9;
	v11 =	vadd.f32 v11, v13;
	v9 =	vld.idx.msk [tilespmem:v12+s0+$0x0], $0xffff;
	v10 =	vand.u32 $0xFFFFFFE9, v10;
	v12 =	vmul.f32 v16, v6  }
0x40e: {  	v20 =	vld [tilespmem:s12+$0x8400];
	v16 =	vmov s11;
	v13 =	vbroadcast v10, $0x0  }
0x40f: {  	s13 =	sor.u32 $0x2B, s25;
	s14 =	sor.u32 $0x300, s9;
	v10 =	vld.idx.msk [tilespmem:v14+s0+$0x0], $0xffff;
	v14 =	vand.u32 $0xFFFFFFEA, v16;
	v12 =	vadd.f32 v12, v11;
	v16 =	vmul.f32 v18, v7  }
0x410: {  	s15 =	sor.u32 s3, s3;
	v21 =	vld [tilespmem:s14+$0x8400];
	v18 =	vmov s13  }
0x411: {  	s16 =	sor.u32 $0x2C, s25;
	s4 =	sor.u32 $0x380, s15;
	v11 =	vld.idx.msk [tilespmem:v15+s0+$0x0], $0xffff;
	v15 =	vand.u32 $0xFFFFFFEB, v18;
	v18 =	vmul.f32 v19, v8;
	v16 =	vadd.f32 v16, v12  }
0x412: {  	s17 =	sadd.s32 $0xA400, s26;
	v22 =	vld [tilespmem:s4+$0x8400];
	v14 =	vbroadcast v14, $0x0;
	v19 =	vmov s16  }
0x413: {  	s18 =	sor.u32 $0x2D, s25;
	s20 =	sadd.s32 $0xA480, s26;
	s19 =	sor.u32 s1, s17;
	v12 =	vld.idx.msk [tilespmem:v17+s0+$0x0], $0xffff;
	v17 =	vand.u32 $0xFFFFFFEC, v19;
	v16 =	vadd.f32 v18, v16;
	v18 =	vmul.f32 v20, v9  }
0x414: {  	s22 =	sor.u32 s1, s20;
	v15 =	vbroadcast v15, $0x0;
	v19 =	vmov s18;
	v17 =	vbroadcast v17, $0x0;
	v20 =	vld [tilespmem:s19+$0x0]  }
0x415: {  	s21 =	sor.u32 $0x2E, s25;
	s4 =	sadd.s32 $0xA500, s26;
	v23 =	vld [tilespmem:s22+$0x0];
	v19 =	vand.u32 $0xFFFFFFED, v19;
	v16 =	vadd.f32 v18, v16;
	v18 =	vmul.f32 v21, v10  }
0x416: {  	s24 =	sor.u32 s1, s4;
	v13 =	vld.idx.msk [tilespmem:v13+s0+$0x0], $0xffff;
	v19 =	vbroadcast v19, $0x0;
	v21 =	vmov s21  }
0x417: {  	s23 =	sor.u32 $0x2F, s25;
	v24 =	vld [tilespmem:s24+$0x0];
	s5 =	sadd.s32 $0xA580, s26;
	v21 =	vand.u32 $0xFFFFFFEE, v21;
	v16 =	vadd.f32 v18, v16;
	v18 =	vmul.f32 v22, v11  }
0x418: {  	s2 =	sor.u32 s1, s5;
	v14 =	vld.idx.msk [tilespmem:v14+s0+$0x0], $0xffff;
	v21 =	vbroadcast v21, $0x0;
	v22 =	vmov s23  }
0x419: {  	s28 =	sor.u32 $0x30, s25;
	v26 =	vld [tilespmem:s2+$0x0];
	v22 =	vand.u32 $0xFFFFFFEF, v22;
	v20 =	vmul.f32 v20, v12;
	v18 =	vadd.f32 v18, v16  }
0x41a: {  	v25 =	vmov s28;
	s6 =	sadd.s32 $0xA600, s26;
	v15 =	vld.idx.msk [tilespmem:v15+s0+$0x0], $0xffff;
	v22 =	vbroadcast v22, $0x0  }
0x41b: {  	[smem:$0x7CE] =	sst s9;
	s9 =	sor.u32 $0x31, s25;
	s10 =	sor.u32 s1, s6;
	v16 =	vld.idx.msk [tilespmem:v17+s0+$0x0], $0xffff;
	v17 =	vand.u32 $0xFFFFFFF0, v25;
	v18 =	vadd.f32 v20, v18;
	v20 =	vmul.f32 v23, v13  }
0x41c: {  	s7 =	sadd.s32 $0xA680, s26;
	v27 =	vld [tilespmem:s10+$0x0];
	v25 =	vmov s9;
	v23 =	vbroadcast v17, $0x0  }
0x41d: {  	s12 =	sor.u32 s1, s7;
	s11 =	sor.u32 $0x32, s25;
	v17 =	vld.idx.msk [tilespmem:v19+s0+$0x0], $0xffff;
	v19 =	vand.u32 $0xFFFFFFF1, v25;
	v24 =	vmul.f32 v24, v14;
	v20 =	vadd.f32 v20, v18  }
0x41e: {  	s8 =	sadd.s32 $0xA700, s26;
	v28 =	vld [tilespmem:s12+$0x0];
	v25 =	vbroadcast v19, $0x0;
	v19 =	vmov s11  }
0x41f: {  	s14 =	sor.u32 s1, s8;
	s13 =	sor.u32 $0x33, s25;
	v18 =	vld.idx.msk [tilespmem:v21+s0+$0x0], $0xffff;
	v19 =	vand.u32 $0xFFFFFFF2, v19;
	v21 =	vmul.f32 v26, v15;
	v20 =	vadd.f32 v24, v20  }
0x420: {  	v29 =	vld [tilespmem:s14+$0x0];
	s9 =	sadd.s32 $0xA780, s26;
	v26 =	vmov s13;
	v24 =	vbroadcast v19, $0x0  }
0x421: {  	s15 =	sor.u32 $0x34, s25;
	s16 =	sor.u32 s1, s9;
	v19 =	vld.idx.msk [tilespmem:v22+s0+$0x0], $0xffff;
	v22 =	vand.u32 $0xFFFFFFF3, v26;
	v26 =	vmul.f32 v27, v16;
	v21 =	vadd.f32 v21, v20  }
0x422: {  	s10 =	sadd.s32 $0xC400, s26;
	v30 =	vld [tilespmem:s16+$0x0];
	v27 =	vbroadcast v22, $0x0;
	v22 =	vmov s15  }
0x423: {  	[smem:$0x7C4] =	sst s17;
	s17 =	sor.u32 $0x35, s25;
	s18 =	sor.u32 s1, s10;
	v20 =	vld.idx.msk [tilespmem:v23+s0+$0x0], $0xffff;
	v22 =	vand.u32 $0xFFFFFFF4, v22;
	v23 =	vadd.f32 v26, v21;
	v26 =	vmul.f32 v28, v17  }
0x424: {  	v31 =	vld [tilespmem:s18+$0x0];
	s11 =	sadd.s32 $0xC480, s26;
	v28 =	vbroadcast v22, $0x0;
	v22 =	vmov s17  }
0x425: {  	[smem:$0x7C5] =	sst s20;
	s19 =	sor.u32 $0x36, s25;
	s20 =	sor.u32 s1, s11;
	v21 =	vld.idx.msk [tilespmem:v25+s0+$0x0], $0xffff;
	v25 =	vmul.f32 v29, v18;
	v22 =	vand.u32 $0xFFFFFFF5, v22;
	v23 =	vadd.f32 v26, v23  }
0x426: {  	s12 =	sadd.s32 $0xC500, s26;
	v53 =	vld [tilespmem:s20+$0x0];
	v29 =	vmov s19;
	v26 =	vbroadcast v22, $0x0  }
0x427: {  	s21 =	sor.u32 s1, s12;
	v22 =	vld.idx.msk [tilespmem:v24+s0+$0x0], $0xffff;
	v24 =	vand.u32 $0xFFFFFFF6, v29;
	v29 =	vmul.f32 v30, v19;
	v25 =	vadd.f32 v25, v23  }
0x428: {  	s22 =	sor.u32 $0x37, s25;
	v54 =	vld [tilespmem:s21+$0x0];
	s13 =	sadd.s32 $0xC580, s26;
	v30 =	vbroadcast v24, $0x0  }
0x429: {  	s23 =	sor.u32 s1, s13;
	v24 =	vmov s22;
	v23 =	vld.idx.msk [tilespmem:v27+s0+$0x0], $0xffff;
	v27 =	vmul.f32 v31, v20;
	v25 =	vadd.f32 v29, v25  }
0x42a: {  	s14 =	sadd.s32 $0xC600, s26;
	v31 =	vld [tilespmem:s23+$0x0];
	v29 =	vand.u32 $0xFFFFFFF7, v24  }
0x42b: {  	s24 =	sor.u32 $0x38, s25;
	s28 =	sor.u32 s1, s14;
	v24 =	vld.idx.msk [tilespmem:v28+s0+$0x0], $0xffff;
	v28 =	vbroadcast v29, $0x0;
	v29 =	vmul.f32 v53, v21;
	v27 =	vadd.f32 v27, v25  }
0x42c: {  	v55 =	vmov s24;
	v56 =	vld [tilespmem:s28+$0x0];
	s15 =	sadd.s32 $0xC680, s26  }
0x42d: {  	s2 =	sor.u32 $0x39, s25;
	s16 =	sor.u32 s1, s15;
	v25 =	vld.idx.msk [tilespmem:v26+s0+$0x0], $0xffff;
	v26 =	vand.u32 $0xFFFFFFF8, v55;
	v27 =	vadd.f32 v29, v27;
	v29 =	vmul.f32 v54, v22  }
0x42e: {  	v57 =	vmov s2;
	s28 =	sadd.s32 $0xC700, s26;
	v58 =	vld [tilespmem:s16+$0x0];
	v32 =	vbroadcast v26, $0x0  }
0x42f: {  	s20 =	sor.u32 s1, s28;
	s19 =	sor.u32 $0x3A, s25;
	v26 =	vld.idx.msk [tilespmem:v30+s0+$0x0], $0xffff;
	v30 =	vand.u32 $0xFFFFFFF9, v57;
	v31 =	vmul.f32 v31, v23;
	v29 =	vadd.f32 v29, v27  }
0x430: {  	s21 =	sadd.s32 $0xC780, s26;
	v60 =	vld [tilespmem:s20+$0x0];
	v59 =	vmov s19;
	v30 =	vbroadcast v30, $0x0  }
0x431: {  	s19 =	sadd.s32 $0xE400, s26;
	s22 =	sor.u32 $0x3B, s25;
	s23 =	sor.u32 s1, s21;
	v27 =	vld.idx.msk [tilespmem:v28+s0+$0x0], $0xffff;
	v28 =	vand.u32 $0xFFFFFFFA, v59;
	v29 =	vadd.f32 v31, v29;
	v31 =	vmul.f32 v56, v24  }
0x432: {  	s24 =	sor.u32 s1, s19;
	v61 =	vmov s22;
	v63 =	vld [tilespmem:s23+$0x0];
	v62 =	vbroadcast v28, $0x0  }
0x433: {  	s2 =	sor.u32 $0x3C, s25;
	s16 =	sadd.s32 $0xE480, s26;
	v44 =	vld [tilespmem:s24+$0x0];
	v33 =	vand.u32 $0xFFFFFFFB, v61;
	v29 =	vadd.f32 v31, v29;
	v31 =	vmul.f32 v58, v25  }
0x434: {  	v45 =	vmov s2;
	s17 =	sor.u32 s1, s16;
	v46 =	vbroadcast v33, $0x0;
	v28 =	vld.idx.msk [tilespmem:v32+s0+$0x0], $0xffff  }
0x435: {  	v35 =	vand.u32 $0xFFFFFFFC, v45;
	s18 =	sor.u32 $0x3D, s25;
	[smem:$0x7C6] =	sst s21;
	v47 =	vld [tilespmem:s17+$0x0];
	s21 =	sadd.s32 $0xE500, s26;
	v36 =	vmul.f32 v60, v26;
	v31 =	vadd.f32 v31, v29  }
0x436: {  	v35 =	vbroadcast v35, $0x0;
	v48 =	vmov s18;
	s20 =	sor.u32 s1, s21;
	v29 =	vld.idx.msk [tilespmem:v30+s0+$0x0], $0xffff  }
0x437: {  	v39 =	vand.u32 $0xFFFFFFFD, v48;
	s24 =	sadd.s32 $0xE580, s26;
	s22 =	sor.u32 $0x3E, s25;
	v49 =	vld [tilespmem:s20+$0x0];
	v50 =	vmul.f32 v63, v27;
	v31 =	vadd.f32 v36, v31  }
0x438: {  	v52 =	vbroadcast v39, $0x0;
	s2 =	sor.u32 s1, s24;
	v51 =	vmov s22;
	v30 =	vld.idx.msk [tilespmem:v62+s0+$0x0], $0xffff  }
0x439: {  	s22 =	sadd.s32 $0xE600, s26;
	v37 =	vand.u32 $0xFFFFFFFE, v51;
	v53 =	vld [tilespmem:s2+$0x0];
	v38 =	vmul.f32 v44, v28;
	v36 =	vadd.f32 v50, v31  }
0x43a: {  	[smem:$0x7C7] =	sst s16;
	s16 =	sor.u32 s1, s22;
	v37 =	vbroadcast v37, $0x0;
	v31 =	vld.idx.msk [tilespmem:v46+s0+$0x0], $0xffff  }
0x43b: {  	[smem:$0x7C8] =	sst s24;
	s24 =	sadd.s32 $0xE680, s26;
	v41 =	vld [tilespmem:s16+$0x0];
	v33 =	vmul.f32 v47, v29;
	v36 =	vadd.f32 v38, v36  }
0x43c: {  	s25 =	sor.u32 $0x3F, s25;
	s30 =	sor.u32 s1, s24;
	v32 =	vld.idx.msk [tilespmem:v35+s0+$0x0], $0xffff  }
0x43d: {  	v55 =	vld [tilespmem:s30+$0x0];
	v54 =	vmov s25;
	s25 =	sadd.s32 $0xE700, s26;
	v40 =	vmul.f32 v49, v30;
	v36 =	vadd.f32 v33, v36  }
0x43e: {  	s30 =	sor.u32 s1, s25;
	v33 =	vld.idx.msk [tilespmem:v52+s0+$0x0], $0xffff  }
0x43f: {  	s26 =	sadd.s32 $0xE780, s26;
	v42 =	vld [tilespmem:s30+$0x0];
	v39 =	vmul.f32 v53, v31;
	v36 =	vadd.f32 v40, v36  }
0x440: {  	s30 =	sor.u32 s1, s26;
	v34 =	vld.idx.msk [tilespmem:v37+s0+$0x0], $0xffff  }
0x441: {  	v56 =	vld [tilespmem:s30+$0x0];
	v57 =	vmul.f32 v41, v32;
	v36 =	vadd.f32 v39, v36  }
0x442: {  	v35 =	vld.idx.msk [tilespmem:v54+s0+$0x0], $0xffff  }
0x443: {  	v38 =	vmul.f32 v55, v33;
	v36 =	vadd.f32 v57, v36;
	_ =	sdelay $0x1  }
0x444: {  	v58 =	vmul.f32 v42, v34;
	v36 =	vadd.f32 v38, v36;
	_ =	sdelay $0x1  }
0x445: {  	v37 =	vmul.f32 v56, v35;
	v36 =	vadd.f32 v58, v36;
	_ =	sdelay $0x1  }
0x446: {  	v36 =	vadd.f32 v37, v36  }
0x447: {  	s3 =	sand.u32 $0x380, s3;
	s30 =	sor.u32 $0x10, s1  }
0x448: {  	[smem:$0x7CD] =	sst s31;
	s16 =	smov.u32 s31;
	s31 =	sor.u32 s30, s31;
	[tilespmem:s29+$0x0] =	vst v36  }
0x449: {  	s20 =	sor.u32 $0x10400, s3;
	v36 =	vld [tilespmem:s31+$0x0]  }
0x44a: {  	s29 =	sor.u32 s30, s20;
	v59 =	vld [tilespmem:s31+$0x80]  }
0x44b: {  	v60 =	vld [tilespmem:s29+$0x0]  }
0x44c: {  	s3 =	sld [smem:$0x7CE]  }
0x44d: {  	v61 =	vld [tilespmem:s31+$0x100]  }
0x44e: {  	v36 =	vmul.f32 v36, v4  }
0x44f: {  	v62 =	vld [tilespmem:s31+$0x180];
	s31 =	sadd.s32 $0x10, s3  }
0x450: {  	s17 =	sor.u32 $0x200, s31;
	v37 =	vmul.f32 v59, v5;
	v36 =	vadd.f32 v36, v60  }
0x451: {  	v63 =	vld [tilespmem:s17+$0x8400]  }
0x452: {  	s18 =	sor.u32 $0x280, s31;
	v44 =	vmul.f32 v61, v6;
	v36 =	vadd.f32 v37, v36  }
0x453: {  	v45 =	vld [tilespmem:s18+$0x8400];
	s18 =	sld [smem:$0x7C4]  }
0x454: {  	s23 =	sor.u32 $0x300, s31;
	v46 =	vmul.f32 v62, v7;
	v36 =	vadd.f32 v44, v36  }
0x455: {  	s2 =	sor.u32 $0x380, s31;
	v47 =	vld [tilespmem:s23+$0x8400]  }
0x456: {  	v49 =	vld [tilespmem:s2+$0x8400];
	s17 =	sor.u32 s30, s18;
	v48 =	vmul.f32 v63, v8;
	v36 =	vadd.f32 v46, v36  }
0x457: {  	v51 =	vld [tilespmem:s17+$0x0];
	s17 =	sld [smem:$0x7C5]  }
0x458: {  	v50 =	vmul.f32 v45, v9;
	v36 =	vadd.f32 v48, v36;
	_ =	sdelay $0x1  }
0x459: {  	v52 =	vmul.f32 v47, v10;
	s23 =	sor.u32 s30, s17;
	v36 =	vadd.f32 v50, v36  }
0x45a: {  	v53 =	vld [tilespmem:s23+$0x0]  }
0x45b: {  	s2 =	sor.u32 s30, s4;
	v54 =	vmul.f32 v49, v11;
	v36 =	vadd.f32 v52, v36  }
0x45c: {  	v55 =	vld [tilespmem:s2+$0x0]  }
0x45d: {  	s23 =	sor.u32 s30, s5;
	v56 =	vmul.f32 v51, v12;
	v36 =	vadd.f32 v54, v36  }
0x45e: {  	v57 =	vld [tilespmem:s23+$0x0]  }
0x45f: {  	s2 =	sor.u32 s30, s6;
	v58 =	vmul.f32 v53, v13;
	v36 =	vadd.f32 v56, v36  }
0x460: {  	v59 =	vld [tilespmem:s2+$0x0]  }
0x461: {  	v60 =	vmul.f32 v55, v14;
	s23 =	sor.u32 s30, s7;
	v36 =	vadd.f32 v58, v36  }
0x462: {  	v61 =	vld [tilespmem:s23+$0x0]  }
0x463: {  	s2 =	sor.u32 s30, s8;
	v62 =	vmul.f32 v57, v15;
	v36 =	vadd.f32 v60, v36  }
0x464: {  	v63 =	vld [tilespmem:s2+$0x0]  }
0x465: {  	v44 =	vmul.f32 v59, v16;
	s23 =	sor.u32 s30, s9;
	v36 =	vadd.f32 v62, v36  }
0x466: {  	v45 =	vld [tilespmem:s23+$0x0]  }
0x467: {  	s2 =	sor.u32 s30, s10;
	v46 =	vmul.f32 v61, v17;
	v36 =	vadd.f32 v44, v36  }
0x468: {  	v47 =	vld [tilespmem:s2+$0x0]  }
0x469: {  	s23 =	sor.u32 s30, s11;
	v48 =	vmul.f32 v63, v18;
	v36 =	vadd.f32 v46, v36  }
0x46a: {  	v49 =	vld [tilespmem:s23+$0x0]  }
0x46b: {  	s2 =	sor.u32 s30, s12;
	v50 =	vmul.f32 v45, v19;
	v36 =	vadd.f32 v48, v36  }
0x46c: {  	v51 =	vld [tilespmem:s2+$0x0]  }
0x46d: {  	s23 =	sor.u32 s30, s13;
	v52 =	vmul.f32 v47, v20;
	v36 =	vadd.f32 v50, v36  }
0x46e: {  	v53 =	vld [tilespmem:s23+$0x0]  }
0x46f: {  	s2 =	sor.u32 s30, s14;
	v54 =	vmul.f32 v49, v21;
	v36 =	vadd.f32 v52, v36  }
0x470: {  	v55 =	vld [tilespmem:s2+$0x0]  }
0x471: {  	[smem:$0x7C9] =	sst s28;
	s23 =	sor.u32 s30, s15;
	v56 =	vmul.f32 v51, v22;
	v36 =	vadd.f32 v54, v36  }
0x472: {  	s2 =	sor.u32 s30, s28;
	s28 =	sld [smem:$0x7C6];
	v57 =	vld [tilespmem:s23+$0x0]  }
0x473: {  	v58 =	vmul.f32 v53, v23;
	v36 =	vadd.f32 v56, v36  }
0x474: {  	v59 =	vld [tilespmem:s2+$0x0];
	s2 =	sor.u32 s30, s19  }
0x475: {  	v63 =	vld [tilespmem:s2+$0x0];
	s2 =	sld [smem:$0x7C7];
	s23 =	sor.u32 s30, s28;
	v60 =	vmul.f32 v55, v24;
	v36 =	vadd.f32 v58, v36  }
0x476: {  	v61 =	vld [tilespmem:s23+$0x0]  }
0x477: {  	v62 =	vmul.f32 v57, v25;
	v36 =	vadd.f32 v60, v36  }
0x478: {  	s23 =	smov.u32 s19;
	s19 =	sor.u32 s30, s2  }
0x479: {  	v45 =	vld [tilespmem:s19+$0x0];
	s19 =	sor.u32 s30, s21;
	v44 =	vmul.f32 v59, v26;
	v36 =	vadd.f32 v62, v36  }
0x47a: {  	v47 =	vld [tilespmem:s19+$0x0];
	s19 =	sld [smem:$0x7C8]  }
0x47b: {  	v46 =	vmul.f32 v61, v27;
	v36 =	vadd.f32 v44, v36;
	_ =	sdelay $0x1  }
0x47c: {  	s0 =	sor.u32 s30, s19;
	v48 =	vmul.f32 v63, v28;
	v36 =	vadd.f32 v46, v36  }
0x47d: {  	v49 =	vld [tilespmem:s0+$0x0]  }
0x47e: {  	[smem:$0x7CA] =	sst s22;
	s22 =	sor.u32 s30, s22;
	v50 =	vmul.f32 v45, v29;
	v36 =	vadd.f32 v48, v36  }
0x47f: {  	v51 =	vld [tilespmem:s22+$0x0]  }
0x480: {  	s22 =	sor.u32 s30, s24;
	v52 =	vmul.f32 v47, v30;
	v36 =	vadd.f32 v50, v36  }
0x481: {  	v53 =	vld [tilespmem:s22+$0x0]  }
0x482: {  	[smem:$0x7CB] =	sst s24;
	s24 =	sor.u32 s30, s25;
	v54 =	vmul.f32 v49, v31;
	v36 =	vadd.f32 v52, v36  }
0x483: {  	v55 =	vld [tilespmem:s24+$0x0]  }
0x484: {  	[smem:$0x7CC] =	sst s25;
	s25 =	sor.u32 s30, s26;
	v56 =	vmul.f32 v51, v32;
	v36 =	vadd.f32 v54, v36  }
0x485: {  	v57 =	vld [tilespmem:s25+$0x0]  }
0x486: {  	v58 =	vmul.f32 v53, v33;
	v36 =	vadd.f32 v56, v36;
	_ =	sdelay $0x1  }
0x487: {  	v59 =	vmul.f32 v55, v34;
	v36 =	vadd.f32 v58, v36;
	_ =	sdelay $0x1  }
0x488: {  	v60 =	vmul.f32 v57, v35;
	v36 =	vadd.f32 v59, v36;
	_ =	sdelay $0x1  }
0x489: {  	v36 =	vadd.f32 v60, v36  }
0x48a: {  	s30 =	sor.u32 $0x20, s1  }
0x48b: {  	s22 =	sor.u32 s30, s16;
	[tilespmem:s29+$0x0] =	vst v36  }
0x48c: {  	v36 =	vld [tilespmem:s22+$0x0]  }
0x48d: {  	s29 =	sor.u32 s30, s20;
	v61 =	vld [tilespmem:s22+$0x80]  }
0x48e: {  	v62 =	vld [tilespmem:s29+$0x0];
	_ =	sdelay $0x1  }
0x48f: {  	v63 =	vld [tilespmem:s22+$0x100]  }
0x490: {  	v36 =	vmul.f32 v36, v4  }
0x491: {  	s24 =	sadd.s32 $0x20, s3;
	v44 =	vld [tilespmem:s22+$0x180]  }
0x492: {  	s31 =	sor.u32 $0x200, s24;
	v37 =	vmul.f32 v61, v5;
	v36 =	vadd.f32 v36, v62  }
0x493: {  	v45 =	vld [tilespmem:s31+$0x8400]  }
0x494: {  	s31 =	sor.u32 $0x280, s24;
	v46 =	vmul.f32 v63, v6;
	v36 =	vadd.f32 v37, v36  }
0x495: {  	v47 =	vld [tilespmem:s31+$0x8400]  }
0x496: {  	s31 =	sor.u32 $0x300, s24;
	v48 =	vmul.f32 v44, v7;
	v36 =	vadd.f32 v46, v36  }
0x497: {  	v49 =	vld [tilespmem:s31+$0x8400]  }
0x498: {  	s0 =	sor.u32 $0x380, s24;
	v50 =	vmul.f32 v45, v8;
	v36 =	vadd.f32 v48, v36  }
0x499: {  	v51 =	vld [tilespmem:s0+$0x8400]  }
0x49a: {  	s25 =	sor.u32 s30, s18;
	v52 =	vmul.f32 v47, v9;
	v36 =	vadd.f32 v50, v36  }
0x49b: {  	v53 =	vld [tilespmem:s25+$0x0]  }
0x49c: {  	s3 =	sor.u32 s30, s17;
	v54 =	vmul.f32 v49, v10;
	v36 =	vadd.f32 v52, v36  }
0x49d: {  	v55 =	vld [tilespmem:s3+$0x0]  }
0x49e: {  	s16 =	sor.u32 s30, s4;
	v56 =	vmul.f32 v51, v11;
	v36 =	vadd.f32 v54, v36  }
0x49f: {  	v57 =	vld [tilespmem:s16+$0x0]  }
0x4a0: {  	s22 =	smov.u32 s17;
	s17 =	sor.u32 s30, s5;
	v58 =	vmul.f32 v53, v12;
	v36 =	vadd.f32 v56, v36  }
0x4a1: {  	v59 =	vld [tilespmem:s17+$0x0]  }
0x4a2: {  	s31 =	smov.u32 s18;
	s18 =	sor.u32 s30, s6;
	v60 =	vmul.f32 v55, v13;
	v36 =	vadd.f32 v58, v36  }
0x4a3: {  	v61 =	vld [tilespmem:s18+$0x0]  }
0x4a4: {  	s3 =	sor.u32 s30, s7;
	v62 =	vmul.f32 v57, v14;
	v36 =	vadd.f32 v60, v36  }
0x4a5: {  	v63 =	vld [tilespmem:s3+$0x0]  }
0x4a6: {  	s24 =	smov.u32 s4;
	s4 =	sor.u32 s30, s8;
	v43 =	vmul.f32 v59, v15;
	v36 =	vadd.f32 v62, v36  }
0x4a7: {  	v44 =	vld [tilespmem:s4+$0x0]  }
0x4a8: {  	s25 =	smov.u32 s5;
	s5 =	sor.u32 s30, s9;
	v45 =	vmul.f32 v61, v16;
	v36 =	vadd.f32 v43, v36  }
0x4a9: {  	v46 =	vld [tilespmem:s5+$0x0]  }
0x4aa: {  	s16 =	sor.u32 s30, s10;
	v47 =	vmul.f32 v63, v17;
	v36 =	vadd.f32 v45, v36  }
0x4ab: {  	v48 =	vld [tilespmem:s16+$0x0]  }
0x4ac: {  	s17 =	sor.u32 s30, s11;
	v49 =	vmul.f32 v44, v18;
	v36 =	vadd.f32 v47, v36  }
0x4ad: {  	v50 =	vld [tilespmem:s17+$0x0]  }
0x4ae: {  	s18 =	sor.u32 s30, s12;
	v51 =	vmul.f32 v46, v19;
	v36 =	vadd.f32 v49, v36  }
0x4af: {  	v52 =	vld [tilespmem:s18+$0x0]  }
0x4b0: {  	s3 =	sor.u32 s30, s13;
	v53 =	vmul.f32 v48, v20;
	v36 =	vadd.f32 v51, v36  }
0x4b1: {  	v54 =	vld [tilespmem:s3+$0x0]  }
0x4b2: {  	s4 =	sor.u32 s30, s14;
	v55 =	vmul.f32 v50, v21;
	v36 =	vadd.f32 v53, v36  }
0x4b3: {  	s18 =	sld [smem:$0x7C9];
	v56 =	vld [tilespmem:s4+$0x0]  }
0x4b4: {  	s5 =	sor.u32 s30, s15;
	v57 =	vmul.f32 v52, v22;
	v36 =	vadd.f32 v55, v36  }
0x4b5: {  	v58 =	vld [tilespmem:s5+$0x0]  }
0x4b6: {  	s16 =	sor.u32 s30, s18;
	v59 =	vmul.f32 v54, v23;
	v36 =	vadd.f32 v57, v36  }
0x4b7: {  	v60 =	vld [tilespmem:s16+$0x0]  }
0x4b8: {  	s17 =	sor.u32 s30, s28;
	v61 =	vmul.f32 v56, v24;
	v36 =	vadd.f32 v59, v36  }
0x4b9: {  	v62 =	vld [tilespmem:s17+$0x0]  }
0x4ba: {  	s3 =	smov.u32 s28;
	s28 =	sor.u32 s30, s23;
	v63 =	vmul.f32 v58, v25;
	v36 =	vadd.f32 v61, v36  }
0x4bb: {  	v44 =	vld [tilespmem:s28+$0x0]  }
0x4bc: {  	s4 =	sor.u32 s30, s2;
	v45 =	vmul.f32 v60, v26;
	v36 =	vadd.f32 v63, v36  }
0x4bd: {  	v46 =	vld [tilespmem:s4+$0x0]  }
0x4be: {  	s5 =	sor.u32 s30, s21;
	v47 =	vmul.f32 v62, v27;
	v36 =	vadd.f32 v45, v36  }
0x4bf: {  	s4 =	sld [smem:$0x7CA];
	v48 =	vld [tilespmem:s5+$0x0]  }
0x4c0: {  	s17 =	sor.u32 s30, s19;
	v49 =	vmul.f32 v44, v28;
	v36 =	vadd.f32 v47, v36  }
0x4c1: {  	s5 =	sld [smem:$0x7CB];
	v50 =	vld [tilespmem:s17+$0x0]  }
0x4c2: {  	s28 =	smov.u32 s19;
	s19 =	sor.u32 s30, s4;
	v51 =	vmul.f32 v46, v29;
	v36 =	vadd.f32 v49, v36  }
0x4c3: {  	v52 =	vld [tilespmem:s19+$0x0];
	s19 =	sld [smem:$0x7CC]  }
0x4c4: {  	s16 =	smov.u32 s23;
	s23 =	smov.u32 s2;
	s2 =	sor.u32 s30, s5;
	v53 =	vmul.f32 v48, v30;
	v36 =	vadd.f32 v51, v36  }
0x4c5: {  	v54 =	vld [tilespmem:s2+$0x0]  }
0x4c6: {  	s17 =	sor.u32 s30, s19;
	v55 =	vmul.f32 v50, v31;
	v36 =	vadd.f32 v53, v36  }
0x4c7: {  	v56 =	vld [tilespmem:s17+$0x0]  }
0x4c8: {  	s2 =	sor.u32 s30, s26;
	v57 =	vmul.f32 v52, v32;
	v36 =	vadd.f32 v55, v36  }
0x4c9: {  	v58 =	vld [tilespmem:s2+$0x0]  }
0x4ca: {  	v59 =	vmul.f32 v54, v33;
	v36 =	vadd.f32 v57, v36;
	_ =	sdelay $0x1  }
0x4cb: {  	v60 =	vmul.f32 v56, v34;
	v36 =	vadd.f32 v59, v36;
	_ =	sdelay $0x1  }
0x4cc: {  	v61 =	vmul.f32 v58, v35;
	v36 =	vadd.f32 v60, v36  }
0x4cd: {  	s17 =	sld [smem:$0x7CD]  }
0x4ce: {  	v36 =	vadd.f32 v61, v36  }
0x4cf: {  	s1 =	sor.u32 $0x30, s1  }
0x4d0: {  	s0 =	sor.u32 s1, s17;
	[tilespmem:s29+$0x0] =	vst v36  }
0x4d1: {  	s17 =	sor.u32 s1, s20;
	v36 =	vld [tilespmem:s0+$0x0]  }
0x4d2: {  	v62 =	vld [tilespmem:s17+$0x0]  }
0x4d3: {  	v63 =	vld [tilespmem:s0+$0x80]  }
0x4d4: {  	s20 =	sld [smem:$0x7CE]  }
0x4d5: {  	v44 =	vld [tilespmem:s0+$0x100]  }
0x4d6: {  	v36 =	vmul.f32 v36, v4  }
0x4d7: {  	v45 =	vld [tilespmem:s0+$0x180];
	s0 =	sadd.s32 $0x30, s20  }
0x4d8: {  	s29 =	sor.u32 $0x200, s0;
	v46 =	vmul.f32 v63, v5;
	v36 =	vadd.f32 v36, v62  }
0x4d9: {  	v47 =	vld [tilespmem:s29+$0x8400]  }
0x4da: {  	s20 =	sor.u32 $0x280, s0;
	v48 =	vmul.f32 v44, v6;
	v36 =	vadd.f32 v46, v36  }
0x4db: {  	v49 =	vld [tilespmem:s20+$0x8400]  }
0x4dc: {  	s29 =	sor.u32 $0x300, s0;
	v50 =	vmul.f32 v45, v7;
	v36 =	vadd.f32 v48, v36  }
0x4dd: {  	v51 =	vld [tilespmem:s29+$0x8400]  }
0x4de: {  	s0 =	sor.u32 $0x380, s0;
	v52 =	vmul.f32 v47, v8;
	v36 =	vadd.f32 v50, v36  }
0x4df: {  	v53 =	vld [tilespmem:s0+$0x8400]  }
0x4e0: {  	s20 =	sor.u32 s1, s31;
	v54 =	vmul.f32 v49, v9;
	v36 =	vadd.f32 v52, v36  }
0x4e1: {  	v55 =	vld [tilespmem:s20+$0x0]  }
0x4e2: {  	s22 =	sor.u32 s1, s22;
	v56 =	vmul.f32 v51, v10;
	v36 =	vadd.f32 v54, v36  }
0x4e3: {  	v57 =	vld [tilespmem:s22+$0x0]  }
0x4e4: {  	s24 =	sor.u32 s1, s24;
	v58 =	vmul.f32 v53, v11;
	v36 =	vadd.f32 v56, v36  }
0x4e5: {  	v59 =	vld [tilespmem:s24+$0x0]  }
0x4e6: {  	s25 =	sor.u32 s1, s25;
	v60 =	vmul.f32 v55, v12;
	v36 =	vadd.f32 v58, v36  }
0x4e7: {  	v61 =	vld [tilespmem:s25+$0x0]  }
0x4e8: {  	s29 =	sor.u32 s1, s6;
	v62 =	vmul.f32 v57, v13;
	v36 =	vadd.f32 v60, v36  }
0x4e9: {  	v63 =	vld [tilespmem:s29+$0x0]  }
0x4ea: {  	s2 =	sor.u32 s1, s7;
	v44 =	vmul.f32 v59, v14;
	v36 =	vadd.f32 v62, v36  }
0x4eb: {  	v45 =	vld [tilespmem:s2+$0x0]  }
0x4ec: {  	s6 =	sor.u32 s1, s8;
	v46 =	vmul.f32 v61, v15;
	v36 =	vadd.f32 v44, v36  }
0x4ed: {  	v47 =	vld [tilespmem:s6+$0x0]  }
0x4ee: {  	s7 =	sor.u32 s1, s9;
	v48 =	vmul.f32 v63, v16;
	v36 =	vadd.f32 v46, v36  }
0x4ef: {  	v49 =	vld [tilespmem:s7+$0x0]  }
0x4f0: {  	s8 =	sor.u32 s1, s10;
	v50 =	vmul.f32 v45, v17;
	v36 =	vadd.f32 v48, v36  }
0x4f1: {  	v51 =	vld [tilespmem:s8+$0x0]  }
0x4f2: {  	s9 =	sor.u32 s1, s11;
	v52 =	vmul.f32 v47, v18;
	v36 =	vadd.f32 v50, v36  }
0x4f3: {  	v53 =	vld [tilespmem:s9+$0x0]  }
0x4f4: {  	s10 =	sor.u32 s1, s12;
	v54 =	vmul.f32 v49, v19;
	v36 =	vadd.f32 v52, v36  }
0x4f5: {  	v55 =	vld [tilespmem:s10+$0x0]  }
0x4f6: {  	s11 =	sor.u32 s1, s13;
	v56 =	vmul.f32 v51, v20;
	v36 =	vadd.f32 v54, v36  }
0x4f7: {  	v57 =	vld [tilespmem:s11+$0x0]  }
0x4f8: {  	s12 =	sor.u32 s1, s14;
	v58 =	vmul.f32 v53, v21;
	v36 =	vadd.f32 v56, v36  }
0x4f9: {  	v59 =	vld [tilespmem:s12+$0x0]  }
0x4fa: {  	s13 =	sor.u32 s1, s15;
	v60 =	vmul.f32 v55, v22;
	v36 =	vadd.f32 v58, v36  }
0x4fb: {  	v61 =	vld [tilespmem:s13+$0x0]  }
0x4fc: {  	s14 =	sor.u32 s1, s18;
	v62 =	vmul.f32 v57, v23;
	v36 =	vadd.f32 v60, v36  }
0x4fd: {  	v63 =	vld [tilespmem:s14+$0x0]  }
0x4fe: {  	s15 =	sor.u32 s1, s3;
	v43 =	vmul.f32 v59, v24;
	v36 =	vadd.f32 v62, v36  }
0x4ff: {  	v44 =	vld [tilespmem:s15+$0x0]  }
0x500: {  	s18 =	sor.u32 s1, s16;
	v45 =	vmul.f32 v61, v25;
	v36 =	vadd.f32 v43, v36  }
0x501: {  	v46 =	vld [tilespmem:s18+$0x0]  }
0x502: {  	s20 =	sor.u32 s1, s23;
	v47 =	vmul.f32 v63, v26;
	v36 =	vadd.f32 v45, v36  }
0x503: {  	v48 =	vld [tilespmem:s20+$0x0]  }
0x504: {  	s21 =	sor.u32 s1, s21;
	v49 =	vmul.f32 v44, v27;
	v36 =	vadd.f32 v47, v36  }
0x505: {  	v50 =	vld [tilespmem:s21+$0x0]  }
0x506: {  	s22 =	sor.u32 s1, s28;
	v51 =	vmul.f32 v46, v28;
	v36 =	vadd.f32 v49, v36  }
0x507: {  	v52 =	vld [tilespmem:s22+$0x0]  }
0x508: {  	s23 =	sor.u32 s1, s4;
	v53 =	vmul.f32 v48, v29;
	v36 =	vadd.f32 v51, v36  }
0x509: {  	v54 =	vld [tilespmem:s23+$0x0]  }
0x50a: {  	s24 =	sor.u32 s1, s5;
	v55 =	vmul.f32 v50, v30;
	v36 =	vadd.f32 v53, v36  }
0x50b: {  	v56 =	vld [tilespmem:s24+$0x0]  }
0x50c: {  	s25 =	sor.u32 s1, s19;
	v57 =	vmul.f32 v52, v31;
	v36 =	vadd.f32 v55, v36  }
0x50d: {  	v58 =	vld [tilespmem:s25+$0x0]  }
0x50e: {  	s26 =	sor.u32 s1, s26;
	v59 =	vmul.f32 v54, v32;
	v36 =	vadd.f32 v57, v36  }
0x50f: {  	v60 =	vld [tilespmem:s26+$0x0]  }
0x510: {  	v61 =	vmul.f32 v56, v33;
	v36 =	vadd.f32 v59, v36;
	_ =	sdelay $0x1  }
0x511: {  	p2 =	por !p2, !p2;
	s30 =	simm.s32 $0x10440;
	s28 =	simm.s32 $0x40;
	v62 =	vmul.f32 v58, v34;
	v36 =	vadd.f32 v61, v36  }
0x512: {  	s31 =	simm.s32 $0x400;
	s0 =	simm.s32 $0x1;
	s6 =	simm.s32 $0x200  }
0x513: {  	s0 =	simm.s32 @!p2 $0x0;
	s29 =	sor.u32 s6, s28;
	s9 =	sand.u32 $0x1C00, s6;
	v63 =	vmul.f32 v60, v35;
	v36 =	vadd.f32 v62, v36  }
0x514: {  	s2 =	sand.u32 $0x40, s28;
	s13 =	sor.u32 $0x380, s29;
	s3 =	sadd.s32 $0x8400, s9  }
0x515: {  	s16 =	sadd.s32 $0xA400, s9;
	s11 =	sadd.s32 $0xC780, s9;
	s22 =	simm.s32 $0x40;
	v36 =	vadd.f32 v63, v36  }
.LBB2_7:
0x516: {  	[smem:$0x7B9] =	sst s3  }
0x517: {  	[smem:$0x7B5] =	sst s11  }
0x518: {  	s25 =	sadd.s32 $0xA500, s9;
	[smem:$0x7AC] =	sst s16  }
0x519: {  	s12 =	sor.u32 s2, s3;
	s7 =	sadd.s32 $0xC700, s9;
	[smem:$0x7AD] =	sst s25;
	[tilespmem:s17+$0x0] =	vst v36  }
0x51a: {  	s10 =	sadd.s32 $0xC600, s9;
	[smem:$0x7B4] =	sst s7;
	v36 =	vld [tilespmem:s12+$0x0]  }
0x51b: {  	s8 =	sadd.s32 $0xA600, s9;
	[smem:$0x7B2] =	sst s10;
	v37 =	vld [tilespmem:s12+$0x80]  }
0x51c: {  	s15 =	sadd.s32 $0xC580, s9;
	s26 =	sadd.s32 $0xA780, s9;
	[smem:$0x7BB] =	sst s8;
	v38 =	vld [tilespmem:s30+$0x0]  }
0x51d: {  	s4 =	sadd.s32 $0xC480, s9;
	s0 =	sshll.u32 s0, $0x6;
	[smem:$0x7B1] =	sst s15  }
0x51e: {  	s28 =	sadd.s32 $0xC500, s9;
	s23 =	sor.u32 s2, s11;
	[smem:$0x7AE] =	sst s26;
	v39 =	vld [tilespmem:s12+$0x100]  }
0x51f: {  	s11 =	sadd.s32 $0xE400, s9;
	s1 =	sor.u32 s2, s25;
	[smem:$0x7AF] =	sst s4;
	v36 =	vmul.f32 v36, v4  }
0x520: {  	s18 =	sor.u32 s2, s26;
	s14 =	sadd.s32 s0, s6;
	s3 =	sor.u32 s2, s4;
	v40 =	vld [tilespmem:s12+$0x180]  }
0x521: {  	[smem:$0x7B0] =	sst s28;
	s26 =	sor.u32 s2, s10;
	s10 =	sor.u32 $0x200, s14;
	v37 =	vmul.f32 v37, v5;
	v36 =	vadd.f32 v36, v38  }
0x522: {  	s4 =	sor.u32 s2, s28;
	s28 =	sor.u32 s2, s15;
	s25 =	sor.u32 s2, s7;
	v51 =	vld [tilespmem:s10+$0x8400]  }
0x523: {  	[dreg:$0x1f] =	wrdreg s11;
	s15 =	sadd.s32 $0xE480, s9;
	s12 =	sor.u32 $0x280, s14;
	v52 =	vmul.f32 v39, v6;
	v36 =	vadd.f32 v37, v36  }
0x524: {  	s24 =	sor.u32 s2, s11;
	[dreg:$0x1d] =	wrdreg s15;
	s6 =	sor.u32 s2, s15;
	v53 =	vld [tilespmem:s12+$0x8400]  }
0x525: {  	s0 =	sor.u32 $0x300, s14;
	s15 =	sadd.s32 $0xE680, s9;
	v57 =	vld [tilespmem:s13+$0x8400];
	[smem:$0x7A7] =	sst s6;
	v54 =	vmul.f32 v40, v7;
	v36 =	vadd.f32 v52, v36  }
0x526: {  	s7 =	sadd.s32 $0xE500, s9;
	s13 =	sadd.s32 $0x20, s14;
	[dreg:$0x13] =	wrdreg s15;
	v55 =	vld [tilespmem:s0+$0x8400]  }
0x527: {  	s11 =	sadd.s32 $0xE600, s9;
	s6 =	sor.u32 s2, s7;
	[dreg:$0xf] =	wrdreg s13;
	v56 =	vmul.f32 v51, v8;
	v36 =	vadd.f32 v54, v36  }
0x528: {  	[smem:$0x7A8] =	sst s6;
	s6 =	sor.u32 s2, s11  }
0x529: {  	s16 =	sor.u32 s2, s16;
	[smem:$0x7A9] =	sst s6;
	s6 =	sor.u32 s2, s15;
	v58 =	vmul.f32 v53, v9;
	v36 =	vadd.f32 v56, v36  }
0x52a: {  	v59 =	vld [tilespmem:s16+$0x0];
	s13 =	sadd.s32 $0xA480, s9;
	s15 =	sadd.s32 $0x10, s14;
	[smem:$0x7AA] =	sst s6  }
0x52b: {  	s6 =	sor.u32 s2, s8;
	s8 =	sadd.s32 $0x30, s14;
	s14 =	sor.u32 s2, s13;
	v60 =	vmul.f32 v55, v10;
	v36 =	vadd.f32 v58, v36  }
0x52c: {  	v61 =	vld [tilespmem:s14+$0x0]  }
0x52d: {  	v62 =	vmul.f32 v57, v11;
	v36 =	vadd.f32 v60, v36  }
0x52e: {  	s19 =	sadd.s32 $0xA580, s9;
	v63 =	vld [tilespmem:s1+$0x0]  }
0x52f: {  	[dreg:$0x17] =	wrdreg s11;
	s10 =	sadd.s32 $0xE580, s9;
	s11 =	sor.u32 s2, s19;
	v44 =	vmul.f32 v59, v12;
	v36 =	vadd.f32 v62, v36  }
0x530: {  	[dreg:$0x1b] =	wrdreg s10;
	s12 =	sor.u32 s2, s10;
	s10 =	sadd.s32 $0xE780, s9;
	v45 =	vld [tilespmem:s11+$0x0]  }
0x531: {  	[smem:$0x7BA] =	sst s19;
	s0 =	sor.u32 s2, s10;
	v46 =	vmul.f32 v61, v13;
	v36 =	vadd.f32 v44, v36  }
0x532: {  	s17 =	sadd.s32 $0xA680, s9;
	[smem:$0x7AB] =	sst s0;
	s0 =	sadd.s32 $0x200, s31;
	v47 =	vld [tilespmem:s6+$0x0]  }
0x533: {  	[dreg:$0x8] =	wrdreg s0;
	v48 =	vmul.f32 v63, v14;
	s0 =	sor.u32 s2, s17;
	v36 =	vadd.f32 v46, v36  }
0x534: {  	s20 =	sadd.s32 $0xA700, s9;
	[dreg:$0x19] =	wrdreg s7;
	s7 =	sadd.s32 $0xE700, s9;
	v49 =	vld [tilespmem:s0+$0x0]  }
0x535: {  	[dreg:$0x15] =	wrdreg s7;
	s19 =	sor.u32 s2, s7;
	s7 =	sor.u32 s2, s20;
	v50 =	vmul.f32 v45, v15;
	v36 =	vadd.f32 v48, v36  }
0x536: {  	v51 =	vld [tilespmem:s7+$0x0]  }
0x537: {  	v52 =	vmul.f32 v47, v16;
	v36 =	vadd.f32 v50, v36  }
0x538: {  	s21 =	sadd.s32 $0xC400, s9;
	v53 =	vld [tilespmem:s18+$0x0]  }
0x539: {  	[dreg:$0x11] =	wrdreg s10;
	s10 =	sor.u32 s2, s21;
	v54 =	vmul.f32 v49, v17;
	v36 =	vadd.f32 v52, v36  }
0x53a: {  	v55 =	vld [tilespmem:s10+$0x0]  }
0x53b: {  	v56 =	vmul.f32 v51, v18;
	v36 =	vadd.f32 v54, v36  }
0x53c: {  	v57 =	vld [tilespmem:s3+$0x0]  }
0x53d: {  	v58 =	vmul.f32 v53, v19;
	v36 =	vadd.f32 v56, v36  }
0x53e: {  	v59 =	vld [tilespmem:s4+$0x0]  }
0x53f: {  	v60 =	vmul.f32 v55, v20;
	v36 =	vadd.f32 v58, v36  }
0x540: {  	v61 =	vld [tilespmem:s28+$0x0]  }
0x541: {  	v62 =	vmul.f32 v57, v21;
	v36 =	vadd.f32 v60, v36  }
0x542: {  	s29 =	sadd.s32 $0xC680, s9;
	v63 =	vld [tilespmem:s26+$0x0]  }
0x543: {  	[smem:$0x7B3] =	sst s29;
	s29 =	sor.u32 s2, s29;
	v44 =	vmul.f32 v59, v22;
	v36 =	vadd.f32 v62, v36  }
0x544: {  	v45 =	vld [tilespmem:s29+$0x0]  }
0x545: {  	v46 =	vmul.f32 v61, v23;
	v36 =	vadd.f32 v44, v36  }
0x546: {  	v47 =	vld [tilespmem:s25+$0x0]  }
0x547: {  	v48 =	vmul.f32 v63, v24;
	v36 =	vadd.f32 v46, v36  }
0x548: {  	v49 =	vld [tilespmem:s23+$0x0]  }
0x549: {  	s3 =	sld [smem:$0x7A7];
	v50 =	vmul.f32 v45, v25;
	v36 =	vadd.f32 v48, v36  }
0x54a: {  	v51 =	vld [tilespmem:s24+$0x0]  }
0x54b: {  	s4 =	sld [smem:$0x7A8];
	v52 =	vmul.f32 v47, v26;
	v36 =	vadd.f32 v50, v36  }
0x54c: {  	v53 =	vld [tilespmem:s3+$0x0]  }
0x54d: {  	v54 =	vmul.f32 v49, v27;
	v36 =	vadd.f32 v52, v36  }
0x54e: {  	s5 =	smov.u32 s31;
	v55 =	vld [tilespmem:s4+$0x0]  }
0x54f: {  	s16 =	smov.u32 s5;
	s5 =	sld [smem:$0x7A9];
	v56 =	vmul.f32 v51, v28;
	v36 =	vadd.f32 v54, v36  }
0x550: {  	v57 =	vld [tilespmem:s12+$0x0]  }
0x551: {  	s6 =	sld [smem:$0x7AA];
	v58 =	vmul.f32 v53, v29;
	v36 =	vadd.f32 v56, v36  }
0x552: {  	v59 =	vld [tilespmem:s5+$0x0]  }
0x553: {  	v60 =	vmul.f32 v55, v30;
	v36 =	vadd.f32 v58, v36  }
0x554: {  	v61 =	vld [tilespmem:s6+$0x0]  }
0x555: {  	s7 =	sld [smem:$0x7AB];
	v62 =	vmul.f32 v57, v31;
	v36 =	vadd.f32 v60, v36  }
0x556: {  	v63 =	vld [tilespmem:s19+$0x0]  }
0x557: {  	v42 =	vmul.f32 v59, v32;
	v36 =	vadd.f32 v62, v36  }
0x558: {  	v43 =	vld [tilespmem:s7+$0x0]  }
0x559: {  	v44 =	vmul.f32 v61, v33;
	v36 =	vadd.f32 v42, v36;
	_ =	sdelay $0x1  }
0x55a: {  	v45 =	vmul.f32 v63, v34;
	v36 =	vadd.f32 v44, v36;
	_ =	sdelay $0x1  }
0x55b: {  	v46 =	vmul.f32 v43, v35;
	v36 =	vadd.f32 v45, v36  }
0x55c: {  	s12 =	sld [smem:$0x7B9]  }
0x55d: {  	v36 =	vadd.f32 v46, v36  }
0x55e: {  	s0 =	sor.u32 $0x10, s2  }
0x55f: {  	[dreg:$0xb] =	wrdreg s8;
	s8 =	sand.u32 $0x380, s22;
	s9 =	sor.u32 s0, s12;
	[tilespmem:s30+$0x0] =	vst v36  }
0x560: {  	s10 =	sor.u32 $0x10400, s8;
	v36 =	vld [tilespmem:s9+$0x0]  }
0x561: {  	[smem:$0x7B8] =	sst s17;
	s11 =	smov.u32 s17;
	s17 =	sor.u32 s0, s10;
	v47 =	vld [tilespmem:s9+$0x80]  }
0x562: {  	v48 =	vld [tilespmem:s17+$0x0];
	_ =	sdelay $0x1  }
0x563: {  	v49 =	vld [tilespmem:s9+$0x100]  }
0x564: {  	v36 =	vmul.f32 v36, v4  }
0x565: {  	v50 =	vld [tilespmem:s9+$0x180]  }
0x566: {  	s19 =	sor.u32 $0x200, s15;
	v37 =	vmul.f32 v47, v5;
	v36 =	vadd.f32 v36, v48  }
0x567: {  	[smem:$0x7BC] =	sst s20;
	v51 =	vld [tilespmem:s19+$0x8400]  }
0x568: {  	s14 =	smov.u32 s20;
	s4 =	sor.u32 s0, s20;
	s20 =	sor.u32 $0x280, s15;
	v52 =	vmul.f32 v49, v6;
	v36 =	vadd.f32 v37, v36  }
0x569: {  	p3 =	sne.s32 s31, $0x1E00;
	[smem:$0x7BD] =	sst s21;
	v53 =	vld [tilespmem:s20+$0x8400]  }
0x56a: {  	s31 =	smov.u32 s21;
	s1 =	sor.u32 s0, s21;
	s21 =	sor.u32 $0x300, s15;
	v54 =	vmul.f32 v50, v7;
	v36 =	vadd.f32 v52, v36  }
0x56b: {  	v55 =	vld [tilespmem:s21+$0x8400];
	s9 =	sld [smem:$0x7AC]  }
0x56c: {  	[dreg:$0x9] =	wrdreg s22;
	s22 =	sor.u32 $0x380, s15;
	v56 =	vmul.f32 v51, v8;
	v36 =	vadd.f32 v54, v36  }
0x56d: {  	v57 =	vld [tilespmem:s22+$0x8400]  }
0x56e: {  	s24 =	sor.u32 s0, s9;
	v58 =	vmul.f32 v53, v9;
	v36 =	vadd.f32 v56, v36  }
0x56f: {  	s29 =	sld [smem:$0x7AD];
	v59 =	vld [tilespmem:s24+$0x0]  }
0x570: {  	s25 =	sor.u32 s0, s13;
	v60 =	vmul.f32 v55, v10;
	v36 =	vadd.f32 v58, v36  }
0x571: {  	s23 =	sld [smem:$0x7BA];
	v61 =	vld [tilespmem:s25+$0x0]  }
0x572: {  	s26 =	sor.u32 s0, s29;
	v62 =	vmul.f32 v57, v11;
	v36 =	vadd.f32 v60, v36  }
0x573: {  	s3 =	sld [smem:$0x7BB];
	v63 =	vld [tilespmem:s26+$0x0]  }
0x574: {  	[dreg:$0xa] =	wrdreg s16;
	s16 =	sor.u32 s0, s23;
	v44 =	vmul.f32 v59, v12;
	v36 =	vadd.f32 v62, v36  }
0x575: {  	v45 =	vld [tilespmem:s16+$0x0]  }
0x576: {  	s18 =	sor.u32 s0, s3;
	v46 =	vmul.f32 v61, v13;
	v36 =	vadd.f32 v44, v36  }
0x577: {  	v47 =	vld [tilespmem:s18+$0x0]  }
0x578: {  	s28 =	sor.u32 s0, s11;
	v48 =	vmul.f32 v63, v14;
	v36 =	vadd.f32 v46, v36  }
0x579: {  	s26 =	sld [smem:$0x7AE];
	v49 =	vld [tilespmem:s28+$0x0]  }
0x57a: {  	v50 =	vmul.f32 v45, v15;
	v36 =	vadd.f32 v48, v36  }
0x57b: {  	v51 =	vld [tilespmem:s4+$0x0]  }
0x57c: {  	s5 =	sor.u32 s0, s26;
	v52 =	vmul.f32 v47, v16;
	v36 =	vadd.f32 v50, v36  }
0x57d: {  	s24 =	sld [smem:$0x7AF];
	v53 =	vld [tilespmem:s5+$0x0]  }
0x57e: {  	v54 =	vmul.f32 v49, v17;
	v36 =	vadd.f32 v52, v36  }
0x57f: {  	v55 =	vld [tilespmem:s1+$0x0];
	s28 =	sld [smem:$0x7B0]  }
0x580: {  	s6 =	sor.u32 s0, s24;
	v56 =	vmul.f32 v51, v18;
	v36 =	vadd.f32 v54, v36  }
0x581: {  	s19 =	sld [smem:$0x7B1];
	v57 =	vld [tilespmem:s6+$0x0]  }
0x582: {  	s25 =	sld [smem:$0x7B3];
	s7 =	sor.u32 s0, s28;
	v58 =	vmul.f32 v53, v19;
	v36 =	vadd.f32 v56, v36  }
0x583: {  	s21 =	sld [smem:$0x7B2];
	v59 =	vld [tilespmem:s7+$0x0]  }
0x584: {  	s8 =	sor.u32 s0, s19;
	v60 =	vmul.f32 v55, v20;
	v36 =	vadd.f32 v58, v36  }
0x585: {  	s11 =	sor.u32 s0, s25;
	v61 =	vld [tilespmem:s8+$0x0]  }
0x586: {  	[smem:$0x7B6] =	sst s10;
	s10 =	sor.u32 s0, s21;
	v45 =	vld [tilespmem:s11+$0x0];
	v62 =	vmul.f32 v57, v21;
	v36 =	vadd.f32 v60, v36  }
0x587: {  	s11 =	sld [smem:$0x7B4];
	v63 =	vld [tilespmem:s10+$0x0]  }
0x588: {  	v44 =	vmul.f32 v59, v22;
	v36 =	vadd.f32 v62, v36  }
0x589: {  	s8 =	sld [smem:$0x7B5]  }
0x58a: {  	[smem:$0x7B7] =	sst s13;
	s13 =	sor.u32 s0, s11;
	v46 =	vmul.f32 v61, v23;
	v36 =	vadd.f32 v44, v36  }
0x58b: {  	v47 =	vld [tilespmem:s13+$0x0]  }
0x58c: {  	s15 =	sor.u32 s0, s8;
	v48 =	vmul.f32 v63, v24;
	v36 =	vadd.f32 v46, v36  }
0x58d: {  	s22 =	rddreg [dreg:$0x1f];
	v49 =	vld [tilespmem:s15+$0x0]  }
0x58e: {  	s16 =	sor.u32 s0, s22;
	v50 =	vmul.f32 v45, v25;
	v36 =	vadd.f32 v48, v36  }
0x58f: {  	s7 =	rddreg [dreg:$0x1d];
	v51 =	vld [tilespmem:s16+$0x0]  }
0x590: {  	s18 =	sor.u32 s0, s7;
	v52 =	vmul.f32 v47, v26;
	v36 =	vadd.f32 v50, v36  }
0x591: {  	s15 =	rddreg [dreg:$0x19];
	v53 =	vld [tilespmem:s18+$0x0]  }
0x592: {  	s20 =	sor.u32 s0, s15;
	v54 =	vmul.f32 v49, v27;
	v36 =	vadd.f32 v52, v36  }
0x593: {  	s18 =	rddreg [dreg:$0x1b];
	v55 =	vld [tilespmem:s20+$0x0]  }
0x594: {  	s4 =	sor.u32 s0, s18;
	v56 =	vmul.f32 v51, v28;
	v36 =	vadd.f32 v54, v36  }
0x595: {  	s10 =	rddreg [dreg:$0x17];
	v57 =	vld [tilespmem:s4+$0x0]  }
0x596: {  	s5 =	sor.u32 s0, s10;
	v58 =	vmul.f32 v53, v29;
	v36 =	vadd.f32 v56, v36  }
0x597: {  	s13 =	rddreg [dreg:$0x13];
	v59 =	vld [tilespmem:s5+$0x0]  }
0x598: {  	s6 =	sor.u32 s0, s13;
	v60 =	vmul.f32 v55, v30;
	v36 =	vadd.f32 v58, v36  }
0x599: {  	s20 =	rddreg [dreg:$0x15];
	v61 =	vld [tilespmem:s6+$0x0]  }
0x59a: {  	s16 =	sor.u32 s0, s20;
	v62 =	vmul.f32 v57, v31;
	v36 =	vadd.f32 v60, v36  }
0x59b: {  	v63 =	vld [tilespmem:s16+$0x0];
	s16 =	rddreg [dreg:$0x11]  }
0x59c: {  	v42 =	vmul.f32 v59, v32;
	s0 =	sor.u32 s0, s16;
	v36 =	vadd.f32 v62, v36  }
0x59d: {  	v43 =	vld [tilespmem:s0+$0x0]  }
0x59e: {  	v44 =	vmul.f32 v61, v33;
	v36 =	vadd.f32 v42, v36;
	_ =	sdelay $0x1  }
0x59f: {  	v45 =	vmul.f32 v63, v34;
	v36 =	vadd.f32 v44, v36;
	_ =	sdelay $0x1  }
0x5a0: {  	v46 =	vmul.f32 v43, v35;
	v36 =	vadd.f32 v45, v36;
	_ =	sdelay $0x1  }
0x5a1: {  	s0 =	sor.u32 $0x20, s2;
	v36 =	vadd.f32 v46, v36  }
0x5a2: {  	s4 =	sor.u32 s0, s14;
	s14 =	sld [smem:$0x7B6]  }
0x5a3: {  	s6 =	sor.u32 s0, s12;
	[tilespmem:s17+$0x0] =	vst v36  }
0x5a4: {  	v36 =	vld [tilespmem:s6+$0x0]  }
0x5a5: {  	s17 =	sor.u32 s0, s14;
	v47 =	vld [tilespmem:s6+$0x80]  }
0x5a6: {  	v48 =	vld [tilespmem:s17+$0x0];
	_ =	sdelay $0x1  }
0x5a7: {  	v49 =	vld [tilespmem:s6+$0x100]  }
0x5a8: {  	v36 =	vmul.f32 v36, v4  }
0x5a9: {  	s1 =	sor.u32 s0, s31;
	s31 =	rddreg [dreg:$0xf];
	v50 =	vld [tilespmem:s6+$0x180]  }
0x5aa: {  	s5 =	sor.u32 s0, s3;
	s3 =	sor.u32 $0x200, s31;
	v37 =	vmul.f32 v47, v5;
	v36 =	vadd.f32 v36, v48  }
0x5ab: {  	v51 =	vld [tilespmem:s3+$0x8400]  }
0x5ac: {  	s12 =	sor.u32 s0, s23;
	s23 =	sor.u32 $0x280, s31;
	v52 =	vmul.f32 v49, v6;
	v36 =	vadd.f32 v37, v36  }
0x5ad: {  	v53 =	vld [tilespmem:s23+$0x8400]  }
0x5ae: {  	s3 =	sor.u32 $0x300, s31;
	v54 =	vmul.f32 v50, v7;
	v36 =	vadd.f32 v52, v36  }
0x5af: {  	v55 =	vld [tilespmem:s3+$0x8400]  }
0x5b0: {  	s23 =	sor.u32 $0x380, s31;
	v56 =	vmul.f32 v51, v8;
	v36 =	vadd.f32 v54, v36  }
0x5b1: {  	v57 =	vld [tilespmem:s23+$0x8400];
	s3 =	sor.u32 s0, s9;
	s23 =	smov.u32 s9;
	s9 =	sld [smem:$0x7B7]  }
0x5b2: {  	v58 =	vmul.f32 v53, v9;
	v36 =	vadd.f32 v56, v36  }
0x5b3: {  	v59 =	vld [tilespmem:s3+$0x0]  }
0x5b4: {  	s3 =	sor.u32 s0, s9;
	v60 =	vmul.f32 v55, v10;
	v36 =	vadd.f32 v58, v36  }
0x5b5: {  	v61 =	vld [tilespmem:s3+$0x0]  }
0x5b6: {  	s3 =	sor.u32 s0, s29;
	v62 =	vmul.f32 v57, v11;
	v36 =	vadd.f32 v60, v36  }
0x5b7: {  	v63 =	vld [tilespmem:s3+$0x0]  }
0x5b8: {  	v44 =	vmul.f32 v59, v12;
	v36 =	vadd.f32 v62, v36  }
0x5b9: {  	v45 =	vld [tilespmem:s12+$0x0];
	s3 =	sld [smem:$0x7B8]  }
0x5ba: {  	v46 =	vmul.f32 v61, v13;
	v36 =	vadd.f32 v44, v36  }
0x5bb: {  	v47 =	vld [tilespmem:s5+$0x0]  }
0x5bc: {  	s12 =	sor.u32 s0, s3;
	v48 =	vmul.f32 v63, v14;
	v36 =	vadd.f32 v46, v36  }
0x5bd: {  	v49 =	vld [tilespmem:s12+$0x0]  }
0x5be: {  	v50 =	vmul.f32 v45, v15;
	v36 =	vadd.f32 v48, v36  }
0x5bf: {  	v51 =	vld [tilespmem:s4+$0x0]  }
0x5c0: {  	s5 =	sor.u32 s0, s26;
	v52 =	vmul.f32 v47, v16;
	v36 =	vadd.f32 v50, v36  }
0x5c1: {  	v53 =	vld [tilespmem:s5+$0x0]  }
0x5c2: {  	v54 =	vmul.f32 v49, v17;
	v36 =	vadd.f32 v52, v36  }
0x5c3: {  	v55 =	vld [tilespmem:s1+$0x0]  }
0x5c4: {  	s6 =	sor.u32 s0, s24;
	v56 =	vmul.f32 v51, v18;
	v36 =	vadd.f32 v54, v36  }
0x5c5: {  	v57 =	vld [tilespmem:s6+$0x0]  }
0x5c6: {  	s12 =	sor.u32 s0, s28;
	v58 =	vmul.f32 v53, v19;
	v36 =	vadd.f32 v56, v36  }
0x5c7: {  	v59 =	vld [tilespmem:s12+$0x0]  }
0x5c8: {  	s4 =	sor.u32 s0, s19;
	v60 =	vmul.f32 v55, v20;
	v36 =	vadd.f32 v58, v36  }
0x5c9: {  	v61 =	vld [tilespmem:s4+$0x0]  }
0x5ca: {  	s5 =	sor.u32 s0, s21;
	v62 =	vmul.f32 v57, v21;
	v36 =	vadd.f32 v60, v36  }
0x5cb: {  	v63 =	vld [tilespmem:s5+$0x0]  }
0x5cc: {  	s6 =	sor.u32 s0, s25;
	v44 =	vmul.f32 v59, v22;
	v36 =	vadd.f32 v62, v36  }
0x5cd: {  	v45 =	vld [tilespmem:s6+$0x0]  }
0x5ce: {  	s12 =	sor.u32 s0, s11;
	v46 =	vmul.f32 v61, v23;
	v36 =	vadd.f32 v44, v36  }
0x5cf: {  	v47 =	vld [tilespmem:s12+$0x0]  }
0x5d0: {  	s4 =	sor.u32 s0, s8;
	v48 =	vmul.f32 v63, v24;
	v36 =	vadd.f32 v46, v36  }
0x5d1: {  	v49 =	vld [tilespmem:s4+$0x0]  }
0x5d2: {  	s5 =	sor.u32 s0, s22;
	v50 =	vmul.f32 v45, v25;
	v36 =	vadd.f32 v48, v36  }
0x5d3: {  	v51 =	vld [tilespmem:s5+$0x0]  }
0x5d4: {  	s6 =	sor.u32 s0, s7;
	v52 =	vmul.f32 v47, v26;
	v36 =	vadd.f32 v50, v36  }
0x5d5: {  	v53 =	vld [tilespmem:s6+$0x0]  }
0x5d6: {  	s12 =	sor.u32 s0, s15;
	v54 =	vmul.f32 v49, v27;
	v36 =	vadd.f32 v52, v36  }
0x5d7: {  	v55 =	vld [tilespmem:s12+$0x0]  }
0x5d8: {  	s4 =	sor.u32 s0, s18;
	v56 =	vmul.f32 v51, v28;
	v36 =	vadd.f32 v54, v36  }
0x5d9: {  	v57 =	vld [tilespmem:s4+$0x0]  }
0x5da: {  	s5 =	sor.u32 s0, s10;
	v58 =	vmul.f32 v53, v29;
	v36 =	vadd.f32 v56, v36  }
0x5db: {  	v59 =	vld [tilespmem:s5+$0x0]  }
0x5dc: {  	s6 =	sor.u32 s0, s13;
	v60 =	vmul.f32 v55, v30;
	v36 =	vadd.f32 v58, v36  }
0x5dd: {  	v61 =	vld [tilespmem:s6+$0x0]  }
0x5de: {  	s12 =	sor.u32 s0, s20;
	v62 =	vmul.f32 v57, v31;
	v36 =	vadd.f32 v60, v36  }
0x5df: {  	v63 =	vld [tilespmem:s12+$0x0]  }
0x5e0: {  	s0 =	sor.u32 s0, s16;
	v43 =	vmul.f32 v59, v32;
	v36 =	vadd.f32 v62, v36  }
0x5e1: {  	v44 =	vld [tilespmem:s0+$0x0]  }
0x5e2: {  	v45 =	vmul.f32 v61, v33;
	v36 =	vadd.f32 v43, v36;
	_ =	sdelay $0x1  }
0x5e3: {  	v46 =	vmul.f32 v63, v34;
	v36 =	vadd.f32 v45, v36;
	_ =	sdelay $0x1  }
0x5e4: {  	v47 =	vmul.f32 v44, v35;
	v36 =	vadd.f32 v46, v36  }
0x5e5: {  	s4 =	sld [smem:$0x7B9]  }
0x5e6: {  	v36 =	vadd.f32 v47, v36  }
0x5e7: {  	s0 =	sor.u32 $0x30, s2  }
0x5e8: {  	s1 =	sor.u32 s0, s4;
	[tilespmem:s17+$0x0] =	vst v36  }
0x5e9: {  	s17 =	sor.u32 s0, s14;
	v36 =	vld [tilespmem:s1+$0x0]  }
0x5ea: {  	s5 =	sld [smem:$0x7BA];
	v48 =	vld [tilespmem:s17+$0x0]  }
0x5eb: {  	s6 =	sld [smem:$0x7BB];
	v49 =	vld [tilespmem:s1+$0x80]  }
0x5ec: {  	s14 =	sld [smem:$0x7BD]  }
0x5ed: {  	s12 =	sld [smem:$0x7BC];
	v50 =	vld [tilespmem:s1+$0x100]  }
0x5ee: {  	v36 =	vmul.f32 v36, v4  }
0x5ef: {  	s4 =	sor.u32 s0, s6;
	v51 =	vld [tilespmem:s1+$0x180];
	s6 =	sor.u32 s0, s14;
	s14 =	rddreg [dreg:$0xb]  }
0x5f0: {  	s2 =	sor.u32 s0, s5;
	s5 =	sor.u32 s0, s12;
	s12 =	sor.u32 $0x200, s14;
	v52 =	vmul.f32 v49, v5;
	v36 =	vadd.f32 v36, v48  }
0x5f1: {  	v41 =	vld [tilespmem:s12+$0x8400]  }
0x5f2: {  	s12 =	sor.u32 $0x280, s14;
	v54 =	vmul.f32 v50, v6;
	v36 =	vadd.f32 v52, v36  }
0x5f3: {  	v42 =	vld [tilespmem:s12+$0x8400]  }
0x5f4: {  	s12 =	sor.u32 $0x300, s14;
	v56 =	vmul.f32 v51, v7;
	v36 =	vadd.f32 v54, v36  }
0x5f5: {  	v53 =	vld [tilespmem:s12+$0x8400]  }
0x5f6: {  	s14 =	sor.u32 $0x380, s14;
	v58 =	vmul.f32 v41, v8;
	v36 =	vadd.f32 v56, v36  }
0x5f7: {  	v43 =	vld [tilespmem:s14+$0x8400]  }
0x5f8: {  	s23 =	sor.u32 s0, s23;
	v60 =	vmul.f32 v42, v9;
	v36 =	vadd.f32 v58, v36  }
0x5f9: {  	v55 =	vld [tilespmem:s23+$0x0]  }
0x5fa: {  	s12 =	sor.u32 s0, s9;
	v62 =	vmul.f32 v53, v10;
	v36 =	vadd.f32 v60, v36  }
0x5fb: {  	v44 =	vld [tilespmem:s12+$0x0]  }
0x5fc: {  	s14 =	sor.u32 s0, s29;
	v53 =	vmul.f32 v43, v11;
	v36 =	vadd.f32 v62, v36  }
0x5fd: {  	v57 =	vld [tilespmem:s14+$0x0]  }
0x5fe: {  	v54 =	vmul.f32 v55, v12;
	v36 =	vadd.f32 v53, v36  }
0x5ff: {  	v45 =	vld [tilespmem:s2+$0x0]  }
0x600: {  	v55 =	vmul.f32 v44, v13;
	v36 =	vadd.f32 v54, v36  }
0x601: {  	v59 =	vld [tilespmem:s4+$0x0]  }
0x602: {  	s23 =	sor.u32 s0, s3;
	v56 =	vmul.f32 v57, v14;
	v36 =	vadd.f32 v55, v36  }
0x603: {  	v46 =	vld [tilespmem:s23+$0x0]  }
0x604: {  	v57 =	vmul.f32 v45, v15;
	v36 =	vadd.f32 v56, v36  }
0x605: {  	v61 =	vld [tilespmem:s5+$0x0]  }
0x606: {  	v59 =	vmul.f32 v59, v16;
	s29 =	sor.u32 s0, s26;
	v36 =	vadd.f32 v57, v36  }
0x607: {  	v47 =	vld [tilespmem:s29+$0x0]  }
0x608: {  	v60 =	vmul.f32 v46, v17;
	v36 =	vadd.f32 v59, v36  }
0x609: {  	v63 =	vld [tilespmem:s6+$0x0]  }
0x60a: {  	s2 =	sor.u32 s0, s24;
	v61 =	vmul.f32 v61, v18;
	v36 =	vadd.f32 v60, v36  }
0x60b: {  	v48 =	vld [tilespmem:s2+$0x0]  }
0x60c: {  	s3 =	sor.u32 s0, s28;
	v62 =	vmul.f32 v47, v19;
	v36 =	vadd.f32 v61, v36  }
0x60d: {  	v43 =	vld [tilespmem:s3+$0x0]  }
0x60e: {  	s4 =	sor.u32 s0, s19;
	v63 =	vmul.f32 v63, v20;
	v36 =	vadd.f32 v62, v36  }
0x60f: {  	v49 =	vld [tilespmem:s4+$0x0]  }
0x610: {  	s5 =	sor.u32 s0, s21;
	v42 =	vmul.f32 v48, v21;
	v36 =	vadd.f32 v63, v36  }
0x611: {  	v39 =	vld [tilespmem:s5+$0x0]  }
0x612: {  	s9 =	sor.u32 s0, s25;
	v43 =	vmul.f32 v43, v22;
	v36 =	vadd.f32 v42, v36  }
0x613: {  	v50 =	vld [tilespmem:s9+$0x0]  }
0x614: {  	s12 =	sor.u32 s0, s11;
	v47 =	vmul.f32 v49, v23;
	v36 =	vadd.f32 v43, v36  }
0x615: {  	v44 =	vld [tilespmem:s12+$0x0]  }
0x616: {  	s14 =	sor.u32 s0, s8;
	v48 =	vmul.f32 v39, v24;
	v36 =	vadd.f32 v47, v36  }
0x617: {  	v51 =	vld [tilespmem:s14+$0x0]  }
0x618: {  	s19 =	sor.u32 s0, s22;
	v49 =	vmul.f32 v50, v25;
	v36 =	vadd.f32 v48, v36  }
0x619: {  	v40 =	vld [tilespmem:s19+$0x0]  }
0x61a: {  	s21 =	sor.u32 s0, s7;
	v50 =	vmul.f32 v44, v26;
	v36 =	vadd.f32 v49, v36  }
0x61b: {  	v52 =	vld [tilespmem:s21+$0x0]  }
0x61c: {  	s22 =	sor.u32 s0, s15;
	v51 =	vmul.f32 v51, v27;
	v36 =	vadd.f32 v50, v36  }
0x61d: {  	v58 =	vld [tilespmem:s22+$0x0]  }
0x61e: {  	s23 =	sor.u32 s0, s18;
	v56 =	vmul.f32 v40, v28;
	v36 =	vadd.f32 v51, v36  }
0x61f: {  	v53 =	vld [tilespmem:s23+$0x0]  }
0x620: {  	s24 =	sor.u32 s0, s10;
	v57 =	vmul.f32 v52, v29;
	v36 =	vadd.f32 v56, v36  }
0x621: {  	v41 =	vld [tilespmem:s24+$0x0]  }
0x622: {  	s25 =	sor.u32 s0, s13;
	v58 =	vmul.f32 v58, v30;
	v36 =	vadd.f32 v57, v36  }
0x623: {  	v54 =	vld [tilespmem:s25+$0x0]  }
0x624: {  	s26 =	sor.u32 s0, s20;
	v59 =	vmul.f32 v53, v31;
	v36 =	vadd.f32 v58, v36  }
0x625: {  	v46 =	vld [tilespmem:s26+$0x0]  }
0x626: {  	s0 =	sor.u32 s0, s16;
	v60 =	vmul.f32 v41, v32;
	v36 =	vadd.f32 v59, v36  }
0x627: {  	v55 =	vld [tilespmem:s0+$0x0]  }
0x628: {  	v61 =	vmul.f32 v54, v33;
	v36 =	vadd.f32 v60, v36  }
0x629: {  	p2 =	por !p2, !p2;
	s28 =	rddreg [dreg:$0x9]  }
.Ltmp5:
0x62a: {  	s30 =	sadd.s32 $0x40, s30;
	s6 =	rddreg [dreg:$0xa];
	v62 =	vmul.f32 v46, v34;
	v36 =	vadd.f32 v61, v36;
	(pc) =	sbr.rel @p3 .LBB2_7-.Ltmp5, $4  }
0x62b: {  	s31 =	rddreg [dreg:$0x8];
	s2 =	sadd.s32 $0x40, s28;
	s9 =	sand.u32 $0x1C00, s6  }
0x62c: {  	s29 =	sor.u32 s6, s2;
	s16 =	sadd.s32 $0xA400, s9;
	s11 =	sadd.s32 $0xC780, s9;
	v63 =	vmul.f32 v55, v35;
	v36 =	vadd.f32 v62, v36  }
0x62d: {  	s13 =	sor.u32 $0x380, s29;
	s3 =	sadd.s32 $0x8400, s9;
	s0 =	simm.s32 $0x1  }
0x62e: {  	s22 =	smov.u32 s2;
	s2 =	sand.u32 $0x40, s2;
	s0 =	simm.s32 @!p2 $0x0;
	v36 =	vadd.f32 v63, v36  }
0x62f: {  	_ = 	snop  }
0x630: {  	s4 =	sor.u32 s2, s3;
	[tilespmem:s17+$0x0] =	vst v36  }
0x631: {  	v36 =	vld [tilespmem:s4+$0x0]  }
0x632: {  	v37 =	vld [tilespmem:s4+$0x80]  }
0x633: {  	v38 =	vld [tilespmem:s30+$0x0];
	_ =	sdelay $0x1  }
0x634: {  	v39 =	vld [tilespmem:s4+$0x100]  }
0x635: {  	s0 =	sshll.u32 s0, $0x6;
	v36 =	vmul.f32 v36, v4  }
0x636: {  	s12 =	sadd.s32 s0, s6;
	v40 =	vld [tilespmem:s4+$0x180]  }
0x637: {  	s0 =	sor.u32 $0x200, s12;
	v37 =	vmul.f32 v37, v5;
	v36 =	vadd.f32 v36, v38  }
0x638: {  	v57 =	vld [tilespmem:s0+$0x8400]  }
0x639: {  	s26 =	sor.u32 $0x280, s12;
	v58 =	vmul.f32 v39, v6;
	v36 =	vadd.f32 v37, v36  }
0x63a: {  	v59 =	vld [tilespmem:s26+$0x8400]  }
0x63b: {  	s28 =	sor.u32 $0x300, s12;
	v60 =	vmul.f32 v40, v7;
	v36 =	vadd.f32 v58, v36  }
0x63c: {  	v61 =	vld [tilespmem:s28+$0x8400]  }
0x63d: {  	v62 =	vmul.f32 v57, v8;
	v36 =	vadd.f32 v60, v36  }
0x63e: {  	v63 =	vld [tilespmem:s13+$0x8400]  }
0x63f: {  	s29 =	sor.u32 s2, s16;
	v44 =	vmul.f32 v59, v9;
	v36 =	vadd.f32 v62, v36  }
0x640: {  	v45 =	vld [tilespmem:s29+$0x0];
	s0 =	sadd.s32 $0xA480, s9  }
0x641: {  	s31 =	sor.u32 s2, s0;
	v46 =	vmul.f32 v61, v10;
	v36 =	vadd.f32 v44, v36  }
0x642: {  	s1 =	sadd.s32 $0xA500, s9;
	v47 =	vld [tilespmem:s31+$0x0]  }
0x643: {  	s5 =	sor.u32 s2, s1;
	v48 =	vmul.f32 v63, v11;
	v36 =	vadd.f32 v46, v36  }
0x644: {  	s4 =	sadd.s32 $0xA580, s9;
	v49 =	vld [tilespmem:s5+$0x0]  }
0x645: {  	s5 =	sor.u32 s2, s4;
	v50 =	vmul.f32 v45, v12;
	v36 =	vadd.f32 v48, v36  }
0x646: {  	v51 =	vld [tilespmem:s5+$0x0];
	s31 =	sadd.s32 $0xA600, s9  }
0x647: {  	s7 =	sor.u32 s2, s31;
	v52 =	vmul.f32 v47, v13;
	v36 =	vadd.f32 v50, v36  }
0x648: {  	s5 =	sadd.s32 $0xA680, s9;
	v53 =	vld [tilespmem:s7+$0x0]  }
0x649: {  	v54 =	vmul.f32 v49, v14;
	s7 =	sor.u32 s2, s5;
	v36 =	vadd.f32 v52, v36  }
0x64a: {  	s8 =	sadd.s32 $0xA700, s9;
	v55 =	vld [tilespmem:s7+$0x0]  }
0x64b: {  	s10 =	sor.u32 s2, s8;
	v56 =	vmul.f32 v51, v15;
	v36 =	vadd.f32 v54, v36  }
0x64c: {  	s6 =	sadd.s32 $0xA780, s9;
	v57 =	vld [tilespmem:s10+$0x0]  }
0x64d: {  	s13 =	sor.u32 s2, s6;
	v58 =	vmul.f32 v53, v16;
	v36 =	vadd.f32 v56, v36  }
0x64e: {  	[smem:$0x7A5] =	sst s4;
	s4 =	sadd.s32 $0xC400, s9;
	v59 =	vld [tilespmem:s13+$0x0]  }
0x64f: {  	s14 =	sor.u32 s2, s4;
	v60 =	vmul.f32 v55, v17;
	v36 =	vadd.f32 v58, v36  }
0x650: {  	s13 =	sadd.s32 $0xC480, s9;
	v61 =	vld [tilespmem:s14+$0x0]  }
0x651: {  	s15 =	sor.u32 s2, s13;
	v62 =	vmul.f32 v57, v18;
	v36 =	vadd.f32 v60, v36  }
0x652: {  	s14 =	sadd.s32 $0xC500, s9;
	v63 =	vld [tilespmem:s15+$0x0]  }
0x653: {  	s17 =	sor.u32 s2, s14;
	v44 =	vmul.f32 v59, v19;
	v36 =	vadd.f32 v62, v36  }
0x654: {  	s18 =	sadd.s32 $0xC580, s9;
	v45 =	vld [tilespmem:s17+$0x0]  }
0x655: {  	s19 =	sor.u32 s2, s18;
	v46 =	vmul.f32 v61, v20;
	v36 =	vadd.f32 v44, v36  }
0x656: {  	s17 =	sadd.s32 $0xC600, s9;
	v47 =	vld [tilespmem:s19+$0x0]  }
0x657: {  	s20 =	sor.u32 s2, s17;
	v48 =	vmul.f32 v63, v21;
	v36 =	vadd.f32 v46, v36  }
0x658: {  	[smem:$0x7A6] =	sst s18;
	s18 =	sadd.s32 $0xC680, s9;
	v49 =	vld [tilespmem:s20+$0x0]  }
0x659: {  	s21 =	sor.u32 s2, s18;
	v50 =	vmul.f32 v45, v22;
	v36 =	vadd.f32 v48, v36  }
0x65a: {  	v51 =	vld [tilespmem:s21+$0x0];
	s19 =	sadd.s32 $0xC700, s9  }
0x65b: {  	s23 =	sor.u32 s2, s19;
	v52 =	vmul.f32 v47, v23;
	v36 =	vadd.f32 v50, v36  }
0x65c: {  	v53 =	vld [tilespmem:s23+$0x0]  }
0x65d: {  	s24 =	sor.u32 s2, s11;
	v54 =	vmul.f32 v49, v24;
	v36 =	vadd.f32 v52, v36  }
0x65e: {  	s20 =	sadd.s32 $0xE400, s9;
	v55 =	vld [tilespmem:s24+$0x0]  }
0x65f: {  	s25 =	sor.u32 s2, s20;
	v56 =	vmul.f32 v51, v25;
	v36 =	vadd.f32 v54, v36  }
0x660: {  	s21 =	sadd.s32 $0xE480, s9;
	v57 =	vld [tilespmem:s25+$0x0]  }
0x661: {  	s26 =	sor.u32 s2, s21;
	v58 =	vmul.f32 v53, v26;
	v36 =	vadd.f32 v56, v36  }
0x662: {  	s23 =	sadd.s32 $0xE500, s9;
	v59 =	vld [tilespmem:s26+$0x0]  }
0x663: {  	s28 =	sor.u32 s2, s23;
	v60 =	vmul.f32 v55, v27;
	v36 =	vadd.f32 v58, v36  }
0x664: {  	s24 =	sadd.s32 $0xE580, s9;
	v61 =	vld [tilespmem:s28+$0x0]  }
0x665: {  	s29 =	sor.u32 s2, s24;
	v62 =	vmul.f32 v57, v28;
	v36 =	vadd.f32 v60, v36  }
0x666: {  	s25 =	sadd.s32 $0xE600, s9;
	v63 =	vld [tilespmem:s29+$0x0]  }
0x667: {  	[smem:$0x7A4] =	sst s1;
	s1 =	sor.u32 s2, s25;
	v44 =	vmul.f32 v59, v29;
	v36 =	vadd.f32 v62, v36  }
0x668: {  	s26 =	sadd.s32 $0xE680, s9;
	v45 =	vld [tilespmem:s1+$0x0]  }
0x669: {  	s7 =	smov.u32 s8;
	s8 =	sor.u32 s2, s26;
	v46 =	vmul.f32 v61, v30;
	v36 =	vadd.f32 v44, v36  }
0x66a: {  	s28 =	sadd.s32 $0xE700, s9;
	v47 =	vld [tilespmem:s8+$0x0]  }
0x66b: {  	s15 =	sor.u32 s2, s28;
	v48 =	vmul.f32 v63, v31;
	v36 =	vadd.f32 v46, v36  }
0x66c: {  	s29 =	sadd.s32 $0xE780, s9;
	v49 =	vld [tilespmem:s15+$0x0]  }
0x66d: {  	s9 =	sor.u32 s2, s29;
	v50 =	vmul.f32 v45, v32;
	v36 =	vadd.f32 v48, v36  }
0x66e: {  	v51 =	vld [tilespmem:s9+$0x0]  }
0x66f: {  	v52 =	vmul.f32 v47, v33;
	v36 =	vadd.f32 v50, v36;
	_ =	sdelay $0x1  }
0x670: {  	v53 =	vmul.f32 v49, v34;
	v36 =	vadd.f32 v52, v36;
	_ =	sdelay $0x1  }
0x671: {  	v54 =	vmul.f32 v51, v35;
	v36 =	vadd.f32 v53, v36;
	_ =	sdelay $0x1  }
0x672: {  	v36 =	vadd.f32 v54, v36  }
0x673: {  	s15 =	sor.u32 $0x10, s2  }
0x674: {  	s8 =	sand.u32 $0x380, s22;
	s22 =	sor.u32 s15, s3;
	[tilespmem:s30+$0x0] =	vst v36  }
0x675: {  	s10 =	sor.u32 $0x10400, s8;
	v36 =	vld [tilespmem:s22+$0x0]  }
0x676: {  	s9 =	sor.u32 s15, s10;
	v55 =	vld [tilespmem:s22+$0x80]  }
0x677: {  	v56 =	vld [tilespmem:s9+$0x0];
	_ =	sdelay $0x1  }
0x678: {  	v57 =	vld [tilespmem:s22+$0x100]  }
0x679: {  	v36 =	vmul.f32 v36, v4  }
0x67a: {  	s8 =	sadd.s32 $0x10, s12;
	v58 =	vld [tilespmem:s22+$0x180]  }
0x67b: {  	s1 =	sor.u32 $0x200, s8;
	v37 =	vmul.f32 v55, v5;
	v36 =	vadd.f32 v36, v56  }
0x67c: {  	v59 =	vld [tilespmem:s1+$0x8400]  }
0x67d: {  	s22 =	sor.u32 $0x280, s8;
	v60 =	vmul.f32 v57, v6;
	v36 =	vadd.f32 v37, v36  }
0x67e: {  	v61 =	vld [tilespmem:s22+$0x8400]  }
0x67f: {  	s1 =	sor.u32 $0x300, s8;
	v62 =	vmul.f32 v58, v7;
	v36 =	vadd.f32 v60, v36  }
0x680: {  	s8 =	sor.u32 $0x380, s8;
	v63 =	vld [tilespmem:s1+$0x8400]  }
0x681: {  	v45 =	vld [tilespmem:s8+$0x8400];
	s22 =	sor.u32 s15, s0;
	v44 =	vmul.f32 v59, v8;
	v36 =	vadd.f32 v62, v36  }
0x682: {  	v49 =	vld [tilespmem:s22+$0x0];
	s22 =	sld [smem:$0x7A4]  }
0x683: {  	[smem:$0x7AC] =	sst s16;
	s16 =	sor.u32 s15, s16;
	v46 =	vmul.f32 v61, v9;
	v36 =	vadd.f32 v44, v36  }
0x684: {  	v47 =	vld [tilespmem:s16+$0x0]  }
0x685: {  	s1 =	sor.u32 s15, s22;
	v48 =	vmul.f32 v63, v10;
	v36 =	vadd.f32 v46, v36  }
0x686: {  	v51 =	vld [tilespmem:s1+$0x0];
	s1 =	sld [smem:$0x7A5]  }
0x687: {  	v50 =	vmul.f32 v45, v11;
	v36 =	vadd.f32 v48, v36;
	_ =	sdelay $0x1  }
0x688: {  	s30 =	smov.u32 s11;
	v52 =	vmul.f32 v47, v12;
	s11 =	sor.u32 s15, s1;
	v36 =	vadd.f32 v50, v36  }
0x689: {  	v53 =	vld [tilespmem:s11+$0x0]  }
0x68a: {  	s16 =	sor.u32 s15, s31;
	v54 =	vmul.f32 v49, v13;
	v36 =	vadd.f32 v52, v36  }
0x68b: {  	v55 =	vld [tilespmem:s16+$0x0]  }
0x68c: {  	s11 =	sor.u32 s15, s5;
	v56 =	vmul.f32 v51, v14;
	v36 =	vadd.f32 v54, v36  }
0x68d: {  	v57 =	vld [tilespmem:s11+$0x0]  }
0x68e: {  	s16 =	sor.u32 s15, s7;
	v58 =	vmul.f32 v53, v15;
	v36 =	vadd.f32 v56, v36  }
0x68f: {  	v59 =	vld [tilespmem:s16+$0x0]  }
0x690: {  	v60 =	vmul.f32 v55, v16;
	s11 =	sor.u32 s15, s6;
	v36 =	vadd.f32 v58, v36  }
0x691: {  	v61 =	vld [tilespmem:s11+$0x0]  }
0x692: {  	s16 =	sor.u32 s15, s4;
	v62 =	vmul.f32 v57, v17;
	v36 =	vadd.f32 v60, v36  }
0x693: {  	v63 =	vld [tilespmem:s16+$0x0];
	s16 =	sor.u32 s15, s14  }
0x694: {  	v47 =	vld [tilespmem:s16+$0x0];
	s11 =	sor.u32 s15, s13;
	v44 =	vmul.f32 v59, v18;
	v36 =	vadd.f32 v62, v36  }
0x695: {  	s16 =	sld [smem:$0x7A6];
	v45 =	vld [tilespmem:s11+$0x0]  }
0x696: {  	v46 =	vmul.f32 v61, v19;
	v36 =	vadd.f32 v44, v36;
	_ =	sdelay $0x1  }
0x697: {  	s11 =	sor.u32 s15, s16;
	v48 =	vmul.f32 v63, v20;
	v36 =	vadd.f32 v46, v36  }
0x698: {  	v49 =	vld [tilespmem:s11+$0x0]  }
0x699: {  	s11 =	sor.u32 s15, s17;
	v50 =	vmul.f32 v45, v21;
	v36 =	vadd.f32 v48, v36  }
0x69a: {  	v51 =	vld [tilespmem:s11+$0x0]  }
0x69b: {  	s11 =	sor.u32 s15, s18;
	v52 =	vmul.f32 v47, v22;
	v36 =	vadd.f32 v50, v36  }
0x69c: {  	v53 =	vld [tilespmem:s11+$0x0]  }
0x69d: {  	s11 =	sor.u32 s15, s19;
	v54 =	vmul.f32 v49, v23;
	v36 =	vadd.f32 v52, v36  }
0x69e: {  	v55 =	vld [tilespmem:s11+$0x0]  }
0x69f: {  	s11 =	sor.u32 s15, s30;
	v56 =	vmul.f32 v51, v24;
	v36 =	vadd.f32 v54, v36  }
0x6a0: {  	v57 =	vld [tilespmem:s11+$0x0]  }
0x6a1: {  	s11 =	sor.u32 s15, s20;
	v58 =	vmul.f32 v53, v25;
	v36 =	vadd.f32 v56, v36  }
0x6a2: {  	v59 =	vld [tilespmem:s11+$0x0]  }
0x6a3: {  	s11 =	sor.u32 s15, s21;
	v60 =	vmul.f32 v55, v26;
	v36 =	vadd.f32 v58, v36  }
0x6a4: {  	v61 =	vld [tilespmem:s11+$0x0]  }
0x6a5: {  	s11 =	sor.u32 s15, s23;
	v62 =	vmul.f32 v57, v27;
	v36 =	vadd.f32 v60, v36  }
0x6a6: {  	v63 =	vld [tilespmem:s11+$0x0]  }
0x6a7: {  	s11 =	sor.u32 s15, s24;
	v44 =	vmul.f32 v59, v28;
	v36 =	vadd.f32 v62, v36  }
0x6a8: {  	v45 =	vld [tilespmem:s11+$0x0]  }
0x6a9: {  	s11 =	sor.u32 s15, s25;
	v46 =	vmul.f32 v61, v29;
	v36 =	vadd.f32 v44, v36  }
0x6aa: {  	v47 =	vld [tilespmem:s11+$0x0]  }
0x6ab: {  	s11 =	sor.u32 s15, s26;
	v48 =	vmul.f32 v63, v30;
	v36 =	vadd.f32 v46, v36  }
0x6ac: {  	v49 =	vld [tilespmem:s11+$0x0]  }
0x6ad: {  	s11 =	sor.u32 s15, s28;
	v50 =	vmul.f32 v45, v31;
	v36 =	vadd.f32 v48, v36  }
0x6ae: {  	v51 =	vld [tilespmem:s11+$0x0]  }
0x6af: {  	s11 =	sor.u32 s15, s29;
	v52 =	vmul.f32 v47, v32;
	v36 =	vadd.f32 v50, v36  }
0x6b0: {  	v53 =	vld [tilespmem:s11+$0x0]  }
0x6b1: {  	v54 =	vmul.f32 v49, v33;
	v36 =	vadd.f32 v52, v36;
	_ =	sdelay $0x1  }
0x6b2: {  	v55 =	vmul.f32 v51, v34;
	v36 =	vadd.f32 v54, v36;
	_ =	sdelay $0x1  }
0x6b3: {  	v56 =	vmul.f32 v53, v35;
	v36 =	vadd.f32 v55, v36;
	_ =	sdelay $0x1  }
0x6b4: {  	v36 =	vadd.f32 v56, v36  }
0x6b5: {  	s11 =	sor.u32 $0x20, s2  }
0x6b6: {  	s15 =	sor.u32 s11, s3;
	[tilespmem:s9+$0x0] =	vst v36  }
0x6b7: {  	v36 =	vld [tilespmem:s15+$0x0]  }
0x6b8: {  	s9 =	sor.u32 s11, s10;
	v57 =	vld [tilespmem:s15+$0x80]  }
0x6b9: {  	v58 =	vld [tilespmem:s9+$0x0];
	_ =	sdelay $0x1  }
0x6ba: {  	v59 =	vld [tilespmem:s15+$0x100]  }
0x6bb: {  	v36 =	vmul.f32 v36, v4  }
0x6bc: {  	s8 =	sadd.s32 $0x20, s12;
	v60 =	vld [tilespmem:s15+$0x180]  }
0x6bd: {  	[smem:$0x7B9] =	sst s3;
	s3 =	sor.u32 $0x200, s8;
	v37 =	vmul.f32 v57, v5;
	v36 =	vadd.f32 v36, v58  }
0x6be: {  	v61 =	vld [tilespmem:s3+$0x8400]  }
0x6bf: {  	s3 =	sor.u32 $0x280, s8;
	v62 =	vmul.f32 v59, v6;
	v36 =	vadd.f32 v37, v36  }
0x6c0: {  	v63 =	vld [tilespmem:s3+$0x8400]  }
0x6c1: {  	s3 =	sor.u32 $0x300, s8;
	v44 =	vmul.f32 v60, v7;
	v36 =	vadd.f32 v62, v36  }
0x6c2: {  	v45 =	vld [tilespmem:s3+$0x8400];
	s3 =	sld [smem:$0x7AC]  }
0x6c3: {  	s8 =	sor.u32 $0x380, s8;
	v46 =	vmul.f32 v61, v8;
	v36 =	vadd.f32 v44, v36  }
0x6c4: {  	v47 =	vld [tilespmem:s8+$0x8400]  }
0x6c5: {  	s15 =	sor.u32 s11, s3;
	v48 =	vmul.f32 v63, v9;
	v36 =	vadd.f32 v46, v36  }
0x6c6: {  	v49 =	vld [tilespmem:s15+$0x0]  }
0x6c7: {  	s15 =	sor.u32 s11, s0;
	v50 =	vmul.f32 v45, v10;
	v36 =	vadd.f32 v48, v36  }
0x6c8: {  	v51 =	vld [tilespmem:s15+$0x0]  }
0x6c9: {  	v52 =	vmul.f32 v47, v11;
	s15 =	sor.u32 s11, s22;
	v36 =	vadd.f32 v50, v36  }
0x6ca: {  	v53 =	vld [tilespmem:s15+$0x0]  }
0x6cb: {  	s15 =	smov.u32 s1;
	s1 =	sor.u32 s11, s1;
	v54 =	vmul.f32 v49, v12;
	v36 =	vadd.f32 v52, v36  }
0x6cc: {  	v55 =	vld [tilespmem:s1+$0x0]  }
0x6cd: {  	s1 =	sor.u32 s11, s31;
	v56 =	vmul.f32 v51, v13;
	v36 =	vadd.f32 v54, v36  }
0x6ce: {  	v57 =	vld [tilespmem:s1+$0x0]  }
0x6cf: {  	s1 =	sor.u32 s11, s5;
	v58 =	vmul.f32 v53, v14;
	v36 =	vadd.f32 v56, v36  }
0x6d0: {  	v59 =	vld [tilespmem:s1+$0x0]  }
0x6d1: {  	s1 =	sor.u32 s11, s7;
	v60 =	vmul.f32 v55, v15;
	v36 =	vadd.f32 v58, v36  }
0x6d2: {  	v61 =	vld [tilespmem:s1+$0x0]  }
0x6d3: {  	s1 =	sor.u32 s11, s6;
	v62 =	vmul.f32 v57, v16;
	v36 =	vadd.f32 v60, v36  }
0x6d4: {  	v63 =	vld [tilespmem:s1+$0x0]  }
0x6d5: {  	s1 =	sor.u32 s11, s4;
	v44 =	vmul.f32 v59, v17;
	v36 =	vadd.f32 v62, v36  }
0x6d6: {  	v45 =	vld [tilespmem:s1+$0x0]  }
0x6d7: {  	s1 =	sor.u32 s11, s13;
	v46 =	vmul.f32 v61, v18;
	v36 =	vadd.f32 v44, v36  }
0x6d8: {  	v47 =	vld [tilespmem:s1+$0x0]  }
0x6d9: {  	s1 =	sor.u32 s11, s14;
	v48 =	vmul.f32 v63, v19;
	v36 =	vadd.f32 v46, v36  }
0x6da: {  	v49 =	vld [tilespmem:s1+$0x0]  }
0x6db: {  	s1 =	sor.u32 s11, s16;
	v50 =	vmul.f32 v45, v20;
	v36 =	vadd.f32 v48, v36  }
0x6dc: {  	v51 =	vld [tilespmem:s1+$0x0]  }
0x6dd: {  	s1 =	sor.u32 s11, s17;
	v52 =	vmul.f32 v47, v21;
	v36 =	vadd.f32 v50, v36  }
0x6de: {  	v53 =	vld [tilespmem:s1+$0x0]  }
0x6df: {  	s1 =	sor.u32 s11, s18;
	v54 =	vmul.f32 v49, v22;
	v36 =	vadd.f32 v52, v36  }
0x6e0: {  	v55 =	vld [tilespmem:s1+$0x0]  }
0x6e1: {  	s1 =	sor.u32 s11, s19;
	v56 =	vmul.f32 v51, v23;
	v36 =	vadd.f32 v54, v36  }
0x6e2: {  	v57 =	vld [tilespmem:s1+$0x0]  }
0x6e3: {  	s1 =	sor.u32 s11, s30;
	v58 =	vmul.f32 v53, v24;
	v36 =	vadd.f32 v56, v36  }
0x6e4: {  	v59 =	vld [tilespmem:s1+$0x0]  }
0x6e5: {  	s1 =	sor.u32 s11, s20;
	v60 =	vmul.f32 v55, v25;
	v36 =	vadd.f32 v58, v36  }
0x6e6: {  	v61 =	vld [tilespmem:s1+$0x0]  }
0x6e7: {  	s1 =	sor.u32 s11, s21;
	v62 =	vmul.f32 v57, v26;
	v36 =	vadd.f32 v60, v36  }
0x6e8: {  	v63 =	vld [tilespmem:s1+$0x0]  }
0x6e9: {  	s1 =	sor.u32 s11, s23;
	v43 =	vmul.f32 v59, v27;
	v36 =	vadd.f32 v62, v36  }
0x6ea: {  	v44 =	vld [tilespmem:s1+$0x0]  }
0x6eb: {  	v45 =	vmul.f32 v61, v28;
	s1 =	sor.u32 s11, s24;
	v36 =	vadd.f32 v43, v36  }
0x6ec: {  	v46 =	vld [tilespmem:s1+$0x0]  }
0x6ed: {  	v47 =	vmul.f32 v63, v29;
	s1 =	sor.u32 s11, s25;
	v36 =	vadd.f32 v45, v36  }
0x6ee: {  	v48 =	vld [tilespmem:s1+$0x0]  }
0x6ef: {  	s1 =	sor.u32 s11, s26;
	v49 =	vmul.f32 v44, v30;
	v36 =	vadd.f32 v47, v36  }
0x6f0: {  	v50 =	vld [tilespmem:s1+$0x0]  }
0x6f1: {  	s1 =	sor.u32 s11, s28;
	v51 =	vmul.f32 v46, v31;
	v36 =	vadd.f32 v49, v36  }
0x6f2: {  	v52 =	vld [tilespmem:s1+$0x0]  }
0x6f3: {  	s1 =	sor.u32 s11, s29;
	v53 =	vmul.f32 v48, v32;
	v36 =	vadd.f32 v51, v36  }
0x6f4: {  	v54 =	vld [tilespmem:s1+$0x0]  }
0x6f5: {  	v55 =	vmul.f32 v50, v33;
	v36 =	vadd.f32 v53, v36;
	_ =	sdelay $0x1  }
0x6f6: {  	v56 =	vmul.f32 v52, v34;
	v36 =	vadd.f32 v55, v36;
	_ =	sdelay $0x1  }
0x6f7: {  	v57 =	vmul.f32 v54, v35;
	v36 =	vadd.f32 v56, v36  }
0x6f8: {  	s8 =	sld [smem:$0x7B9]  }
0x6f9: {  	v36 =	vadd.f32 v57, v36  }
0x6fa: {  	s11 =	sor.u32 $0x30, s2  }
0x6fb: {  	[tilespmem:s9+$0x0] =	vst v36;
	s9 =	sor.u32 s11, s8  }
0x6fc: {  	s2 =	sor.u32 s11, s10;
	v36 =	vld [tilespmem:s9+$0x0]  }
0x6fd: {  	v58 =	vld [tilespmem:s2+$0x0]  }
0x6fe: {  	v59 =	vld [tilespmem:s9+$0x80];
	_ =	sdelay $0x1  }
0x6ff: {  	v60 =	vld [tilespmem:s9+$0x100]  }
0x700: {  	v4 =	vmul.f32 v36, v4  }
0x701: {  	s1 =	sadd.s32 $0x30, s12;
	v61 =	vld [tilespmem:s9+$0x180]  }
0x702: {  	s10 =	sor.u32 $0x200, s1;
	v5 =	vmul.f32 v59, v5;
	v4 =	vadd.f32 v4, v58  }
0x703: {  	v62 =	vld [tilespmem:s10+$0x8400]  }
0x704: {  	s12 =	sor.u32 $0x280, s1;
	v4 =	vadd.f32 v5, v4;
	v5 =	vmul.f32 v60, v6  }
0x705: {  	v63 =	vld [tilespmem:s12+$0x8400]  }
0x706: {  	s9 =	sor.u32 $0x300, s1;
	v4 =	vadd.f32 v5, v4;
	v5 =	vmul.f32 v61, v7  }
0x707: {  	v38 =	vld [tilespmem:s9+$0x8400]  }
0x708: {  	s1 =	sor.u32 $0x380, s1;
	v4 =	vadd.f32 v5, v4;
	v5 =	vmul.f32 v62, v8  }
0x709: {  	v39 =	vld [tilespmem:s1+$0x8400]  }
0x70a: {  	s10 =	sor.u32 s11, s3;
	v4 =	vadd.f32 v5, v4;
	v5 =	vmul.f32 v63, v9  }
0x70b: {  	v40 =	vld [tilespmem:s10+$0x0]  }
0x70c: {  	s12 =	sor.u32 s11, s0;
	v4 =	vadd.f32 v5, v4;
	v5 =	vmul.f32 v38, v10  }
0x70d: {  	v41 =	vld [tilespmem:s12+$0x0]  }
0x70e: {  	s22 =	sor.u32 s11, s22;
	v4 =	vadd.f32 v5, v4;
	v5 =	vmul.f32 v39, v11  }
0x70f: {  	v42 =	vld [tilespmem:s22+$0x0]  }
0x710: {  	s1 =	sor.u32 s11, s15;
	v4 =	vadd.f32 v5, v4;
	v5 =	vmul.f32 v40, v12  }
0x711: {  	v43 =	vld [tilespmem:s1+$0x0]  }
0x712: {  	s3 =	sor.u32 s11, s31;
	v4 =	vadd.f32 v5, v4;
	v5 =	vmul.f32 v41, v13  }
0x713: {  	v44 =	vld [tilespmem:s3+$0x0]  }
0x714: {  	s8 =	sor.u32 s11, s5;
	v4 =	vadd.f32 v5, v4;
	v5 =	vmul.f32 v42, v14  }
0x715: {  	v45 =	vld [tilespmem:s8+$0x0]  }
0x716: {  	s9 =	sor.u32 s11, s7;
	v4 =	vadd.f32 v5, v4;
	v5 =	vmul.f32 v43, v15  }
0x717: {  	v46 =	vld [tilespmem:s9+$0x0]  }
0x718: {  	s10 =	sor.u32 s11, s6;
	v4 =	vadd.f32 v5, v4;
	v5 =	vmul.f32 v44, v16  }
0x719: {  	v47 =	vld [tilespmem:s10+$0x0]  }
0x71a: {  	s12 =	sor.u32 s11, s4;
	v4 =	vadd.f32 v5, v4;
	v5 =	vmul.f32 v45, v17  }
0x71b: {  	v48 =	vld [tilespmem:s12+$0x0]  }
0x71c: {  	s13 =	sor.u32 s11, s13;
	v4 =	vadd.f32 v5, v4;
	v5 =	vmul.f32 v46, v18  }
0x71d: {  	v49 =	vld [tilespmem:s13+$0x0]  }
0x71e: {  	s14 =	sor.u32 s11, s14;
	v4 =	vadd.f32 v5, v4;
	v5 =	vmul.f32 v47, v19  }
0x71f: {  	v50 =	vld [tilespmem:s14+$0x0]  }
0x720: {  	s15 =	sor.u32 s11, s16;
	v4 =	vadd.f32 v5, v4;
	v5 =	vmul.f32 v48, v20  }
0x721: {  	v51 =	vld [tilespmem:s15+$0x0]  }
0x722: {  	s16 =	sor.u32 s11, s17;
	v4 =	vadd.f32 v5, v4;
	v5 =	vmul.f32 v49, v21  }
0x723: {  	v52 =	vld [tilespmem:s16+$0x0]  }
0x724: {  	s17 =	sor.u32 s11, s18;
	v4 =	vadd.f32 v5, v4;
	v5 =	vmul.f32 v50, v22  }
0x725: {  	v53 =	vld [tilespmem:s17+$0x0]  }
0x726: {  	s18 =	sor.u32 s11, s19;
	v4 =	vadd.f32 v5, v4;
	v5 =	vmul.f32 v51, v23  }
0x727: {  	v54 =	vld [tilespmem:s18+$0x0]  }
0x728: {  	s19 =	sor.u32 s11, s30;
	v4 =	vadd.f32 v5, v4;
	v5 =	vmul.f32 v52, v24  }
0x729: {  	v55 =	vld [tilespmem:s19+$0x0]  }
0x72a: {  	s20 =	sor.u32 s11, s20;
	v4 =	vadd.f32 v5, v4;
	v5 =	vmul.f32 v53, v25  }
0x72b: {  	v56 =	vld [tilespmem:s20+$0x0]  }
0x72c: {  	s22 =	sor.u32 s11, s21;
	v4 =	vadd.f32 v5, v4;
	v5 =	vmul.f32 v54, v26  }
0x72d: {  	v57 =	vld [tilespmem:s22+$0x0]  }
0x72e: {  	s23 =	sor.u32 s11, s23;
	v4 =	vadd.f32 v5, v4;
	v5 =	vmul.f32 v55, v27  }
0x72f: {  	v58 =	vld [tilespmem:s23+$0x0]  }
0x730: {  	s24 =	sor.u32 s11, s24;
	v4 =	vadd.f32 v5, v4;
	v5 =	vmul.f32 v56, v28  }
0x731: {  	v59 =	vld [tilespmem:s24+$0x0]  }
0x732: {  	s25 =	sor.u32 s11, s25;
	v4 =	vadd.f32 v5, v4;
	v5 =	vmul.f32 v57, v29  }
0x733: {  	v60 =	vld [tilespmem:s25+$0x0]  }
0x734: {  	s26 =	sor.u32 s11, s26;
	v4 =	vadd.f32 v5, v4;
	v5 =	vmul.f32 v58, v30  }
0x735: {  	v61 =	vld [tilespmem:s26+$0x0]  }
0x736: {  	s30 =	sor.u32 s11, s28;
	v4 =	vadd.f32 v5, v4;
	v5 =	vmul.f32 v59, v31  }
0x737: {  	v62 =	vld [tilespmem:s30+$0x0]  }
0x738: {  	s31 =	sor.u32 s11, s29;
	v4 =	vadd.f32 v5, v4;
	v5 =	vmul.f32 v60, v32  }
0x739: {  	v63 =	vld [tilespmem:s31+$0x0]  }
0x73a: {  	v4 =	vadd.f32 v5, v4;
	v5 =	vmul.f32 v61, v33;
	_ =	sdelay $0x1  }
0x73b: {  	v4 =	vadd.f32 v5, v4;
	v5 =	vmul.f32 v62, v34;
	_ =	sdelay $0x1  }
.Ltmp6:
0x73c: {  	v4 =	vadd.f32 v5, v4;
	v5 =	vmul.f32 v63, v35;
	(pc) =	sbr.rel @p1 .LBB2_10-.Ltmp6, $3  }
0x73d: {  	_ = 	snop  }
0x73e: {  	v4 =	vadd.f32 v5, v4;
	_ =	sdelay $0x1  }
0x73f: {  	[tilespmem:s2+$0x0] =	vst v4  }
0x740: {  	s0 =	sld [smem:$0x7C3];
	_ =	sdelay $0x2  }
0x741: {  	s0 =	sshrl.u32 s0, $0x2  }
0x742: {  	v4 =	vld [tilespmem:s0+$0x60];
	_ =	sdelay $0x4  }
0x743: {  	v5 =	vshll.u32 v4, $0x3  }
0x744: {  	v4 =	vand.u32 $0x7, v4;
	v5 =	vand.u32 $0xFFFFFFC0, v5  }
0x745: {  	v4 =	vor.u32 v4, v5  }
0x746: {  	v5 =	vperm.xlane v4, v1;
	_ =	sdelay $0x1  }
0x747: {  	v5 =	vadd.s32 v2, v5;
	_ =	sdelay $0x2  }
0x748: {  	s1 =	rddreg [dreg:$0x0]  }
0x749: {  	s2 =	simm.s32 $0x0;
	s3 =	simm.s32 $0x8400;
	s15 =	sld [smem:$0x7F5]  }
0x74a: {  	[tilespmem:s3], [sflag:$0x2] =	stream.indirect_vreg.gather [hbm4b:s1+s2], $0x80, v5, vm0, $0xb8;
	[tilespmem:$0x12000] =	vst v63  }
0x74b: {  	s4 =	simm.s32 $0x8C00;
	s16 =	sld [smem:$0x7F6];
	v4 =	vperm.xlane v4, v3  }
0x74c: {  	[tilespmem:s4], [sflag:$0x2] =	stream.indirect_vreg.gather [hbm4b:s15+s2], $0x80, v5, vm0, $0xb8;
	[tilespmem:$0x12000] =	vst v63  }
0x74d: {  	s5 =	simm.s32 $0x9400;
	s17 =	sld [smem:$0x7F7];
	v4 =	vadd.s32 v2, v4  }
0x74e: {  	[tilespmem:s5], [sflag:$0x2] =	stream.indirect_vreg.gather [hbm4b:s16+s2], $0x80, v5, vm0, $0xb8;
	[tilespmem:$0x12000] =	vst v63  }
0x74f: {  	s6 =	simm.s32 $0x9C00  }
0x750: {  	[tilespmem:s6], [sflag:$0x2] =	stream.indirect_vreg.gather [hbm4b:s17+s2], $0x80, v5, vm0, $0xb8;
	[tilespmem:$0x12000] =	vst v63  }
0x751: {  	s18 =	simm.s32 $0xA400  }
0x752: {  	[tilespmem:s18], [sflag:$0x2] =	stream.indirect_vreg.gather [hbm4b:s1+s2], $0x80, v4, vm0, $0xb8;
	[tilespmem:$0x12000] =	vst v63  }
0x753: {  	s19 =	simm.s32 $0xAC00  }
0x754: {  	[tilespmem:s19], [sflag:$0x2] =	stream.indirect_vreg.gather [hbm4b:s15+s2], $0x80, v4, vm0, $0xb8;
	[tilespmem:$0x12000] =	vst v63  }
0x755: {  	s20 =	simm.s32 $0xB400  }
0x756: {  	[tilespmem:s20], [sflag:$0x2] =	stream.indirect_vreg.gather [hbm4b:s16+s2], $0x80, v4, vm0, $0xb8;
	[tilespmem:$0x12000] =	vst v63  }
0x757: {  	s21 =	simm.s32 $0xBC00  }
0x758: {  	[tilespmem:s21], [sflag:$0x2] =	stream.indirect_vreg.gather [hbm4b:s17+s2], $0x80, v4, vm0, $0xb8;
	[tilespmem:$0x12000] =	vst v63  }
0x759: {  	v4 =	vld [tilespmem:s0+$0x70];
	_ =	sdelay $0x4  }
0x75a: {  	v5 =	vshll.u32 v4, $0x3  }
0x75b: {  	v4 =	vand.u32 $0x7, v4;
	v5 =	vand.u32 $0xFFFFFFC0, v5  }
0x75c: {  	v4 =	vor.u32 v4, v5  }
0x75d: {  	v5 =	vperm.xlane v4, v1;
	_ =	sdelay $0x1  }
0x75e: {  	v5 =	vadd.s32 v2, v5;
	_ =	sdelay $0x3  }
0x75f: {  	s22 =	simm.s32 $0xC400  }
0x760: {  	[tilespmem:s22], [sflag:$0x2] =	stream.indirect_vreg.gather [hbm4b:s1+s2], $0x80, v5, vm0, $0xb8;
	[tilespmem:$0x12000] =	vst v63  }
0x761: {  	s23 =	simm.s32 $0xCC00;
	v4 =	vperm.xlane v4, v3  }
0x762: {  	[tilespmem:s23], [sflag:$0x2] =	stream.indirect_vreg.gather [hbm4b:s15+s2], $0x80, v5, vm0, $0xb8;
	[tilespmem:$0x12000] =	vst v63  }
0x763: {  	s24 =	simm.s32 $0xD400;
	v4 =	vadd.s32 v2, v4  }
0x764: {  	[tilespmem:s24], [sflag:$0x2] =	stream.indirect_vreg.gather [hbm4b:s16+s2], $0x80, v5, vm0, $0xb8;
	[tilespmem:$0x12000] =	vst v63  }
0x765: {  	s25 =	simm.s32 $0xDC00  }
0x766: {  	[tilespmem:s25], [sflag:$0x2] =	stream.indirect_vreg.gather [hbm4b:s17+s2], $0x80, v5, vm0, $0xb8;
	[tilespmem:$0x12000] =	vst v63  }
0x767: {  	s26 =	simm.s32 $0xE400  }
0x768: {  	[tilespmem:s26], [sflag:$0x2] =	stream.indirect_vreg.gather [hbm4b:s1+s2], $0x80, v4, vm0, $0xb8;
	[tilespmem:$0x12000] =	vst v63  }
0x769: {  	s28 =	simm.s32 $0xEC00  }
0x76a: {  	[tilespmem:s28], [sflag:$0x2] =	stream.indirect_vreg.gather [hbm4b:s15+s2], $0x80, v4, vm0, $0xb8;
	[tilespmem:$0x12000] =	vst v63  }
.Ltmp7:
0x76b: {  	s31 =	sld [smem:$0x7E6];
	(pc) =	sbr.rel .LBB2_4-.Ltmp7, $4  }
0x76c: {  	s29 =	simm.s32 $0xF400  }
0x76d: {  	[tilespmem:s29], [sflag:$0x2] =	stream.indirect_vreg.gather [hbm4b:s16+s2], $0x80, v4, vm0, $0xb8;
	[tilespmem:$0x12000] =	vst v63  }
0x76e: {  	s30 =	simm.s32 $0xFC00;
	s0 =	sadd.s32 $0x1, s31  }
0x76f: {  	[tilespmem:s30], [sflag:$0x2] =	stream.indirect_vreg.gather [hbm4b:s17+s2], $0x80, v4, vm0, $0xb8;
	[tilespmem:$0x12000] =	vst v63  }
.LBB2_11:
0x770: {  	s0 =	simm.s32 $0x40;
	s1 =	simm.s32 $0x0  }
.LBB2_12:
0x771: {  	p1 =	sne.s32 s0, $0xFC0;
	[tilespmem:s1+$0x11800] =	vst v0;
	s1 =	smov.u32 s0;
	s0 =	sadd.s32 $0x40, s0  }
.Ltmp8:
0x772: {  	(pc) =	sbr.rel @p1 .LBB2_12-.Ltmp8, $2  }
0x773: {  	_ =	sdelay $0x2  }
0x774: {  	s1 =	sshra.s32 s1, $0x2  }
0x775: {  	[tilespmem:s1+$0x11800] =	vst v0;
	s0 =	rddreg [dreg:$0x4];
	s28 =	simm.s32 $0x200;
	s2 =	simm.s32 $0x10800  }
0x776: {  	[tilespmem:s2], [sflag:$0x3] =	stream.strided.gather [spmem:s0], $0x1000, s6, s28, $0x38;
	[tilespmem:$0x12000] =	vst v63  }
0x777: {  	s29 =	simm.s32 $0x0;
	_ =	swait.ge [sflag:s5], $0x1000  }
0x778: {  	s30 =	sand.u32 $0x70, s29;
	s0 =	sand.u32 $0xE00, s29;
	[sflag:s5] =	ssyncset.done $0x0  }
0x779: {  	s0 =	sor.u32 s30, s0;
	[sflag:s5] =	ssyncadd.s32 $0xFFFFF000  }
0x77a: {  	v4 =	vld [tilespmem:s0+$0x10800]  }
0x77b: {  	s0 =	sadd.s32 $0x10800, s0  }
0x77c: {  	v5 =	vld [tilespmem:s0+$0x80];
	_ =	sdelay $0x1  }
0x77d: {  	v6 =	vld [tilespmem:s0+$0x100]  }
0x77e: {  	v4 =	vadd.f32 $0.0e+00, v4  }
0x77f: {  	v7 =	vld [tilespmem:s0+$0x180]  }
0x780: {  	v4 =	vadd.f32 v5, v4;
	_ =	sdelay $0x1  }
0x781: {  	v4 =	vadd.f32 v6, v4;
	_ =	sdelay $0x1  }
0x782: {  	s31 =	simm.s32 $0x10;
	s1 =	simm.s32 $0x20;
	s0 =	simm.s32 $0x40;
	v4 =	vadd.f32 v7, v4  }
0x783: {  	s4 =	simm.s32 $0x0;
	s2 =	sand.u32 $0x70, s31;
	s3 =	sand.u32 $0xE00, s0  }
.LBB2_14:
0x784: {  	p1 =	sne.s32 s1, $0x3F0;
	s2 =	sor.u32 s2, s3;
	[tilespmem:s4+$0x11800] =	vst.add.f32.msk $0xffff, v4;
	s4 =	smov.u32 s0  }
0x785: {  	v4 =	vld [tilespmem:s2+$0x10800]  }
0x786: {  	s2 =	sadd.s32 $0x10800, s2  }
0x787: {  	v5 =	vld [tilespmem:s2+$0x80];
	_ =	sdelay $0x1  }
0x788: {  	v6 =	vld [tilespmem:s2+$0x100]  }
0x789: {  	v4 =	vadd.f32 $0.0e+00, v4  }
0x78a: {  	v7 =	vld [tilespmem:s2+$0x180]  }
0x78b: {  	v4 =	vadd.f32 v5, v4  }
.Ltmp9:
0x78c: {  	(pc) =	sbr.rel @p1 .LBB2_14-.Ltmp9, $3  }
0x78d: {  	v4 =	vadd.f32 v6, v4;
	_ =	sdelay $0x1  }
0x78e: {  	s0 =	sadd.s32 $0x40, s0;
	s2 =	sand.u32 $0x70, s1;
	v4 =	vadd.f32 v7, v4  }
0x78f: {  	s3 =	sand.u32 $0xE00, s0;
	s4 =	sshra.s32 s4, $0x2;
	s1 =	sadd.s32 $0x10, s1  }
0x790: {  	s1 =	sor.u32 s2, s3;
	[tilespmem:s4+$0x11800] =	vst.add.f32.msk $0xffff, v4  }
0x791: {  	v4 =	vld [tilespmem:s1+$0x10800]  }
0x792: {  	s1 =	sadd.s32 $0x10800, s1  }
0x793: {  	v5 =	vld [tilespmem:s1+$0x80];
	_ =	sdelay $0x1  }
0x794: {  	v6 =	vld [tilespmem:s1+$0x100]  }
0x795: {  	v4 =	vadd.f32 $0.0e+00, v4  }
0x796: {  	v7 =	vld [tilespmem:s1+$0x180]  }
0x797: {  	v4 =	vadd.f32 v5, v4;
	_ =	sdelay $0x1  }
0x798: {  	v4 =	vadd.f32 v6, v4;
	_ =	sdelay $0x1  }
0x799: {  	s25 =	sld [smem:$0x7F9];
	v4 =	vadd.f32 v7, v4  }
0x79a: {  	s0 =	sshra.s32 s0, $0x2  }
0x79b: {  	s26 =	simm.s32 $0x200;
	s28 =	simm.s32 $0x10800;
	[tilespmem:s0+$0x11800] =	vst.add.f32.msk $0xffff, v4  }
0x79c: {  	[tilespmem:s28], [sflag:$0x3] =	stream.strided.gather [spmem:s25], $0x1000, s6, s26, $0x38;
	[tilespmem:$0x12000] =	vst v63  }
0x79d: {  	s29 =	simm.s32 $0x0;
	_ =	swait.ge [sflag:s5], $0x1000  }
0x79e: {  	s30 =	sand.u32 $0x70, s29;
	s0 =	sand.u32 $0xE00, s29;
	[sflag:s5] =	ssyncset.done $0x0  }
0x79f: {  	s0 =	sor.u32 s30, s0;
	[sflag:s5] =	ssyncadd.s32 $0xFFFFF000  }
0x7a0: {  	v4 =	vld [tilespmem:s0+$0x10800]  }
0x7a1: {  	s0 =	sadd.s32 $0x10800, s0  }
0x7a2: {  	v5 =	vld [tilespmem:s0+$0x80];
	_ =	sdelay $0x1  }
0x7a3: {  	v6 =	vld [tilespmem:s0+$0x100]  }
0x7a4: {  	v4 =	vadd.f32 $0.0e+00, v4  }
0x7a5: {  	v7 =	vld [tilespmem:s0+$0x180]  }
0x7a6: {  	v4 =	vadd.f32 v5, v4;
	_ =	sdelay $0x1  }
0x7a7: {  	v4 =	vadd.f32 v6, v4;
	_ =	sdelay $0x1  }
0x7a8: {  	s31 =	simm.s32 $0x10;
	s4 =	simm.s32 $0x0;
	s0 =	simm.s32 $0x40;
	v4 =	vadd.f32 v7, v4  }
0x7a9: {  	s2 =	sand.u32 $0x70, s31;
	s1 =	simm.s32 $0x20;
	s3 =	sand.u32 $0xE00, s0  }
.LBB2_16:
0x7aa: {  	p1 =	sne.s32 s1, $0x3F0;
	s2 =	sor.u32 s2, s3;
	[tilespmem:s4+$0x11800] =	vst.add.f32.msk $0xffff, v4;
	s4 =	smov.u32 s0  }
0x7ab: {  	v4 =	vld [tilespmem:s2+$0x10800]  }
0x7ac: {  	s2 =	sadd.s32 $0x10800, s2  }
0x7ad: {  	v5 =	vld [tilespmem:s2+$0x80];
	_ =	sdelay $0x1  }
0x7ae: {  	v6 =	vld [tilespmem:s2+$0x100]  }
0x7af: {  	v4 =	vadd.f32 $0.0e+00, v4  }
0x7b0: {  	v7 =	vld [tilespmem:s2+$0x180]  }
0x7b1: {  	v4 =	vadd.f32 v5, v4  }
.Ltmp10:
0x7b2: {  	(pc) =	sbr.rel @p1 .LBB2_16-.Ltmp10, $3  }
0x7b3: {  	v4 =	vadd.f32 v6, v4;
	_ =	sdelay $0x1  }
0x7b4: {  	s0 =	sadd.s32 $0x40, s0;
	s2 =	sand.u32 $0x70, s1;
	v4 =	vadd.f32 v7, v4  }
0x7b5: {  	s3 =	sand.u32 $0xE00, s0;
	s4 =	sshra.s32 s4, $0x2;
	s1 =	sadd.s32 $0x10, s1  }
0x7b6: {  	s1 =	sor.u32 s2, s3;
	[tilespmem:s4+$0x11800] =	vst.add.f32.msk $0xffff, v4  }
0x7b7: {  	v4 =	vld [tilespmem:s1+$0x10800]  }
0x7b8: {  	s1 =	sadd.s32 $0x10800, s1  }
0x7b9: {  	v5 =	vld [tilespmem:s1+$0x80];
	_ =	sdelay $0x1  }
0x7ba: {  	v6 =	vld [tilespmem:s1+$0x100]  }
0x7bb: {  	v4 =	vadd.f32 $0.0e+00, v4  }
0x7bc: {  	v7 =	vld [tilespmem:s1+$0x180]  }
0x7bd: {  	v4 =	vadd.f32 v5, v4;
	_ =	sdelay $0x1  }
0x7be: {  	v4 =	vadd.f32 v6, v4;
	_ =	sdelay $0x1  }
0x7bf: {  	s25 =	sld [smem:$0x7FA];
	v4 =	vadd.f32 v7, v4  }
0x7c0: {  	s0 =	sshra.s32 s0, $0x2  }
0x7c1: {  	s26 =	simm.s32 $0x200;
	s28 =	simm.s32 $0x10800;
	[tilespmem:s0+$0x11800] =	vst.add.f32.msk $0xffff, v4  }
0x7c2: {  	[tilespmem:s28], [sflag:$0x3] =	stream.strided.gather [spmem:s25], $0x1000, s6, s26, $0x38;
	[tilespmem:$0x12000] =	vst v63  }
0x7c3: {  	s29 =	simm.s32 $0x0;
	_ =	swait.ge [sflag:s5], $0x1000  }
0x7c4: {  	s30 =	sand.u32 $0x70, s29;
	s0 =	sand.u32 $0xE00, s29;
	[sflag:s5] =	ssyncset.done $0x0  }
0x7c5: {  	s0 =	sor.u32 s30, s0;
	[sflag:s5] =	ssyncadd.s32 $0xFFFFF000  }
0x7c6: {  	v4 =	vld [tilespmem:s0+$0x10800]  }
0x7c7: {  	s0 =	sadd.s32 $0x10800, s0  }
0x7c8: {  	v5 =	vld [tilespmem:s0+$0x80];
	_ =	sdelay $0x1  }
0x7c9: {  	v6 =	vld [tilespmem:s0+$0x100]  }
0x7ca: {  	v4 =	vadd.f32 $0.0e+00, v4  }
0x7cb: {  	v7 =	vld [tilespmem:s0+$0x180]  }
0x7cc: {  	v4 =	vadd.f32 v5, v4;
	_ =	sdelay $0x1  }
0x7cd: {  	v4 =	vadd.f32 v6, v4;
	_ =	sdelay $0x1  }
0x7ce: {  	s31 =	simm.s32 $0x10;
	s4 =	simm.s32 $0x0;
	s0 =	simm.s32 $0x40;
	v4 =	vadd.f32 v7, v4  }
0x7cf: {  	s2 =	sand.u32 $0x70, s31;
	s1 =	simm.s32 $0x20;
	s3 =	sand.u32 $0xE00, s0  }
.LBB2_18:
0x7d0: {  	p1 =	sne.s32 s1, $0x3F0;
	s2 =	sor.u32 s2, s3;
	[tilespmem:s4+$0x11800] =	vst.add.f32.msk $0xffff, v4;
	s4 =	smov.u32 s0  }
0x7d1: {  	v4 =	vld [tilespmem:s2+$0x10800]  }
0x7d2: {  	s2 =	sadd.s32 $0x10800, s2  }
0x7d3: {  	v5 =	vld [tilespmem:s2+$0x80];
	_ =	sdelay $0x1  }
0x7d4: {  	v6 =	vld [tilespmem:s2+$0x100]  }
0x7d5: {  	v4 =	vadd.f32 $0.0e+00, v4  }
0x7d6: {  	v7 =	vld [tilespmem:s2+$0x180]  }
0x7d7: {  	v4 =	vadd.f32 v5, v4  }
.Ltmp11:
0x7d8: {  	(pc) =	sbr.rel @p1 .LBB2_18-.Ltmp11, $3  }
0x7d9: {  	v4 =	vadd.f32 v6, v4;
	_ =	sdelay $0x1  }
0x7da: {  	s0 =	sadd.s32 $0x40, s0;
	s2 =	sand.u32 $0x70, s1;
	v4 =	vadd.f32 v7, v4  }
0x7db: {  	s3 =	sand.u32 $0xE00, s0;
	s4 =	sshra.s32 s4, $0x2;
	s1 =	sadd.s32 $0x10, s1  }
0x7dc: {  	s1 =	sor.u32 s2, s3;
	[tilespmem:s4+$0x11800] =	vst.add.f32.msk $0xffff, v4  }
0x7dd: {  	v4 =	vld [tilespmem:s1+$0x10800]  }
0x7de: {  	s1 =	sadd.s32 $0x10800, s1  }
0x7df: {  	v5 =	vld [tilespmem:s1+$0x80];
	_ =	sdelay $0x1  }
0x7e0: {  	v6 =	vld [tilespmem:s1+$0x100]  }
0x7e1: {  	v4 =	vadd.f32 $0.0e+00, v4  }
0x7e2: {  	v7 =	vld [tilespmem:s1+$0x180]  }
0x7e3: {  	v4 =	vadd.f32 v5, v4;
	_ =	sdelay $0x1  }
0x7e4: {  	v4 =	vadd.f32 v6, v4;
	_ =	sdelay $0x1  }
0x7e5: {  	s25 =	sld [smem:$0x7FB];
	v4 =	vadd.f32 v7, v4  }
0x7e6: {  	s0 =	sshra.s32 s0, $0x2  }
0x7e7: {  	s26 =	simm.s32 $0x200;
	s28 =	simm.s32 $0x10800;
	[tilespmem:s0+$0x11800] =	vst.add.f32.msk $0xffff, v4  }
0x7e8: {  	[tilespmem:s28], [sflag:$0x3] =	stream.strided.gather [spmem:s25], $0x1000, s6, s26, $0x38;
	[tilespmem:$0x12000] =	vst v63  }
0x7e9: {  	s29 =	simm.s32 $0x0;
	_ =	swait.ge [sflag:s5], $0x1000  }
0x7ea: {  	s30 =	sand.u32 $0x70, s29;
	s0 =	sand.u32 $0xE00, s29;
	[sflag:s5] =	ssyncset.done $0x0  }
0x7eb: {  	s0 =	sor.u32 s30, s0;
	[sflag:s5] =	ssyncadd.s32 $0xFFFFF000  }
0x7ec: {  	v4 =	vld [tilespmem:s0+$0x10800]  }
0x7ed: {  	s0 =	sadd.s32 $0x10800, s0  }
0x7ee: {  	v5 =	vld [tilespmem:s0+$0x80];
	_ =	sdelay $0x1  }
0x7ef: {  	v6 =	vld [tilespmem:s0+$0x100]  }
0x7f0: {  	v4 =	vadd.f32 $0.0e+00, v4  }
0x7f1: {  	v7 =	vld [tilespmem:s0+$0x180]  }
0x7f2: {  	v4 =	vadd.f32 v5, v4;
	_ =	sdelay $0x1  }
0x7f3: {  	v4 =	vadd.f32 v6, v4;
	_ =	sdelay $0x1  }
0x7f4: {  	s31 =	simm.s32 $0x10;
	s4 =	simm.s32 $0x0;
	s0 =	simm.s32 $0x40;
	v4 =	vadd.f32 v7, v4  }
0x7f5: {  	s2 =	sand.u32 $0x70, s31;
	s1 =	simm.s32 $0x20;
	s3 =	sand.u32 $0xE00, s0  }
.LBB2_20:
0x7f6: {  	p1 =	sne.s32 s1, $0x3F0;
	s2 =	sor.u32 s2, s3;
	[tilespmem:s4+$0x11800] =	vst.add.f32.msk $0xffff, v4;
	s4 =	smov.u32 s0  }
0x7f7: {  	v4 =	vld [tilespmem:s2+$0x10800]  }
0x7f8: {  	s2 =	sadd.s32 $0x10800, s2  }
0x7f9: {  	v5 =	vld [tilespmem:s2+$0x80];
	_ =	sdelay $0x1  }
0x7fa: {  	v6 =	vld [tilespmem:s2+$0x100]  }
0x7fb: {  	v4 =	vadd.f32 $0.0e+00, v4  }
0x7fc: {  	v7 =	vld [tilespmem:s2+$0x180]  }
0x7fd: {  	v4 =	vadd.f32 v5, v4  }
.Ltmp12:
0x7fe: {  	(pc) =	sbr.rel @p1 .LBB2_20-.Ltmp12, $3  }
0x7ff: {  	v4 =	vadd.f32 v6, v4;
	_ =	sdelay $0x1  }
0x800: {  	s0 =	sadd.s32 $0x40, s0;
	s2 =	sand.u32 $0x70, s1;
	v4 =	vadd.f32 v7, v4  }
0x801: {  	s3 =	sand.u32 $0xE00, s0;
	s4 =	sshra.s32 s4, $0x2;
	s1 =	sadd.s32 $0x10, s1  }
0x802: {  	s1 =	sor.u32 s2, s3;
	[tilespmem:s4+$0x11800] =	vst.add.f32.msk $0xffff, v4  }
0x803: {  	v4 =	vld [tilespmem:s1+$0x10800]  }
0x804: {  	s1 =	sadd.s32 $0x10800, s1  }
0x805: {  	v5 =	vld [tilespmem:s1+$0x80];
	_ =	sdelay $0x1  }
0x806: {  	v6 =	vld [tilespmem:s1+$0x100]  }
0x807: {  	v4 =	vadd.f32 $0.0e+00, v4  }
0x808: {  	v7 =	vld [tilespmem:s1+$0x180]  }
0x809: {  	v4 =	vadd.f32 v5, v4;
	_ =	sdelay $0x1  }
0x80a: {  	v4 =	vadd.f32 v6, v4;
	_ =	sdelay $0x1  }
0x80b: {  	s28 =	sld [smem:$0x7FC];
	v4 =	vadd.f32 v7, v4  }
0x80c: {  	s0 =	sshra.s32 s0, $0x2;
	s29 =	simm.s32 $0x80  }
.Ltmp13:
0x80d: {  	s30 =	simm.s32 $0x100;
	s31 =	simm.s32 $0x11800;
	[tilespmem:s0+$0x11800] =	vst.add.f32.msk $0xffff, v4;
	(pc) =	sbr.rel .LBB2_22-.Ltmp13, $4  }
0x80e: {  	[hbm4b:s28+s29] =	stream.strided.scatter [tilespmem:s31], [sflag:$0x3], $0x400, s30, s29, $0x38;
	[tilespmem:$0x12000] =	vst v63  }
0x80f: {  	_ =	swait.ge [sflag:s5], $0x400  }
0x810: {  	[sflag:s5] =	ssyncset.done $0x0  }
0x811: {  	s1 =	sld [smem:$0x7F2];
	[sflag:s5] =	ssyncadd.s32 $0xFFFFFC00  }
.LBB2_23:
0x812: {  	_ =	sfence.sel $0x180000  }
0x813: {  	[bflag:$0x0] =	sbarrier.arrive $0xFFFF  }
0x814: {  	_ =	strace $0x90000047  }
0x815: {  	[bflag:$0x2] =	sbarrier.arrive $0xFFFF  }
0x816: {  	s0 =	rddreg [dreg:$0x5]  }
0x817: {  	s0 =	sadd.s32 @!p0 $0x100000, s0  }
0x818: {  	[sflag:s0] =	ssyncadd.tile.s32 @!p0 $0x1;
	_ =	shalt  }
.Lfunc_end2:
_tile_overlayer_lowered:
.L_overlay_start_2:
0x819: {  	(tag) =	ssettag $0x2  }
0x81a: {  	s0 =	rddreg [dreg:$0x0];
	s2 =	stileid.u32  }
0x81b: {  	s1 =	rddreg [dreg:$0x1];
	p0 =	sne.s32 s2, $0x0  }
0x81c: {  	s3 =	rddreg [dreg:$0x2];
	[bflag:$0x3] =	sbarrier.arrive $0xFFFF;
	s2 =	simm.s32 @!p0 $0x1C03  }
0x81d: {  	[timem:s3], [sflag:s2] =	dma.local @!p0 [hbm:s0], s1  }
0x81e: {  	s0 =	simm.s32 @!p0 $0x3  }
0x81f: {  	_ =	swait.ge @!p0 [sflag:s0], s1  }
0x820: {  	s1 =	ssub.s32 @!p0 $0x0, s1;
	[sflag:s0] =	ssyncset.done @!p0 $0x0  }
0x821: {  	[sflag:s0] =	ssyncadd.s32 @!p0 s1  }
0x822: {  	[bflag:$0x3] =	sbarrier.arrive $0xFFFF  }
0x823: {  	_ =	shalt  }

</sc_bundles>
